<compile_context>
chip_gen: v7x
topology: tpu7x:2x2x1
jax: 0.10.2.dev20260603
libtpu: 0.0.44.dev20260713+nightly
codegen_flags: <defaults>
</compile_context>

<pallas_src>
import functools

import jax
import jax.numpy as jnp
from jax import lax
from jax.experimental import pallas as pl
from jax.experimental.pallas import tpu as pltpu
from jax.experimental.pallas import tpu_sc as plsc


@functools.cache
def _make_gather(V, D, B):
    info = plsc.get_sparse_core_info()
    NC, NS, L = info.num_cores, info.num_subcores, info.num_lanes
    assert B % (NC * NS * L) == 0 and D == 2 * L
    half = B // NC
    outw = half // NS
    CHUNK = 1024
    NCH = (V + CHUNK - 1) // CHUNK
    TAILW = (V - (NCH - 1) * CHUNK + 127) // 128 * 128
    KMAX = (NCH + NS - 1) // NS
    mesh = plsc.VectorSubcoreMesh(core_axis_name="c", subcore_axis_name="s")

    @functools.partial(
        pl.kernel,
        mesh=mesh,
        compiler_params=pltpu.CompilerParams(
            disable_bounds_checks=True,
            disable_semaphore_checks=True,
            needs_layout_passes=False,
        ),
        out_type=jax.ShapeDtypeStruct((D, B), jnp.float32),
        scratch_types=[
            pltpu.VMEM((half,), jnp.int32),
            pltpu.VMEM((half + L,), jnp.int32),
            pltpu.VMEM((half + L,), jnp.int32),
            pltpu.VMEM((half + L,), jnp.int32),
            pltpu.VMEM((half + L,), jnp.int32),
            pltpu.VMEM((D, CHUNK), jnp.float32),
            pltpu.VMEM((D, CHUNK), jnp.float32),
            pltpu.VMEM((2 * L * D,), jnp.float32),
            pltpu.VMEM((outw * D,), jnp.float32),
            pltpu.VMEM((D, outw), jnp.float32),
            pltpu.VMEM((D,), jnp.int32),
            pltpu.VMEM_SHARED((half * D,), jnp.float32),
            pltpu.SemaphoreType.DMA,
            pltpu.SemaphoreType.DMA,
            pltpu.SemaphoreType.DMA,
        ],
    )
    def gather_kernel(t_hbm, idx_hbm, out_t_hbm,
                      idx_v, wl_c, wl_b, sub_c, sub_b, chunk_a, chunk_b,
                      own_r, wbsrc, wb2d, drain_v, spm, sem, sem_a, sem_b):
        cid = lax.axis_index("c")
        tid = lax.axis_index("s")
        iota = lax.iota(jnp.int32, L)

        bufs = [chunk_a, chunk_b]
        sems = [sem_a, sem_b]



        def filt_make(gch):
            def filt(g, m):
                c = wl_c[pl.ds(g * L, L)]
                b = wl_b[pl.ds(g * L, L)]
                lanepos = g * L + iota
                m2 = ((c >> 10) == gch) & (lanepos < n)
                pos = m + plsc.cumsum(m2.astype(jnp.int32)) - 1
                plsc.store_scatter(sub_c, [pos], c, mask=m2)
                plsc.store_scatter(sub_b, [pos], b, mask=m2)
                return pos[L - 1] + 1
            return filt

        def pub_drain(cnt):
            def drain(i, _):
                pltpu.make_async_copy(
                    idx_hbm.at[pl.ds(0, D)], drain_v, sem,
                ).wait()
                return 0

            lax.fori_loop(0, cnt, drain, 0)

        def proc_chunk(buf, gch, m):
            base = gch * CHUNK
            nfull = m // L

            def emit(cs, bs, slot_off, l, pred):

                def one():
                    cl = jnp.full((L,), cs[l] - base, jnp.int32)
                    v0 = plsc.load_gather(buf, [iota, cl])
                    v1 = plsc.load_gather(buf, [iota + L, cl])
                    own_r[pl.ds(slot_off + l * D, L)] = v0
                    own_r[pl.ds(slot_off + l * D + L, L)] = v1
                    pltpu.make_async_copy(
                        own_r.at[pl.ds(slot_off + l * D, D)],
                        spm.at[pl.ds(bs[l] * D, D)],
                        sem,
                    ).start()

                if pred is None:
                    one()
                else:
                    pl.when(pred)(one)

            def proc(g, prev):
                slot_off = lax.rem(g, 2) * (L * D)
                cs = sub_c[pl.ds(g * L, L)]
                bs = sub_b[pl.ds(g * L, L)]
                for l in range(L):
                    emit(cs, bs, slot_off, l, None)
                pub_drain(prev)
                return jnp.int32(L)

            prev = lax.fori_loop(0, nfull, proc, jnp.int32(0))
            tail = m - nfull * L

            @pl.when(tail > 0)
            def _():
                slot_off = lax.rem(nfull, 2) * (L * D)
                cs = sub_c[pl.ds(nfull * L, L)]
                bs = sub_b[pl.ds(nfull * L, L)]
                for l in range(L):
                    emit(cs, bs, slot_off, l, nfull * L + l < m)

            pub_drain(prev + tail)

        def dfetch(kd):
            gch = kd * NS + tid
            for par in range(2):
                @pl.when((lax.rem(kd, 2) == par) & (gch < NCH - 1))
                def _(par=par, gch=gch):
                    pltpu.make_async_copy(
                        t_hbm.at[:, pl.ds(pl.multiple_of(gch * CHUNK, 128),
                                          CHUNK)],
                        bufs[par], sems[par]).start()

                @pl.when((lax.rem(kd, 2) == par) & (gch == NCH - 1))
                def _(par=par, gch=gch):
                    pltpu.make_async_copy(
                        t_hbm.at[:, pl.ds(pl.multiple_of(gch * CHUNK, 128),
                                          TAILW)],
                        bufs[par].at[:, pl.ds(0, TAILW)], sems[par]).start()

        def dwait(kd):
            gch = kd * NS + tid
            for par in range(2):
                @pl.when((lax.rem(kd, 2) == par) & (gch < NCH - 1))
                def _(par=par):
                    pltpu.make_async_copy(
                        t_hbm.at[:, pl.ds(0, CHUNK)], bufs[par],
                        sems[par]).wait()

                @pl.when((lax.rem(kd, 2) == par) & (gch == NCH - 1))
                def _(par=par):
                    pltpu.make_async_copy(
                        t_hbm.at[:, pl.ds(0, TAILW)],
                        bufs[par].at[:, pl.ds(0, TAILW)], sems[par]).wait()

        def do_chunk(kd, _):
            gch = kd * NS + tid

            @pl.when(gch <= NCH - 1)
            def _():
                m = lax.fori_loop(0, nv, filt_make(gch), jnp.int32(0))
                dwait(kd)
                for par in range(2):
                    @pl.when((lax.rem(kd, 2) == par) & (m > 0))
                    def _(par=par):
                        proc_chunk(bufs[par], gch, m)

            @pl.when(kd + 2 <= KMAX - 1)
            def _():
                dfetch(kd + 2)
            return 0

        dfetch(jnp.int32(0))
        if KMAX > 1:
            dfetch(jnp.int32(1))

        pltpu.sync_copy(idx_hbm.at[pl.ds(cid * half, half)], idx_v)

        def buck(j, n):
            vec = idx_v[pl.ds(j * L, L)]
            mask = ((vec >> 10) & (NS - 1)) == tid
            pos = n + plsc.cumsum(mask.astype(jnp.int32)) - 1
            plsc.store_scatter(wl_c, [pos], vec, mask=mask)
            bpos = j * L + iota
            plsc.store_scatter(wl_b, [pos], bpos, mask=mask)
            return pos[L - 1] + 1

        n = lax.fori_loop(0, half // L, buck, jnp.int32(0))
        nv = (n + L - 1) // L

        lax.fori_loop(0, KMAX, do_chunk, 0)

        plsc.subcore_barrier()
        pltpu.sync_copy(spm.at[pl.ds(tid * (outw * D), outw * D)], wbsrc)
        iotaD = iota * D

        def transpose_row(d, _):
            for g in range(outw // L):
                val = plsc.load_gather(wbsrc, [iotaD + (g * L * D + d)])
                wb2d[d, pl.ds(g * L, L)] = val
            return 0

        lax.fori_loop(0, D, transpose_row, 0)
        pltpu.sync_copy(
            wb2d,
            out_t_hbm.at[:, pl.ds(pl.multiple_of(cid * half + tid * outw, 128),
                                  outw)])

    return gather_kernel


def kernel(user_id, embedding_table):
    (B,) = user_id.shape
    V, D = embedding_table.shape
    idx = user_id.astype(jnp.int32)
    out_t = _make_gather(V, D, B)(embedding_table.T, idx)
    return out_t.T

# --- scband reference (transcript-rebuilt; emitter-appended) ---
"""Pipeline reference for scband-user-model-79886391706276 (READ-ONLY COPY).

The authoritative reference and input builder live on the scoring server;
editing this copy changes nothing except your own understanding.
"""

import jax, jax.numpy as jnp
import numpy as np

VOCAB = 100000
EMBED_DIM = 32
BATCH = 4096

def setup_inputs(seed: int = 0) -> dict:
    key = jax.random.key(seed)
    k1, k2 = jax.random.split(key)
    # StringLookup maps string ids to integer ids in [0, vocab]; index 0 is OOV.
    # We model the post-lookup integer ids directly.
    user_id = jax.random.randint(k1, (BATCH,), 0, VOCAB + 1, dtype=jnp.int64 if jax.config.jax_enable_x64 else jnp.int32)
    embedding_table = jax.random.normal(k2, (VOCAB + 1, EMBED_DIM), dtype=jnp.float32)
    return {"user_id": user_id, "embedding_table": embedding_table}

def reference(user_id, embedding_table):
    # Embedding lookup: table[idx] -> [B, 32]
    emb = jnp.take(embedding_table, user_id, axis=0)
    # tf.concat([emb], axis=1) with a single element is the identity
    out = jnp.concatenate([emb], axis=1)
    return out

if __name__ == "__main__":
    import jax
    _d = setup_inputs()
    print(jax.jit(kernel)(*tuple(_d.values())))

</pallas_src>

<mosaic_0001>
#map = affine_map<(d0, d1) -> (0, 0)>
#map1 = affine_map<(d0, d1) -> (0)>
module attributes {stable_mosaic.version = 14 : i64} {
  func.func @gather_kernel(%arg0: i32, %arg1: i32, %arg2: memref<32x100001xf32, #tpu.memory_space<hbm>>, %arg3: memref<4096xi32, #tpu.memory_space<hbm>>, %arg4: memref<32x4096xf32, #tpu.memory_space<hbm>>, %arg5: memref<2048xi32, #tpu.memory_space<vmem>>, %arg6: memref<2064xi32, #tpu.memory_space<vmem>>, %arg7: memref<2064xi32, #tpu.memory_space<vmem>>, %arg8: memref<2064xi32, #tpu.memory_space<vmem>>, %arg9: memref<2064xi32, #tpu.memory_space<vmem>>, %arg10: memref<32x1024xf32, #tpu.memory_space<vmem>>, %arg11: memref<32x1024xf32, #tpu.memory_space<vmem>>, %arg12: memref<1024xf32, #tpu.memory_space<vmem>>, %arg13: memref<4096xf32, #tpu.memory_space<vmem>>, %arg14: memref<32x128xf32, #tpu.memory_space<vmem>>, %arg15: memref<32xi32, #tpu.memory_space<vmem>>, %arg16: memref<65536xf32, #tpu.memory_space<vmem_shared>>, %arg17: memref<!tpu.dma_semaphore, #tpu.memory_space<semaphore_mem>>, %arg18: memref<!tpu.dma_semaphore, #tpu.memory_space<semaphore_mem>>, %arg19: memref<!tpu.dma_semaphore, #tpu.memory_space<semaphore_mem>>) attributes {dimension_semantics = [#tpu.dimension_semantics<core_parallel>, #tpu.dimension_semantics<subcore_parallel>], iteration_bounds = array<i64: 2, 16>, scalar_prefetch = 0 : i64, scratch_operands = 15 : i64, tpu.core_type = #tpu.core_type<sc_vector_subcore>, window_params = [{transform_indices = #map}, {transform_indices = #map1}, {transform_indices = #map}]} {
    %iota3A = tpu.iota {dimensions = array<i32: 0>} : vector<16xi32>
    %mul3A = arith.constant 0 : i32
    %mul3A_0 = arith.constant 16 : i32
    %mul3A_1 = arith.muli %mul3A, %mul3A_0 : i32
    %add3A = arith.addi %mul3A_1, %arg1 : i32
    %rem3A = arith.constant 0 : i32
    %rem3A_2 = arith.constant 2 : i32
    %rem3A_3 = arith.remsi %rem3A, %rem3A_2 : i32
    %eq3A = arith.constant 0 : i32
    %eq3A_4 = arith.cmpi eq, %rem3A_3, %eq3A : i32
    %lt3A = arith.constant 97 : i32
    %lt3A_5 = arith.cmpi slt, %add3A, %lt3A : i32
    %and3A = arith.andi %eq3A_4, %lt3A_5 : i1
    %convert_element_type3A = arith.extui %and3A : i1 to i32
    %cond3A = arith.constant 0 : i32
    %cond3A_6 = arith.cmpi ne, %convert_element_type3A, %cond3A : i32
    scf.if %cond3A_6 {
      %mul3A_142 = arith.constant 1024 : i32
      %mul3A_143 = arith.muli %add3A, %mul3A_142 : i32
      %multiple_of3A_144 = tpu.assume_multiple %mul3A_143, 128 : i32
      %dma_start3A = arith.constant 0 : i32
      %dma_start3A_145 = tpu.memref_slice %arg2[%dma_start3A, %multiple_of3A_144] : memref<32x100001xf32, #tpu.memory_space<hbm>> -> memref<32x1024xf32, #tpu.memory_space<hbm>>
      %dma_start3A_146 = arith.constant 0 : i32
      %dma_start3A_147 = tpu.memref_slice %arg2[%dma_start3A_146, %multiple_of3A_144] : memref<32x100001xf32, #tpu.memory_space<hbm>> -> memref<32x1024xf32, #tpu.memory_space<hbm>>
      tpu.enqueue_dma source(%dma_start3A_147 : memref<32x1024xf32, #tpu.memory_space<hbm>>) target(%arg10 : memref<32x1024xf32, #tpu.memory_space<vmem>>) target_semaphore(%arg18 : memref<!tpu.dma_semaphore, #tpu.memory_space<semaphore_mem>>)
    } else {
    }
    %rem3A_7 = arith.constant 0 : i32
    %rem3A_8 = arith.constant 2 : i32
    %rem3A_9 = arith.remsi %rem3A_7, %rem3A_8 : i32
    %eq3A_10 = arith.constant 0 : i32
    %eq3A_11 = arith.cmpi eq, %rem3A_9, %eq3A_10 : i32
    %eq3A_12 = arith.constant 97 : i32
    %eq3A_13 = arith.cmpi eq, %add3A, %eq3A_12 : i32
    %and3A_14 = arith.andi %eq3A_11, %eq3A_13 : i1
    %convert_element_type3A_15 = arith.extui %and3A_14 : i1 to i32
    %cond3A_16 = arith.constant 0 : i32
    %cond3A_17 = arith.cmpi ne, %convert_element_type3A_15, %cond3A_16 : i32
    scf.if %cond3A_17 {
      %mul3A_142 = arith.constant 1024 : i32
      %mul3A_143 = arith.muli %add3A, %mul3A_142 : i32
      %multiple_of3A_144 = tpu.assume_multiple %mul3A_143, 128 : i32
      %dma_start3A = arith.constant 0 : i32
      %dma_start3A_145 = arith.constant 0 : i32
      %dma_start3A_146 = tpu.memref_slice %arg10[%dma_start3A, %dma_start3A_145] : memref<32x1024xf32, #tpu.memory_space<vmem>> -> memref<32x768xf32, #tpu.memory_space<vmem>>
      %dma_start3A_147 = arith.constant 0 : i32
      %dma_start3A_148 = tpu.memref_slice %arg2[%dma_start3A_147, %multiple_of3A_144] : memref<32x100001xf32, #tpu.memory_space<hbm>> -> memref<32x768xf32, #tpu.memory_space<hbm>>
      %dma_start3A_149 = arith.constant 0 : i32
      %dma_start3A_150 = arith.constant 0 : i32
      %dma_start3A_151 = tpu.memref_slice %arg10[%dma_start3A_149, %dma_start3A_150] : memref<32x1024xf32, #tpu.memory_space<vmem>> -> memref<32x768xf32, #tpu.memory_space<vmem>>
      %dma_start3A_152 = arith.constant 0 : i32
      %dma_start3A_153 = tpu.memref_slice %arg2[%dma_start3A_152, %multiple_of3A_144] : memref<32x100001xf32, #tpu.memory_space<hbm>> -> memref<32x768xf32, #tpu.memory_space<hbm>>
      tpu.enqueue_dma source(%dma_start3A_153 : memref<32x768xf32, #tpu.memory_space<hbm>>) target(%dma_start3A_151 : memref<32x768xf32, #tpu.memory_space<vmem>>) target_semaphore(%arg18 : memref<!tpu.dma_semaphore, #tpu.memory_space<semaphore_mem>>)
    } else {
    }
    %rem3A_18 = arith.constant 0 : i32
    %rem3A_19 = arith.constant 2 : i32
    %rem3A_20 = arith.remsi %rem3A_18, %rem3A_19 : i32
    %eq3A_21 = arith.constant 1 : i32
    %eq3A_22 = arith.cmpi eq, %rem3A_20, %eq3A_21 : i32
    %lt3A_23 = arith.constant 97 : i32
    %lt3A_24 = arith.cmpi slt, %add3A, %lt3A_23 : i32
    %and3A_25 = arith.andi %eq3A_22, %lt3A_24 : i1
    %convert_element_type3A_26 = arith.extui %and3A_25 : i1 to i32
    %cond3A_27 = arith.constant 0 : i32
    %cond3A_28 = arith.cmpi ne, %convert_element_type3A_26, %cond3A_27 : i32
    scf.if %cond3A_28 {
      %mul3A_142 = arith.constant 1024 : i32
      %mul3A_143 = arith.muli %add3A, %mul3A_142 : i32
      %multiple_of3A_144 = tpu.assume_multiple %mul3A_143, 128 : i32
      %dma_start3A = arith.constant 0 : i32
      %dma_start3A_145 = tpu.memref_slice %arg2[%dma_start3A, %multiple_of3A_144] : memref<32x100001xf32, #tpu.memory_space<hbm>> -> memref<32x1024xf32, #tpu.memory_space<hbm>>
      %dma_start3A_146 = arith.constant 0 : i32
      %dma_start3A_147 = tpu.memref_slice %arg2[%dma_start3A_146, %multiple_of3A_144] : memref<32x100001xf32, #tpu.memory_space<hbm>> -> memref<32x1024xf32, #tpu.memory_space<hbm>>
      tpu.enqueue_dma source(%dma_start3A_147 : memref<32x1024xf32, #tpu.memory_space<hbm>>) target(%arg11 : memref<32x1024xf32, #tpu.memory_space<vmem>>) target_semaphore(%arg19 : memref<!tpu.dma_semaphore, #tpu.memory_space<semaphore_mem>>)
    } else {
    }
    %rem3A_29 = arith.constant 0 : i32
    %rem3A_30 = arith.constant 2 : i32
    %rem3A_31 = arith.remsi %rem3A_29, %rem3A_30 : i32
    %eq3A_32 = arith.constant 1 : i32
    %eq3A_33 = arith.cmpi eq, %rem3A_31, %eq3A_32 : i32
    %eq3A_34 = arith.constant 97 : i32
    %eq3A_35 = arith.cmpi eq, %add3A, %eq3A_34 : i32
    %and3A_36 = arith.andi %eq3A_33, %eq3A_35 : i1
    %convert_element_type3A_37 = arith.extui %and3A_36 : i1 to i32
    %cond3A_38 = arith.constant 0 : i32
    %cond3A_39 = arith.cmpi ne, %convert_element_type3A_37, %cond3A_38 : i32
    scf.if %cond3A_39 {
      %mul3A_142 = arith.constant 1024 : i32
      %mul3A_143 = arith.muli %add3A, %mul3A_142 : i32
      %multiple_of3A_144 = tpu.assume_multiple %mul3A_143, 128 : i32
      %dma_start3A = arith.constant 0 : i32
      %dma_start3A_145 = arith.constant 0 : i32
      %dma_start3A_146 = tpu.memref_slice %arg11[%dma_start3A, %dma_start3A_145] : memref<32x1024xf32, #tpu.memory_space<vmem>> -> memref<32x768xf32, #tpu.memory_space<vmem>>
      %dma_start3A_147 = arith.constant 0 : i32
      %dma_start3A_148 = tpu.memref_slice %arg2[%dma_start3A_147, %multiple_of3A_144] : memref<32x100001xf32, #tpu.memory_space<hbm>> -> memref<32x768xf32, #tpu.memory_space<hbm>>
      %dma_start3A_149 = arith.constant 0 : i32
      %dma_start3A_150 = arith.constant 0 : i32
      %dma_start3A_151 = tpu.memref_slice %arg11[%dma_start3A_149, %dma_start3A_150] : memref<32x1024xf32, #tpu.memory_space<vmem>> -> memref<32x768xf32, #tpu.memory_space<vmem>>
      %dma_start3A_152 = arith.constant 0 : i32
      %dma_start3A_153 = tpu.memref_slice %arg2[%dma_start3A_152, %multiple_of3A_144] : memref<32x100001xf32, #tpu.memory_space<hbm>> -> memref<32x768xf32, #tpu.memory_space<hbm>>
      tpu.enqueue_dma source(%dma_start3A_153 : memref<32x768xf32, #tpu.memory_space<hbm>>) target(%dma_start3A_151 : memref<32x768xf32, #tpu.memory_space<vmem>>) target_semaphore(%arg19 : memref<!tpu.dma_semaphore, #tpu.memory_space<semaphore_mem>>)
    } else {
    }
    %mul3A_40 = arith.constant 1 : i32
    %mul3A_41 = arith.constant 16 : i32
    %mul3A_42 = arith.muli %mul3A_40, %mul3A_41 : i32
    %add3A_43 = arith.addi %mul3A_42, %arg1 : i32
    %rem3A_44 = arith.constant 1 : i32
    %rem3A_45 = arith.constant 2 : i32
    %rem3A_46 = arith.remsi %rem3A_44, %rem3A_45 : i32
    %eq3A_47 = arith.constant 0 : i32
    %eq3A_48 = arith.cmpi eq, %rem3A_46, %eq3A_47 : i32
    %lt3A_49 = arith.constant 97 : i32
    %lt3A_50 = arith.cmpi slt, %add3A_43, %lt3A_49 : i32
    %and3A_51 = arith.andi %eq3A_48, %lt3A_50 : i1
    %convert_element_type3A_52 = arith.extui %and3A_51 : i1 to i32
    %cond3A_53 = arith.constant 0 : i32
    %cond3A_54 = arith.cmpi ne, %convert_element_type3A_52, %cond3A_53 : i32
    scf.if %cond3A_54 {
      %mul3A_142 = arith.constant 1024 : i32
      %mul3A_143 = arith.muli %add3A_43, %mul3A_142 : i32
      %multiple_of3A_144 = tpu.assume_multiple %mul3A_143, 128 : i32
      %dma_start3A = arith.constant 0 : i32
      %dma_start3A_145 = tpu.memref_slice %arg2[%dma_start3A, %multiple_of3A_144] : memref<32x100001xf32, #tpu.memory_space<hbm>> -> memref<32x1024xf32, #tpu.memory_space<hbm>>
      %dma_start3A_146 = arith.constant 0 : i32
      %dma_start3A_147 = tpu.memref_slice %arg2[%dma_start3A_146, %multiple_of3A_144] : memref<32x100001xf32, #tpu.memory_space<hbm>> -> memref<32x1024xf32, #tpu.memory_space<hbm>>
      tpu.enqueue_dma source(%dma_start3A_147 : memref<32x1024xf32, #tpu.memory_space<hbm>>) target(%arg10 : memref<32x1024xf32, #tpu.memory_space<vmem>>) target_semaphore(%arg18 : memref<!tpu.dma_semaphore, #tpu.memory_space<semaphore_mem>>)
    } else {
    }
    %rem3A_55 = arith.constant 1 : i32
    %rem3A_56 = arith.constant 2 : i32
    %rem3A_57 = arith.remsi %rem3A_55, %rem3A_56 : i32
    %eq3A_58 = arith.constant 0 : i32
    %eq3A_59 = arith.cmpi eq, %rem3A_57, %eq3A_58 : i32
    %eq3A_60 = arith.constant 97 : i32
    %eq3A_61 = arith.cmpi eq, %add3A_43, %eq3A_60 : i32
    %and3A_62 = arith.andi %eq3A_59, %eq3A_61 : i1
    %convert_element_type3A_63 = arith.extui %and3A_62 : i1 to i32
    %cond3A_64 = arith.constant 0 : i32
    %cond3A_65 = arith.cmpi ne, %convert_element_type3A_63, %cond3A_64 : i32
    scf.if %cond3A_65 {
      %mul3A_142 = arith.constant 1024 : i32
      %mul3A_143 = arith.muli %add3A_43, %mul3A_142 : i32
      %multiple_of3A_144 = tpu.assume_multiple %mul3A_143, 128 : i32
      %dma_start3A = arith.constant 0 : i32
      %dma_start3A_145 = arith.constant 0 : i32
      %dma_start3A_146 = tpu.memref_slice %arg10[%dma_start3A, %dma_start3A_145] : memref<32x1024xf32, #tpu.memory_space<vmem>> -> memref<32x768xf32, #tpu.memory_space<vmem>>
      %dma_start3A_147 = arith.constant 0 : i32
      %dma_start3A_148 = tpu.memref_slice %arg2[%dma_start3A_147, %multiple_of3A_144] : memref<32x100001xf32, #tpu.memory_space<hbm>> -> memref<32x768xf32, #tpu.memory_space<hbm>>
      %dma_start3A_149 = arith.constant 0 : i32
      %dma_start3A_150 = arith.constant 0 : i32
      %dma_start3A_151 = tpu.memref_slice %arg10[%dma_start3A_149, %dma_start3A_150] : memref<32x1024xf32, #tpu.memory_space<vmem>> -> memref<32x768xf32, #tpu.memory_space<vmem>>
      %dma_start3A_152 = arith.constant 0 : i32
      %dma_start3A_153 = tpu.memref_slice %arg2[%dma_start3A_152, %multiple_of3A_144] : memref<32x100001xf32, #tpu.memory_space<hbm>> -> memref<32x768xf32, #tpu.memory_space<hbm>>
      tpu.enqueue_dma source(%dma_start3A_153 : memref<32x768xf32, #tpu.memory_space<hbm>>) target(%dma_start3A_151 : memref<32x768xf32, #tpu.memory_space<vmem>>) target_semaphore(%arg18 : memref<!tpu.dma_semaphore, #tpu.memory_space<semaphore_mem>>)
    } else {
    }
    %rem3A_66 = arith.constant 1 : i32
    %rem3A_67 = arith.constant 2 : i32
    %rem3A_68 = arith.remsi %rem3A_66, %rem3A_67 : i32
    %eq3A_69 = arith.constant 1 : i32
    %eq3A_70 = arith.cmpi eq, %rem3A_68, %eq3A_69 : i32
    %lt3A_71 = arith.constant 97 : i32
    %lt3A_72 = arith.cmpi slt, %add3A_43, %lt3A_71 : i32
    %and3A_73 = arith.andi %eq3A_70, %lt3A_72 : i1
    %convert_element_type3A_74 = arith.extui %and3A_73 : i1 to i32
    %cond3A_75 = arith.constant 0 : i32
    %cond3A_76 = arith.cmpi ne, %convert_element_type3A_74, %cond3A_75 : i32
    scf.if %cond3A_76 {
      %mul3A_142 = arith.constant 1024 : i32
      %mul3A_143 = arith.muli %add3A_43, %mul3A_142 : i32
      %multiple_of3A_144 = tpu.assume_multiple %mul3A_143, 128 : i32
      %dma_start3A = arith.constant 0 : i32
      %dma_start3A_145 = tpu.memref_slice %arg2[%dma_start3A, %multiple_of3A_144] : memref<32x100001xf32, #tpu.memory_space<hbm>> -> memref<32x1024xf32, #tpu.memory_space<hbm>>
      %dma_start3A_146 = arith.constant 0 : i32
      %dma_start3A_147 = tpu.memref_slice %arg2[%dma_start3A_146, %multiple_of3A_144] : memref<32x100001xf32, #tpu.memory_space<hbm>> -> memref<32x1024xf32, #tpu.memory_space<hbm>>
      tpu.enqueue_dma source(%dma_start3A_147 : memref<32x1024xf32, #tpu.memory_space<hbm>>) target(%arg11 : memref<32x1024xf32, #tpu.memory_space<vmem>>) target_semaphore(%arg19 : memref<!tpu.dma_semaphore, #tpu.memory_space<semaphore_mem>>)
    } else {
    }
    %rem3A_77 = arith.constant 1 : i32
    %rem3A_78 = arith.constant 2 : i32
    %rem3A_79 = arith.remsi %rem3A_77, %rem3A_78 : i32
    %eq3A_80 = arith.constant 1 : i32
    %eq3A_81 = arith.cmpi eq, %rem3A_79, %eq3A_80 : i32
    %eq3A_82 = arith.constant 97 : i32
    %eq3A_83 = arith.cmpi eq, %add3A_43, %eq3A_82 : i32
    %and3A_84 = arith.andi %eq3A_81, %eq3A_83 : i1
    %convert_element_type3A_85 = arith.extui %and3A_84 : i1 to i32
    %cond3A_86 = arith.constant 0 : i32
    %cond3A_87 = arith.cmpi ne, %convert_element_type3A_85, %cond3A_86 : i32
    scf.if %cond3A_87 {
      %mul3A_142 = arith.constant 1024 : i32
      %mul3A_143 = arith.muli %add3A_43, %mul3A_142 : i32
      %multiple_of3A_144 = tpu.assume_multiple %mul3A_143, 128 : i32
      %dma_start3A = arith.constant 0 : i32
      %dma_start3A_145 = arith.constant 0 : i32
      %dma_start3A_146 = tpu.memref_slice %arg11[%dma_start3A, %dma_start3A_145] : memref<32x1024xf32, #tpu.memory_space<vmem>> -> memref<32x768xf32, #tpu.memory_space<vmem>>
      %dma_start3A_147 = arith.constant 0 : i32
      %dma_start3A_148 = tpu.memref_slice %arg2[%dma_start3A_147, %multiple_of3A_144] : memref<32x100001xf32, #tpu.memory_space<hbm>> -> memref<32x768xf32, #tpu.memory_space<hbm>>
      %dma_start3A_149 = arith.constant 0 : i32
      %dma_start3A_150 = arith.constant 0 : i32
      %dma_start3A_151 = tpu.memref_slice %arg11[%dma_start3A_149, %dma_start3A_150] : memref<32x1024xf32, #tpu.memory_space<vmem>> -> memref<32x768xf32, #tpu.memory_space<vmem>>
      %dma_start3A_152 = arith.constant 0 : i32
      %dma_start3A_153 = tpu.memref_slice %arg2[%dma_start3A_152, %multiple_of3A_144] : memref<32x100001xf32, #tpu.memory_space<hbm>> -> memref<32x768xf32, #tpu.memory_space<hbm>>
      tpu.enqueue_dma source(%dma_start3A_153 : memref<32x768xf32, #tpu.memory_space<hbm>>) target(%dma_start3A_151 : memref<32x768xf32, #tpu.memory_space<vmem>>) target_semaphore(%arg19 : memref<!tpu.dma_semaphore, #tpu.memory_space<semaphore_mem>>)
    } else {
    }
    %mul3A_88 = arith.constant 2048 : i32
    %mul3A_89 = arith.muli %arg0, %mul3A_88 : i32
    "tpu.region"() ({
      %run_scoped3A = tpu.sem_alloc : memref<!tpu.dma_semaphore, #tpu.memory_space<semaphore_mem>>
      %dma_start3A = tpu.memref_slice %arg3[%mul3A_89] : memref<4096xi32, #tpu.memory_space<hbm>> -> memref<2048xi32, #tpu.memory_space<hbm>>
      %dma_start3A_142 = tpu.memref_slice %arg3[%mul3A_89] : memref<4096xi32, #tpu.memory_space<hbm>> -> memref<2048xi32, #tpu.memory_space<hbm>>
      tpu.enqueue_dma source(%dma_start3A_142 : memref<2048xi32, #tpu.memory_space<hbm>>) target(%arg5 : memref<2048xi32, #tpu.memory_space<vmem>>) target_semaphore(%run_scoped3A : memref<!tpu.dma_semaphore, #tpu.memory_space<semaphore_mem>>)
      %dma_wait3A = tpu.memref_slice %arg3[%mul3A_89] : memref<4096xi32, #tpu.memory_space<hbm>> -> memref<2048xi32, #tpu.memory_space<hbm>>
      %dma_wait3A_143 = tpu.memref_slice %arg3[%mul3A_89] : memref<4096xi32, #tpu.memory_space<hbm>> -> memref<2048xi32, #tpu.memory_space<hbm>>
      tpu.wait_dma2 semaphore(%run_scoped3A : memref<!tpu.dma_semaphore, #tpu.memory_space<semaphore_mem>>) src(%dma_wait3A_143 : memref<2048xi32, #tpu.memory_space<hbm>>) dst(%arg5 : memref<2048xi32, #tpu.memory_space<vmem>>)
      tpu.yield
    }) : () -> ()
    %scan3A = arith.constant 0 : i32
    %scan3A_90 = arith.constant 0 : i32
    %scan3A_91 = arith.constant 128 : i32
    %scan3A_92 = arith.addi %scan3A_90, %scan3A_91 : i32
    %scan3A_93 = arith.constant 1 : i32
    %scan3A_94 = scf.for %scan3A_142 = %scan3A_90 to %scan3A_92 step %scan3A_93 iter_args(%scan3A_143 = %scan3A) -> (i32)  : i32 {
      %mul3A_144 = arith.constant 16 : i32
      %mul3A_145 = arith.muli %scan3A_142, %mul3A_144 : i32
      %get3A = arith.index_cast %mul3A_145 : i32 to index
      %get3A_146 = tpu.vector_load %arg5[%get3A] {strides = array<i32>} : memref<2048xi32, #tpu.memory_space<vmem>>, vector<16xi32>,
      %shift_right_arithmetic3A = arith.constant 10 : i32
      %shift_right_arithmetic3A_147 = vector.broadcast %shift_right_arithmetic3A : i32 to vector<16xi32>
      %shift_right_arithmetic3A_148 = arith.shrsi %get3A_146, %shift_right_arithmetic3A_147 : vector<16xi32>
      %and3A_149 = arith.constant 15 : i32
      %and3A_150 = vector.broadcast %and3A_149 : i32 to vector<16xi32>
      %and3A_151 = arith.andi %shift_right_arithmetic3A_148, %and3A_150 : vector<16xi32>
      %eq3A_152 = vector.broadcast %arg1 : i32 to vector<16xi32>
      %eq3A_153 = arith.cmpi eq, %and3A_151, %eq3A_152 : vector<16xi32>
      %convert_element_type3A_154 = arith.extui %eq3A_153 : vector<16xi1> to vector<16xi32>
      %broadcast_in_dim3A = arith.constant true
      %broadcast_in_dim3A_155 = vector.broadcast %broadcast_in_dim3A : i1 to vector<16xi1>
      %masked_cumsum3A = tpu.scan <sum>, %convert_element_type3A_154 masked %broadcast_in_dim3A_155 : vector<16xi32>, vector<16xi1> -> vector<16xi32>
      %add3A_156 = vector.broadcast %scan3A_143 : i32 to vector<16xi32>
      %add3A_157 = arith.addi %add3A_156, %masked_cumsum3A : vector<16xi32>
      %sub3A_158 = arith.constant 1 : i32
      %sub3A_159 = vector.broadcast %sub3A_158 : i32 to vector<16xi32>
      %sub3A_160 = arith.subi %add3A_157, %sub3A_159 : vector<16xi32>
      tpu.vector_store_idx %arg6[%sub3A_160], %get3A_146 masked %eq3A_153 : memref<2064xi32, #tpu.memory_space<vmem>>[vector<16xi32>], vector<16xi32>, vector<16xi1>
      %mul3A_161 = arith.constant 16 : i32
      %mul3A_162 = arith.muli %scan3A_142, %mul3A_161 : i32
      %add3A_163 = vector.broadcast %mul3A_162 : i32 to vector<16xi32>
      %add3A_164 = arith.addi %add3A_163, %iota3A : vector<16xi32>
      tpu.vector_store_idx %arg7[%sub3A_160], %add3A_164 masked %eq3A_153 : memref<2064xi32, #tpu.memory_space<vmem>>[vector<16xi32>], vector<16xi32>, vector<16xi1>
      %slice3A = vector.extract_strided_slice %sub3A_160 {offsets = [15], sizes = [1], strides = [1]} : vector<16xi32> to vector<1xi32>
      %squeeze3A = vector.extract %slice3A[0] : i32 from vector<1xi32>
      %add3A_165 = arith.constant 1 : i32
      %add3A_166 = arith.addi %squeeze3A, %add3A_165 : i32
      scf.yield %add3A_166 : i32
    }
    %scan3A_95 = arith.constant 128 : i32
    %add3A_96 = arith.constant 16 : i32
    %add3A_97 = arith.addi %scan3A_94, %add3A_96 : i32
    %sub3A = arith.constant 1 : i32
    %sub3A_98 = arith.subi %add3A_97, %sub3A : i32
    %jit3A = arith.constant 16 : i32
    %div3A = arith.divsi %sub3A_98, %jit3A : i32
    %sign3A = arith.constant 0 : i32
    %sign3A_99 = arith.cmpi sgt, %sub3A_98, %sign3A : i32
    %sign3A_100 = arith.extui %sign3A_99 : i1 to i32
    %sign3A_101 = arith.constant 0 : i32
    %sign3A_102 = arith.cmpi slt, %sub3A_98, %sign3A_101 : i32
    %sign3A_103 = arith.extui %sign3A_102 : i1 to i32
    %sign3A_104 = arith.subi %sign3A_100, %sign3A_103 : i32
    %sign3A_105 = arith.constant 0 : i32
    %sign3A_106 = arith.cmpi sgt, %jit3A, %sign3A_105 : i32
    %sign3A_107 = arith.extui %sign3A_106 : i1 to i32
    %sign3A_108 = arith.constant 0 : i32
    %sign3A_109 = arith.cmpi slt, %jit3A, %sign3A_108 : i32
    %sign3A_110 = arith.extui %sign3A_109 : i1 to i32
    %sign3A_111 = arith.subi %sign3A_107, %sign3A_110 : i32
    %ne3A = arith.cmpi ne, %sign3A_104, %sign3A_111 : i32
    %rem3A_112 = arith.remsi %sub3A_98, %jit3A : i32
    %ne3A_113 = arith.constant 0 : i32
    %ne3A_114 = arith.cmpi ne, %rem3A_112, %ne3A_113 : i32
    %and3A_115 = arith.andi %ne3A, %ne3A_114 : i1
    %sub3A_116 = arith.constant 1 : i32
    %sub3A_117 = arith.subi %div3A, %sub3A_116 : i32
    %select_n3A = arith.select %and3A_115, %sub3A_117, %div3A : i32
    %scan3A_118 = arith.constant 0 : i32
    %scan3A_119 = arith.constant 0 : i32
    %scan3A_120 = arith.constant 7 : i32
    %scan3A_121 = arith.addi %scan3A_119, %scan3A_120 : i32
    %scan3A_122 = arith.constant 1 : i32
    %scan3A_123 = scf.for %scan3A_142 = %scan3A_119 to %scan3A_121 step %scan3A_122 iter_args(%scan3A_143 = %scan3A_118) -> (i32)  : i32 {
      %mul3A_144 = arith.constant 16 : i32
      %mul3A_145 = arith.muli %scan3A_142, %mul3A_144 : i32
      %add3A_146 = arith.addi %mul3A_145, %arg1 : i32
      %le3A = arith.constant 97 : i32
      %le3A_147 = arith.cmpi sle, %add3A_146, %le3A : i32
      %convert_element_type3A_148 = arith.extui %le3A_147 : i1 to i32
      %cond3A_149 = arith.constant 0 : i32
      %cond3A_150 = arith.cmpi ne, %convert_element_type3A_148, %cond3A_149 : i32
      scf.if %cond3A_150 {
        %while3A = arith.constant 0 : i32
        %while3A_159 = arith.constant 0 : i32
        %while3A_160 = arith.subi %select_n3A, %while3A : i32
        %while3A_161 = arith.addi %while3A, %while3A_160 : i32
        %while3A_162 = arith.constant 1 : i32
        %while3A_163 = arith.divsi %while3A_160, %while3A_162 : i32
        %while3A_164 = arith.muli %while3A_163, %while3A_162 : i32
        %while3A_165 = arith.addi %while3A, %while3A_164 : i32
        %while3A_166 = arith.constant 1 : i32
        %while3A_167 = scf.for %while3A_232 = %while3A to %while3A_165 step %while3A_166 iter_args(%while3A_233 = %while3A_159) -> (i32)  : i32 {
          %mul3A_234 = arith.constant 16 : i32
          %mul3A_235 = arith.muli %while3A_232, %mul3A_234 : i32
          %get3A = arith.index_cast %mul3A_235 : i32 to index
          %get3A_236 = tpu.vector_load %arg6[%get3A] {strides = array<i32>} : memref<2064xi32, #tpu.memory_space<vmem>>, vector<16xi32>,
          %mul3A_237 = arith.constant 16 : i32
          %mul3A_238 = arith.muli %while3A_232, %mul3A_237 : i32
          %get3A_239 = arith.index_cast %mul3A_238 : i32 to index
          %get3A_240 = tpu.vector_load %arg7[%get3A_239] {strides = array<i32>} : memref<2064xi32, #tpu.memory_space<vmem>>, vector<16xi32>,
          %mul3A_241 = arith.constant 16 : i32
          %mul3A_242 = arith.muli %while3A_232, %mul3A_241 : i32
          %add3A_243 = vector.broadcast %mul3A_242 : i32 to vector<16xi32>
          %add3A_244 = arith.addi %add3A_243, %iota3A : vector<16xi32>
          %shift_right_arithmetic3A = arith.constant 10 : i32
          %shift_right_arithmetic3A_245 = vector.broadcast %shift_right_arithmetic3A : i32 to vector<16xi32>
          %shift_right_arithmetic3A_246 = arith.shrsi %get3A_236, %shift_right_arithmetic3A_245 : vector<16xi32>
          %eq3A_247 = vector.broadcast %add3A_146 : i32 to vector<16xi32>
          %eq3A_248 = arith.cmpi eq, %shift_right_arithmetic3A_246, %eq3A_247 : vector<16xi32>
          %lt3A_249 = vector.broadcast %scan3A_94 : i32 to vector<16xi32>
          %lt3A_250 = arith.cmpi slt, %add3A_244, %lt3A_249 : vector<16xi32>
          %and3A_251 = arith.andi %eq3A_248, %lt3A_250 : vector<16xi1>
          %convert_element_type3A_252 = arith.extui %and3A_251 : vector<16xi1> to vector<16xi32>
          %broadcast_in_dim3A = arith.constant true
          %broadcast_in_dim3A_253 = vector.broadcast %broadcast_in_dim3A : i1 to vector<16xi1>
          %masked_cumsum3A = tpu.scan <sum>, %convert_element_type3A_252 masked %broadcast_in_dim3A_253 : vector<16xi32>, vector<16xi1> -> vector<16xi32>
          %add3A_254 = vector.broadcast %while3A_233 : i32 to vector<16xi32>
          %add3A_255 = arith.addi %add3A_254, %masked_cumsum3A : vector<16xi32>
          %sub3A_256 = arith.constant 1 : i32
          %sub3A_257 = vector.broadcast %sub3A_256 : i32 to vector<16xi32>
          %sub3A_258 = arith.subi %add3A_255, %sub3A_257 : vector<16xi32>
          tpu.vector_store_idx %arg8[%sub3A_258], %get3A_236 masked %and3A_251 : memref<2064xi32, #tpu.memory_space<vmem>>[vector<16xi32>], vector<16xi32>, vector<16xi1>
          tpu.vector_store_idx %arg9[%sub3A_258], %get3A_240 masked %and3A_251 : memref<2064xi32, #tpu.memory_space<vmem>>[vector<16xi32>], vector<16xi32>, vector<16xi1>
          %slice3A = vector.extract_strided_slice %sub3A_258 {offsets = [15], sizes = [1], strides = [1]} : vector<16xi32> to vector<1xi32>
          %squeeze3A = vector.extract %slice3A[0] : i32 from vector<1xi32>
          %add3A_259 = arith.constant 1 : i32
          %add3A_260 = arith.addi %squeeze3A, %add3A_259 : i32
          scf.yield %add3A_260 : i32
        }
        %while3A_168 = arith.constant 1 : i32
        %while3A_169 = scf.for %while3A_232 = %while3A_165 to %while3A_161 step %while3A_168 iter_args(%while3A_233 = %while3A_167) -> (i32)  : i32 {
          %mul3A_234 = arith.constant 16 : i32
          %mul3A_235 = arith.muli %while3A_232, %mul3A_234 : i32
          %get3A = arith.index_cast %mul3A_235 : i32 to index
          %get3A_236 = tpu.vector_load %arg6[%get3A] {strides = array<i32>} : memref<2064xi32, #tpu.memory_space<vmem>>, vector<16xi32>,
          %mul3A_237 = arith.constant 16 : i32
          %mul3A_238 = arith.muli %while3A_232, %mul3A_237 : i32
          %get3A_239 = arith.index_cast %mul3A_238 : i32 to index
          %get3A_240 = tpu.vector_load %arg7[%get3A_239] {strides = array<i32>} : memref<2064xi32, #tpu.memory_space<vmem>>, vector<16xi32>,
          %mul3A_241 = arith.constant 16 : i32
          %mul3A_242 = arith.muli %while3A_232, %mul3A_241 : i32
          %add3A_243 = vector.broadcast %mul3A_242 : i32 to vector<16xi32>
          %add3A_244 = arith.addi %add3A_243, %iota3A : vector<16xi32>
          %shift_right_arithmetic3A = arith.constant 10 : i32
          %shift_right_arithmetic3A_245 = vector.broadcast %shift_right_arithmetic3A : i32 to vector<16xi32>
          %shift_right_arithmetic3A_246 = arith.shrsi %get3A_236, %shift_right_arithmetic3A_245 : vector<16xi32>
          %eq3A_247 = vector.broadcast %add3A_146 : i32 to vector<16xi32>
          %eq3A_248 = arith.cmpi eq, %shift_right_arithmetic3A_246, %eq3A_247 : vector<16xi32>
          %lt3A_249 = vector.broadcast %scan3A_94 : i32 to vector<16xi32>
          %lt3A_250 = arith.cmpi slt, %add3A_244, %lt3A_249 : vector<16xi32>
          %and3A_251 = arith.andi %eq3A_248, %lt3A_250 : vector<16xi1>
          %convert_element_type3A_252 = arith.extui %and3A_251 : vector<16xi1> to vector<16xi32>
          %broadcast_in_dim3A = arith.constant true
          %broadcast_in_dim3A_253 = vector.broadcast %broadcast_in_dim3A : i1 to vector<16xi1>
          %masked_cumsum3A = tpu.scan <sum>, %convert_element_type3A_252 masked %broadcast_in_dim3A_253 : vector<16xi32>, vector<16xi1> -> vector<16xi32>
          %add3A_254 = vector.broadcast %while3A_233 : i32 to vector<16xi32>
          %add3A_255 = arith.addi %add3A_254, %masked_cumsum3A : vector<16xi32>
          %sub3A_256 = arith.constant 1 : i32
          %sub3A_257 = vector.broadcast %sub3A_256 : i32 to vector<16xi32>
          %sub3A_258 = arith.subi %add3A_255, %sub3A_257 : vector<16xi32>
          tpu.vector_store_idx %arg8[%sub3A_258], %get3A_236 masked %and3A_251 : memref<2064xi32, #tpu.memory_space<vmem>>[vector<16xi32>], vector<16xi32>, vector<16xi1>
          tpu.vector_store_idx %arg9[%sub3A_258], %get3A_240 masked %and3A_251 : memref<2064xi32, #tpu.memory_space<vmem>>[vector<16xi32>], vector<16xi32>, vector<16xi1>
          %slice3A = vector.extract_strided_slice %sub3A_258 {offsets = [15], sizes = [1], strides = [1]} : vector<16xi32> to vector<1xi32>
          %squeeze3A = vector.extract %slice3A[0] : i32 from vector<1xi32>
          %add3A_259 = arith.constant 1 : i32
          %add3A_260 = arith.addi %squeeze3A, %add3A_259 : i32
          scf.yield %add3A_260 : i32
        }
        %mul3A_170 = arith.constant 16 : i32
        %mul3A_171 = arith.muli %scan3A_142, %mul3A_170 : i32
        %add3A_172 = arith.addi %mul3A_171, %arg1 : i32
        %rem3A_173 = arith.constant 2 : i32
        %rem3A_174 = arith.remsi %scan3A_142, %rem3A_173 : i32
        %eq3A_175 = arith.constant 0 : i32
        %eq3A_176 = arith.cmpi eq, %rem3A_174, %eq3A_175 : i32
        %lt3A_177 = arith.constant 97 : i32
        %lt3A_178 = arith.cmpi slt, %add3A_172, %lt3A_177 : i32
        %and3A_179 = arith.andi %eq3A_176, %lt3A_178 : i1
        %convert_element_type3A_180 = arith.extui %and3A_179 : i1 to i32
        %cond3A_181 = arith.constant 0 : i32
        %cond3A_182 = arith.cmpi ne, %convert_element_type3A_180, %cond3A_181 : i32
        scf.if %cond3A_182 {
          %dma_wait3A = arith.constant 0 : i32
          %dma_wait3A_232 = arith.constant 0 : i32
          %dma_wait3A_233 = tpu.memref_slice %arg2[%dma_wait3A, %dma_wait3A_232] : memref<32x100001xf32, #tpu.memory_space<hbm>> -> memref<32x1024xf32, #tpu.memory_space<hbm>>
          %dma_wait3A_234 = arith.constant 0 : i32
          %dma_wait3A_235 = arith.constant 0 : i32
          %dma_wait3A_236 = tpu.memref_slice %arg2[%dma_wait3A_234, %dma_wait3A_235] : memref<32x100001xf32, #tpu.memory_space<hbm>> -> memref<32x1024xf32, #tpu.memory_space<hbm>>
          tpu.wait_dma2 semaphore(%arg18 : memref<!tpu.dma_semaphore, #tpu.memory_space<semaphore_mem>>) src(%dma_wait3A_236 : memref<32x1024xf32, #tpu.memory_space<hbm>>) dst(%arg10 : memref<32x1024xf32, #tpu.memory_space<vmem>>)
        } else {
        }
        %rem3A_183 = arith.constant 2 : i32
        %rem3A_184 = arith.remsi %scan3A_142, %rem3A_183 : i32
        %eq3A_185 = arith.constant 0 : i32
        %eq3A_186 = arith.cmpi eq, %rem3A_184, %eq3A_185 : i32
        %eq3A_187 = arith.constant 97 : i32
        %eq3A_188 = arith.cmpi eq, %add3A_172, %eq3A_187 : i32
        %and3A_189 = arith.andi %eq3A_186, %eq3A_188 : i1
        %convert_element_type3A_190 = arith.extui %and3A_189 : i1 to i32
        %cond3A_191 = arith.constant 0 : i32
        %cond3A_192 = arith.cmpi ne, %convert_element_type3A_190, %cond3A_191 : i32
        scf.if %cond3A_192 {
          %dma_wait3A = arith.constant 0 : i32
          %dma_wait3A_232 = arith.constant 0 : i32
          %dma_wait3A_233 = tpu.memref_slice %arg10[%dma_wait3A, %dma_wait3A_232] : memref<32x1024xf32, #tpu.memory_space<vmem>> -> memref<32x768xf32, #tpu.memory_space<vmem>>
          %dma_wait3A_234 = arith.constant 0 : i32
          %dma_wait3A_235 = arith.constant 0 : i32
          %dma_wait3A_236 = tpu.memref_slice %arg2[%dma_wait3A_234, %dma_wait3A_235] : memref<32x100001xf32, #tpu.memory_space<hbm>> -> memref<32x768xf32, #tpu.memory_space<hbm>>
          %dma_wait3A_237 = arith.constant 0 : i32
          %dma_wait3A_238 = arith.constant 0 : i32
          %dma_wait3A_239 = tpu.memref_slice %arg10[%dma_wait3A_237, %dma_wait3A_238] : memref<32x1024xf32, #tpu.memory_space<vmem>> -> memref<32x768xf32, #tpu.memory_space<vmem>>
          %dma_wait3A_240 = arith.constant 0 : i32
          %dma_wait3A_241 = arith.constant 0 : i32
          %dma_wait3A_242 = tpu.memref_slice %arg2[%dma_wait3A_240, %dma_wait3A_241] : memref<32x100001xf32, #tpu.memory_space<hbm>> -> memref<32x768xf32, #tpu.memory_space<hbm>>
          tpu.wait_dma2 semaphore(%arg18 : memref<!tpu.dma_semaphore, #tpu.memory_space<semaphore_mem>>) src(%dma_wait3A_242 : memref<32x768xf32, #tpu.memory_space<hbm>>) dst(%dma_wait3A_239 : memref<32x768xf32, #tpu.memory_space<vmem>>)
        } else {
        }
        %rem3A_193 = arith.constant 2 : i32
        %rem3A_194 = arith.remsi %scan3A_142, %rem3A_193 : i32
        %eq3A_195 = arith.constant 1 : i32
        %eq3A_196 = arith.cmpi eq, %rem3A_194, %eq3A_195 : i32
        %lt3A_197 = arith.constant 97 : i32
        %lt3A_198 = arith.cmpi slt, %add3A_172, %lt3A_197 : i32
        %and3A_199 = arith.andi %eq3A_196, %lt3A_198 : i1
        %convert_element_type3A_200 = arith.extui %and3A_199 : i1 to i32
        %cond3A_201 = arith.constant 0 : i32
        %cond3A_202 = arith.cmpi ne, %convert_element_type3A_200, %cond3A_201 : i32
        scf.if %cond3A_202 {
          %dma_wait3A = arith.constant 0 : i32
          %dma_wait3A_232 = arith.constant 0 : i32
          %dma_wait3A_233 = tpu.memref_slice %arg2[%dma_wait3A, %dma_wait3A_232] : memref<32x100001xf32, #tpu.memory_space<hbm>> -> memref<32x1024xf32, #tpu.memory_space<hbm>>
          %dma_wait3A_234 = arith.constant 0 : i32
          %dma_wait3A_235 = arith.constant 0 : i32
          %dma_wait3A_236 = tpu.memref_slice %arg2[%dma_wait3A_234, %dma_wait3A_235] : memref<32x100001xf32, #tpu.memory_space<hbm>> -> memref<32x1024xf32, #tpu.memory_space<hbm>>
          tpu.wait_dma2 semaphore(%arg19 : memref<!tpu.dma_semaphore, #tpu.memory_space<semaphore_mem>>) src(%dma_wait3A_236 : memref<32x1024xf32, #tpu.memory_space<hbm>>) dst(%arg11 : memref<32x1024xf32, #tpu.memory_space<vmem>>)
        } else {
        }
        %rem3A_203 = arith.constant 2 : i32
        %rem3A_204 = arith.remsi %scan3A_142, %rem3A_203 : i32
        %eq3A_205 = arith.constant 1 : i32
        %eq3A_206 = arith.cmpi eq, %rem3A_204, %eq3A_205 : i32
        %eq3A_207 = arith.constant 97 : i32
        %eq3A_208 = arith.cmpi eq, %add3A_172, %eq3A_207 : i32
        %and3A_209 = arith.andi %eq3A_206, %eq3A_208 : i1
        %convert_element_type3A_210 = arith.extui %and3A_209 : i1 to i32
        %cond3A_211 = arith.constant 0 : i32
        %cond3A_212 = arith.cmpi ne, %convert_element_type3A_210, %cond3A_211 : i32
        scf.if %cond3A_212 {
          %dma_wait3A = arith.constant 0 : i32
          %dma_wait3A_232 = arith.constant 0 : i32
          %dma_wait3A_233 = tpu.memref_slice %arg11[%dma_wait3A, %dma_wait3A_232] : memref<32x1024xf32, #tpu.memory_space<vmem>> -> memref<32x768xf32, #tpu.memory_space<vmem>>
          %dma_wait3A_234 = arith.constant 0 : i32
          %dma_wait3A_235 = arith.constant 0 : i32
          %dma_wait3A_236 = tpu.memref_slice %arg2[%dma_wait3A_234, %dma_wait3A_235] : memref<32x100001xf32, #tpu.memory_space<hbm>> -> memref<32x768xf32, #tpu.memory_space<hbm>>
          %dma_wait3A_237 = arith.constant 0 : i32
          %dma_wait3A_238 = arith.constant 0 : i32
          %dma_wait3A_239 = tpu.memref_slice %arg11[%dma_wait3A_237, %dma_wait3A_238] : memref<32x1024xf32, #tpu.memory_space<vmem>> -> memref<32x768xf32, #tpu.memory_space<vmem>>
          %dma_wait3A_240 = arith.constant 0 : i32
          %dma_wait3A_241 = arith.constant 0 : i32
          %dma_wait3A_242 = tpu.memref_slice %arg2[%dma_wait3A_240, %dma_wait3A_241] : memref<32x100001xf32, #tpu.memory_space<hbm>> -> memref<32x768xf32, #tpu.memory_space<hbm>>
          tpu.wait_dma2 semaphore(%arg19 : memref<!tpu.dma_semaphore, #tpu.memory_space<semaphore_mem>>) src(%dma_wait3A_242 : memref<32x768xf32, #tpu.memory_space<hbm>>) dst(%dma_wait3A_239 : memref<32x768xf32, #tpu.memory_space<vmem>>)
        } else {
        }
        %rem3A_213 = arith.constant 2 : i32
        %rem3A_214 = arith.remsi %scan3A_142, %rem3A_213 : i32
        %eq3A_215 = arith.constant 0 : i32
        %eq3A_216 = arith.cmpi eq, %rem3A_214, %eq3A_215 : i32
        %gt3A = arith.constant 0 : i32
        %gt3A_217 = arith.cmpi sgt, %while3A_169, %gt3A : i32
        %and3A_218 = arith.andi %eq3A_216, %gt3A_217 : i1
        %convert_element_type3A_219 = arith.extui %and3A_218 : i1 to i32
        %cond3A_220 = arith.constant 0 : i32
        %cond3A_221 = arith.cmpi ne, %convert_element_type3A_219, %cond3A_220 : i32
        scf.if %cond3A_221 {
          %mul3A_232 = arith.constant 1024 : i32
          %mul3A_233 = arith.muli %add3A_146, %mul3A_232 : i32
          %jit3A_234 = arith.constant 16 : i32
          %div3A_235 = arith.divsi %while3A_169, %jit3A_234 : i32
          %sign3A_236 = arith.constant 0 : i32
          %sign3A_237 = arith.cmpi sgt, %while3A_169, %sign3A_236 : i32
          %sign3A_238 = arith.extui %sign3A_237 : i1 to i32
          %sign3A_239 = arith.constant 0 : i32
          %sign3A_240 = arith.cmpi slt, %while3A_169, %sign3A_239 : i32
          %sign3A_241 = arith.extui %sign3A_240 : i1 to i32
          %sign3A_242 = arith.subi %sign3A_238, %sign3A_241 : i32
          %sign3A_243 = arith.constant 0 : i32
          %sign3A_244 = arith.cmpi sgt, %jit3A_234, %sign3A_243 : i32
          %sign3A_245 = arith.extui %sign3A_244 : i1 to i32
          %sign3A_246 = arith.constant 0 : i32
          %sign3A_247 = arith.cmpi slt, %jit3A_234, %sign3A_246 : i32
          %sign3A_248 = arith.extui %sign3A_247 : i1 to i32
          %sign3A_249 = arith.subi %sign3A_245, %sign3A_248 : i32
          %ne3A_250 = arith.cmpi ne, %sign3A_242, %sign3A_249 : i32
          %rem3A_251 = arith.remsi %while3A_169, %jit3A_234 : i32
          %ne3A_252 = arith.constant 0 : i32
          %ne3A_253 = arith.cmpi ne, %rem3A_251, %ne3A_252 : i32
          %and3A_254 = arith.andi %ne3A_250, %ne3A_253 : i1
          %sub3A_255 = arith.constant 1 : i32
          %sub3A_256 = arith.subi %div3A_235, %sub3A_255 : i32
          %select_n3A_257 = arith.select %and3A_254, %sub3A_256, %div3A_235 : i32
          %while3A_258 = arith.constant 0 : i32
          %while3A_259 = arith.constant 0 : i32
          %while3A_260 = arith.subi %select_n3A_257, %while3A_258 : i32
          %while3A_261 = arith.addi %while3A_258, %while3A_260 : i32
          %while3A_262 = arith.constant 1 : i32
          %while3A_263 = arith.divsi %while3A_260, %while3A_262 : i32
          %while3A_264 = arith.muli %while3A_263, %while3A_262 : i32
          %while3A_265 = arith.addi %while3A_258, %while3A_264 : i32
          %while3A_266 = arith.constant 1 : i32
          %while3A_267 = scf.for %while3A_291 = %while3A_258 to %while3A_265 step %while3A_266 iter_args(%while3A_292 = %while3A_259) -> (i32)  : i32 {
            %rem3A_293 = arith.constant 2 : i32
            %rem3A_294 = arith.remsi %while3A_291, %rem3A_293 : i32
            %mul3A_295 = arith.constant 512 : i32
            %mul3A_296 = arith.muli %rem3A_294, %mul3A_295 : i32
            %mul3A_297 = arith.constant 16 : i32
            %mul3A_298 = arith.muli %while3A_291, %mul3A_297 : i32
            %get3A = arith.index_cast %mul3A_298 : i32 to index
            %get3A_299 = tpu.vector_load %arg8[%get3A] {strides = array<i32>} : memref<2064xi32, #tpu.memory_space<vmem>>, vector<16xi32>,
            %mul3A_300 = arith.constant 16 : i32
            %mul3A_301 = arith.muli %while3A_291, %mul3A_300 : i32
            %get3A_302 = arith.index_cast %mul3A_301 : i32 to index
            %get3A_303 = tpu.vector_load %arg9[%get3A_302] {strides = array<i32>} : memref<2064xi32, #tpu.memory_space<vmem>>, vector<16xi32>,
            %slice3A = vector.extract_strided_slice %get3A_299 {offsets = [0], sizes = [1], strides = [1]} : vector<16xi32> to vector<1xi32>
            %squeeze3A = vector.extract %slice3A[0] : i32 from vector<1xi32>
            %sub3A_304 = arith.subi %squeeze3A, %mul3A_233 : i32
            %broadcast_in_dim3A = vector.broadcast %sub3A_304 : i32 to vector<16xi32>
            %gather3A = tpu.vector_load_idx %arg10[%iota3A, %broadcast_in_dim3A] : memref<32x1024xf32, #tpu.memory_space<vmem>>[vector<16xi32>, vector<16xi32>], vector<16xf32>,
            %add3A_305 = arith.constant 16 : i32
            %add3A_306 = vector.broadcast %add3A_305 : i32 to vector<16xi32>
            %add3A_307 = arith.addi %iota3A, %add3A_306 : vector<16xi32>
            %gather3A_308 = tpu.vector_load_idx %arg10[%add3A_307, %broadcast_in_dim3A] : memref<32x1024xf32, #tpu.memory_space<vmem>>[vector<16xi32>, vector<16xi32>], vector<16xf32>,
            %add3A_309 = arith.constant 0 : i32
            %add3A_310 = arith.addi %mul3A_296, %add3A_309 : i32
            %swap3A = arith.index_cast %add3A_310 : i32 to index
            %swap3A_311 = tpu.vector_load %arg12[%swap3A] {strides = array<i32>} : memref<1024xf32, #tpu.memory_space<vmem>>, vector<16xf32>,
            tpu.vector_store %arg12[%swap3A], %gather3A {strides = array<i32>} : memref<1024xf32, #tpu.memory_space<vmem>>, vector<16xf32>,
            %add3A_312 = arith.constant 0 : i32
            %add3A_313 = arith.addi %mul3A_296, %add3A_312 : i32
            %add3A_314 = arith.constant 16 : i32
            %add3A_315 = arith.addi %add3A_313, %add3A_314 : i32
            %swap3A_316 = arith.index_cast %add3A_315 : i32 to index
            %swap3A_317 = tpu.vector_load %arg12[%swap3A_316] {strides = array<i32>} : memref<1024xf32, #tpu.memory_space<vmem>>, vector<16xf32>,
            tpu.vector_store %arg12[%swap3A_316], %gather3A_308 {strides = array<i32>} : memref<1024xf32, #tpu.memory_space<vmem>>, vector<16xf32>,
            %add3A_318 = arith.constant 0 : i32
            %add3A_319 = arith.addi %mul3A_296, %add3A_318 : i32
            %slice3A_320 = vector.extract_strided_slice %get3A_303 {offsets = [0], sizes = [1], strides = [1]} : vector<16xi32> to vector<1xi32>
            %squeeze3A_321 = vector.extract %slice3A_320[0] : i32 from vector<1xi32>
            %mul3A_322 = arith.constant 32 : i32
            %mul3A_323 = arith.muli %squeeze3A_321, %mul3A_322 : i32
            %dma_start3A = tpu.memref_slice %arg12[%add3A_319] : memref<1024xf32, #tpu.memory_space<vmem>> -> memref<32xf32, #tpu.memory_space<vmem>>
            %dma_start3A_324 = tpu.memref_slice %arg16[%mul3A_323] : memref<65536xf32, #tpu.memory_space<vmem_shared>> -> memref<32xf32, #tpu.memory_space<vmem_shared>>
            %dma_start3A_325 = tpu.memref_slice %arg16[%mul3A_323] : memref<65536xf32, #tpu.memory_space<vmem_shared>> -> memref<32xf32, #tpu.memory_space<vmem_shared>>
            %dma_start3A_326 = tpu.memref_slice %arg12[%add3A_319] : memref<1024xf32, #tpu.memory_space<vmem>> -> memref<32xf32, #tpu.memory_space<vmem>>
            tpu.enqueue_dma source(%dma_start3A_326 : memref<32xf32, #tpu.memory_space<vmem>>) target(%dma_start3A_325 : memref<32xf32, #tpu.memory_space<vmem_shared>>) target_semaphore(%arg17 : memref<!tpu.dma_semaphore, #tpu.memory_space<semaphore_mem>>)
            %slice3A_327 = vector.extract_strided_slice %get3A_299 {offsets = [1], sizes = [1], strides = [1]} : vector<16xi32> to vector<1xi32>
            %squeeze3A_328 = vector.extract %slice3A_327[0] : i32 from vector<1xi32>
            %sub3A_329 = arith.subi %squeeze3A_328, %mul3A_233 : i32
            %broadcast_in_dim3A_330 = vector.broadcast %sub3A_329 : i32 to vector<16xi32>
            %gather3A_331 = tpu.vector_load_idx %arg10[%iota3A, %broadcast_in_dim3A_330] : memref<32x1024xf32, #tpu.memory_space<vmem>>[vector<16xi32>, vector<16xi32>], vector<16xf32>,
            %add3A_332 = arith.constant 16 : i32
            %add3A_333 = vector.broadcast %add3A_332 : i32 to vector<16xi32>
            %add3A_334 = arith.addi %iota3A, %add3A_333 : vector<16xi32>
            %gather3A_335 = tpu.vector_load_idx %arg10[%add3A_334, %broadcast_in_dim3A_330] : memref<32x1024xf32, #tpu.memory_space<vmem>>[vector<16xi32>, vector<16xi32>], vector<16xf32>,
            %add3A_336 = arith.constant 32 : i32
            %add3A_337 = arith.addi %mul3A_296, %add3A_336 : i32
            %swap3A_338 = arith.index_cast %add3A_337 : i32 to index
            %swap3A_339 = tpu.vector_load %arg12[%swap3A_338] {strides = array<i32>} : memref<1024xf32, #tpu.memory_space<vmem>>, vector<16xf32>,
            tpu.vector_store %arg12[%swap3A_338], %gather3A_331 {strides = array<i32>} : memref<1024xf32, #tpu.memory_space<vmem>>, vector<16xf32>,
            %add3A_340 = arith.constant 32 : i32
            %add3A_341 = arith.addi %mul3A_296, %add3A_340 : i32
            %add3A_342 = arith.constant 16 : i32
            %add3A_343 = arith.addi %add3A_341, %add3A_342 : i32
            %swap3A_344 = arith.index_cast %add3A_343 : i32 to index
            %swap3A_345 = tpu.vector_load %arg12[%swap3A_344] {strides = array<i32>} : memref<1024xf32, #tpu.memory_space<vmem>>, vector<16xf32>,
            tpu.vector_store %arg12[%swap3A_344], %gather3A_335 {strides = array<i32>} : memref<1024xf32, #tpu.memory_space<vmem>>, vector<16xf32>,
            %add3A_346 = arith.constant 32 : i32
            %add3A_347 = arith.addi %mul3A_296, %add3A_346 : i32
            %slice3A_348 = vector.extract_strided_slice %get3A_303 {offsets = [1], sizes = [1], strides = [1]} : vector<16xi32> to vector<1xi32>
            %squeeze3A_349 = vector.extract %slice3A_348[0] : i32 from vector<1xi32>
            %mul3A_350 = arith.constant 32 : i32
            %mul3A_351 = arith.muli %squeeze3A_349, %mul3A_350 : i32
            %dma_start3A_352 = tpu.memref_slice %arg12[%add3A_347] : memref<1024xf32, #tpu.memory_space<vmem>> -> memref<32xf32, #tpu.memory_space<vmem>>
            %dma_start3A_353 = tpu.memref_slice %arg16[%mul3A_351] : memref<65536xf32, #tpu.memory_space<vmem_shared>> -> memref<32xf32, #tpu.memory_space<vmem_shared>>
            %dma_start3A_354 = tpu.memref_slice %arg16[%mul3A_351] : memref<65536xf32, #tpu.memory_space<vmem_shared>> -> memref<32xf32, #tpu.memory_space<vmem_shared>>
            %dma_start3A_355 = tpu.memref_slice %arg12[%add3A_347] : memref<1024xf32, #tpu.memory_space<vmem>> -> memref<32xf32, #tpu.memory_space<vmem>>
            tpu.enqueue_dma source(%dma_start3A_355 : memref<32xf32, #tpu.memory_space<vmem>>) target(%dma_start3A_354 : memref<32xf32, #tpu.memory_space<vmem_shared>>) target_semaphore(%arg17 : memref<!tpu.dma_semaphore, #tpu.memory_space<semaphore_mem>>)
            %slice3A_356 = vector.extract_strided_slice %get3A_299 {offsets = [2], sizes = [1], strides = [1]} : vector<16xi32> to vector<1xi32>
            %squeeze3A_357 = vector.extract %slice3A_356[0] : i32 from vector<1xi32>
            %sub3A_358 = arith.subi %squeeze3A_357, %mul3A_233 : i32
            %broadcast_in_dim3A_359 = vector.broadcast %sub3A_358 : i32 to vector<16xi32>
            %gather3A_360 = tpu.vector_load_idx %arg10[%iota3A, %broadcast_in_dim3A_359] : memref<32x1024xf32, #tpu.memory_space<vmem>>[vector<16xi32>, vector<16xi32>], vector<16xf32>,
            %add3A_361 = arith.constant 16 : i32
            %add3A_362 = vector.broadcast %add3A_361 : i32 to vector<16xi32>
            %add3A_363 = arith.addi %iota3A, %add3A_362 : vector<16xi32>
            %gather3A_364 = tpu.vector_load_idx %arg10[%add3A_363, %broadcast_in_dim3A_359] : memref<32x1024xf32, #tpu.memory_space<vmem>>[vector<16xi32>, vector<16xi32>], vector<16xf32>,
            %add3A_365 = arith.constant 64 : i32
            %add3A_366 = arith.addi %mul3A_296, %add3A_365 : i32
            %swap3A_367 = arith.index_cast %add3A_366 : i32 to index
            %swap3A_368 = tpu.vector_load %arg12[%swap3A_367] {strides = array<i32>} : memref<1024xf32, #tpu.memory_space<vmem>>, vector<16xf32>,
            tpu.vector_store %arg12[%swap3A_367], %gather3A_360 {strides = array<i32>} : memref<1024xf32, #tpu.memory_space<vmem>>, vector<16xf32>,
            %add3A_369 = arith.constant 64 : i32
            %add3A_370 = arith.addi %mul3A_296, %add3A_369 : i32
            %add3A_371 = arith.constant 16 : i32
            %add3A_372 = arith.addi %add3A_370, %add3A_371 : i32
            %swap3A_373 = arith.index_cast %add3A_372 : i32 to index
            %swap3A_374 = tpu.vector_load %arg12[%swap3A_373] {strides = array<i32>} : memref<1024xf32, #tpu.memory_space<vmem>>, vector<16xf32>,
            tpu.vector_store %arg12[%swap3A_373], %gather3A_364 {strides = array<i32>} : memref<1024xf32, #tpu.memory_space<vmem>>, vector<16xf32>,
            %add3A_375 = arith.constant 64 : i32
            %add3A_376 = arith.addi %mul3A_296, %add3A_375 : i32
            %slice3A_377 = vector.extract_strided_slice %get3A_303 {offsets = [2], sizes = [1], strides = [1]} : vector<16xi32> to vector<1xi32>
            %squeeze3A_378 = vector.extract %slice3A_377[0] : i32 from vector<1xi32>
            %mul3A_379 = arith.constant 32 : i32
            %mul3A_380 = arith.muli %squeeze3A_378, %mul3A_379 : i32
            %dma_start3A_381 = tpu.memref_slice %arg12[%add3A_376] : memref<1024xf32, #tpu.memory_space<vmem>> -> memref<32xf32, #tpu.memory_space<vmem>>
            %dma_start3A_382 = tpu.memref_slice %arg16[%mul3A_380] : memref<65536xf32, #tpu.memory_space<vmem_shared>> -> memref<32xf32, #tpu.memory_space<vmem_shared>>
            %dma_start3A_383 = tpu.memref_slice %arg16[%mul3A_380] : memref<65536xf32, #tpu.memory_space<vmem_shared>> -> memref<32xf32, #tpu.memory_space<vmem_shared>>
            %dma_start3A_384 = tpu.memref_slice %arg12[%add3A_376] : memref<1024xf32, #tpu.memory_space<vmem>> -> memref<32xf32, #tpu.memory_space<vmem>>
            tpu.enqueue_dma source(%dma_start3A_384 : memref<32xf32, #tpu.memory_space<vmem>>) target(%dma_start3A_383 : memref<32xf32, #tpu.memory_space<vmem_shared>>) target_semaphore(%arg17 : memref<!tpu.dma_semaphore, #tpu.memory_space<semaphore_mem>>)
            %slice3A_385 = vector.extract_strided_slice %get3A_299 {offsets = [3], sizes = [1], strides = [1]} : vector<16xi32> to vector<1xi32>
            %squeeze3A_386 = vector.extract %slice3A_385[0] : i32 from vector<1xi32>
            %sub3A_387 = arith.subi %squeeze3A_386, %mul3A_233 : i32
            %broadcast_in_dim3A_388 = vector.broadcast %sub3A_387 : i32 to vector<16xi32>
            %gather3A_389 = tpu.vector_load_idx %arg10[%iota3A, %broadcast_in_dim3A_388] : memref<32x1024xf32, #tpu.memory_space<vmem>>[vector<16xi32>, vector<16xi32>], vector<16xf32>,
            %add3A_390 = arith.constant 16 : i32
            %add3A_391 = vector.broadcast %add3A_390 : i32 to vector<16xi32>
            %add3A_392 = arith.addi %iota3A, %add3A_391 : vector<16xi32>
            %gather3A_393 = tpu.vector_load_idx %arg10[%add3A_392, %broadcast_in_dim3A_388] : memref<32x1024xf32, #tpu.memory_space<vmem>>[vector<16xi32>, vector<16xi32>], vector<16xf32>,
            %add3A_394 = arith.constant 96 : i32
            %add3A_395 = arith.addi %mul3A_296, %add3A_394 : i32
            %swap3A_396 = arith.index_cast %add3A_395 : i32 to index
            %swap3A_397 = tpu.vector_load %arg12[%swap3A_396] {strides = array<i32>} : memref<1024xf32, #tpu.memory_space<vmem>>, vector<16xf32>,
            tpu.vector_store %arg12[%swap3A_396], %gather3A_389 {strides = array<i32>} : memref<1024xf32, #tpu.memory_space<vmem>>, vector<16xf32>,
            %add3A_398 = arith.constant 96 : i32
            %add3A_399 = arith.addi %mul3A_296, %add3A_398 : i32
            %add3A_400 = arith.constant 16 : i32
            %add3A_401 = arith.addi %add3A_399, %add3A_400 : i32
            %swap3A_402 = arith.index_cast %add3A_401 : i32 to index
            %swap3A_403 = tpu.vector_load %arg12[%swap3A_402] {strides = array<i32>} : memref<1024xf32, #tpu.memory_space<vmem>>, vector<16xf32>,
            tpu.vector_store %arg12[%swap3A_402], %gather3A_393 {strides = array<i32>} : memref<1024xf32, #tpu.memory_space<vmem>>, vector<16xf32>,
            %add3A_404 = arith.constant 96 : i32
            %add3A_405 = arith.addi %mul3A_296, %add3A_404 : i32
            %slice3A_406 = vector.extract_strided_slice %get3A_303 {offsets = [3], sizes = [1], strides = [1]} : vector<16xi32> to vector<1xi32>
            %squeeze3A_407 = vector.extract %slice3A_406[0] : i32 from vector<1xi32>
            %mul3A_408 = arith.constant 32 : i32
            %mul3A_409 = arith.muli %squeeze3A_407, %mul3A_408 : i32
            %dma_start3A_410 = tpu.memref_slice %arg12[%add3A_405] : memref<1024xf32, #tpu.memory_space<vmem>> -> memref<32xf32, #tpu.memory_space<vmem>>
            %dma_start3A_411 = tpu.memref_slice %arg16[%mul3A_409] : memref<65536xf32, #tpu.memory_space<vmem_shared>> -> memref<32xf32, #tpu.memory_space<vmem_shared>>
            %dma_start3A_412 = tpu.memref_slice %arg16[%mul3A_409] : memref<65536xf32, #tpu.memory_space<vmem_shared>> -> memref<32xf32, #tpu.memory_space<vmem_shared>>
            %dma_start3A_413 = tpu.memref_slice %arg12[%add3A_405] : memref<1024xf32, #tpu.memory_space<vmem>> -> memref<32xf32, #tpu.memory_space<vmem>>
            tpu.enqueue_dma source(%dma_start3A_413 : memref<32xf32, #tpu.memory_space<vmem>>) target(%dma_start3A_412 : memref<32xf32, #tpu.memory_space<vmem_shared>>) target_semaphore(%arg17 : memref<!tpu.dma_semaphore, #tpu.memory_space<semaphore_mem>>)
            %slice3A_414 = vector.extract_strided_slice %get3A_299 {offsets = [4], sizes = [1], strides = [1]} : vector<16xi32> to vector<1xi32>
            %squeeze3A_415 = vector.extract %slice3A_414[0] : i32 from vector<1xi32>
            %sub3A_416 = arith.subi %squeeze3A_415, %mul3A_233 : i32
            %broadcast_in_dim3A_417 = vector.broadcast %sub3A_416 : i32 to vector<16xi32>
            %gather3A_418 = tpu.vector_load_idx %arg10[%iota3A, %broadcast_in_dim3A_417] : memref<32x1024xf32, #tpu.memory_space<vmem>>[vector<16xi32>, vector<16xi32>], vector<16xf32>,
            %add3A_419 = arith.constant 16 : i32
            %add3A_420 = vector.broadcast %add3A_419 : i32 to vector<16xi32>
            %add3A_421 = arith.addi %iota3A, %add3A_420 : vector<16xi32>
            %gather3A_422 = tpu.vector_load_idx %arg10[%add3A_421, %broadcast_in_dim3A_417] : memref<32x1024xf32, #tpu.memory_space<vmem>>[vector<16xi32>, vector<16xi32>], vector<16xf32>,
            %add3A_423 = arith.constant 128 : i32
            %add3A_424 = arith.addi %mul3A_296, %add3A_423 : i32
            %swap3A_425 = arith.index_cast %add3A_424 : i32 to index
            %swap3A_426 = tpu.vector_load %arg12[%swap3A_425] {strides = array<i32>} : memref<1024xf32, #tpu.memory_space<vmem>>, vector<16xf32>,
            tpu.vector_store %arg12[%swap3A_425], %gather3A_418 {strides = array<i32>} : memref<1024xf32, #tpu.memory_space<vmem>>, vector<16xf32>,
            %add3A_427 = arith.constant 128 : i32
            %add3A_428 = arith.addi %mul3A_296, %add3A_427 : i32
            %add3A_429 = arith.constant 16 : i32
            %add3A_430 = arith.addi %add3A_428, %add3A_429 : i32
            %swap3A_431 = arith.index_cast %add3A_430 : i32 to index
            %swap3A_432 = tpu.vector_load %arg12[%swap3A_431] {strides = array<i32>} : memref<1024xf32, #tpu.memory_space<vmem>>, vector<16xf32>,
            tpu.vector_store %arg12[%swap3A_431], %gather3A_422 {strides = array<i32>} : memref<1024xf32, #tpu.memory_space<vmem>>, vector<16xf32>,
            %add3A_433 = arith.constant 128 : i32
            %add3A_434 = arith.addi %mul3A_296, %add3A_433 : i32
            %slice3A_435 = vector.extract_strided_slice %get3A_303 {offsets = [4], sizes = [1], strides = [1]} : vector<16xi32> to vector<1xi32>
            %squeeze3A_436 = vector.extract %slice3A_435[0] : i32 from vector<1xi32>
            %mul3A_437 = arith.constant 32 : i32
            %mul3A_438 = arith.muli %squeeze3A_436, %mul3A_437 : i32
            %dma_start3A_439 = tpu.memref_slice %arg12[%add3A_434] : memref<1024xf32, #tpu.memory_space<vmem>> -> memref<32xf32, #tpu.memory_space<vmem>>
            %dma_start3A_440 = tpu.memref_slice %arg16[%mul3A_438] : memref<65536xf32, #tpu.memory_space<vmem_shared>> -> memref<32xf32, #tpu.memory_space<vmem_shared>>
            %dma_start3A_441 = tpu.memref_slice %arg16[%mul3A_438] : memref<65536xf32, #tpu.memory_space<vmem_shared>> -> memref<32xf32, #tpu.memory_space<vmem_shared>>
            %dma_start3A_442 = tpu.memref_slice %arg12[%add3A_434] : memref<1024xf32, #tpu.memory_space<vmem>> -> memref<32xf32, #tpu.memory_space<vmem>>
            tpu.enqueue_dma source(%dma_start3A_442 : memref<32xf32, #tpu.memory_space<vmem>>) target(%dma_start3A_441 : memref<32xf32, #tpu.memory_space<vmem_shared>>) target_semaphore(%arg17 : memref<!tpu.dma_semaphore, #tpu.memory_space<semaphore_mem>>)
            %slice3A_443 = vector.extract_strided_slice %get3A_299 {offsets = [5], sizes = [1], strides = [1]} : vector<16xi32> to vector<1xi32>
            %squeeze3A_444 = vector.extract %slice3A_443[0] : i32 from vector<1xi32>
            %sub3A_445 = arith.subi %squeeze3A_444, %mul3A_233 : i32
            %broadcast_in_dim3A_446 = vector.broadcast %sub3A_445 : i32 to vector<16xi32>
            %gather3A_447 = tpu.vector_load_idx %arg10[%iota3A, %broadcast_in_dim3A_446] : memref<32x1024xf32, #tpu.memory_space<vmem>>[vector<16xi32>, vector<16xi32>], vector<16xf32>,
            %add3A_448 = arith.constant 16 : i32
            %add3A_449 = vector.broadcast %add3A_448 : i32 to vector<16xi32>
            %add3A_450 = arith.addi %iota3A, %add3A_449 : vector<16xi32>
            %gather3A_451 = tpu.vector_load_idx %arg10[%add3A_450, %broadcast_in_dim3A_446] : memref<32x1024xf32, #tpu.memory_space<vmem>>[vector<16xi32>, vector<16xi32>], vector<16xf32>,
            %add3A_452 = arith.constant 160 : i32
            %add3A_453 = arith.addi %mul3A_296, %add3A_452 : i32
            %swap3A_454 = arith.index_cast %add3A_453 : i32 to index
            %swap3A_455 = tpu.vector_load %arg12[%swap3A_454] {strides = array<i32>} : memref<1024xf32, #tpu.memory_space<vmem>>, vector<16xf32>,
            tpu.vector_store %arg12[%swap3A_454], %gather3A_447 {strides = array<i32>} : memref<1024xf32, #tpu.memory_space<vmem>>, vector<16xf32>,
            %add3A_456 = arith.constant 160 : i32
            %add3A_457 = arith.addi %mul3A_296, %add3A_456 : i32
            %add3A_458 = arith.constant 16 : i32
            %add3A_459 = arith.addi %add3A_457, %add3A_458 : i32
            %swap3A_460 = arith.index_cast %add3A_459 : i32 to index
            %swap3A_461 = tpu.vector_load %arg12[%swap3A_460] {strides = array<i32>} : memref<1024xf32, #tpu.memory_space<vmem>>, vector<16xf32>,
            tpu.vector_store %arg12[%swap3A_460], %gather3A_451 {strides = array<i32>} : memref<1024xf32, #tpu.memory_space<vmem>>, vector<16xf32>,
            %add3A_462 = arith.constant 160 : i32
            %add3A_463 = arith.addi %mul3A_296, %add3A_462 : i32
            %slice3A_464 = vector.extract_strided_slice %get3A_303 {offsets = [5], sizes = [1], strides = [1]} : vector<16xi32> to vector<1xi32>
            %squeeze3A_465 = vector.extract %slice3A_464[0] : i32 from vector<1xi32>
            %mul3A_466 = arith.constant 32 : i32
            %mul3A_467 = arith.muli %squeeze3A_465, %mul3A_466 : i32
            %dma_start3A_468 = tpu.memref_slice %arg12[%add3A_463] : memref<1024xf32, #tpu.memory_space<vmem>> -> memref<32xf32, #tpu.memory_space<vmem>>
            %dma_start3A_469 = tpu.memref_slice %arg16[%mul3A_467] : memref<65536xf32, #tpu.memory_space<vmem_shared>> -> memref<32xf32, #tpu.memory_space<vmem_shared>>
            %dma_start3A_470 = tpu.memref_slice %arg16[%mul3A_467] : memref<65536xf32, #tpu.memory_space<vmem_shared>> -> memref<32xf32, #tpu.memory_space<vmem_shared>>
            %dma_start3A_471 = tpu.memref_slice %arg12[%add3A_463] : memref<1024xf32, #tpu.memory_space<vmem>> -> memref<32xf32, #tpu.memory_space<vmem>>
            tpu.enqueue_dma source(%dma_start3A_471 : memref<32xf32, #tpu.memory_space<vmem>>) target(%dma_start3A_470 : memref<32xf32, #tpu.memory_space<vmem_shared>>) target_semaphore(%arg17 : memref<!tpu.dma_semaphore, #tpu.memory_space<semaphore_mem>>)
            %slice3A_472 = vector.extract_strided_slice %get3A_299 {offsets = [6], sizes = [1], strides = [1]} : vector<16xi32> to vector<1xi32>
            %squeeze3A_473 = vector.extract %slice3A_472[0] : i32 from vector<1xi32>
            %sub3A_474 = arith.subi %squeeze3A_473, %mul3A_233 : i32
            %broadcast_in_dim3A_475 = vector.broadcast %sub3A_474 : i32 to vector<16xi32>
            %gather3A_476 = tpu.vector_load_idx %arg10[%iota3A, %broadcast_in_dim3A_475] : memref<32x1024xf32, #tpu.memory_space<vmem>>[vector<16xi32>, vector<16xi32>], vector<16xf32>,
            %add3A_477 = arith.constant 16 : i32
            %add3A_478 = vector.broadcast %add3A_477 : i32 to vector<16xi32>
            %add3A_479 = arith.addi %iota3A, %add3A_478 : vector<16xi32>
            %gather3A_480 = tpu.vector_load_idx %arg10[%add3A_479, %broadcast_in_dim3A_475] : memref<32x1024xf32, #tpu.memory_space<vmem>>[vector<16xi32>, vector<16xi32>], vector<16xf32>,
            %add3A_481 = arith.constant 192 : i32
            %add3A_482 = arith.addi %mul3A_296, %add3A_481 : i32
            %swap3A_483 = arith.index_cast %add3A_482 : i32 to index
            %swap3A_484 = tpu.vector_load %arg12[%swap3A_483] {strides = array<i32>} : memref<1024xf32, #tpu.memory_space<vmem>>, vector<16xf32>,
            tpu.vector_store %arg12[%swap3A_483], %gather3A_476 {strides = array<i32>} : memref<1024xf32, #tpu.memory_space<vmem>>, vector<16xf32>,
            %add3A_485 = arith.constant 192 : i32
            %add3A_486 = arith.addi %mul3A_296, %add3A_485 : i32
            %add3A_487 = arith.constant 16 : i32
            %add3A_488 = arith.addi %add3A_486, %add3A_487 : i32
            %swap3A_489 = arith.index_cast %add3A_488 : i32 to index
            %swap3A_490 = tpu.vector_load %arg12[%swap3A_489] {strides = array<i32>} : memref<1024xf32, #tpu.memory_space<vmem>>, vector<16xf32>,
            tpu.vector_store %arg12[%swap3A_489], %gather3A_480 {strides = array<i32>} : memref<1024xf32, #tpu.memory_space<vmem>>, vector<16xf32>,
            %add3A_491 = arith.constant 192 : i32
            %add3A_492 = arith.addi %mul3A_296, %add3A_491 : i32
            %slice3A_493 = vector.extract_strided_slice %get3A_303 {offsets = [6], sizes = [1], strides = [1]} : vector<16xi32> to vector<1xi32>
            %squeeze3A_494 = vector.extract %slice3A_493[0] : i32 from vector<1xi32>
            %mul3A_495 = arith.constant 32 : i32
            %mul3A_496 = arith.muli %squeeze3A_494, %mul3A_495 : i32
            %dma_start3A_497 = tpu.memref_slice %arg12[%add3A_492] : memref<1024xf32, #tpu.memory_space<vmem>> -> memref<32xf32, #tpu.memory_space<vmem>>
            %dma_start3A_498 = tpu.memref_slice %arg16[%mul3A_496] : memref<65536xf32, #tpu.memory_space<vmem_shared>> -> memref<32xf32, #tpu.memory_space<vmem_shared>>
            %dma_start3A_499 = tpu.memref_slice %arg16[%mul3A_496] : memref<65536xf32, #tpu.memory_space<vmem_shared>> -> memref<32xf32, #tpu.memory_space<vmem_shared>>
            %dma_start3A_500 = tpu.memref_slice %arg12[%add3A_492] : memref<1024xf32, #tpu.memory_space<vmem>> -> memref<32xf32, #tpu.memory_space<vmem>>
            tpu.enqueue_dma source(%dma_start3A_500 : memref<32xf32, #tpu.memory_space<vmem>>) target(%dma_start3A_499 : memref<32xf32, #tpu.memory_space<vmem_shared>>) target_semaphore(%arg17 : memref<!tpu.dma_semaphore, #tpu.memory_space<semaphore_mem>>)
            %slice3A_501 = vector.extract_strided_slice %get3A_299 {offsets = [7], sizes = [1], strides = [1]} : vector<16xi32> to vector<1xi32>
            %squeeze3A_502 = vector.extract %slice3A_501[0] : i32 from vector<1xi32>
            %sub3A_503 = arith.subi %squeeze3A_502, %mul3A_233 : i32
            %broadcast_in_dim3A_504 = vector.broadcast %sub3A_503 : i32 to vector<16xi32>
            %gather3A_505 = tpu.vector_load_idx %arg10[%iota3A, %broadcast_in_dim3A_504] : memref<32x1024xf32, #tpu.memory_space<vmem>>[vector<16xi32>, vector<16xi32>], vector<16xf32>,
            %add3A_506 = arith.constant 16 : i32
            %add3A_507 = vector.broadcast %add3A_506 : i32 to vector<16xi32>
            %add3A_508 = arith.addi %iota3A, %add3A_507 : vector<16xi32>
            %gather3A_509 = tpu.vector_load_idx %arg10[%add3A_508, %broadcast_in_dim3A_504] : memref<32x1024xf32, #tpu.memory_space<vmem>>[vector<16xi32>, vector<16xi32>], vector<16xf32>,
            %add3A_510 = arith.constant 224 : i32
            %add3A_511 = arith.addi %mul3A_296, %add3A_510 : i32
            %swap3A_512 = arith.index_cast %add3A_511 : i32 to index
            %swap3A_513 = tpu.vector_load %arg12[%swap3A_512] {strides = array<i32>} : memref<1024xf32, #tpu.memory_space<vmem>>, vector<16xf32>,
            tpu.vector_store %arg12[%swap3A_512], %gather3A_505 {strides = array<i32>} : memref<1024xf32, #tpu.memory_space<vmem>>, vector<16xf32>,
            %add3A_514 = arith.constant 224 : i32
            %add3A_515 = arith.addi %mul3A_296, %add3A_514 : i32
            %add3A_516 = arith.constant 16 : i32
            %add3A_517 = arith.addi %add3A_515, %add3A_516 : i32
            %swap3A_518 = arith.index_cast %add3A_517 : i32 to index
            %swap3A_519 = tpu.vector_load %arg12[%swap3A_518] {strides = array<i32>} : memref<1024xf32, #tpu.memory_space<vmem>>, vector<16xf32>,
            tpu.vector_store %arg12[%swap3A_518], %gather3A_509 {strides = array<i32>} : memref<1024xf32, #tpu.memory_space<vmem>>, vector<16xf32>,
            %add3A_520 = arith.constant 224 : i32
            %add3A_521 = arith.addi %mul3A_296, %add3A_520 : i32
            %slice3A_522 = vector.extract_strided_slice %get3A_303 {offsets = [7], sizes = [1], strides = [1]} : vector<16xi32> to vector<1xi32>
            %squeeze3A_523 = vector.extract %slice3A_522[0] : i32 from vector<1xi32>
            %mul3A_524 = arith.constant 32 : i32
            %mul3A_525 = arith.muli %squeeze3A_523, %mul3A_524 : i32
            %dma_start3A_526 = tpu.memref_slice %arg12[%add3A_521] : memref<1024xf32, #tpu.memory_space<vmem>> -> memref<32xf32, #tpu.memory_space<vmem>>
            %dma_start3A_527 = tpu.memref_slice %arg16[%mul3A_525] : memref<65536xf32, #tpu.memory_space<vmem_shared>> -> memref<32xf32, #tpu.memory_space<vmem_shared>>
            %dma_start3A_528 = tpu.memref_slice %arg16[%mul3A_525] : memref<65536xf32, #tpu.memory_space<vmem_shared>> -> memref<32xf32, #tpu.memory_space<vmem_shared>>
            %dma_start3A_529 = tpu.memref_slice %arg12[%add3A_521] : memref<1024xf32, #tpu.memory_space<vmem>> -> memref<32xf32, #tpu.memory_space<vmem>>
            tpu.enqueue_dma source(%dma_start3A_529 : memref<32xf32, #tpu.memory_space<vmem>>) target(%dma_start3A_528 : memref<32xf32, #tpu.memory_space<vmem_shared>>) target_semaphore(%arg17 : memref<!tpu.dma_semaphore, #tpu.memory_space<semaphore_mem>>)
            %slice3A_530 = vector.extract_strided_slice %get3A_299 {offsets = [8], sizes = [1], strides = [1]} : vector<16xi32> to vector<1xi32>
            %squeeze3A_531 = vector.extract %slice3A_530[0] : i32 from vector<1xi32>
            %sub3A_532 = arith.subi %squeeze3A_531, %mul3A_233 : i32
            %broadcast_in_dim3A_533 = vector.broadcast %sub3A_532 : i32 to vector<16xi32>
            %gather3A_534 = tpu.vector_load_idx %arg10[%iota3A, %broadcast_in_dim3A_533] : memref<32x1024xf32, #tpu.memory_space<vmem>>[vector<16xi32>, vector<16xi32>], vector<16xf32>,
            %add3A_535 = arith.constant 16 : i32
            %add3A_536 = vector.broadcast %add3A_535 : i32 to vector<16xi32>
            %add3A_537 = arith.addi %iota3A, %add3A_536 : vector<16xi32>
            %gather3A_538 = tpu.vector_load_idx %arg10[%add3A_537, %broadcast_in_dim3A_533] : memref<32x1024xf32, #tpu.memory_space<vmem>>[vector<16xi32>, vector<16xi32>], vector<16xf32>,
            %add3A_539 = arith.constant 256 : i32
            %add3A_540 = arith.addi %mul3A_296, %add3A_539 : i32
            %swap3A_541 = arith.index_cast %add3A_540 : i32 to index
            %swap3A_542 = tpu.vector_load %arg12[%swap3A_541] {strides = array<i32>} : memref<1024xf32, #tpu.memory_space<vmem>>, vector<16xf32>,
            tpu.vector_store %arg12[%swap3A_541], %gather3A_534 {strides = array<i32>} : memref<1024xf32, #tpu.memory_space<vmem>>, vector<16xf32>,
            %add3A_543 = arith.constant 256 : i32
            %add3A_544 = arith.addi %mul3A_296, %add3A_543 : i32
            %add3A_545 = arith.constant 16 : i32
            %add3A_546 = arith.addi %add3A_544, %add3A_545 : i32
            %swap3A_547 = arith.index_cast %add3A_546 : i32 to index
            %swap3A_548 = tpu.vector_load %arg12[%swap3A_547] {strides = array<i32>} : memref<1024xf32, #tpu.memory_space<vmem>>, vector<16xf32>,
            tpu.vector_store %arg12[%swap3A_547], %gather3A_538 {strides = array<i32>} : memref<1024xf32, #tpu.memory_space<vmem>>, vector<16xf32>,
            %add3A_549 = arith.constant 256 : i32
            %add3A_550 = arith.addi %mul3A_296, %add3A_549 : i32
            %slice3A_551 = vector.extract_strided_slice %get3A_303 {offsets = [8], sizes = [1], strides = [1]} : vector<16xi32> to vector<1xi32>
            %squeeze3A_552 = vector.extract %slice3A_551[0] : i32 from vector<1xi32>
            %mul3A_553 = arith.constant 32 : i32
            %mul3A_554 = arith.muli %squeeze3A_552, %mul3A_553 : i32
            %dma_start3A_555 = tpu.memref_slice %arg12[%add3A_550] : memref<1024xf32, #tpu.memory_space<vmem>> -> memref<32xf32, #tpu.memory_space<vmem>>
            %dma_start3A_556 = tpu.memref_slice %arg16[%mul3A_554] : memref<65536xf32, #tpu.memory_space<vmem_shared>> -> memref<32xf32, #tpu.memory_space<vmem_shared>>
            %dma_start3A_557 = tpu.memref_slice %arg16[%mul3A_554] : memref<65536xf32, #tpu.memory_space<vmem_shared>> -> memref<32xf32, #tpu.memory_space<vmem_shared>>
            %dma_start3A_558 = tpu.memref_slice %arg12[%add3A_550] : memref<1024xf32, #tpu.memory_space<vmem>> -> memref<32xf32, #tpu.memory_space<vmem>>
            tpu.enqueue_dma source(%dma_start3A_558 : memref<32xf32, #tpu.memory_space<vmem>>) target(%dma_start3A_557 : memref<32xf32, #tpu.memory_space<vmem_shared>>) target_semaphore(%arg17 : memref<!tpu.dma_semaphore, #tpu.memory_space<semaphore_mem>>)
            %slice3A_559 = vector.extract_strided_slice %get3A_299 {offsets = [9], sizes = [1], strides = [1]} : vector<16xi32> to vector<1xi32>
            %squeeze3A_560 = vector.extract %slice3A_559[0] : i32 from vector<1xi32>
            %sub3A_561 = arith.subi %squeeze3A_560, %mul3A_233 : i32
            %broadcast_in_dim3A_562 = vector.broadcast %sub3A_561 : i32 to vector<16xi32>
            %gather3A_563 = tpu.vector_load_idx %arg10[%iota3A, %broadcast_in_dim3A_562] : memref<32x1024xf32, #tpu.memory_space<vmem>>[vector<16xi32>, vector<16xi32>], vector<16xf32>,
            %add3A_564 = arith.constant 16 : i32
            %add3A_565 = vector.broadcast %add3A_564 : i32 to vector<16xi32>
            %add3A_566 = arith.addi %iota3A, %add3A_565 : vector<16xi32>
            %gather3A_567 = tpu.vector_load_idx %arg10[%add3A_566, %broadcast_in_dim3A_562] : memref<32x1024xf32, #tpu.memory_space<vmem>>[vector<16xi32>, vector<16xi32>], vector<16xf32>,
            %add3A_568 = arith.constant 288 : i32
            %add3A_569 = arith.addi %mul3A_296, %add3A_568 : i32
            %swap3A_570 = arith.index_cast %add3A_569 : i32 to index
            %swap3A_571 = tpu.vector_load %arg12[%swap3A_570] {strides = array<i32>} : memref<1024xf32, #tpu.memory_space<vmem>>, vector<16xf32>,
            tpu.vector_store %arg12[%swap3A_570], %gather3A_563 {strides = array<i32>} : memref<1024xf32, #tpu.memory_space<vmem>>, vector<16xf32>,
            %add3A_572 = arith.constant 288 : i32
            %add3A_573 = arith.addi %mul3A_296, %add3A_572 : i32
            %add3A_574 = arith.constant 16 : i32
            %add3A_575 = arith.addi %add3A_573, %add3A_574 : i32
            %swap3A_576 = arith.index_cast %add3A_575 : i32 to index
            %swap3A_577 = tpu.vector_load %arg12[%swap3A_576] {strides = array<i32>} : memref<1024xf32, #tpu.memory_space<vmem>>, vector<16xf32>,
            tpu.vector_store %arg12[%swap3A_576], %gather3A_567 {strides = array<i32>} : memref<1024xf32, #tpu.memory_space<vmem>>, vector<16xf32>,
            %add3A_578 = arith.constant 288 : i32
            %add3A_579 = arith.addi %mul3A_296, %add3A_578 : i32
            %slice3A_580 = vector.extract_strided_slice %get3A_303 {offsets = [9], sizes = [1], strides = [1]} : vector<16xi32> to vector<1xi32>
            %squeeze3A_581 = vector.extract %slice3A_580[0] : i32 from vector<1xi32>
            %mul3A_582 = arith.constant 32 : i32
            %mul3A_583 = arith.muli %squeeze3A_581, %mul3A_582 : i32
            %dma_start3A_584 = tpu.memref_slice %arg12[%add3A_579] : memref<1024xf32, #tpu.memory_space<vmem>> -> memref<32xf32, #tpu.memory_space<vmem>>
            %dma_start3A_585 = tpu.memref_slice %arg16[%mul3A_583] : memref<65536xf32, #tpu.memory_space<vmem_shared>> -> memref<32xf32, #tpu.memory_space<vmem_shared>>
            %dma_start3A_586 = tpu.memref_slice %arg16[%mul3A_583] : memref<65536xf32, #tpu.memory_space<vmem_shared>> -> memref<32xf32, #tpu.memory_space<vmem_shared>>
            %dma_start3A_587 = tpu.memref_slice %arg12[%add3A_579] : memref<1024xf32, #tpu.memory_space<vmem>> -> memref<32xf32, #tpu.memory_space<vmem>>
            tpu.enqueue_dma source(%dma_start3A_587 : memref<32xf32, #tpu.memory_space<vmem>>) target(%dma_start3A_586 : memref<32xf32, #tpu.memory_space<vmem_shared>>) target_semaphore(%arg17 : memref<!tpu.dma_semaphore, #tpu.memory_space<semaphore_mem>>)
            %slice3A_588 = vector.extract_strided_slice %get3A_299 {offsets = [10], sizes = [1], strides = [1]} : vector<16xi32> to vector<1xi32>
            %squeeze3A_589 = vector.extract %slice3A_588[0] : i32 from vector<1xi32>
            %sub3A_590 = arith.subi %squeeze3A_589, %mul3A_233 : i32
            %broadcast_in_dim3A_591 = vector.broadcast %sub3A_590 : i32 to vector<16xi32>
            %gather3A_592 = tpu.vector_load_idx %arg10[%iota3A, %broadcast_in_dim3A_591] : memref<32x1024xf32, #tpu.memory_space<vmem>>[vector<16xi32>, vector<16xi32>], vector<16xf32>,
            %add3A_593 = arith.constant 16 : i32
            %add3A_594 = vector.broadcast %add3A_593 : i32 to vector<16xi32>
            %add3A_595 = arith.addi %iota3A, %add3A_594 : vector<16xi32>
            %gather3A_596 = tpu.vector_load_idx %arg10[%add3A_595, %broadcast_in_dim3A_591] : memref<32x1024xf32, #tpu.memory_space<vmem>>[vector<16xi32>, vector<16xi32>], vector<16xf32>,
            %add3A_597 = arith.constant 320 : i32
            %add3A_598 = arith.addi %mul3A_296, %add3A_597 : i32
            %swap3A_599 = arith.index_cast %add3A_598 : i32 to index
            %swap3A_600 = tpu.vector_load %arg12[%swap3A_599] {strides = array<i32>} : memref<1024xf32, #tpu.memory_space<vmem>>, vector<16xf32>,
            tpu.vector_store %arg12[%swap3A_599], %gather3A_592 {strides = array<i32>} : memref<1024xf32, #tpu.memory_space<vmem>>, vector<16xf32>,
            %add3A_601 = arith.constant 320 : i32
            %add3A_602 = arith.addi %mul3A_296, %add3A_601 : i32
            %add3A_603 = arith.constant 16 : i32
            %add3A_604 = arith.addi %add3A_602, %add3A_603 : i32
            %swap3A_605 = arith.index_cast %add3A_604 : i32 to index
            %swap3A_606 = tpu.vector_load %arg12[%swap3A_605] {strides = array<i32>} : memref<1024xf32, #tpu.memory_space<vmem>>, vector<16xf32>,
            tpu.vector_store %arg12[%swap3A_605], %gather3A_596 {strides = array<i32>} : memref<1024xf32, #tpu.memory_space<vmem>>, vector<16xf32>,
            %add3A_607 = arith.constant 320 : i32
            %add3A_608 = arith.addi %mul3A_296, %add3A_607 : i32
            %slice3A_609 = vector.extract_strided_slice %get3A_303 {offsets = [10], sizes = [1], strides = [1]} : vector<16xi32> to vector<1xi32>
            %squeeze3A_610 = vector.extract %slice3A_609[0] : i32 from vector<1xi32>
            %mul3A_611 = arith.constant 32 : i32
            %mul3A_612 = arith.muli %squeeze3A_610, %mul3A_611 : i32
            %dma_start3A_613 = tpu.memref_slice %arg12[%add3A_608] : memref<1024xf32, #tpu.memory_space<vmem>> -> memref<32xf32, #tpu.memory_space<vmem>>
            %dma_start3A_614 = tpu.memref_slice %arg16[%mul3A_612] : memref<65536xf32, #tpu.memory_space<vmem_shared>> -> memref<32xf32, #tpu.memory_space<vmem_shared>>
            %dma_start3A_615 = tpu.memref_slice %arg16[%mul3A_612] : memref<65536xf32, #tpu.memory_space<vmem_shared>> -> memref<32xf32, #tpu.memory_space<vmem_shared>>
            %dma_start3A_616 = tpu.memref_slice %arg12[%add3A_608] : memref<1024xf32, #tpu.memory_space<vmem>> -> memref<32xf32, #tpu.memory_space<vmem>>
            tpu.enqueue_dma source(%dma_start3A_616 : memref<32xf32, #tpu.memory_space<vmem>>) target(%dma_start3A_615 : memref<32xf32, #tpu.memory_space<vmem_shared>>) target_semaphore(%arg17 : memref<!tpu.dma_semaphore, #tpu.memory_space<semaphore_mem>>)
            %slice3A_617 = vector.extract_strided_slice %get3A_299 {offsets = [11], sizes = [1], strides = [1]} : vector<16xi32> to vector<1xi32>
            %squeeze3A_618 = vector.extract %slice3A_617[0] : i32 from vector<1xi32>
            %sub3A_619 = arith.subi %squeeze3A_618, %mul3A_233 : i32
            %broadcast_in_dim3A_620 = vector.broadcast %sub3A_619 : i32 to vector<16xi32>
            %gather3A_621 = tpu.vector_load_idx %arg10[%iota3A, %broadcast_in_dim3A_620] : memref<32x1024xf32, #tpu.memory_space<vmem>>[vector<16xi32>, vector<16xi32>], vector<16xf32>,
            %add3A_622 = arith.constant 16 : i32
            %add3A_623 = vector.broadcast %add3A_622 : i32 to vector<16xi32>
            %add3A_624 = arith.addi %iota3A, %add3A_623 : vector<16xi32>
            %gather3A_625 = tpu.vector_load_idx %arg10[%add3A_624, %broadcast_in_dim3A_620] : memref<32x1024xf32, #tpu.memory_space<vmem>>[vector<16xi32>, vector<16xi32>], vector<16xf32>,
            %add3A_626 = arith.constant 352 : i32
            %add3A_627 = arith.addi %mul3A_296, %add3A_626 : i32
            %swap3A_628 = arith.index_cast %add3A_627 : i32 to index
            %swap3A_629 = tpu.vector_load %arg12[%swap3A_628] {strides = array<i32>} : memref<1024xf32, #tpu.memory_space<vmem>>, vector<16xf32>,
            tpu.vector_store %arg12[%swap3A_628], %gather3A_621 {strides = array<i32>} : memref<1024xf32, #tpu.memory_space<vmem>>, vector<16xf32>,
            %add3A_630 = arith.constant 352 : i32
            %add3A_631 = arith.addi %mul3A_296, %add3A_630 : i32
            %add3A_632 = arith.constant 16 : i32
            %add3A_633 = arith.addi %add3A_631, %add3A_632 : i32
            %swap3A_634 = arith.index_cast %add3A_633 : i32 to index
            %swap3A_635 = tpu.vector_load %arg12[%swap3A_634] {strides = array<i32>} : memref<1024xf32, #tpu.memory_space<vmem>>, vector<16xf32>,
            tpu.vector_store %arg12[%swap3A_634], %gather3A_625 {strides = array<i32>} : memref<1024xf32, #tpu.memory_space<vmem>>, vector<16xf32>,
            %add3A_636 = arith.constant 352 : i32
            %add3A_637 = arith.addi %mul3A_296, %add3A_636 : i32
            %slice3A_638 = vector.extract_strided_slice %get3A_303 {offsets = [11], sizes = [1], strides = [1]} : vector<16xi32> to vector<1xi32>
            %squeeze3A_639 = vector.extract %slice3A_638[0] : i32 from vector<1xi32>
            %mul3A_640 = arith.constant 32 : i32
            %mul3A_641 = arith.muli %squeeze3A_639, %mul3A_640 : i32
            %dma_start3A_642 = tpu.memref_slice %arg12[%add3A_637] : memref<1024xf32, #tpu.memory_space<vmem>> -> memref<32xf32, #tpu.memory_space<vmem>>
            %dma_start3A_643 = tpu.memref_slice %arg16[%mul3A_641] : memref<65536xf32, #tpu.memory_space<vmem_shared>> -> memref<32xf32, #tpu.memory_space<vmem_shared>>
            %dma_start3A_644 = tpu.memref_slice %arg16[%mul3A_641] : memref<65536xf32, #tpu.memory_space<vmem_shared>> -> memref<32xf32, #tpu.memory_space<vmem_shared>>
            %dma_start3A_645 = tpu.memref_slice %arg12[%add3A_637] : memref<1024xf32, #tpu.memory_space<vmem>> -> memref<32xf32, #tpu.memory_space<vmem>>
            tpu.enqueue_dma source(%dma_start3A_645 : memref<32xf32, #tpu.memory_space<vmem>>) target(%dma_start3A_644 : memref<32xf32, #tpu.memory_space<vmem_shared>>) target_semaphore(%arg17 : memref<!tpu.dma_semaphore, #tpu.memory_space<semaphore_mem>>)
            %slice3A_646 = vector.extract_strided_slice %get3A_299 {offsets = [12], sizes = [1], strides = [1]} : vector<16xi32> to vector<1xi32>
            %squeeze3A_647 = vector.extract %slice3A_646[0] : i32 from vector<1xi32>
            %sub3A_648 = arith.subi %squeeze3A_647, %mul3A_233 : i32
            %broadcast_in_dim3A_649 = vector.broadcast %sub3A_648 : i32 to vector<16xi32>
            %gather3A_650 = tpu.vector_load_idx %arg10[%iota3A, %broadcast_in_dim3A_649] : memref<32x1024xf32, #tpu.memory_space<vmem>>[vector<16xi32>, vector<16xi32>], vector<16xf32>,
            %add3A_651 = arith.constant 16 : i32
            %add3A_652 = vector.broadcast %add3A_651 : i32 to vector<16xi32>
            %add3A_653 = arith.addi %iota3A, %add3A_652 : vector<16xi32>
            %gather3A_654 = tpu.vector_load_idx %arg10[%add3A_653, %broadcast_in_dim3A_649] : memref<32x1024xf32, #tpu.memory_space<vmem>>[vector<16xi32>, vector<16xi32>], vector<16xf32>,
            %add3A_655 = arith.constant 384 : i32
            %add3A_656 = arith.addi %mul3A_296, %add3A_655 : i32
            %swap3A_657 = arith.index_cast %add3A_656 : i32 to index
            %swap3A_658 = tpu.vector_load %arg12[%swap3A_657] {strides = array<i32>} : memref<1024xf32, #tpu.memory_space<vmem>>, vector<16xf32>,
            tpu.vector_store %arg12[%swap3A_657], %gather3A_650 {strides = array<i32>} : memref<1024xf32, #tpu.memory_space<vmem>>, vector<16xf32>,
            %add3A_659 = arith.constant 384 : i32
            %add3A_660 = arith.addi %mul3A_296, %add3A_659 : i32
            %add3A_661 = arith.constant 16 : i32
            %add3A_662 = arith.addi %add3A_660, %add3A_661 : i32
            %swap3A_663 = arith.index_cast %add3A_662 : i32 to index
            %swap3A_664 = tpu.vector_load %arg12[%swap3A_663] {strides = array<i32>} : memref<1024xf32, #tpu.memory_space<vmem>>, vector<16xf32>,
            tpu.vector_store %arg12[%swap3A_663], %gather3A_654 {strides = array<i32>} : memref<1024xf32, #tpu.memory_space<vmem>>, vector<16xf32>,
            %add3A_665 = arith.constant 384 : i32
            %add3A_666 = arith.addi %mul3A_296, %add3A_665 : i32
            %slice3A_667 = vector.extract_strided_slice %get3A_303 {offsets = [12], sizes = [1], strides = [1]} : vector<16xi32> to vector<1xi32>
            %squeeze3A_668 = vector.extract %slice3A_667[0] : i32 from vector<1xi32>
            %mul3A_669 = arith.constant 32 : i32
            %mul3A_670 = arith.muli %squeeze3A_668, %mul3A_669 : i32
            %dma_start3A_671 = tpu.memref_slice %arg12[%add3A_666] : memref<1024xf32, #tpu.memory_space<vmem>> -> memref<32xf32, #tpu.memory_space<vmem>>
            %dma_start3A_672 = tpu.memref_slice %arg16[%mul3A_670] : memref<65536xf32, #tpu.memory_space<vmem_shared>> -> memref<32xf32, #tpu.memory_space<vmem_shared>>
            %dma_start3A_673 = tpu.memref_slice %arg16[%mul3A_670] : memref<65536xf32, #tpu.memory_space<vmem_shared>> -> memref<32xf32, #tpu.memory_space<vmem_shared>>
            %dma_start3A_674 = tpu.memref_slice %arg12[%add3A_666] : memref<1024xf32, #tpu.memory_space<vmem>> -> memref<32xf32, #tpu.memory_space<vmem>>
            tpu.enqueue_dma source(%dma_start3A_674 : memref<32xf32, #tpu.memory_space<vmem>>) target(%dma_start3A_673 : memref<32xf32, #tpu.memory_space<vmem_shared>>) target_semaphore(%arg17 : memref<!tpu.dma_semaphore, #tpu.memory_space<semaphore_mem>>)
            %slice3A_675 = vector.extract_strided_slice %get3A_299 {offsets = [13], sizes = [1], strides = [1]} : vector<16xi32> to vector<1xi32>
            %squeeze3A_676 = vector.extract %slice3A_675[0] : i32 from vector<1xi32>
            %sub3A_677 = arith.subi %squeeze3A_676, %mul3A_233 : i32
            %broadcast_in_dim3A_678 = vector.broadcast %sub3A_677 : i32 to vector<16xi32>
            %gather3A_679 = tpu.vector_load_idx %arg10[%iota3A, %broadcast_in_dim3A_678] : memref<32x1024xf32, #tpu.memory_space<vmem>>[vector<16xi32>, vector<16xi32>], vector<16xf32>,
            %add3A_680 = arith.constant 16 : i32
            %add3A_681 = vector.broadcast %add3A_680 : i32 to vector<16xi32>
            %add3A_682 = arith.addi %iota3A, %add3A_681 : vector<16xi32>
            %gather3A_683 = tpu.vector_load_idx %arg10[%add3A_682, %broadcast_in_dim3A_678] : memref<32x1024xf32, #tpu.memory_space<vmem>>[vector<16xi32>, vector<16xi32>], vector<16xf32>,
            %add3A_684 = arith.constant 416 : i32
            %add3A_685 = arith.addi %mul3A_296, %add3A_684 : i32
            %swap3A_686 = arith.index_cast %add3A_685 : i32 to index
            %swap3A_687 = tpu.vector_load %arg12[%swap3A_686] {strides = array<i32>} : memref<1024xf32, #tpu.memory_space<vmem>>, vector<16xf32>,
            tpu.vector_store %arg12[%swap3A_686], %gather3A_679 {strides = array<i32>} : memref<1024xf32, #tpu.memory_space<vmem>>, vector<16xf32>,
            %add3A_688 = arith.constant 416 : i32
            %add3A_689 = arith.addi %mul3A_296, %add3A_688 : i32
            %add3A_690 = arith.constant 16 : i32
            %add3A_691 = arith.addi %add3A_689, %add3A_690 : i32
            %swap3A_692 = arith.index_cast %add3A_691 : i32 to index
            %swap3A_693 = tpu.vector_load %arg12[%swap3A_692] {strides = array<i32>} : memref<1024xf32, #tpu.memory_space<vmem>>, vector<16xf32>,
            tpu.vector_store %arg12[%swap3A_692], %gather3A_683 {strides = array<i32>} : memref<1024xf32, #tpu.memory_space<vmem>>, vector<16xf32>,
            %add3A_694 = arith.constant 416 : i32
            %add3A_695 = arith.addi %mul3A_296, %add3A_694 : i32
            %slice3A_696 = vector.extract_strided_slice %get3A_303 {offsets = [13], sizes = [1], strides = [1]} : vector<16xi32> to vector<1xi32>
            %squeeze3A_697 = vector.extract %slice3A_696[0] : i32 from vector<1xi32>
            %mul3A_698 = arith.constant 32 : i32
            %mul3A_699 = arith.muli %squeeze3A_697, %mul3A_698 : i32
            %dma_start3A_700 = tpu.memref_slice %arg12[%add3A_695] : memref<1024xf32, #tpu.memory_space<vmem>> -> memref<32xf32, #tpu.memory_space<vmem>>
            %dma_start3A_701 = tpu.memref_slice %arg16[%mul3A_699] : memref<65536xf32, #tpu.memory_space<vmem_shared>> -> memref<32xf32, #tpu.memory_space<vmem_shared>>
            %dma_start3A_702 = tpu.memref_slice %arg16[%mul3A_699] : memref<65536xf32, #tpu.memory_space<vmem_shared>> -> memref<32xf32, #tpu.memory_space<vmem_shared>>
            %dma_start3A_703 = tpu.memref_slice %arg12[%add3A_695] : memref<1024xf32, #tpu.memory_space<vmem>> -> memref<32xf32, #tpu.memory_space<vmem>>
            tpu.enqueue_dma source(%dma_start3A_703 : memref<32xf32, #tpu.memory_space<vmem>>) target(%dma_start3A_702 : memref<32xf32, #tpu.memory_space<vmem_shared>>) target_semaphore(%arg17 : memref<!tpu.dma_semaphore, #tpu.memory_space<semaphore_mem>>)
            %slice3A_704 = vector.extract_strided_slice %get3A_299 {offsets = [14], sizes = [1], strides = [1]} : vector<16xi32> to vector<1xi32>
            %squeeze3A_705 = vector.extract %slice3A_704[0] : i32 from vector<1xi32>
            %sub3A_706 = arith.subi %squeeze3A_705, %mul3A_233 : i32
            %broadcast_in_dim3A_707 = vector.broadcast %sub3A_706 : i32 to vector<16xi32>
            %gather3A_708 = tpu.vector_load_idx %arg10[%iota3A, %broadcast_in_dim3A_707] : memref<32x1024xf32, #tpu.memory_space<vmem>>[vector<16xi32>, vector<16xi32>], vector<16xf32>,
            %add3A_709 = arith.constant 16 : i32
            %add3A_710 = vector.broadcast %add3A_709 : i32 to vector<16xi32>
            %add3A_711 = arith.addi %iota3A, %add3A_710 : vector<16xi32>
            %gather3A_712 = tpu.vector_load_idx %arg10[%add3A_711, %broadcast_in_dim3A_707] : memref<32x1024xf32, #tpu.memory_space<vmem>>[vector<16xi32>, vector<16xi32>], vector<16xf32>,
            %add3A_713 = arith.constant 448 : i32
            %add3A_714 = arith.addi %mul3A_296, %add3A_713 : i32
            %swap3A_715 = arith.index_cast %add3A_714 : i32 to index
            %swap3A_716 = tpu.vector_load %arg12[%swap3A_715] {strides = array<i32>} : memref<1024xf32, #tpu.memory_space<vmem>>, vector<16xf32>,
            tpu.vector_store %arg12[%swap3A_715], %gather3A_708 {strides = array<i32>} : memref<1024xf32, #tpu.memory_space<vmem>>, vector<16xf32>,
            %add3A_717 = arith.constant 448 : i32
            %add3A_718 = arith.addi %mul3A_296, %add3A_717 : i32
            %add3A_719 = arith.constant 16 : i32
            %add3A_720 = arith.addi %add3A_718, %add3A_719 : i32
            %swap3A_721 = arith.index_cast %add3A_720 : i32 to index
            %swap3A_722 = tpu.vector_load %arg12[%swap3A_721] {strides = array<i32>} : memref<1024xf32, #tpu.memory_space<vmem>>, vector<16xf32>,
            tpu.vector_store %arg12[%swap3A_721], %gather3A_712 {strides = array<i32>} : memref<1024xf32, #tpu.memory_space<vmem>>, vector<16xf32>,
            %add3A_723 = arith.constant 448 : i32
            %add3A_724 = arith.addi %mul3A_296, %add3A_723 : i32
            %slice3A_725 = vector.extract_strided_slice %get3A_303 {offsets = [14], sizes = [1], strides = [1]} : vector<16xi32> to vector<1xi32>
            %squeeze3A_726 = vector.extract %slice3A_725[0] : i32 from vector<1xi32>
            %mul3A_727 = arith.constant 32 : i32
            %mul3A_728 = arith.muli %squeeze3A_726, %mul3A_727 : i32
            %dma_start3A_729 = tpu.memref_slice %arg12[%add3A_724] : memref<1024xf32, #tpu.memory_space<vmem>> -> memref<32xf32, #tpu.memory_space<vmem>>
            %dma_start3A_730 = tpu.memref_slice %arg16[%mul3A_728] : memref<65536xf32, #tpu.memory_space<vmem_shared>> -> memref<32xf32, #tpu.memory_space<vmem_shared>>
            %dma_start3A_731 = tpu.memref_slice %arg16[%mul3A_728] : memref<65536xf32, #tpu.memory_space<vmem_shared>> -> memref<32xf32, #tpu.memory_space<vmem_shared>>
            %dma_start3A_732 = tpu.memref_slice %arg12[%add3A_724] : memref<1024xf32, #tpu.memory_space<vmem>> -> memref<32xf32, #tpu.memory_space<vmem>>
            tpu.enqueue_dma source(%dma_start3A_732 : memref<32xf32, #tpu.memory_space<vmem>>) target(%dma_start3A_731 : memref<32xf32, #tpu.memory_space<vmem_shared>>) target_semaphore(%arg17 : memref<!tpu.dma_semaphore, #tpu.memory_space<semaphore_mem>>)
            %slice3A_733 = vector.extract_strided_slice %get3A_299 {offsets = [15], sizes = [1], strides = [1]} : vector<16xi32> to vector<1xi32>
            %squeeze3A_734 = vector.extract %slice3A_733[0] : i32 from vector<1xi32>
            %sub3A_735 = arith.subi %squeeze3A_734, %mul3A_233 : i32
            %broadcast_in_dim3A_736 = vector.broadcast %sub3A_735 : i32 to vector<16xi32>
            %gather3A_737 = tpu.vector_load_idx %arg10[%iota3A, %broadcast_in_dim3A_736] : memref<32x1024xf32, #tpu.memory_space<vmem>>[vector<16xi32>, vector<16xi32>], vector<16xf32>,
            %add3A_738 = arith.constant 16 : i32
            %add3A_739 = vector.broadcast %add3A_738 : i32 to vector<16xi32>
            %add3A_740 = arith.addi %iota3A, %add3A_739 : vector<16xi32>
            %gather3A_741 = tpu.vector_load_idx %arg10[%add3A_740, %broadcast_in_dim3A_736] : memref<32x1024xf32, #tpu.memory_space<vmem>>[vector<16xi32>, vector<16xi32>], vector<16xf32>,
            %add3A_742 = arith.constant 480 : i32
            %add3A_743 = arith.addi %mul3A_296, %add3A_742 : i32
            %swap3A_744 = arith.index_cast %add3A_743 : i32 to index
            %swap3A_745 = tpu.vector_load %arg12[%swap3A_744] {strides = array<i32>} : memref<1024xf32, #tpu.memory_space<vmem>>, vector<16xf32>,
            tpu.vector_store %arg12[%swap3A_744], %gather3A_737 {strides = array<i32>} : memref<1024xf32, #tpu.memory_space<vmem>>, vector<16xf32>,
            %add3A_746 = arith.constant 480 : i32
            %add3A_747 = arith.addi %mul3A_296, %add3A_746 : i32
            %add3A_748 = arith.constant 16 : i32
            %add3A_749 = arith.addi %add3A_747, %add3A_748 : i32
            %swap3A_750 = arith.index_cast %add3A_749 : i32 to index
            %swap3A_751 = tpu.vector_load %arg12[%swap3A_750] {strides = array<i32>} : memref<1024xf32, #tpu.memory_space<vmem>>, vector<16xf32>,
            tpu.vector_store %arg12[%swap3A_750], %gather3A_741 {strides = array<i32>} : memref<1024xf32, #tpu.memory_space<vmem>>, vector<16xf32>,
            %add3A_752 = arith.constant 480 : i32
            %add3A_753 = arith.addi %mul3A_296, %add3A_752 : i32
            %slice3A_754 = vector.extract_strided_slice %get3A_303 {offsets = [15], sizes = [1], strides = [1]} : vector<16xi32> to vector<1xi32>
            %squeeze3A_755 = vector.extract %slice3A_754[0] : i32 from vector<1xi32>
            %mul3A_756 = arith.constant 32 : i32
            %mul3A_757 = arith.muli %squeeze3A_755, %mul3A_756 : i32
            %dma_start3A_758 = tpu.memref_slice %arg12[%add3A_753] : memref<1024xf32, #tpu.memory_space<vmem>> -> memref<32xf32, #tpu.memory_space<vmem>>
            %dma_start3A_759 = tpu.memref_slice %arg16[%mul3A_757] : memref<65536xf32, #tpu.memory_space<vmem_shared>> -> memref<32xf32, #tpu.memory_space<vmem_shared>>
            %dma_start3A_760 = tpu.memref_slice %arg16[%mul3A_757] : memref<65536xf32, #tpu.memory_space<vmem_shared>> -> memref<32xf32, #tpu.memory_space<vmem_shared>>
            %dma_start3A_761 = tpu.memref_slice %arg12[%add3A_753] : memref<1024xf32, #tpu.memory_space<vmem>> -> memref<32xf32, #tpu.memory_space<vmem>>
            tpu.enqueue_dma source(%dma_start3A_761 : memref<32xf32, #tpu.memory_space<vmem>>) target(%dma_start3A_760 : memref<32xf32, #tpu.memory_space<vmem_shared>>) target_semaphore(%arg17 : memref<!tpu.dma_semaphore, #tpu.memory_space<semaphore_mem>>)
            %while3A_762 = arith.constant 0 : i32
            %while3A_763 = arith.constant 0 : i32
            %while3A_764 = arith.subi %while3A_292, %while3A_762 : i32
            %while3A_765 = arith.addi %while3A_762, %while3A_764 : i32
            %while3A_766 = arith.constant 1 : i32
            %while3A_767 = arith.divsi %while3A_764, %while3A_766 : i32
            %while3A_768 = arith.muli %while3A_767, %while3A_766 : i32
            %while3A_769 = arith.addi %while3A_762, %while3A_768 : i32
            %while3A_770 = arith.constant 1 : i32
            %while3A_771 = scf.for %while3A_775 = %while3A_762 to %while3A_769 step %while3A_770 iter_args(%while3A_776 = %while3A_763) -> (i32)  : i32 {
              %dma_wait3A = arith.constant 0 : i32
              %dma_wait3A_777 = tpu.memref_slice %arg3[%dma_wait3A] : memref<4096xi32, #tpu.memory_space<hbm>> -> memref<32xi32, #tpu.memory_space<hbm>>
              %dma_wait3A_778 = arith.constant 0 : i32
              %dma_wait3A_779 = tpu.memref_slice %arg3[%dma_wait3A_778] : memref<4096xi32, #tpu.memory_space<hbm>> -> memref<32xi32, #tpu.memory_space<hbm>>
              tpu.wait_dma2 semaphore(%arg17 : memref<!tpu.dma_semaphore, #tpu.memory_space<semaphore_mem>>) src(%dma_wait3A_779 : memref<32xi32, #tpu.memory_space<hbm>>) dst(%arg15 : memref<32xi32, #tpu.memory_space<vmem>>)
              %while3A_780 = arith.constant 0 : i32
              scf.yield %while3A_780 : i32
            }
            %while3A_772 = arith.constant 1 : i32
            %while3A_773 = scf.for %while3A_775 = %while3A_769 to %while3A_765 step %while3A_772 iter_args(%while3A_776 = %while3A_771) -> (i32)  : i32 {
              %dma_wait3A = arith.constant 0 : i32
              %dma_wait3A_777 = tpu.memref_slice %arg3[%dma_wait3A] : memref<4096xi32, #tpu.memory_space<hbm>> -> memref<32xi32, #tpu.memory_space<hbm>>
              %dma_wait3A_778 = arith.constant 0 : i32
              %dma_wait3A_779 = tpu.memref_slice %arg3[%dma_wait3A_778] : memref<4096xi32, #tpu.memory_space<hbm>> -> memref<32xi32, #tpu.memory_space<hbm>>
              tpu.wait_dma2 semaphore(%arg17 : memref<!tpu.dma_semaphore, #tpu.memory_space<semaphore_mem>>) src(%dma_wait3A_779 : memref<32xi32, #tpu.memory_space<hbm>>) dst(%arg15 : memref<32xi32, #tpu.memory_space<vmem>>)
              %while3A_780 = arith.constant 0 : i32
              scf.yield %while3A_780 : i32
            }
            %while3A_774 = arith.constant 16 : i32
            scf.yield %while3A_774 : i32
          }
          %while3A_268 = arith.constant 1 : i32
          %while3A_269 = scf.for %while3A_291 = %while3A_265 to %while3A_261 step %while3A_268 iter_args(%while3A_292 = %while3A_267) -> (i32)  : i32 {
            %rem3A_293 = arith.constant 2 : i32
            %rem3A_294 = arith.remsi %while3A_291, %rem3A_293 : i32
            %mul3A_295 = arith.constant 512 : i32
            %mul3A_296 = arith.muli %rem3A_294, %mul3A_295 : i32
            %mul3A_297 = arith.constant 16 : i32
            %mul3A_298 = arith.muli %while3A_291, %mul3A_297 : i32
            %get3A = arith.index_cast %mul3A_298 : i32 to index
            %get3A_299 = tpu.vector_load %arg8[%get3A] {strides = array<i32>} : memref<2064xi32, #tpu.memory_space<vmem>>, vector<16xi32>,
            %mul3A_300 = arith.constant 16 : i32
            %mul3A_301 = arith.muli %while3A_291, %mul3A_300 : i32
            %get3A_302 = arith.index_cast %mul3A_301 : i32 to index
            %get3A_303 = tpu.vector_load %arg9[%get3A_302] {strides = array<i32>} : memref<2064xi32, #tpu.memory_space<vmem>>, vector<16xi32>,
            %slice3A = vector.extract_strided_slice %get3A_299 {offsets = [0], sizes = [1], strides = [1]} : vector<16xi32> to vector<1xi32>
            %squeeze3A = vector.extract %slice3A[0] : i32 from vector<1xi32>
            %sub3A_304 = arith.subi %squeeze3A, %mul3A_233 : i32
            %broadcast_in_dim3A = vector.broadcast %sub3A_304 : i32 to vector<16xi32>
            %gather3A = tpu.vector_load_idx %arg10[%iota3A, %broadcast_in_dim3A] : memref<32x1024xf32, #tpu.memory_space<vmem>>[vector<16xi32>, vector<16xi32>], vector<16xf32>,
            %add3A_305 = arith.constant 16 : i32
            %add3A_306 = vector.broadcast %add3A_305 : i32 to vector<16xi32>
            %add3A_307 = arith.addi %iota3A, %add3A_306 : vector<16xi32>
            %gather3A_308 = tpu.vector_load_idx %arg10[%add3A_307, %broadcast_in_dim3A] : memref<32x1024xf32, #tpu.memory_space<vmem>>[vector<16xi32>, vector<16xi32>], vector<16xf32>,
            %add3A_309 = arith.constant 0 : i32
            %add3A_310 = arith.addi %mul3A_296, %add3A_309 : i32
            %swap3A = arith.index_cast %add3A_310 : i32 to index
            %swap3A_311 = tpu.vector_load %arg12[%swap3A] {strides = array<i32>} : memref<1024xf32, #tpu.memory_space<vmem>>, vector<16xf32>,
            tpu.vector_store %arg12[%swap3A], %gather3A {strides = array<i32>} : memref<1024xf32, #tpu.memory_space<vmem>>, vector<16xf32>,
            %add3A_312 = arith.constant 0 : i32
            %add3A_313 = arith.addi %mul3A_296, %add3A_312 : i32
            %add3A_314 = arith.constant 16 : i32
            %add3A_315 = arith.addi %add3A_313, %add3A_314 : i32
            %swap3A_316 = arith.index_cast %add3A_315 : i32 to index
            %swap3A_317 = tpu.vector_load %arg12[%swap3A_316] {strides = array<i32>} : memref<1024xf32, #tpu.memory_space<vmem>>, vector<16xf32>,
            tpu.vector_store %arg12[%swap3A_316], %gather3A_308 {strides = array<i32>} : memref<1024xf32, #tpu.memory_space<vmem>>, vector<16xf32>,
            %add3A_318 = arith.constant 0 : i32
            %add3A_319 = arith.addi %mul3A_296, %add3A_318 : i32
            %slice3A_320 = vector.extract_strided_slice %get3A_303 {offsets = [0], sizes = [1], strides = [1]} : vector<16xi32> to vector<1xi32>
            %squeeze3A_321 = vector.extract %slice3A_320[0] : i32 from vector<1xi32>
            %mul3A_322 = arith.constant 32 : i32
            %mul3A_323 = arith.muli %squeeze3A_321, %mul3A_322 : i32
            %dma_start3A = tpu.memref_slice %arg12[%add3A_319] : memref<1024xf32, #tpu.memory_space<vmem>> -> memref<32xf32, #tpu.memory_space<vmem>>
            %dma_start3A_324 = tpu.memref_slice %arg16[%mul3A_323] : memref<65536xf32, #tpu.memory_space<vmem_shared>> -> memref<32xf32, #tpu.memory_space<vmem_shared>>
            %dma_start3A_325 = tpu.memref_slice %arg16[%mul3A_323] : memref<65536xf32, #tpu.memory_space<vmem_shared>> -> memref<32xf32, #tpu.memory_space<vmem_shared>>
            %dma_start3A_326 = tpu.memref_slice %arg12[%add3A_319] : memref<1024xf32, #tpu.memory_space<vmem>> -> memref<32xf32, #tpu.memory_space<vmem>>
            tpu.enqueue_dma source(%dma_start3A_326 : memref<32xf32, #tpu.memory_space<vmem>>) target(%dma_start3A_325 : memref<32xf32, #tpu.memory_space<vmem_shared>>) target_semaphore(%arg17 : memref<!tpu.dma_semaphore, #tpu.memory_space<semaphore_mem>>)
            %slice3A_327 = vector.extract_strided_slice %get3A_299 {offsets = [1], sizes = [1], strides = [1]} : vector<16xi32> to vector<1xi32>
            %squeeze3A_328 = vector.extract %slice3A_327[0] : i32 from vector<1xi32>
            %sub3A_329 = arith.subi %squeeze3A_328, %mul3A_233 : i32
            %broadcast_in_dim3A_330 = vector.broadcast %sub3A_329 : i32 to vector<16xi32>
            %gather3A_331 = tpu.vector_load_idx %arg10[%iota3A, %broadcast_in_dim3A_330] : memref<32x1024xf32, #tpu.memory_space<vmem>>[vector<16xi32>, vector<16xi32>], vector<16xf32>,
            %add3A_332 = arith.constant 16 : i32
            %add3A_333 = vector.broadcast %add3A_332 : i32 to vector<16xi32>
            %add3A_334 = arith.addi %iota3A, %add3A_333 : vector<16xi32>
            %gather3A_335 = tpu.vector_load_idx %arg10[%add3A_334, %broadcast_in_dim3A_330] : memref<32x1024xf32, #tpu.memory_space<vmem>>[vector<16xi32>, vector<16xi32>], vector<16xf32>,
            %add3A_336 = arith.constant 32 : i32
            %add3A_337 = arith.addi %mul3A_296, %add3A_336 : i32
            %swap3A_338 = arith.index_cast %add3A_337 : i32 to index
            %swap3A_339 = tpu.vector_load %arg12[%swap3A_338] {strides = array<i32>} : memref<1024xf32, #tpu.memory_space<vmem>>, vector<16xf32>,
            tpu.vector_store %arg12[%swap3A_338], %gather3A_331 {strides = array<i32>} : memref<1024xf32, #tpu.memory_space<vmem>>, vector<16xf32>,
            %add3A_340 = arith.constant 32 : i32
            %add3A_341 = arith.addi %mul3A_296, %add3A_340 : i32
            %add3A_342 = arith.constant 16 : i32
            %add3A_343 = arith.addi %add3A_341, %add3A_342 : i32
            %swap3A_344 = arith.index_cast %add3A_343 : i32 to index
            %swap3A_345 = tpu.vector_load %arg12[%swap3A_344] {strides = array<i32>} : memref<1024xf32, #tpu.memory_space<vmem>>, vector<16xf32>,
            tpu.vector_store %arg12[%swap3A_344], %gather3A_335 {strides = array<i32>} : memref<1024xf32, #tpu.memory_space<vmem>>, vector<16xf32>,
            %add3A_346 = arith.constant 32 : i32
            %add3A_347 = arith.addi %mul3A_296, %add3A_346 : i32
            %slice3A_348 = vector.extract_strided_slice %get3A_303 {offsets = [1], sizes = [1], strides = [1]} : vector<16xi32> to vector<1xi32>
            %squeeze3A_349 = vector.extract %slice3A_348[0] : i32 from vector<1xi32>
            %mul3A_350 = arith.constant 32 : i32
            %mul3A_351 = arith.muli %squeeze3A_349, %mul3A_350 : i32
            %dma_start3A_352 = tpu.memref_slice %arg12[%add3A_347] : memref<1024xf32, #tpu.memory_space<vmem>> -> memref<32xf32, #tpu.memory_space<vmem>>
            %dma_start3A_353 = tpu.memref_slice %arg16[%mul3A_351] : memref<65536xf32, #tpu.memory_space<vmem_shared>> -> memref<32xf32, #tpu.memory_space<vmem_shared>>
            %dma_start3A_354 = tpu.memref_slice %arg16[%mul3A_351] : memref<65536xf32, #tpu.memory_space<vmem_shared>> -> memref<32xf32, #tpu.memory_space<vmem_shared>>
            %dma_start3A_355 = tpu.memref_slice %arg12[%add3A_347] : memref<1024xf32, #tpu.memory_space<vmem>> -> memref<32xf32, #tpu.memory_space<vmem>>
            tpu.enqueue_dma source(%dma_start3A_355 : memref<32xf32, #tpu.memory_space<vmem>>) target(%dma_start3A_354 : memref<32xf32, #tpu.memory_space<vmem_shared>>) target_semaphore(%arg17 : memref<!tpu.dma_semaphore, #tpu.memory_space<semaphore_mem>>)
            %slice3A_356 = vector.extract_strided_slice %get3A_299 {offsets = [2], sizes = [1], strides = [1]} : vector<16xi32> to vector<1xi32>
            %squeeze3A_357 = vector.extract %slice3A_356[0] : i32 from vector<1xi32>
            %sub3A_358 = arith.subi %squeeze3A_357, %mul3A_233 : i32
            %broadcast_in_dim3A_359 = vector.broadcast %sub3A_358 : i32 to vector<16xi32>
            %gather3A_360 = tpu.vector_load_idx %arg10[%iota3A, %broadcast_in_dim3A_359] : memref<32x1024xf32, #tpu.memory_space<vmem>>[vector<16xi32>, vector<16xi32>], vector<16xf32>,
            %add3A_361 = arith.constant 16 : i32
            %add3A_362 = vector.broadcast %add3A_361 : i32 to vector<16xi32>
            %add3A_363 = arith.addi %iota3A, %add3A_362 : vector<16xi32>
            %gather3A_364 = tpu.vector_load_idx %arg10[%add3A_363, %broadcast_in_dim3A_359] : memref<32x1024xf32, #tpu.memory_space<vmem>>[vector<16xi32>, vector<16xi32>], vector<16xf32>,
            %add3A_365 = arith.constant 64 : i32
            %add3A_366 = arith.addi %mul3A_296, %add3A_365 : i32
            %swap3A_367 = arith.index_cast %add3A_366 : i32 to index
            %swap3A_368 = tpu.vector_load %arg12[%swap3A_367] {strides = array<i32>} : memref<1024xf32, #tpu.memory_space<vmem>>, vector<16xf32>,
            tpu.vector_store %arg12[%swap3A_367], %gather3A_360 {strides = array<i32>} : memref<1024xf32, #tpu.memory_space<vmem>>, vector<16xf32>,
            %add3A_369 = arith.constant 64 : i32
            %add3A_370 = arith.addi %mul3A_296, %add3A_369 : i32
            %add3A_371 = arith.constant 16 : i32
            %add3A_372 = arith.addi %add3A_370, %add3A_371 : i32
            %swap3A_373 = arith.index_cast %add3A_372 : i32 to index
            %swap3A_374 = tpu.vector_load %arg12[%swap3A_373] {strides = array<i32>} : memref<1024xf32, #tpu.memory_space<vmem>>, vector<16xf32>,
            tpu.vector_store %arg12[%swap3A_373], %gather3A_364 {strides = array<i32>} : memref<1024xf32, #tpu.memory_space<vmem>>, vector<16xf32>,
            %add3A_375 = arith.constant 64 : i32
            %add3A_376 = arith.addi %mul3A_296, %add3A_375 : i32
            %slice3A_377 = vector.extract_strided_slice %get3A_303 {offsets = [2], sizes = [1], strides = [1]} : vector<16xi32> to vector<1xi32>
            %squeeze3A_378 = vector.extract %slice3A_377[0] : i32 from vector<1xi32>
            %mul3A_379 = arith.constant 32 : i32
            %mul3A_380 = arith.muli %squeeze3A_378, %mul3A_379 : i32
            %dma_start3A_381 = tpu.memref_slice %arg12[%add3A_376] : memref<1024xf32, #tpu.memory_space<vmem>> -> memref<32xf32, #tpu.memory_space<vmem>>
            %dma_start3A_382 = tpu.memref_slice %arg16[%mul3A_380] : memref<65536xf32, #tpu.memory_space<vmem_shared>> -> memref<32xf32, #tpu.memory_space<vmem_shared>>
            %dma_start3A_383 = tpu.memref_slice %arg16[%mul3A_380] : memref<65536xf32, #tpu.memory_space<vmem_shared>> -> memref<32xf32, #tpu.memory_space<vmem_shared>>
            %dma_start3A_384 = tpu.memref_slice %arg12[%add3A_376] : memref<1024xf32, #tpu.memory_space<vmem>> -> memref<32xf32, #tpu.memory_space<vmem>>
            tpu.enqueue_dma source(%dma_start3A_384 : memref<32xf32, #tpu.memory_space<vmem>>) target(%dma_start3A_383 : memref<32xf32, #tpu.memory_space<vmem_shared>>) target_semaphore(%arg17 : memref<!tpu.dma_semaphore, #tpu.memory_space<semaphore_mem>>)
            %slice3A_385 = vector.extract_strided_slice %get3A_299 {offsets = [3], sizes = [1], strides = [1]} : vector<16xi32> to vector<1xi32>
            %squeeze3A_386 = vector.extract %slice3A_385[0] : i32 from vector<1xi32>
            %sub3A_387 = arith.subi %squeeze3A_386, %mul3A_233 : i32
            %broadcast_in_dim3A_388 = vector.broadcast %sub3A_387 : i32 to vector<16xi32>
            %gather3A_389 = tpu.vector_load_idx %arg10[%iota3A, %broadcast_in_dim3A_388] : memref<32x1024xf32, #tpu.memory_space<vmem>>[vector<16xi32>, vector<16xi32>], vector<16xf32>,
            %add3A_390 = arith.constant 16 : i32
            %add3A_391 = vector.broadcast %add3A_390 : i32 to vector<16xi32>
            %add3A_392 = arith.addi %iota3A, %add3A_391 : vector<16xi32>
            %gather3A_393 = tpu.vector_load_idx %arg10[%add3A_392, %broadcast_in_dim3A_388] : memref<32x1024xf32, #tpu.memory_space<vmem>>[vector<16xi32>, vector<16xi32>], vector<16xf32>,
            %add3A_394 = arith.constant 96 : i32
            %add3A_395 = arith.addi %mul3A_296, %add3A_394 : i32
            %swap3A_396 = arith.index_cast %add3A_395 : i32 to index
            %swap3A_397 = tpu.vector_load %arg12[%swap3A_396] {strides = array<i32>} : memref<1024xf32, #tpu.memory_space<vmem>>, vector<16xf32>,
            tpu.vector_store %arg12[%swap3A_396], %gather3A_389 {strides = array<i32>} : memref<1024xf32, #tpu.memory_space<vmem>>, vector<16xf32>,
            %add3A_398 = arith.constant 96 : i32
            %add3A_399 = arith.addi %mul3A_296, %add3A_398 : i32
            %add3A_400 = arith.constant 16 : i32
            %add3A_401 = arith.addi %add3A_399, %add3A_400 : i32
            %swap3A_402 = arith.index_cast %add3A_401 : i32 to index
            %swap3A_403 = tpu.vector_load %arg12[%swap3A_402] {strides = array<i32>} : memref<1024xf32, #tpu.memory_space<vmem>>, vector<16xf32>,
            tpu.vector_store %arg12[%swap3A_402], %gather3A_393 {strides = array<i32>} : memref<1024xf32, #tpu.memory_space<vmem>>, vector<16xf32>,
            %add3A_404 = arith.constant 96 : i32
            %add3A_405 = arith.addi %mul3A_296, %add3A_404 : i32
            %slice3A_406 = vector.extract_strided_slice %get3A_303 {offsets = [3], sizes = [1], strides = [1]} : vector<16xi32> to vector<1xi32>
            %squeeze3A_407 = vector.extract %slice3A_406[0] : i32 from vector<1xi32>
            %mul3A_408 = arith.constant 32 : i32
            %mul3A_409 = arith.muli %squeeze3A_407, %mul3A_408 : i32
            %dma_start3A_410 = tpu.memref_slice %arg12[%add3A_405] : memref<1024xf32, #tpu.memory_space<vmem>> -> memref<32xf32, #tpu.memory_space<vmem>>
            %dma_start3A_411 = tpu.memref_slice %arg16[%mul3A_409] : memref<65536xf32, #tpu.memory_space<vmem_shared>> -> memref<32xf32, #tpu.memory_space<vmem_shared>>
            %dma_start3A_412 = tpu.memref_slice %arg16[%mul3A_409] : memref<65536xf32, #tpu.memory_space<vmem_shared>> -> memref<32xf32, #tpu.memory_space<vmem_shared>>
            %dma_start3A_413 = tpu.memref_slice %arg12[%add3A_405] : memref<1024xf32, #tpu.memory_space<vmem>> -> memref<32xf32, #tpu.memory_space<vmem>>
            tpu.enqueue_dma source(%dma_start3A_413 : memref<32xf32, #tpu.memory_space<vmem>>) target(%dma_start3A_412 : memref<32xf32, #tpu.memory_space<vmem_shared>>) target_semaphore(%arg17 : memref<!tpu.dma_semaphore, #tpu.memory_space<semaphore_mem>>)
            %slice3A_414 = vector.extract_strided_slice %get3A_299 {offsets = [4], sizes = [1], strides = [1]} : vector<16xi32> to vector<1xi32>
            %squeeze3A_415 = vector.extract %slice3A_414[0] : i32 from vector<1xi32>
            %sub3A_416 = arith.subi %squeeze3A_415, %mul3A_233 : i32
            %broadcast_in_dim3A_417 = vector.broadcast %sub3A_416 : i32 to vector<16xi32>
            %gather3A_418 = tpu.vector_load_idx %arg10[%iota3A, %broadcast_in_dim3A_417] : memref<32x1024xf32, #tpu.memory_space<vmem>>[vector<16xi32>, vector<16xi32>], vector<16xf32>,
            %add3A_419 = arith.constant 16 : i32
            %add3A_420 = vector.broadcast %add3A_419 : i32 to vector<16xi32>
            %add3A_421 = arith.addi %iota3A, %add3A_420 : vector<16xi32>
            %gather3A_422 = tpu.vector_load_idx %arg10[%add3A_421, %broadcast_in_dim3A_417] : memref<32x1024xf32, #tpu.memory_space<vmem>>[vector<16xi32>, vector<16xi32>], vector<16xf32>,
            %add3A_423 = arith.constant 128 : i32
            %add3A_424 = arith.addi %mul3A_296, %add3A_423 : i32
            %swap3A_425 = arith.index_cast %add3A_424 : i32 to index
            %swap3A_426 = tpu.vector_load %arg12[%swap3A_425] {strides = array<i32>} : memref<1024xf32, #tpu.memory_space<vmem>>, vector<16xf32>,
            tpu.vector_store %arg12[%swap3A_425], %gather3A_418 {strides = array<i32>} : memref<1024xf32, #tpu.memory_space<vmem>>, vector<16xf32>,
            %add3A_427 = arith.constant 128 : i32
            %add3A_428 = arith.addi %mul3A_296, %add3A_427 : i32
            %add3A_429 = arith.constant 16 : i32
            %add3A_430 = arith.addi %add3A_428, %add3A_429 : i32
            %swap3A_431 = arith.index_cast %add3A_430 : i32 to index
            %swap3A_432 = tpu.vector_load %arg12[%swap3A_431] {strides = array<i32>} : memref<1024xf32, #tpu.memory_space<vmem>>, vector<16xf32>,
            tpu.vector_store %arg12[%swap3A_431], %gather3A_422 {strides = array<i32>} : memref<1024xf32, #tpu.memory_space<vmem>>, vector<16xf32>,
            %add3A_433 = arith.constant 128 : i32
            %add3A_434 = arith.addi %mul3A_296, %add3A_433 : i32
            %slice3A_435 = vector.extract_strided_slice %get3A_303 {offsets = [4], sizes = [1], strides = [1]} : vector<16xi32> to vector<1xi32>
            %squeeze3A_436 = vector.extract %slice3A_435[0] : i32 from vector<1xi32>
            %mul3A_437 = arith.constant 32 : i32
            %mul3A_438 = arith.muli %squeeze3A_436, %mul3A_437 : i32
            %dma_start3A_439 = tpu.memref_slice %arg12[%add3A_434] : memref<1024xf32, #tpu.memory_space<vmem>> -> memref<32xf32, #tpu.memory_space<vmem>>
            %dma_start3A_440 = tpu.memref_slice %arg16[%mul3A_438] : memref<65536xf32, #tpu.memory_space<vmem_shared>> -> memref<32xf32, #tpu.memory_space<vmem_shared>>
            %dma_start3A_441 = tpu.memref_slice %arg16[%mul3A_438] : memref<65536xf32, #tpu.memory_space<vmem_shared>> -> memref<32xf32, #tpu.memory_space<vmem_shared>>
            %dma_start3A_442 = tpu.memref_slice %arg12[%add3A_434] : memref<1024xf32, #tpu.memory_space<vmem>> -> memref<32xf32, #tpu.memory_space<vmem>>
            tpu.enqueue_dma source(%dma_start3A_442 : memref<32xf32, #tpu.memory_space<vmem>>) target(%dma_start3A_441 : memref<32xf32, #tpu.memory_space<vmem_shared>>) target_semaphore(%arg17 : memref<!tpu.dma_semaphore, #tpu.memory_space<semaphore_mem>>)
            %slice3A_443 = vector.extract_strided_slice %get3A_299 {offsets = [5], sizes = [1], strides = [1]} : vector<16xi32> to vector<1xi32>
            %squeeze3A_444 = vector.extract %slice3A_443[0] : i32 from vector<1xi32>
            %sub3A_445 = arith.subi %squeeze3A_444, %mul3A_233 : i32
            %broadcast_in_dim3A_446 = vector.broadcast %sub3A_445 : i32 to vector<16xi32>
            %gather3A_447 = tpu.vector_load_idx %arg10[%iota3A, %broadcast_in_dim3A_446] : memref<32x1024xf32, #tpu.memory_space<vmem>>[vector<16xi32>, vector<16xi32>], vector<16xf32>,
            %add3A_448 = arith.constant 16 : i32
            %add3A_449 = vector.broadcast %add3A_448 : i32 to vector<16xi32>
            %add3A_450 = arith.addi %iota3A, %add3A_449 : vector<16xi32>
            %gather3A_451 = tpu.vector_load_idx %arg10[%add3A_450, %broadcast_in_dim3A_446] : memref<32x1024xf32, #tpu.memory_space<vmem>>[vector<16xi32>, vector<16xi32>], vector<16xf32>,
            %add3A_452 = arith.constant 160 : i32
            %add3A_453 = arith.addi %mul3A_296, %add3A_452 : i32
            %swap3A_454 = arith.index_cast %add3A_453 : i32 to index
            %swap3A_455 = tpu.vector_load %arg12[%swap3A_454] {strides = array<i32>} : memref<1024xf32, #tpu.memory_space<vmem>>, vector<16xf32>,
            tpu.vector_store %arg12[%swap3A_454], %gather3A_447 {strides = array<i32>} : memref<1024xf32, #tpu.memory_space<vmem>>, vector<16xf32>,
            %add3A_456 = arith.constant 160 : i32
            %add3A_457 = arith.addi %mul3A_296, %add3A_456 : i32
            %add3A_458 = arith.constant 16 : i32
            %add3A_459 = arith.addi %add3A_457, %add3A_458 : i32
            %swap3A_460 = arith.index_cast %add3A_459 : i32 to index
            %swap3A_461 = tpu.vector_load %arg12[%swap3A_460] {strides = array<i32>} : memref<1024xf32, #tpu.memory_space<vmem>>, vector<16xf32>,
            tpu.vector_store %arg12[%swap3A_460], %gather3A_451 {strides = array<i32>} : memref<1024xf32, #tpu.memory_space<vmem>>, vector<16xf32>,
            %add3A_462 = arith.constant 160 : i32
            %add3A_463 = arith.addi %mul3A_296, %add3A_462 : i32
            %slice3A_464 = vector.extract_strided_slice %get3A_303 {offsets = [5], sizes = [1], strides = [1]} : vector<16xi32> to vector<1xi32>
            %squeeze3A_465 = vector.extract %slice3A_464[0] : i32 from vector<1xi32>
            %mul3A_466 = arith.constant 32 : i32
            %mul3A_467 = arith.muli %squeeze3A_465, %mul3A_466 : i32
            %dma_start3A_468 = tpu.memref_slice %arg12[%add3A_463] : memref<1024xf32, #tpu.memory_space<vmem>> -> memref<32xf32, #tpu.memory_space<vmem>>
            %dma_start3A_469 = tpu.memref_slice %arg16[%mul3A_467] : memref<65536xf32, #tpu.memory_space<vmem_shared>> -> memref<32xf32, #tpu.memory_space<vmem_shared>>
            %dma_start3A_470 = tpu.memref_slice %arg16[%mul3A_467] : memref<65536xf32, #tpu.memory_space<vmem_shared>> -> memref<32xf32, #tpu.memory_space<vmem_shared>>
            %dma_start3A_471 = tpu.memref_slice %arg12[%add3A_463] : memref<1024xf32, #tpu.memory_space<vmem>> -> memref<32xf32, #tpu.memory_space<vmem>>
            tpu.enqueue_dma source(%dma_start3A_471 : memref<32xf32, #tpu.memory_space<vmem>>) target(%dma_start3A_470 : memref<32xf32, #tpu.memory_space<vmem_shared>>) target_semaphore(%arg17 : memref<!tpu.dma_semaphore, #tpu.memory_space<semaphore_mem>>)
            %slice3A_472 = vector.extract_strided_slice %get3A_299 {offsets = [6], sizes = [1], strides = [1]} : vector<16xi32> to vector<1xi32>
            %squeeze3A_473 = vector.extract %slice3A_472[0] : i32 from vector<1xi32>
            %sub3A_474 = arith.subi %squeeze3A_473, %mul3A_233 : i32
            %broadcast_in_dim3A_475 = vector.broadcast %sub3A_474 : i32 to vector<16xi32>
            %gather3A_476 = tpu.vector_load_idx %arg10[%iota3A, %broadcast_in_dim3A_475] : memref<32x1024xf32, #tpu.memory_space<vmem>>[vector<16xi32>, vector<16xi32>], vector<16xf32>,
            %add3A_477 = arith.constant 16 : i32
            %add3A_478 = vector.broadcast %add3A_477 : i32 to vector<16xi32>
            %add3A_479 = arith.addi %iota3A, %add3A_478 : vector<16xi32>
            %gather3A_480 = tpu.vector_load_idx %arg10[%add3A_479, %broadcast_in_dim3A_475] : memref<32x1024xf32, #tpu.memory_space<vmem>>[vector<16xi32>, vector<16xi32>], vector<16xf32>,
            %add3A_481 = arith.constant 192 : i32
            %add3A_482 = arith.addi %mul3A_296, %add3A_481 : i32
            %swap3A_483 = arith.index_cast %add3A_482 : i32 to index
            %swap3A_484 = tpu.vector_load %arg12[%swap3A_483] {strides = array<i32>} : memref<1024xf32, #tpu.memory_space<vmem>>, vector<16xf32>,
            tpu.vector_store %arg12[%swap3A_483], %gather3A_476 {strides = array<i32>} : memref<1024xf32, #tpu.memory_space<vmem>>, vector<16xf32>,
            %add3A_485 = arith.constant 192 : i32
            %add3A_486 = arith.addi %mul3A_296, %add3A_485 : i32
            %add3A_487 = arith.constant 16 : i32
            %add3A_488 = arith.addi %add3A_486, %add3A_487 : i32
            %swap3A_489 = arith.index_cast %add3A_488 : i32 to index
            %swap3A_490 = tpu.vector_load %arg12[%swap3A_489] {strides = array<i32>} : memref<1024xf32, #tpu.memory_space<vmem>>, vector<16xf32>,
            tpu.vector_store %arg12[%swap3A_489], %gather3A_480 {strides = array<i32>} : memref<1024xf32, #tpu.memory_space<vmem>>, vector<16xf32>,
            %add3A_491 = arith.constant 192 : i32
            %add3A_492 = arith.addi %mul3A_296, %add3A_491 : i32
            %slice3A_493 = vector.extract_strided_slice %get3A_303 {offsets = [6], sizes = [1], strides = [1]} : vector<16xi32> to vector<1xi32>
            %squeeze3A_494 = vector.extract %slice3A_493[0] : i32 from vector<1xi32>
            %mul3A_495 = arith.constant 32 : i32
            %mul3A_496 = arith.muli %squeeze3A_494, %mul3A_495 : i32
            %dma_start3A_497 = tpu.memref_slice %arg12[%add3A_492] : memref<1024xf32, #tpu.memory_space<vmem>> -> memref<32xf32, #tpu.memory_space<vmem>>
            %dma_start3A_498 = tpu.memref_slice %arg16[%mul3A_496] : memref<65536xf32, #tpu.memory_space<vmem_shared>> -> memref<32xf32, #tpu.memory_space<vmem_shared>>
            %dma_start3A_499 = tpu.memref_slice %arg16[%mul3A_496] : memref<65536xf32, #tpu.memory_space<vmem_shared>> -> memref<32xf32, #tpu.memory_space<vmem_shared>>
            %dma_start3A_500 = tpu.memref_slice %arg12[%add3A_492] : memref<1024xf32, #tpu.memory_space<vmem>> -> memref<32xf32, #tpu.memory_space<vmem>>
            tpu.enqueue_dma source(%dma_start3A_500 : memref<32xf32, #tpu.memory_space<vmem>>) target(%dma_start3A_499 : memref<32xf32, #tpu.memory_space<vmem_shared>>) target_semaphore(%arg17 : memref<!tpu.dma_semaphore, #tpu.memory_space<semaphore_mem>>)
            %slice3A_501 = vector.extract_strided_slice %get3A_299 {offsets = [7], sizes = [1], strides = [1]} : vector<16xi32> to vector<1xi32>
            %squeeze3A_502 = vector.extract %slice3A_501[0] : i32 from vector<1xi32>
            %sub3A_503 = arith.subi %squeeze3A_502, %mul3A_233 : i32
            %broadcast_in_dim3A_504 = vector.broadcast %sub3A_503 : i32 to vector<16xi32>
            %gather3A_505 = tpu.vector_load_idx %arg10[%iota3A, %broadcast_in_dim3A_504] : memref<32x1024xf32, #tpu.memory_space<vmem>>[vector<16xi32>, vector<16xi32>], vector<16xf32>,
            %add3A_506 = arith.constant 16 : i32
            %add3A_507 = vector.broadcast %add3A_506 : i32 to vector<16xi32>
            %add3A_508 = arith.addi %iota3A, %add3A_507 : vector<16xi32>
            %gather3A_509 = tpu.vector_load_idx %arg10[%add3A_508, %broadcast_in_dim3A_504] : memref<32x1024xf32, #tpu.memory_space<vmem>>[vector<16xi32>, vector<16xi32>], vector<16xf32>,
            %add3A_510 = arith.constant 224 : i32
            %add3A_511 = arith.addi %mul3A_296, %add3A_510 : i32
            %swap3A_512 = arith.index_cast %add3A_511 : i32 to index
            %swap3A_513 = tpu.vector_load %arg12[%swap3A_512] {strides = array<i32>} : memref<1024xf32, #tpu.memory_space<vmem>>, vector<16xf32>,
            tpu.vector_store %arg12[%swap3A_512], %gather3A_505 {strides = array<i32>} : memref<1024xf32, #tpu.memory_space<vmem>>, vector<16xf32>,
            %add3A_514 = arith.constant 224 : i32
            %add3A_515 = arith.addi %mul3A_296, %add3A_514 : i32
            %add3A_516 = arith.constant 16 : i32
            %add3A_517 = arith.addi %add3A_515, %add3A_516 : i32
            %swap3A_518 = arith.index_cast %add3A_517 : i32 to index
            %swap3A_519 = tpu.vector_load %arg12[%swap3A_518] {strides = array<i32>} : memref<1024xf32, #tpu.memory_space<vmem>>, vector<16xf32>,
            tpu.vector_store %arg12[%swap3A_518], %gather3A_509 {strides = array<i32>} : memref<1024xf32, #tpu.memory_space<vmem>>, vector<16xf32>,
            %add3A_520 = arith.constant 224 : i32
            %add3A_521 = arith.addi %mul3A_296, %add3A_520 : i32
            %slice3A_522 = vector.extract_strided_slice %get3A_303 {offsets = [7], sizes = [1], strides = [1]} : vector<16xi32> to vector<1xi32>
            %squeeze3A_523 = vector.extract %slice3A_522[0] : i32 from vector<1xi32>
            %mul3A_524 = arith.constant 32 : i32
            %mul3A_525 = arith.muli %squeeze3A_523, %mul3A_524 : i32
            %dma_start3A_526 = tpu.memref_slice %arg12[%add3A_521] : memref<1024xf32, #tpu.memory_space<vmem>> -> memref<32xf32, #tpu.memory_space<vmem>>
            %dma_start3A_527 = tpu.memref_slice %arg16[%mul3A_525] : memref<65536xf32, #tpu.memory_space<vmem_shared>> -> memref<32xf32, #tpu.memory_space<vmem_shared>>
            %dma_start3A_528 = tpu.memref_slice %arg16[%mul3A_525] : memref<65536xf32, #tpu.memory_space<vmem_shared>> -> memref<32xf32, #tpu.memory_space<vmem_shared>>
            %dma_start3A_529 = tpu.memref_slice %arg12[%add3A_521] : memref<1024xf32, #tpu.memory_space<vmem>> -> memref<32xf32, #tpu.memory_space<vmem>>
            tpu.enqueue_dma source(%dma_start3A_529 : memref<32xf32, #tpu.memory_space<vmem>>) target(%dma_start3A_528 : memref<32xf32, #tpu.memory_space<vmem_shared>>) target_semaphore(%arg17 : memref<!tpu.dma_semaphore, #tpu.memory_space<semaphore_mem>>)
            %slice3A_530 = vector.extract_strided_slice %get3A_299 {offsets = [8], sizes = [1], strides = [1]} : vector<16xi32> to vector<1xi32>
            %squeeze3A_531 = vector.extract %slice3A_530[0] : i32 from vector<1xi32>
            %sub3A_532 = arith.subi %squeeze3A_531, %mul3A_233 : i32
            %broadcast_in_dim3A_533 = vector.broadcast %sub3A_532 : i32 to vector<16xi32>
            %gather3A_534 = tpu.vector_load_idx %arg10[%iota3A, %broadcast_in_dim3A_533] : memref<32x1024xf32, #tpu.memory_space<vmem>>[vector<16xi32>, vector<16xi32>], vector<16xf32>,
            %add3A_535 = arith.constant 16 : i32
            %add3A_536 = vector.broadcast %add3A_535 : i32 to vector<16xi32>
            %add3A_537 = arith.addi %iota3A, %add3A_536 : vector<16xi32>
            %gather3A_538 = tpu.vector_load_idx %arg10[%add3A_537, %broadcast_in_dim3A_533] : memref<32x1024xf32, #tpu.memory_space<vmem>>[vector<16xi32>, vector<16xi32>], vector<16xf32>,
            %add3A_539 = arith.constant 256 : i32
            %add3A_540 = arith.addi %mul3A_296, %add3A_539 : i32
            %swap3A_541 = arith.index_cast %add3A_540 : i32 to index
            %swap3A_542 = tpu.vector_load %arg12[%swap3A_541] {strides = array<i32>} : memref<1024xf32, #tpu.memory_space<vmem>>, vector<16xf32>,
            tpu.vector_store %arg12[%swap3A_541], %gather3A_534 {strides = array<i32>} : memref<1024xf32, #tpu.memory_space<vmem>>, vector<16xf32>,
            %add3A_543 = arith.constant 256 : i32
            %add3A_544 = arith.addi %mul3A_296, %add3A_543 : i32
            %add3A_545 = arith.constant 16 : i32
            %add3A_546 = arith.addi %add3A_544, %add3A_545 : i32
            %swap3A_547 = arith.index_cast %add3A_546 : i32 to index
            %swap3A_548 = tpu.vector_load %arg12[%swap3A_547] {strides = array<i32>} : memref<1024xf32, #tpu.memory_space<vmem>>, vector<16xf32>,
            tpu.vector_store %arg12[%swap3A_547], %gather3A_538 {strides = array<i32>} : memref<1024xf32, #tpu.memory_space<vmem>>, vector<16xf32>,
            %add3A_549 = arith.constant 256 : i32
            %add3A_550 = arith.addi %mul3A_296, %add3A_549 : i32
            %slice3A_551 = vector.extract_strided_slice %get3A_303 {offsets = [8], sizes = [1], strides = [1]} : vector<16xi32> to vector<1xi32>
            %squeeze3A_552 = vector.extract %slice3A_551[0] : i32 from vector<1xi32>
            %mul3A_553 = arith.constant 32 : i32
            %mul3A_554 = arith.muli %squeeze3A_552, %mul3A_553 : i32
            %dma_start3A_555 = tpu.memref_slice %arg12[%add3A_550] : memref<1024xf32, #tpu.memory_space<vmem>> -> memref<32xf32, #tpu.memory_space<vmem>>
            %dma_start3A_556 = tpu.memref_slice %arg16[%mul3A_554] : memref<65536xf32, #tpu.memory_space<vmem_shared>> -> memref<32xf32, #tpu.memory_space<vmem_shared>>
            %dma_start3A_557 = tpu.memref_slice %arg16[%mul3A_554] : memref<65536xf32, #tpu.memory_space<vmem_shared>> -> memref<32xf32, #tpu.memory_space<vmem_shared>>
            %dma_start3A_558 = tpu.memref_slice %arg12[%add3A_550] : memref<1024xf32, #tpu.memory_space<vmem>> -> memref<32xf32, #tpu.memory_space<vmem>>
            tpu.enqueue_dma source(%dma_start3A_558 : memref<32xf32, #tpu.memory_space<vmem>>) target(%dma_start3A_557 : memref<32xf32, #tpu.memory_space<vmem_shared>>) target_semaphore(%arg17 : memref<!tpu.dma_semaphore, #tpu.memory_space<semaphore_mem>>)
            %slice3A_559 = vector.extract_strided_slice %get3A_299 {offsets = [9], sizes = [1], strides = [1]} : vector<16xi32> to vector<1xi32>
            %squeeze3A_560 = vector.extract %slice3A_559[0] : i32 from vector<1xi32>
            %sub3A_561 = arith.subi %squeeze3A_560, %mul3A_233 : i32
            %broadcast_in_dim3A_562 = vector.broadcast %sub3A_561 : i32 to vector<16xi32>
            %gather3A_563 = tpu.vector_load_idx %arg10[%iota3A, %broadcast_in_dim3A_562] : memref<32x1024xf32, #tpu.memory_space<vmem>>[vector<16xi32>, vector<16xi32>], vector<16xf32>,
            %add3A_564 = arith.constant 16 : i32
            %add3A_565 = vector.broadcast %add3A_564 : i32 to vector<16xi32>
            %add3A_566 = arith.addi %iota3A, %add3A_565 : vector<16xi32>
            %gather3A_567 = tpu.vector_load_idx %arg10[%add3A_566, %broadcast_in_dim3A_562] : memref<32x1024xf32, #tpu.memory_space<vmem>>[vector<16xi32>, vector<16xi32>], vector<16xf32>,
            %add3A_568 = arith.constant 288 : i32
            %add3A_569 = arith.addi %mul3A_296, %add3A_568 : i32
            %swap3A_570 = arith.index_cast %add3A_569 : i32 to index
            %swap3A_571 = tpu.vector_load %arg12[%swap3A_570] {strides = array<i32>} : memref<1024xf32, #tpu.memory_space<vmem>>, vector<16xf32>,
            tpu.vector_store %arg12[%swap3A_570], %gather3A_563 {strides = array<i32>} : memref<1024xf32, #tpu.memory_space<vmem>>, vector<16xf32>,
            %add3A_572 = arith.constant 288 : i32
            %add3A_573 = arith.addi %mul3A_296, %add3A_572 : i32
            %add3A_574 = arith.constant 16 : i32
            %add3A_575 = arith.addi %add3A_573, %add3A_574 : i32
            %swap3A_576 = arith.index_cast %add3A_575 : i32 to index
            %swap3A_577 = tpu.vector_load %arg12[%swap3A_576] {strides = array<i32>} : memref<1024xf32, #tpu.memory_space<vmem>>, vector<16xf32>,
            tpu.vector_store %arg12[%swap3A_576], %gather3A_567 {strides = array<i32>} : memref<1024xf32, #tpu.memory_space<vmem>>, vector<16xf32>,
            %add3A_578 = arith.constant 288 : i32
            %add3A_579 = arith.addi %mul3A_296, %add3A_578 : i32
            %slice3A_580 = vector.extract_strided_slice %get3A_303 {offsets = [9], sizes = [1], strides = [1]} : vector<16xi32> to vector<1xi32>
            %squeeze3A_581 = vector.extract %slice3A_580[0] : i32 from vector<1xi32>
            %mul3A_582 = arith.constant 32 : i32
            %mul3A_583 = arith.muli %squeeze3A_581, %mul3A_582 : i32
            %dma_start3A_584 = tpu.memref_slice %arg12[%add3A_579] : memref<1024xf32, #tpu.memory_space<vmem>> -> memref<32xf32, #tpu.memory_space<vmem>>
            %dma_start3A_585 = tpu.memref_slice %arg16[%mul3A_583] : memref<65536xf32, #tpu.memory_space<vmem_shared>> -> memref<32xf32, #tpu.memory_space<vmem_shared>>
            %dma_start3A_586 = tpu.memref_slice %arg16[%mul3A_583] : memref<65536xf32, #tpu.memory_space<vmem_shared>> -> memref<32xf32, #tpu.memory_space<vmem_shared>>
            %dma_start3A_587 = tpu.memref_slice %arg12[%add3A_579] : memref<1024xf32, #tpu.memory_space<vmem>> -> memref<32xf32, #tpu.memory_space<vmem>>
            tpu.enqueue_dma source(%dma_start3A_587 : memref<32xf32, #tpu.memory_space<vmem>>) target(%dma_start3A_586 : memref<32xf32, #tpu.memory_space<vmem_shared>>) target_semaphore(%arg17 : memref<!tpu.dma_semaphore, #tpu.memory_space<semaphore_mem>>)
            %slice3A_588 = vector.extract_strided_slice %get3A_299 {offsets = [10], sizes = [1], strides = [1]} : vector<16xi32> to vector<1xi32>
            %squeeze3A_589 = vector.extract %slice3A_588[0] : i32 from vector<1xi32>
            %sub3A_590 = arith.subi %squeeze3A_589, %mul3A_233 : i32
            %broadcast_in_dim3A_591 = vector.broadcast %sub3A_590 : i32 to vector<16xi32>
            %gather3A_592 = tpu.vector_load_idx %arg10[%iota3A, %broadcast_in_dim3A_591] : memref<32x1024xf32, #tpu.memory_space<vmem>>[vector<16xi32>, vector<16xi32>], vector<16xf32>,
            %add3A_593 = arith.constant 16 : i32
            %add3A_594 = vector.broadcast %add3A_593 : i32 to vector<16xi32>
            %add3A_595 = arith.addi %iota3A, %add3A_594 : vector<16xi32>
            %gather3A_596 = tpu.vector_load_idx %arg10[%add3A_595, %broadcast_in_dim3A_591] : memref<32x1024xf32, #tpu.memory_space<vmem>>[vector<16xi32>, vector<16xi32>], vector<16xf32>,
            %add3A_597 = arith.constant 320 : i32
            %add3A_598 = arith.addi %mul3A_296, %add3A_597 : i32
            %swap3A_599 = arith.index_cast %add3A_598 : i32 to index
            %swap3A_600 = tpu.vector_load %arg12[%swap3A_599] {strides = array<i32>} : memref<1024xf32, #tpu.memory_space<vmem>>, vector<16xf32>,
            tpu.vector_store %arg12[%swap3A_599], %gather3A_592 {strides = array<i32>} : memref<1024xf32, #tpu.memory_space<vmem>>, vector<16xf32>,
            %add3A_601 = arith.constant 320 : i32
            %add3A_602 = arith.addi %mul3A_296, %add3A_601 : i32
            %add3A_603 = arith.constant 16 : i32
            %add3A_604 = arith.addi %add3A_602, %add3A_603 : i32
            %swap3A_605 = arith.index_cast %add3A_604 : i32 to index
            %swap3A_606 = tpu.vector_load %arg12[%swap3A_605] {strides = array<i32>} : memref<1024xf32, #tpu.memory_space<vmem>>, vector<16xf32>,
            tpu.vector_store %arg12[%swap3A_605], %gather3A_596 {strides = array<i32>} : memref<1024xf32, #tpu.memory_space<vmem>>, vector<16xf32>,
            %add3A_607 = arith.constant 320 : i32
            %add3A_608 = arith.addi %mul3A_296, %add3A_607 : i32
            %slice3A_609 = vector.extract_strided_slice %get3A_303 {offsets = [10], sizes = [1], strides = [1]} : vector<16xi32> to vector<1xi32>
            %squeeze3A_610 = vector.extract %slice3A_609[0] : i32 from vector<1xi32>
            %mul3A_611 = arith.constant 32 : i32
            %mul3A_612 = arith.muli %squeeze3A_610, %mul3A_611 : i32
            %dma_start3A_613 = tpu.memref_slice %arg12[%add3A_608] : memref<1024xf32, #tpu.memory_space<vmem>> -> memref<32xf32, #tpu.memory_space<vmem>>
            %dma_start3A_614 = tpu.memref_slice %arg16[%mul3A_612] : memref<65536xf32, #tpu.memory_space<vmem_shared>> -> memref<32xf32, #tpu.memory_space<vmem_shared>>
            %dma_start3A_615 = tpu.memref_slice %arg16[%mul3A_612] : memref<65536xf32, #tpu.memory_space<vmem_shared>> -> memref<32xf32, #tpu.memory_space<vmem_shared>>
            %dma_start3A_616 = tpu.memref_slice %arg12[%add3A_608] : memref<1024xf32, #tpu.memory_space<vmem>> -> memref<32xf32, #tpu.memory_space<vmem>>
            tpu.enqueue_dma source(%dma_start3A_616 : memref<32xf32, #tpu.memory_space<vmem>>) target(%dma_start3A_615 : memref<32xf32, #tpu.memory_space<vmem_shared>>) target_semaphore(%arg17 : memref<!tpu.dma_semaphore, #tpu.memory_space<semaphore_mem>>)
            %slice3A_617 = vector.extract_strided_slice %get3A_299 {offsets = [11], sizes = [1], strides = [1]} : vector<16xi32> to vector<1xi32>
            %squeeze3A_618 = vector.extract %slice3A_617[0] : i32 from vector<1xi32>
            %sub3A_619 = arith.subi %squeeze3A_618, %mul3A_233 : i32
            %broadcast_in_dim3A_620 = vector.broadcast %sub3A_619 : i32 to vector<16xi32>
            %gather3A_621 = tpu.vector_load_idx %arg10[%iota3A, %broadcast_in_dim3A_620] : memref<32x1024xf32, #tpu.memory_space<vmem>>[vector<16xi32>, vector<16xi32>], vector<16xf32>,
            %add3A_622 = arith.constant 16 : i32
            %add3A_623 = vector.broadcast %add3A_622 : i32 to vector<16xi32>
            %add3A_624 = arith.addi %iota3A, %add3A_623 : vector<16xi32>
            %gather3A_625 = tpu.vector_load_idx %arg10[%add3A_624, %broadcast_in_dim3A_620] : memref<32x1024xf32, #tpu.memory_space<vmem>>[vector<16xi32>, vector<16xi32>], vector<16xf32>,
            %add3A_626 = arith.constant 352 : i32
            %add3A_627 = arith.addi %mul3A_296, %add3A_626 : i32
            %swap3A_628 = arith.index_cast %add3A_627 : i32 to index
            %swap3A_629 = tpu.vector_load %arg12[%swap3A_628] {strides = array<i32>} : memref<1024xf32, #tpu.memory_space<vmem>>, vector<16xf32>,
            tpu.vector_store %arg12[%swap3A_628], %gather3A_621 {strides = array<i32>} : memref<1024xf32, #tpu.memory_space<vmem>>, vector<16xf32>,
            %add3A_630 = arith.constant 352 : i32
            %add3A_631 = arith.addi %mul3A_296, %add3A_630 : i32
            %add3A_632 = arith.constant 16 : i32
            %add3A_633 = arith.addi %add3A_631, %add3A_632 : i32
            %swap3A_634 = arith.index_cast %add3A_633 : i32 to index
            %swap3A_635 = tpu.vector_load %arg12[%swap3A_634] {strides = array<i32>} : memref<1024xf32, #tpu.memory_space<vmem>>, vector<16xf32>,
            tpu.vector_store %arg12[%swap3A_634], %gather3A_625 {strides = array<i32>} : memref<1024xf32, #tpu.memory_space<vmem>>, vector<16xf32>,
            %add3A_636 = arith.constant 352 : i32
            %add3A_637 = arith.addi %mul3A_296, %add3A_636 : i32
            %slice3A_638 = vector.extract_strided_slice %get3A_303 {offsets = [11], sizes = [1], strides = [1]} : vector<16xi32> to vector<1xi32>
            %squeeze3A_639 = vector.extract %slice3A_638[0] : i32 from vector<1xi32>
            %mul3A_640 = arith.constant 32 : i32
            %mul3A_641 = arith.muli %squeeze3A_639, %mul3A_640 : i32
            %dma_start3A_642 = tpu.memref_slice %arg12[%add3A_637] : memref<1024xf32, #tpu.memory_space<vmem>> -> memref<32xf32, #tpu.memory_space<vmem>>
            %dma_start3A_643 = tpu.memref_slice %arg16[%mul3A_641] : memref<65536xf32, #tpu.memory_space<vmem_shared>> -> memref<32xf32, #tpu.memory_space<vmem_shared>>
            %dma_start3A_644 = tpu.memref_slice %arg16[%mul3A_641] : memref<65536xf32, #tpu.memory_space<vmem_shared>> -> memref<32xf32, #tpu.memory_space<vmem_shared>>
            %dma_start3A_645 = tpu.memref_slice %arg12[%add3A_637] : memref<1024xf32, #tpu.memory_space<vmem>> -> memref<32xf32, #tpu.memory_space<vmem>>
            tpu.enqueue_dma source(%dma_start3A_645 : memref<32xf32, #tpu.memory_space<vmem>>) target(%dma_start3A_644 : memref<32xf32, #tpu.memory_space<vmem_shared>>) target_semaphore(%arg17 : memref<!tpu.dma_semaphore, #tpu.memory_space<semaphore_mem>>)
            %slice3A_646 = vector.extract_strided_slice %get3A_299 {offsets = [12], sizes = [1], strides = [1]} : vector<16xi32> to vector<1xi32>
            %squeeze3A_647 = vector.extract %slice3A_646[0] : i32 from vector<1xi32>
            %sub3A_648 = arith.subi %squeeze3A_647, %mul3A_233 : i32
            %broadcast_in_dim3A_649 = vector.broadcast %sub3A_648 : i32 to vector<16xi32>
            %gather3A_650 = tpu.vector_load_idx %arg10[%iota3A, %broadcast_in_dim3A_649] : memref<32x1024xf32, #tpu.memory_space<vmem>>[vector<16xi32>, vector<16xi32>], vector<16xf32>,
            %add3A_651 = arith.constant 16 : i32
            %add3A_652 = vector.broadcast %add3A_651 : i32 to vector<16xi32>
            %add3A_653 = arith.addi %iota3A, %add3A_652 : vector<16xi32>
            %gather3A_654 = tpu.vector_load_idx %arg10[%add3A_653, %broadcast_in_dim3A_649] : memref<32x1024xf32, #tpu.memory_space<vmem>>[vector<16xi32>, vector<16xi32>], vector<16xf32>,
            %add3A_655 = arith.constant 384 : i32
            %add3A_656 = arith.addi %mul3A_296, %add3A_655 : i32
            %swap3A_657 = arith.index_cast %add3A_656 : i32 to index
            %swap3A_658 = tpu.vector_load %arg12[%swap3A_657] {strides = array<i32>} : memref<1024xf32, #tpu.memory_space<vmem>>, vector<16xf32>,
            tpu.vector_store %arg12[%swap3A_657], %gather3A_650 {strides = array<i32>} : memref<1024xf32, #tpu.memory_space<vmem>>, vector<16xf32>,
            %add3A_659 = arith.constant 384 : i32
            %add3A_660 = arith.addi %mul3A_296, %add3A_659 : i32
            %add3A_661 = arith.constant 16 : i32
            %add3A_662 = arith.addi %add3A_660, %add3A_661 : i32
            %swap3A_663 = arith.index_cast %add3A_662 : i32 to index
            %swap3A_664 = tpu.vector_load %arg12[%swap3A_663] {strides = array<i32>} : memref<1024xf32, #tpu.memory_space<vmem>>, vector<16xf32>,
            tpu.vector_store %arg12[%swap3A_663], %gather3A_654 {strides = array<i32>} : memref<1024xf32, #tpu.memory_space<vmem>>, vector<16xf32>,
            %add3A_665 = arith.constant 384 : i32
            %add3A_666 = arith.addi %mul3A_296, %add3A_665 : i32
            %slice3A_667 = vector.extract_strided_slice %get3A_303 {offsets = [12], sizes = [1], strides = [1]} : vector<16xi32> to vector<1xi32>
            %squeeze3A_668 = vector.extract %slice3A_667[0] : i32 from vector<1xi32>
            %mul3A_669 = arith.constant 32 : i32
            %mul3A_670 = arith.muli %squeeze3A_668, %mul3A_669 : i32
            %dma_start3A_671 = tpu.memref_slice %arg12[%add3A_666] : memref<1024xf32, #tpu.memory_space<vmem>> -> memref<32xf32, #tpu.memory_space<vmem>>
            %dma_start3A_672 = tpu.memref_slice %arg16[%mul3A_670] : memref<65536xf32, #tpu.memory_space<vmem_shared>> -> memref<32xf32, #tpu.memory_space<vmem_shared>>
            %dma_start3A_673 = tpu.memref_slice %arg16[%mul3A_670] : memref<65536xf32, #tpu.memory_space<vmem_shared>> -> memref<32xf32, #tpu.memory_space<vmem_shared>>
            %dma_start3A_674 = tpu.memref_slice %arg12[%add3A_666] : memref<1024xf32, #tpu.memory_space<vmem>> -> memref<32xf32, #tpu.memory_space<vmem>>
            tpu.enqueue_dma source(%dma_start3A_674 : memref<32xf32, #tpu.memory_space<vmem>>) target(%dma_start3A_673 : memref<32xf32, #tpu.memory_space<vmem_shared>>) target_semaphore(%arg17 : memref<!tpu.dma_semaphore, #tpu.memory_space<semaphore_mem>>)
            %slice3A_675 = vector.extract_strided_slice %get3A_299 {offsets = [13], sizes = [1], strides = [1]} : vector<16xi32> to vector<1xi32>
            %squeeze3A_676 = vector.extract %slice3A_675[0] : i32 from vector<1xi32>
            %sub3A_677 = arith.subi %squeeze3A_676, %mul3A_233 : i32
            %broadcast_in_dim3A_678 = vector.broadcast %sub3A_677 : i32 to vector<16xi32>
            %gather3A_679 = tpu.vector_load_idx %arg10[%iota3A, %broadcast_in_dim3A_678] : memref<32x1024xf32, #tpu.memory_space<vmem>>[vector<16xi32>, vector<16xi32>], vector<16xf32>,
            %add3A_680 = arith.constant 16 : i32
            %add3A_681 = vector.broadcast %add3A_680 : i32 to vector<16xi32>
            %add3A_682 = arith.addi %iota3A, %add3A_681 : vector<16xi32>
            %gather3A_683 = tpu.vector_load_idx %arg10[%add3A_682, %broadcast_in_dim3A_678] : memref<32x1024xf32, #tpu.memory_space<vmem>>[vector<16xi32>, vector<16xi32>], vector<16xf32>,
            %add3A_684 = arith.constant 416 : i32
            %add3A_685 = arith.addi %mul3A_296, %add3A_684 : i32
            %swap3A_686 = arith.index_cast %add3A_685 : i32 to index
            %swap3A_687 = tpu.vector_load %arg12[%swap3A_686] {strides = array<i32>} : memref<1024xf32, #tpu.memory_space<vmem>>, vector<16xf32>,
            tpu.vector_store %arg12[%swap3A_686], %gather3A_679 {strides = array<i32>} : memref<1024xf32, #tpu.memory_space<vmem>>, vector<16xf32>,
            %add3A_688 = arith.constant 416 : i32
            %add3A_689 = arith.addi %mul3A_296, %add3A_688 : i32
            %add3A_690 = arith.constant 16 : i32
            %add3A_691 = arith.addi %add3A_689, %add3A_690 : i32
            %swap3A_692 = arith.index_cast %add3A_691 : i32 to index
            %swap3A_693 = tpu.vector_load %arg12[%swap3A_692] {strides = array<i32>} : memref<1024xf32, #tpu.memory_space<vmem>>, vector<16xf32>,
            tpu.vector_store %arg12[%swap3A_692], %gather3A_683 {strides = array<i32>} : memref<1024xf32, #tpu.memory_space<vmem>>, vector<16xf32>,
            %add3A_694 = arith.constant 416 : i32
            %add3A_695 = arith.addi %mul3A_296, %add3A_694 : i32
            %slice3A_696 = vector.extract_strided_slice %get3A_303 {offsets = [13], sizes = [1], strides = [1]} : vector<16xi32> to vector<1xi32>
            %squeeze3A_697 = vector.extract %slice3A_696[0] : i32 from vector<1xi32>
            %mul3A_698 = arith.constant 32 : i32
            %mul3A_699 = arith.muli %squeeze3A_697, %mul3A_698 : i32
            %dma_start3A_700 = tpu.memref_slice %arg12[%add3A_695] : memref<1024xf32, #tpu.memory_space<vmem>> -> memref<32xf32, #tpu.memory_space<vmem>>
            %dma_start3A_701 = tpu.memref_slice %arg16[%mul3A_699] : memref<65536xf32, #tpu.memory_space<vmem_shared>> -> memref<32xf32, #tpu.memory_space<vmem_shared>>
            %dma_start3A_702 = tpu.memref_slice %arg16[%mul3A_699] : memref<65536xf32, #tpu.memory_space<vmem_shared>> -> memref<32xf32, #tpu.memory_space<vmem_shared>>
            %dma_start3A_703 = tpu.memref_slice %arg12[%add3A_695] : memref<1024xf32, #tpu.memory_space<vmem>> -> memref<32xf32, #tpu.memory_space<vmem>>
            tpu.enqueue_dma source(%dma_start3A_703 : memref<32xf32, #tpu.memory_space<vmem>>) target(%dma_start3A_702 : memref<32xf32, #tpu.memory_space<vmem_shared>>) target_semaphore(%arg17 : memref<!tpu.dma_semaphore, #tpu.memory_space<semaphore_mem>>)
            %slice3A_704 = vector.extract_strided_slice %get3A_299 {offsets = [14], sizes = [1], strides = [1]} : vector<16xi32> to vector<1xi32>
            %squeeze3A_705 = vector.extract %slice3A_704[0] : i32 from vector<1xi32>
            %sub3A_706 = arith.subi %squeeze3A_705, %mul3A_233 : i32
            %broadcast_in_dim3A_707 = vector.broadcast %sub3A_706 : i32 to vector<16xi32>
            %gather3A_708 = tpu.vector_load_idx %arg10[%iota3A, %broadcast_in_dim3A_707] : memref<32x1024xf32, #tpu.memory_space<vmem>>[vector<16xi32>, vector<16xi32>], vector<16xf32>,
            %add3A_709 = arith.constant 16 : i32
            %add3A_710 = vector.broadcast %add3A_709 : i32 to vector<16xi32>
            %add3A_711 = arith.addi %iota3A, %add3A_710 : vector<16xi32>
            %gather3A_712 = tpu.vector_load_idx %arg10[%add3A_711, %broadcast_in_dim3A_707] : memref<32x1024xf32, #tpu.memory_space<vmem>>[vector<16xi32>, vector<16xi32>], vector<16xf32>,
            %add3A_713 = arith.constant 448 : i32
            %add3A_714 = arith.addi %mul3A_296, %add3A_713 : i32
            %swap3A_715 = arith.index_cast %add3A_714 : i32 to index
            %swap3A_716 = tpu.vector_load %arg12[%swap3A_715] {strides = array<i32>} : memref<1024xf32, #tpu.memory_space<vmem>>, vector<16xf32>,
            tpu.vector_store %arg12[%swap3A_715], %gather3A_708 {strides = array<i32>} : memref<1024xf32, #tpu.memory_space<vmem>>, vector<16xf32>,
            %add3A_717 = arith.constant 448 : i32
            %add3A_718 = arith.addi %mul3A_296, %add3A_717 : i32
            %add3A_719 = arith.constant 16 : i32
            %add3A_720 = arith.addi %add3A_718, %add3A_719 : i32
            %swap3A_721 = arith.index_cast %add3A_720 : i32 to index
            %swap3A_722 = tpu.vector_load %arg12[%swap3A_721] {strides = array<i32>} : memref<1024xf32, #tpu.memory_space<vmem>>, vector<16xf32>,
            tpu.vector_store %arg12[%swap3A_721], %gather3A_712 {strides = array<i32>} : memref<1024xf32, #tpu.memory_space<vmem>>, vector<16xf32>,
            %add3A_723 = arith.constant 448 : i32
            %add3A_724 = arith.addi %mul3A_296, %add3A_723 : i32
            %slice3A_725 = vector.extract_strided_slice %get3A_303 {offsets = [14], sizes = [1], strides = [1]} : vector<16xi32> to vector<1xi32>
            %squeeze3A_726 = vector.extract %slice3A_725[0] : i32 from vector<1xi32>
            %mul3A_727 = arith.constant 32 : i32
            %mul3A_728 = arith.muli %squeeze3A_726, %mul3A_727 : i32
            %dma_start3A_729 = tpu.memref_slice %arg12[%add3A_724] : memref<1024xf32, #tpu.memory_space<vmem>> -> memref<32xf32, #tpu.memory_space<vmem>>
            %dma_start3A_730 = tpu.memref_slice %arg16[%mul3A_728] : memref<65536xf32, #tpu.memory_space<vmem_shared>> -> memref<32xf32, #tpu.memory_space<vmem_shared>>
            %dma_start3A_731 = tpu.memref_slice %arg16[%mul3A_728] : memref<65536xf32, #tpu.memory_space<vmem_shared>> -> memref<32xf32, #tpu.memory_space<vmem_shared>>
            %dma_start3A_732 = tpu.memref_slice %arg12[%add3A_724] : memref<1024xf32, #tpu.memory_space<vmem>> -> memref<32xf32, #tpu.memory_space<vmem>>
            tpu.enqueue_dma source(%dma_start3A_732 : memref<32xf32, #tpu.memory_space<vmem>>) target(%dma_start3A_731 : memref<32xf32, #tpu.memory_space<vmem_shared>>) target_semaphore(%arg17 : memref<!tpu.dma_semaphore, #tpu.memory_space<semaphore_mem>>)
            %slice3A_733 = vector.extract_strided_slice %get3A_299 {offsets = [15], sizes = [1], strides = [1]} : vector<16xi32> to vector<1xi32>
            %squeeze3A_734 = vector.extract %slice3A_733[0] : i32 from vector<1xi32>
            %sub3A_735 = arith.subi %squeeze3A_734, %mul3A_233 : i32
            %broadcast_in_dim3A_736 = vector.broadcast %sub3A_735 : i32 to vector<16xi32>
            %gather3A_737 = tpu.vector_load_idx %arg10[%iota3A, %broadcast_in_dim3A_736] : memref<32x1024xf32, #tpu.memory_space<vmem>>[vector<16xi32>, vector<16xi32>], vector<16xf32>,
            %add3A_738 = arith.constant 16 : i32
            %add3A_739 = vector.broadcast %add3A_738 : i32 to vector<16xi32>
            %add3A_740 = arith.addi %iota3A, %add3A_739 : vector<16xi32>
            %gather3A_741 = tpu.vector_load_idx %arg10[%add3A_740, %broadcast_in_dim3A_736] : memref<32x1024xf32, #tpu.memory_space<vmem>>[vector<16xi32>, vector<16xi32>], vector<16xf32>,
            %add3A_742 = arith.constant 480 : i32
            %add3A_743 = arith.addi %mul3A_296, %add3A_742 : i32
            %swap3A_744 = arith.index_cast %add3A_743 : i32 to index
            %swap3A_745 = tpu.vector_load %arg12[%swap3A_744] {strides = array<i32>} : memref<1024xf32, #tpu.memory_space<vmem>>, vector<16xf32>,
            tpu.vector_store %arg12[%swap3A_744], %gather3A_737 {strides = array<i32>} : memref<1024xf32, #tpu.memory_space<vmem>>, vector<16xf32>,
            %add3A_746 = arith.constant 480 : i32
            %add3A_747 = arith.addi %mul3A_296, %add3A_746 : i32
            %add3A_748 = arith.constant 16 : i32
            %add3A_749 = arith.addi %add3A_747, %add3A_748 : i32
            %swap3A_750 = arith.index_cast %add3A_749 : i32 to index
            %swap3A_751 = tpu.vector_load %arg12[%swap3A_750] {strides = array<i32>} : memref<1024xf32, #tpu.memory_space<vmem>>, vector<16xf32>,
            tpu.vector_store %arg12[%swap3A_750], %gather3A_741 {strides = array<i32>} : memref<1024xf32, #tpu.memory_space<vmem>>, vector<16xf32>,
            %add3A_752 = arith.constant 480 : i32
            %add3A_753 = arith.addi %mul3A_296, %add3A_752 : i32
            %slice3A_754 = vector.extract_strided_slice %get3A_303 {offsets = [15], sizes = [1], strides = [1]} : vector<16xi32> to vector<1xi32>
            %squeeze3A_755 = vector.extract %slice3A_754[0] : i32 from vector<1xi32>
            %mul3A_756 = arith.constant 32 : i32
            %mul3A_757 = arith.muli %squeeze3A_755, %mul3A_756 : i32
            %dma_start3A_758 = tpu.memref_slice %arg12[%add3A_753] : memref<1024xf32, #tpu.memory_space<vmem>> -> memref<32xf32, #tpu.memory_space<vmem>>
            %dma_start3A_759 = tpu.memref_slice %arg16[%mul3A_757] : memref<65536xf32, #tpu.memory_space<vmem_shared>> -> memref<32xf32, #tpu.memory_space<vmem_shared>>
            %dma_start3A_760 = tpu.memref_slice %arg16[%mul3A_757] : memref<65536xf32, #tpu.memory_space<vmem_shared>> -> memref<32xf32, #tpu.memory_space<vmem_shared>>
            %dma_start3A_761 = tpu.memref_slice %arg12[%add3A_753] : memref<1024xf32, #tpu.memory_space<vmem>> -> memref<32xf32, #tpu.memory_space<vmem>>
            tpu.enqueue_dma source(%dma_start3A_761 : memref<32xf32, #tpu.memory_space<vmem>>) target(%dma_start3A_760 : memref<32xf32, #tpu.memory_space<vmem_shared>>) target_semaphore(%arg17 : memref<!tpu.dma_semaphore, #tpu.memory_space<semaphore_mem>>)
            %while3A_762 = arith.constant 0 : i32
            %while3A_763 = arith.constant 0 : i32
            %while3A_764 = arith.subi %while3A_292, %while3A_762 : i32
            %while3A_765 = arith.addi %while3A_762, %while3A_764 : i32
            %while3A_766 = arith.constant 1 : i32
            %while3A_767 = arith.divsi %while3A_764, %while3A_766 : i32
            %while3A_768 = arith.muli %while3A_767, %while3A_766 : i32
            %while3A_769 = arith.addi %while3A_762, %while3A_768 : i32
            %while3A_770 = arith.constant 1 : i32
            %while3A_771 = scf.for %while3A_775 = %while3A_762 to %while3A_769 step %while3A_770 iter_args(%while3A_776 = %while3A_763) -> (i32)  : i32 {
              %dma_wait3A = arith.constant 0 : i32
              %dma_wait3A_777 = tpu.memref_slice %arg3[%dma_wait3A] : memref<4096xi32, #tpu.memory_space<hbm>> -> memref<32xi32, #tpu.memory_space<hbm>>
              %dma_wait3A_778 = arith.constant 0 : i32
              %dma_wait3A_779 = tpu.memref_slice %arg3[%dma_wait3A_778] : memref<4096xi32, #tpu.memory_space<hbm>> -> memref<32xi32, #tpu.memory_space<hbm>>
              tpu.wait_dma2 semaphore(%arg17 : memref<!tpu.dma_semaphore, #tpu.memory_space<semaphore_mem>>) src(%dma_wait3A_779 : memref<32xi32, #tpu.memory_space<hbm>>) dst(%arg15 : memref<32xi32, #tpu.memory_space<vmem>>)
              %while3A_780 = arith.constant 0 : i32
              scf.yield %while3A_780 : i32
            }
            %while3A_772 = arith.constant 1 : i32
            %while3A_773 = scf.for %while3A_775 = %while3A_769 to %while3A_765 step %while3A_772 iter_args(%while3A_776 = %while3A_771) -> (i32)  : i32 {
              %dma_wait3A = arith.constant 0 : i32
              %dma_wait3A_777 = tpu.memref_slice %arg3[%dma_wait3A] : memref<4096xi32, #tpu.memory_space<hbm>> -> memref<32xi32, #tpu.memory_space<hbm>>
              %dma_wait3A_778 = arith.constant 0 : i32
              %dma_wait3A_779 = tpu.memref_slice %arg3[%dma_wait3A_778] : memref<4096xi32, #tpu.memory_space<hbm>> -> memref<32xi32, #tpu.memory_space<hbm>>
              tpu.wait_dma2 semaphore(%arg17 : memref<!tpu.dma_semaphore, #tpu.memory_space<semaphore_mem>>) src(%dma_wait3A_779 : memref<32xi32, #tpu.memory_space<hbm>>) dst(%arg15 : memref<32xi32, #tpu.memory_space<vmem>>)
              %while3A_780 = arith.constant 0 : i32
              scf.yield %while3A_780 : i32
            }
            %while3A_774 = arith.constant 16 : i32
            scf.yield %while3A_774 : i32
          }
          %mul3A_270 = arith.constant 16 : i32
          %mul3A_271 = arith.muli %select_n3A_257, %mul3A_270 : i32
          %sub3A_272 = arith.subi %while3A_169, %mul3A_271 : i32
          %gt3A_273 = arith.constant 0 : i32
          %gt3A_274 = arith.cmpi sgt, %sub3A_272, %gt3A_273 : i32
          %convert_element_type3A_275 = arith.extui %gt3A_274 : i1 to i32
          %cond3A_276 = arith.constant 0 : i32
          %cond3A_277 = arith.cmpi ne, %convert_element_type3A_275, %cond3A_276 : i32
          scf.if %cond3A_277 {
            %rem3A_291 = arith.constant 2 : i32
            %rem3A_292 = arith.remsi %select_n3A_257, %rem3A_291 : i32
            %mul3A_293 = arith.constant 512 : i32
            %mul3A_294 = arith.muli %rem3A_292, %mul3A_293 : i32
            %mul3A_295 = arith.constant 16 : i32
            %mul3A_296 = arith.muli %select_n3A_257, %mul3A_295 : i32
            %get3A = arith.index_cast %mul3A_296 : i32 to index
            %get3A_297 = tpu.vector_load %arg8[%get3A] {strides = array<i32>} : memref<2064xi32, #tpu.memory_space<vmem>>, vector<16xi32>,
            %mul3A_298 = arith.constant 16 : i32
            %mul3A_299 = arith.muli %select_n3A_257, %mul3A_298 : i32
            %get3A_300 = arith.index_cast %mul3A_299 : i32 to index
            %get3A_301 = tpu.vector_load %arg9[%get3A_300] {strides = array<i32>} : memref<2064xi32, #tpu.memory_space<vmem>>, vector<16xi32>,
            %mul3A_302 = arith.constant 16 : i32
            %mul3A_303 = arith.muli %select_n3A_257, %mul3A_302 : i32
            %add3A_304 = arith.constant 0 : i32
            %add3A_305 = arith.addi %mul3A_303, %add3A_304 : i32
            %lt3A_306 = arith.cmpi slt, %add3A_305, %while3A_169 : i32
            %convert_element_type3A_307 = arith.extui %lt3A_306 : i1 to i32
            %cond3A_308 = arith.constant 0 : i32
            %cond3A_309 = arith.cmpi ne, %convert_element_type3A_307, %cond3A_308 : i32
            scf.if %cond3A_309 {
              %slice3A = vector.extract_strided_slice %get3A_297 {offsets = [0], sizes = [1], strides = [1]} : vector<16xi32> to vector<1xi32>
              %squeeze3A = vector.extract %slice3A[0] : i32 from vector<1xi32>
              %sub3A_430 = arith.subi %squeeze3A, %mul3A_233 : i32
              %broadcast_in_dim3A = vector.broadcast %sub3A_430 : i32 to vector<16xi32>
              %gather3A = tpu.vector_load_idx %arg10[%iota3A, %broadcast_in_dim3A] : memref<32x1024xf32, #tpu.memory_space<vmem>>[vector<16xi32>, vector<16xi32>], vector<16xf32>,
              %add3A_431 = arith.constant 16 : i32
              %add3A_432 = vector.broadcast %add3A_431 : i32 to vector<16xi32>
              %add3A_433 = arith.addi %iota3A, %add3A_432 : vector<16xi32>
              %gather3A_434 = tpu.vector_load_idx %arg10[%add3A_433, %broadcast_in_dim3A] : memref<32x1024xf32, #tpu.memory_space<vmem>>[vector<16xi32>, vector<16xi32>], vector<16xf32>,
              %add3A_435 = arith.constant 0 : i32
              %add3A_436 = arith.addi %mul3A_294, %add3A_435 : i32
              %swap3A = arith.index_cast %add3A_436 : i32 to index
              %swap3A_437 = tpu.vector_load %arg12[%swap3A] {strides = array<i32>} : memref<1024xf32, #tpu.memory_space<vmem>>, vector<16xf32>,
              tpu.vector_store %arg12[%swap3A], %gather3A {strides = array<i32>} : memref<1024xf32, #tpu.memory_space<vmem>>, vector<16xf32>,
              %add3A_438 = arith.constant 0 : i32
              %add3A_439 = arith.addi %mul3A_294, %add3A_438 : i32
              %add3A_440 = arith.constant 16 : i32
              %add3A_441 = arith.addi %add3A_439, %add3A_440 : i32
              %swap3A_442 = arith.index_cast %add3A_441 : i32 to index
              %swap3A_443 = tpu.vector_load %arg12[%swap3A_442] {strides = array<i32>} : memref<1024xf32, #tpu.memory_space<vmem>>, vector<16xf32>,
              tpu.vector_store %arg12[%swap3A_442], %gather3A_434 {strides = array<i32>} : memref<1024xf32, #tpu.memory_space<vmem>>, vector<16xf32>,
              %add3A_444 = arith.constant 0 : i32
              %add3A_445 = arith.addi %mul3A_294, %add3A_444 : i32
              %slice3A_446 = vector.extract_strided_slice %get3A_301 {offsets = [0], sizes = [1], strides = [1]} : vector<16xi32> to vector<1xi32>
              %squeeze3A_447 = vector.extract %slice3A_446[0] : i32 from vector<1xi32>
              %mul3A_448 = arith.constant 32 : i32
              %mul3A_449 = arith.muli %squeeze3A_447, %mul3A_448 : i32
              %dma_start3A = tpu.memref_slice %arg12[%add3A_445] : memref<1024xf32, #tpu.memory_space<vmem>> -> memref<32xf32, #tpu.memory_space<vmem>>
              %dma_start3A_450 = tpu.memref_slice %arg16[%mul3A_449] : memref<65536xf32, #tpu.memory_space<vmem_shared>> -> memref<32xf32, #tpu.memory_space<vmem_shared>>
              %dma_start3A_451 = tpu.memref_slice %arg16[%mul3A_449] : memref<65536xf32, #tpu.memory_space<vmem_shared>> -> memref<32xf32, #tpu.memory_space<vmem_shared>>
              %dma_start3A_452 = tpu.memref_slice %arg12[%add3A_445] : memref<1024xf32, #tpu.memory_space<vmem>> -> memref<32xf32, #tpu.memory_space<vmem>>
              tpu.enqueue_dma source(%dma_start3A_452 : memref<32xf32, #tpu.memory_space<vmem>>) target(%dma_start3A_451 : memref<32xf32, #tpu.memory_space<vmem_shared>>) target_semaphore(%arg17 : memref<!tpu.dma_semaphore, #tpu.memory_space<semaphore_mem>>)
            } else {
            }
            %mul3A_310 = arith.constant 16 : i32
            %mul3A_311 = arith.muli %select_n3A_257, %mul3A_310 : i32
            %add3A_312 = arith.constant 1 : i32
            %add3A_313 = arith.addi %mul3A_311, %add3A_312 : i32
            %lt3A_314 = arith.cmpi slt, %add3A_313, %while3A_169 : i32
            %convert_element_type3A_315 = arith.extui %lt3A_314 : i1 to i32
            %cond3A_316 = arith.constant 0 : i32
            %cond3A_317 = arith.cmpi ne, %convert_element_type3A_315, %cond3A_316 : i32
            scf.if %cond3A_317 {
              %slice3A = vector.extract_strided_slice %get3A_297 {offsets = [1], sizes = [1], strides = [1]} : vector<16xi32> to vector<1xi32>
              %squeeze3A = vector.extract %slice3A[0] : i32 from vector<1xi32>
              %sub3A_430 = arith.subi %squeeze3A, %mul3A_233 : i32
              %broadcast_in_dim3A = vector.broadcast %sub3A_430 : i32 to vector<16xi32>
              %gather3A = tpu.vector_load_idx %arg10[%iota3A, %broadcast_in_dim3A] : memref<32x1024xf32, #tpu.memory_space<vmem>>[vector<16xi32>, vector<16xi32>], vector<16xf32>,
              %add3A_431 = arith.constant 16 : i32
              %add3A_432 = vector.broadcast %add3A_431 : i32 to vector<16xi32>
              %add3A_433 = arith.addi %iota3A, %add3A_432 : vector<16xi32>
              %gather3A_434 = tpu.vector_load_idx %arg10[%add3A_433, %broadcast_in_dim3A] : memref<32x1024xf32, #tpu.memory_space<vmem>>[vector<16xi32>, vector<16xi32>], vector<16xf32>,
              %add3A_435 = arith.constant 32 : i32
              %add3A_436 = arith.addi %mul3A_294, %add3A_435 : i32
              %swap3A = arith.index_cast %add3A_436 : i32 to index
              %swap3A_437 = tpu.vector_load %arg12[%swap3A] {strides = array<i32>} : memref<1024xf32, #tpu.memory_space<vmem>>, vector<16xf32>,
              tpu.vector_store %arg12[%swap3A], %gather3A {strides = array<i32>} : memref<1024xf32, #tpu.memory_space<vmem>>, vector<16xf32>,
              %add3A_438 = arith.constant 32 : i32
              %add3A_439 = arith.addi %mul3A_294, %add3A_438 : i32
              %add3A_440 = arith.constant 16 : i32
              %add3A_441 = arith.addi %add3A_439, %add3A_440 : i32
              %swap3A_442 = arith.index_cast %add3A_441 : i32 to index
              %swap3A_443 = tpu.vector_load %arg12[%swap3A_442] {strides = array<i32>} : memref<1024xf32, #tpu.memory_space<vmem>>, vector<16xf32>,
              tpu.vector_store %arg12[%swap3A_442], %gather3A_434 {strides = array<i32>} : memref<1024xf32, #tpu.memory_space<vmem>>, vector<16xf32>,
              %add3A_444 = arith.constant 32 : i32
              %add3A_445 = arith.addi %mul3A_294, %add3A_444 : i32
              %slice3A_446 = vector.extract_strided_slice %get3A_301 {offsets = [1], sizes = [1], strides = [1]} : vector<16xi32> to vector<1xi32>
              %squeeze3A_447 = vector.extract %slice3A_446[0] : i32 from vector<1xi32>
              %mul3A_448 = arith.constant 32 : i32
              %mul3A_449 = arith.muli %squeeze3A_447, %mul3A_448 : i32
              %dma_start3A = tpu.memref_slice %arg12[%add3A_445] : memref<1024xf32, #tpu.memory_space<vmem>> -> memref<32xf32, #tpu.memory_space<vmem>>
              %dma_start3A_450 = tpu.memref_slice %arg16[%mul3A_449] : memref<65536xf32, #tpu.memory_space<vmem_shared>> -> memref<32xf32, #tpu.memory_space<vmem_shared>>
              %dma_start3A_451 = tpu.memref_slice %arg16[%mul3A_449] : memref<65536xf32, #tpu.memory_space<vmem_shared>> -> memref<32xf32, #tpu.memory_space<vmem_shared>>
              %dma_start3A_452 = tpu.memref_slice %arg12[%add3A_445] : memref<1024xf32, #tpu.memory_space<vmem>> -> memref<32xf32, #tpu.memory_space<vmem>>
              tpu.enqueue_dma source(%dma_start3A_452 : memref<32xf32, #tpu.memory_space<vmem>>) target(%dma_start3A_451 : memref<32xf32, #tpu.memory_space<vmem_shared>>) target_semaphore(%arg17 : memref<!tpu.dma_semaphore, #tpu.memory_space<semaphore_mem>>)
            } else {
            }
            %mul3A_318 = arith.constant 16 : i32
            %mul3A_319 = arith.muli %select_n3A_257, %mul3A_318 : i32
            %add3A_320 = arith.constant 2 : i32
            %add3A_321 = arith.addi %mul3A_319, %add3A_320 : i32
            %lt3A_322 = arith.cmpi slt, %add3A_321, %while3A_169 : i32
            %convert_element_type3A_323 = arith.extui %lt3A_322 : i1 to i32
            %cond3A_324 = arith.constant 0 : i32
            %cond3A_325 = arith.cmpi ne, %convert_element_type3A_323, %cond3A_324 : i32
            scf.if %cond3A_325 {
              %slice3A = vector.extract_strided_slice %get3A_297 {offsets = [2], sizes = [1], strides = [1]} : vector<16xi32> to vector<1xi32>
              %squeeze3A = vector.extract %slice3A[0] : i32 from vector<1xi32>
              %sub3A_430 = arith.subi %squeeze3A, %mul3A_233 : i32
              %broadcast_in_dim3A = vector.broadcast %sub3A_430 : i32 to vector<16xi32>
              %gather3A = tpu.vector_load_idx %arg10[%iota3A, %broadcast_in_dim3A] : memref<32x1024xf32, #tpu.memory_space<vmem>>[vector<16xi32>, vector<16xi32>], vector<16xf32>,
              %add3A_431 = arith.constant 16 : i32
              %add3A_432 = vector.broadcast %add3A_431 : i32 to vector<16xi32>
              %add3A_433 = arith.addi %iota3A, %add3A_432 : vector<16xi32>
              %gather3A_434 = tpu.vector_load_idx %arg10[%add3A_433, %broadcast_in_dim3A] : memref<32x1024xf32, #tpu.memory_space<vmem>>[vector<16xi32>, vector<16xi32>], vector<16xf32>,
              %add3A_435 = arith.constant 64 : i32
              %add3A_436 = arith.addi %mul3A_294, %add3A_435 : i32
              %swap3A = arith.index_cast %add3A_436 : i32 to index
              %swap3A_437 = tpu.vector_load %arg12[%swap3A] {strides = array<i32>} : memref<1024xf32, #tpu.memory_space<vmem>>, vector<16xf32>,
              tpu.vector_store %arg12[%swap3A], %gather3A {strides = array<i32>} : memref<1024xf32, #tpu.memory_space<vmem>>, vector<16xf32>,
              %add3A_438 = arith.constant 64 : i32
              %add3A_439 = arith.addi %mul3A_294, %add3A_438 : i32
              %add3A_440 = arith.constant 16 : i32
              %add3A_441 = arith.addi %add3A_439, %add3A_440 : i32
              %swap3A_442 = arith.index_cast %add3A_441 : i32 to index
              %swap3A_443 = tpu.vector_load %arg12[%swap3A_442] {strides = array<i32>} : memref<1024xf32, #tpu.memory_space<vmem>>, vector<16xf32>,
              tpu.vector_store %arg12[%swap3A_442], %gather3A_434 {strides = array<i32>} : memref<1024xf32, #tpu.memory_space<vmem>>, vector<16xf32>,
              %add3A_444 = arith.constant 64 : i32
              %add3A_445 = arith.addi %mul3A_294, %add3A_444 : i32
              %slice3A_446 = vector.extract_strided_slice %get3A_301 {offsets = [2], sizes = [1], strides = [1]} : vector<16xi32> to vector<1xi32>
              %squeeze3A_447 = vector.extract %slice3A_446[0] : i32 from vector<1xi32>
              %mul3A_448 = arith.constant 32 : i32
              %mul3A_449 = arith.muli %squeeze3A_447, %mul3A_448 : i32
              %dma_start3A = tpu.memref_slice %arg12[%add3A_445] : memref<1024xf32, #tpu.memory_space<vmem>> -> memref<32xf32, #tpu.memory_space<vmem>>
              %dma_start3A_450 = tpu.memref_slice %arg16[%mul3A_449] : memref<65536xf32, #tpu.memory_space<vmem_shared>> -> memref<32xf32, #tpu.memory_space<vmem_shared>>
              %dma_start3A_451 = tpu.memref_slice %arg16[%mul3A_449] : memref<65536xf32, #tpu.memory_space<vmem_shared>> -> memref<32xf32, #tpu.memory_space<vmem_shared>>
              %dma_start3A_452 = tpu.memref_slice %arg12[%add3A_445] : memref<1024xf32, #tpu.memory_space<vmem>> -> memref<32xf32, #tpu.memory_space<vmem>>
              tpu.enqueue_dma source(%dma_start3A_452 : memref<32xf32, #tpu.memory_space<vmem>>) target(%dma_start3A_451 : memref<32xf32, #tpu.memory_space<vmem_shared>>) target_semaphore(%arg17 : memref<!tpu.dma_semaphore, #tpu.memory_space<semaphore_mem>>)
            } else {
            }
            %mul3A_326 = arith.constant 16 : i32
            %mul3A_327 = arith.muli %select_n3A_257, %mul3A_326 : i32
            %add3A_328 = arith.constant 3 : i32
            %add3A_329 = arith.addi %mul3A_327, %add3A_328 : i32
            %lt3A_330 = arith.cmpi slt, %add3A_329, %while3A_169 : i32
            %convert_element_type3A_331 = arith.extui %lt3A_330 : i1 to i32
            %cond3A_332 = arith.constant 0 : i32
            %cond3A_333 = arith.cmpi ne, %convert_element_type3A_331, %cond3A_332 : i32
            scf.if %cond3A_333 {
              %slice3A = vector.extract_strided_slice %get3A_297 {offsets = [3], sizes = [1], strides = [1]} : vector<16xi32> to vector<1xi32>
              %squeeze3A = vector.extract %slice3A[0] : i32 from vector<1xi32>
              %sub3A_430 = arith.subi %squeeze3A, %mul3A_233 : i32
              %broadcast_in_dim3A = vector.broadcast %sub3A_430 : i32 to vector<16xi32>
              %gather3A = tpu.vector_load_idx %arg10[%iota3A, %broadcast_in_dim3A] : memref<32x1024xf32, #tpu.memory_space<vmem>>[vector<16xi32>, vector<16xi32>], vector<16xf32>,
              %add3A_431 = arith.constant 16 : i32
              %add3A_432 = vector.broadcast %add3A_431 : i32 to vector<16xi32>
              %add3A_433 = arith.addi %iota3A, %add3A_432 : vector<16xi32>
              %gather3A_434 = tpu.vector_load_idx %arg10[%add3A_433, %broadcast_in_dim3A] : memref<32x1024xf32, #tpu.memory_space<vmem>>[vector<16xi32>, vector<16xi32>], vector<16xf32>,
              %add3A_435 = arith.constant 96 : i32
              %add3A_436 = arith.addi %mul3A_294, %add3A_435 : i32
              %swap3A = arith.index_cast %add3A_436 : i32 to index
              %swap3A_437 = tpu.vector_load %arg12[%swap3A] {strides = array<i32>} : memref<1024xf32, #tpu.memory_space<vmem>>, vector<16xf32>,
              tpu.vector_store %arg12[%swap3A], %gather3A {strides = array<i32>} : memref<1024xf32, #tpu.memory_space<vmem>>, vector<16xf32>,
              %add3A_438 = arith.constant 96 : i32
              %add3A_439 = arith.addi %mul3A_294, %add3A_438 : i32
              %add3A_440 = arith.constant 16 : i32
              %add3A_441 = arith.addi %add3A_439, %add3A_440 : i32
              %swap3A_442 = arith.index_cast %add3A_441 : i32 to index
              %swap3A_443 = tpu.vector_load %arg12[%swap3A_442] {strides = array<i32>} : memref<1024xf32, #tpu.memory_space<vmem>>, vector<16xf32>,
              tpu.vector_store %arg12[%swap3A_442], %gather3A_434 {strides = array<i32>} : memref<1024xf32, #tpu.memory_space<vmem>>, vector<16xf32>,
              %add3A_444 = arith.constant 96 : i32
              %add3A_445 = arith.addi %mul3A_294, %add3A_444 : i32
              %slice3A_446 = vector.extract_strided_slice %get3A_301 {offsets = [3], sizes = [1], strides = [1]} : vector<16xi32> to vector<1xi32>
              %squeeze3A_447 = vector.extract %slice3A_446[0] : i32 from vector<1xi32>
              %mul3A_448 = arith.constant 32 : i32
              %mul3A_449 = arith.muli %squeeze3A_447, %mul3A_448 : i32
              %dma_start3A = tpu.memref_slice %arg12[%add3A_445] : memref<1024xf32, #tpu.memory_space<vmem>> -> memref<32xf32, #tpu.memory_space<vmem>>
              %dma_start3A_450 = tpu.memref_slice %arg16[%mul3A_449] : memref<65536xf32, #tpu.memory_space<vmem_shared>> -> memref<32xf32, #tpu.memory_space<vmem_shared>>
              %dma_start3A_451 = tpu.memref_slice %arg16[%mul3A_449] : memref<65536xf32, #tpu.memory_space<vmem_shared>> -> memref<32xf32, #tpu.memory_space<vmem_shared>>
              %dma_start3A_452 = tpu.memref_slice %arg12[%add3A_445] : memref<1024xf32, #tpu.memory_space<vmem>> -> memref<32xf32, #tpu.memory_space<vmem>>
              tpu.enqueue_dma source(%dma_start3A_452 : memref<32xf32, #tpu.memory_space<vmem>>) target(%dma_start3A_451 : memref<32xf32, #tpu.memory_space<vmem_shared>>) target_semaphore(%arg17 : memref<!tpu.dma_semaphore, #tpu.memory_space<semaphore_mem>>)
            } else {
            }
            %mul3A_334 = arith.constant 16 : i32
            %mul3A_335 = arith.muli %select_n3A_257, %mul3A_334 : i32
            %add3A_336 = arith.constant 4 : i32
            %add3A_337 = arith.addi %mul3A_335, %add3A_336 : i32
            %lt3A_338 = arith.cmpi slt, %add3A_337, %while3A_169 : i32
            %convert_element_type3A_339 = arith.extui %lt3A_338 : i1 to i32
            %cond3A_340 = arith.constant 0 : i32
            %cond3A_341 = arith.cmpi ne, %convert_element_type3A_339, %cond3A_340 : i32
            scf.if %cond3A_341 {
              %slice3A = vector.extract_strided_slice %get3A_297 {offsets = [4], sizes = [1], strides = [1]} : vector<16xi32> to vector<1xi32>
              %squeeze3A = vector.extract %slice3A[0] : i32 from vector<1xi32>
              %sub3A_430 = arith.subi %squeeze3A, %mul3A_233 : i32
              %broadcast_in_dim3A = vector.broadcast %sub3A_430 : i32 to vector<16xi32>
              %gather3A = tpu.vector_load_idx %arg10[%iota3A, %broadcast_in_dim3A] : memref<32x1024xf32, #tpu.memory_space<vmem>>[vector<16xi32>, vector<16xi32>], vector<16xf32>,
              %add3A_431 = arith.constant 16 : i32
              %add3A_432 = vector.broadcast %add3A_431 : i32 to vector<16xi32>
              %add3A_433 = arith.addi %iota3A, %add3A_432 : vector<16xi32>
              %gather3A_434 = tpu.vector_load_idx %arg10[%add3A_433, %broadcast_in_dim3A] : memref<32x1024xf32, #tpu.memory_space<vmem>>[vector<16xi32>, vector<16xi32>], vector<16xf32>,
              %add3A_435 = arith.constant 128 : i32
              %add3A_436 = arith.addi %mul3A_294, %add3A_435 : i32
              %swap3A = arith.index_cast %add3A_436 : i32 to index
              %swap3A_437 = tpu.vector_load %arg12[%swap3A] {strides = array<i32>} : memref<1024xf32, #tpu.memory_space<vmem>>, vector<16xf32>,
              tpu.vector_store %arg12[%swap3A], %gather3A {strides = array<i32>} : memref<1024xf32, #tpu.memory_space<vmem>>, vector<16xf32>,
              %add3A_438 = arith.constant 128 : i32
              %add3A_439 = arith.addi %mul3A_294, %add3A_438 : i32
              %add3A_440 = arith.constant 16 : i32
              %add3A_441 = arith.addi %add3A_439, %add3A_440 : i32
              %swap3A_442 = arith.index_cast %add3A_441 : i32 to index
              %swap3A_443 = tpu.vector_load %arg12[%swap3A_442] {strides = array<i32>} : memref<1024xf32, #tpu.memory_space<vmem>>, vector<16xf32>,
              tpu.vector_store %arg12[%swap3A_442], %gather3A_434 {strides = array<i32>} : memref<1024xf32, #tpu.memory_space<vmem>>, vector<16xf32>,
              %add3A_444 = arith.constant 128 : i32
              %add3A_445 = arith.addi %mul3A_294, %add3A_444 : i32
              %slice3A_446 = vector.extract_strided_slice %get3A_301 {offsets = [4], sizes = [1], strides = [1]} : vector<16xi32> to vector<1xi32>
              %squeeze3A_447 = vector.extract %slice3A_446[0] : i32 from vector<1xi32>
              %mul3A_448 = arith.constant 32 : i32
              %mul3A_449 = arith.muli %squeeze3A_447, %mul3A_448 : i32
              %dma_start3A = tpu.memref_slice %arg12[%add3A_445] : memref<1024xf32, #tpu.memory_space<vmem>> -> memref<32xf32, #tpu.memory_space<vmem>>
              %dma_start3A_450 = tpu.memref_slice %arg16[%mul3A_449] : memref<65536xf32, #tpu.memory_space<vmem_shared>> -> memref<32xf32, #tpu.memory_space<vmem_shared>>
              %dma_start3A_451 = tpu.memref_slice %arg16[%mul3A_449] : memref<65536xf32, #tpu.memory_space<vmem_shared>> -> memref<32xf32, #tpu.memory_space<vmem_shared>>
              %dma_start3A_452 = tpu.memref_slice %arg12[%add3A_445] : memref<1024xf32, #tpu.memory_space<vmem>> -> memref<32xf32, #tpu.memory_space<vmem>>
              tpu.enqueue_dma source(%dma_start3A_452 : memref<32xf32, #tpu.memory_space<vmem>>) target(%dma_start3A_451 : memref<32xf32, #tpu.memory_space<vmem_shared>>) target_semaphore(%arg17 : memref<!tpu.dma_semaphore, #tpu.memory_space<semaphore_mem>>)
            } else {
            }
            %mul3A_342 = arith.constant 16 : i32
            %mul3A_343 = arith.muli %select_n3A_257, %mul3A_342 : i32
            %add3A_344 = arith.constant 5 : i32
            %add3A_345 = arith.addi %mul3A_343, %add3A_344 : i32
            %lt3A_346 = arith.cmpi slt, %add3A_345, %while3A_169 : i32
            %convert_element_type3A_347 = arith.extui %lt3A_346 : i1 to i32
            %cond3A_348 = arith.constant 0 : i32
            %cond3A_349 = arith.cmpi ne, %convert_element_type3A_347, %cond3A_348 : i32
            scf.if %cond3A_349 {
              %slice3A = vector.extract_strided_slice %get3A_297 {offsets = [5], sizes = [1], strides = [1]} : vector<16xi32> to vector<1xi32>
              %squeeze3A = vector.extract %slice3A[0] : i32 from vector<1xi32>
              %sub3A_430 = arith.subi %squeeze3A, %mul3A_233 : i32
              %broadcast_in_dim3A = vector.broadcast %sub3A_430 : i32 to vector<16xi32>
              %gather3A = tpu.vector_load_idx %arg10[%iota3A, %broadcast_in_dim3A] : memref<32x1024xf32, #tpu.memory_space<vmem>>[vector<16xi32>, vector<16xi32>], vector<16xf32>,
              %add3A_431 = arith.constant 16 : i32
              %add3A_432 = vector.broadcast %add3A_431 : i32 to vector<16xi32>
              %add3A_433 = arith.addi %iota3A, %add3A_432 : vector<16xi32>
              %gather3A_434 = tpu.vector_load_idx %arg10[%add3A_433, %broadcast_in_dim3A] : memref<32x1024xf32, #tpu.memory_space<vmem>>[vector<16xi32>, vector<16xi32>], vector<16xf32>,
              %add3A_435 = arith.constant 160 : i32
              %add3A_436 = arith.addi %mul3A_294, %add3A_435 : i32
              %swap3A = arith.index_cast %add3A_436 : i32 to index
              %swap3A_437 = tpu.vector_load %arg12[%swap3A] {strides = array<i32>} : memref<1024xf32, #tpu.memory_space<vmem>>, vector<16xf32>,
              tpu.vector_store %arg12[%swap3A], %gather3A {strides = array<i32>} : memref<1024xf32, #tpu.memory_space<vmem>>, vector<16xf32>,
              %add3A_438 = arith.constant 160 : i32
              %add3A_439 = arith.addi %mul3A_294, %add3A_438 : i32
              %add3A_440 = arith.constant 16 : i32
              %add3A_441 = arith.addi %add3A_439, %add3A_440 : i32
              %swap3A_442 = arith.index_cast %add3A_441 : i32 to index
              %swap3A_443 = tpu.vector_load %arg12[%swap3A_442] {strides = array<i32>} : memref<1024xf32, #tpu.memory_space<vmem>>, vector<16xf32>,
              tpu.vector_store %arg12[%swap3A_442], %gather3A_434 {strides = array<i32>} : memref<1024xf32, #tpu.memory_space<vmem>>, vector<16xf32>,
              %add3A_444 = arith.constant 160 : i32
              %add3A_445 = arith.addi %mul3A_294, %add3A_444 : i32
              %slice3A_446 = vector.extract_strided_slice %get3A_301 {offsets = [5], sizes = [1], strides = [1]} : vector<16xi32> to vector<1xi32>
              %squeeze3A_447 = vector.extract %slice3A_446[0] : i32 from vector<1xi32>
              %mul3A_448 = arith.constant 32 : i32
              %mul3A_449 = arith.muli %squeeze3A_447, %mul3A_448 : i32
              %dma_start3A = tpu.memref_slice %arg12[%add3A_445] : memref<1024xf32, #tpu.memory_space<vmem>> -> memref<32xf32, #tpu.memory_space<vmem>>
              %dma_start3A_450 = tpu.memref_slice %arg16[%mul3A_449] : memref<65536xf32, #tpu.memory_space<vmem_shared>> -> memref<32xf32, #tpu.memory_space<vmem_shared>>
              %dma_start3A_451 = tpu.memref_slice %arg16[%mul3A_449] : memref<65536xf32, #tpu.memory_space<vmem_shared>> -> memref<32xf32, #tpu.memory_space<vmem_shared>>
              %dma_start3A_452 = tpu.memref_slice %arg12[%add3A_445] : memref<1024xf32, #tpu.memory_space<vmem>> -> memref<32xf32, #tpu.memory_space<vmem>>
              tpu.enqueue_dma source(%dma_start3A_452 : memref<32xf32, #tpu.memory_space<vmem>>) target(%dma_start3A_451 : memref<32xf32, #tpu.memory_space<vmem_shared>>) target_semaphore(%arg17 : memref<!tpu.dma_semaphore, #tpu.memory_space<semaphore_mem>>)
            } else {
            }
            %mul3A_350 = arith.constant 16 : i32
            %mul3A_351 = arith.muli %select_n3A_257, %mul3A_350 : i32
            %add3A_352 = arith.constant 6 : i32
            %add3A_353 = arith.addi %mul3A_351, %add3A_352 : i32
            %lt3A_354 = arith.cmpi slt, %add3A_353, %while3A_169 : i32
            %convert_element_type3A_355 = arith.extui %lt3A_354 : i1 to i32
            %cond3A_356 = arith.constant 0 : i32
            %cond3A_357 = arith.cmpi ne, %convert_element_type3A_355, %cond3A_356 : i32
            scf.if %cond3A_357 {
              %slice3A = vector.extract_strided_slice %get3A_297 {offsets = [6], sizes = [1], strides = [1]} : vector<16xi32> to vector<1xi32>
              %squeeze3A = vector.extract %slice3A[0] : i32 from vector<1xi32>
              %sub3A_430 = arith.subi %squeeze3A, %mul3A_233 : i32
              %broadcast_in_dim3A = vector.broadcast %sub3A_430 : i32 to vector<16xi32>
              %gather3A = tpu.vector_load_idx %arg10[%iota3A, %broadcast_in_dim3A] : memref<32x1024xf32, #tpu.memory_space<vmem>>[vector<16xi32>, vector<16xi32>], vector<16xf32>,
              %add3A_431 = arith.constant 16 : i32
              %add3A_432 = vector.broadcast %add3A_431 : i32 to vector<16xi32>
              %add3A_433 = arith.addi %iota3A, %add3A_432 : vector<16xi32>
              %gather3A_434 = tpu.vector_load_idx %arg10[%add3A_433, %broadcast_in_dim3A] : memref<32x1024xf32, #tpu.memory_space<vmem>>[vector<16xi32>, vector<16xi32>], vector<16xf32>,
              %add3A_435 = arith.constant 192 : i32
              %add3A_436 = arith.addi %mul3A_294, %add3A_435 : i32
              %swap3A = arith.index_cast %add3A_436 : i32 to index
              %swap3A_437 = tpu.vector_load %arg12[%swap3A] {strides = array<i32>} : memref<1024xf32, #tpu.memory_space<vmem>>, vector<16xf32>,
              tpu.vector_store %arg12[%swap3A], %gather3A {strides = array<i32>} : memref<1024xf32, #tpu.memory_space<vmem>>, vector<16xf32>,
              %add3A_438 = arith.constant 192 : i32
              %add3A_439 = arith.addi %mul3A_294, %add3A_438 : i32
              %add3A_440 = arith.constant 16 : i32
              %add3A_441 = arith.addi %add3A_439, %add3A_440 : i32
              %swap3A_442 = arith.index_cast %add3A_441 : i32 to index
              %swap3A_443 = tpu.vector_load %arg12[%swap3A_442] {strides = array<i32>} : memref<1024xf32, #tpu.memory_space<vmem>>, vector<16xf32>,
              tpu.vector_store %arg12[%swap3A_442], %gather3A_434 {strides = array<i32>} : memref<1024xf32, #tpu.memory_space<vmem>>, vector<16xf32>,
              %add3A_444 = arith.constant 192 : i32
              %add3A_445 = arith.addi %mul3A_294, %add3A_444 : i32
              %slice3A_446 = vector.extract_strided_slice %get3A_301 {offsets = [6], sizes = [1], strides = [1]} : vector<16xi32> to vector<1xi32>
              %squeeze3A_447 = vector.extract %slice3A_446[0] : i32 from vector<1xi32>
              %mul3A_448 = arith.constant 32 : i32
              %mul3A_449 = arith.muli %squeeze3A_447, %mul3A_448 : i32
              %dma_start3A = tpu.memref_slice %arg12[%add3A_445] : memref<1024xf32, #tpu.memory_space<vmem>> -> memref<32xf32, #tpu.memory_space<vmem>>
              %dma_start3A_450 = tpu.memref_slice %arg16[%mul3A_449] : memref<65536xf32, #tpu.memory_space<vmem_shared>> -> memref<32xf32, #tpu.memory_space<vmem_shared>>
              %dma_start3A_451 = tpu.memref_slice %arg16[%mul3A_449] : memref<65536xf32, #tpu.memory_space<vmem_shared>> -> memref<32xf32, #tpu.memory_space<vmem_shared>>
              %dma_start3A_452 = tpu.memref_slice %arg12[%add3A_445] : memref<1024xf32, #tpu.memory_space<vmem>> -> memref<32xf32, #tpu.memory_space<vmem>>
              tpu.enqueue_dma source(%dma_start3A_452 : memref<32xf32, #tpu.memory_space<vmem>>) target(%dma_start3A_451 : memref<32xf32, #tpu.memory_space<vmem_shared>>) target_semaphore(%arg17 : memref<!tpu.dma_semaphore, #tpu.memory_space<semaphore_mem>>)
            } else {
            }
            %mul3A_358 = arith.constant 16 : i32
            %mul3A_359 = arith.muli %select_n3A_257, %mul3A_358 : i32
            %add3A_360 = arith.constant 7 : i32
            %add3A_361 = arith.addi %mul3A_359, %add3A_360 : i32
            %lt3A_362 = arith.cmpi slt, %add3A_361, %while3A_169 : i32
            %convert_element_type3A_363 = arith.extui %lt3A_362 : i1 to i32
            %cond3A_364 = arith.constant 0 : i32
            %cond3A_365 = arith.cmpi ne, %convert_element_type3A_363, %cond3A_364 : i32
            scf.if %cond3A_365 {
              %slice3A = vector.extract_strided_slice %get3A_297 {offsets = [7], sizes = [1], strides = [1]} : vector<16xi32> to vector<1xi32>
              %squeeze3A = vector.extract %slice3A[0] : i32 from vector<1xi32>
              %sub3A_430 = arith.subi %squeeze3A, %mul3A_233 : i32
              %broadcast_in_dim3A = vector.broadcast %sub3A_430 : i32 to vector<16xi32>
              %gather3A = tpu.vector_load_idx %arg10[%iota3A, %broadcast_in_dim3A] : memref<32x1024xf32, #tpu.memory_space<vmem>>[vector<16xi32>, vector<16xi32>], vector<16xf32>,
              %add3A_431 = arith.constant 16 : i32
              %add3A_432 = vector.broadcast %add3A_431 : i32 to vector<16xi32>
              %add3A_433 = arith.addi %iota3A, %add3A_432 : vector<16xi32>
              %gather3A_434 = tpu.vector_load_idx %arg10[%add3A_433, %broadcast_in_dim3A] : memref<32x1024xf32, #tpu.memory_space<vmem>>[vector<16xi32>, vector<16xi32>], vector<16xf32>,
              %add3A_435 = arith.constant 224 : i32
              %add3A_436 = arith.addi %mul3A_294, %add3A_435 : i32
              %swap3A = arith.index_cast %add3A_436 : i32 to index
              %swap3A_437 = tpu.vector_load %arg12[%swap3A] {strides = array<i32>} : memref<1024xf32, #tpu.memory_space<vmem>>, vector<16xf32>,
              tpu.vector_store %arg12[%swap3A], %gather3A {strides = array<i32>} : memref<1024xf32, #tpu.memory_space<vmem>>, vector<16xf32>,
              %add3A_438 = arith.constant 224 : i32
              %add3A_439 = arith.addi %mul3A_294, %add3A_438 : i32
              %add3A_440 = arith.constant 16 : i32
              %add3A_441 = arith.addi %add3A_439, %add3A_440 : i32
              %swap3A_442 = arith.index_cast %add3A_441 : i32 to index
              %swap3A_443 = tpu.vector_load %arg12[%swap3A_442] {strides = array<i32>} : memref<1024xf32, #tpu.memory_space<vmem>>, vector<16xf32>,
              tpu.vector_store %arg12[%swap3A_442], %gather3A_434 {strides = array<i32>} : memref<1024xf32, #tpu.memory_space<vmem>>, vector<16xf32>,
              %add3A_444 = arith.constant 224 : i32
              %add3A_445 = arith.addi %mul3A_294, %add3A_444 : i32
              %slice3A_446 = vector.extract_strided_slice %get3A_301 {offsets = [7], sizes = [1], strides = [1]} : vector<16xi32> to vector<1xi32>
              %squeeze3A_447 = vector.extract %slice3A_446[0] : i32 from vector<1xi32>
              %mul3A_448 = arith.constant 32 : i32
              %mul3A_449 = arith.muli %squeeze3A_447, %mul3A_448 : i32
              %dma_start3A = tpu.memref_slice %arg12[%add3A_445] : memref<1024xf32, #tpu.memory_space<vmem>> -> memref<32xf32, #tpu.memory_space<vmem>>
              %dma_start3A_450 = tpu.memref_slice %arg16[%mul3A_449] : memref<65536xf32, #tpu.memory_space<vmem_shared>> -> memref<32xf32, #tpu.memory_space<vmem_shared>>
              %dma_start3A_451 = tpu.memref_slice %arg16[%mul3A_449] : memref<65536xf32, #tpu.memory_space<vmem_shared>> -> memref<32xf32, #tpu.memory_space<vmem_shared>>
              %dma_start3A_452 = tpu.memref_slice %arg12[%add3A_445] : memref<1024xf32, #tpu.memory_space<vmem>> -> memref<32xf32, #tpu.memory_space<vmem>>
              tpu.enqueue_dma source(%dma_start3A_452 : memref<32xf32, #tpu.memory_space<vmem>>) target(%dma_start3A_451 : memref<32xf32, #tpu.memory_space<vmem_shared>>) target_semaphore(%arg17 : memref<!tpu.dma_semaphore, #tpu.memory_space<semaphore_mem>>)
            } else {
            }
            %mul3A_366 = arith.constant 16 : i32
            %mul3A_367 = arith.muli %select_n3A_257, %mul3A_366 : i32
            %add3A_368 = arith.constant 8 : i32
            %add3A_369 = arith.addi %mul3A_367, %add3A_368 : i32
            %lt3A_370 = arith.cmpi slt, %add3A_369, %while3A_169 : i32
            %convert_element_type3A_371 = arith.extui %lt3A_370 : i1 to i32
            %cond3A_372 = arith.constant 0 : i32
            %cond3A_373 = arith.cmpi ne, %convert_element_type3A_371, %cond3A_372 : i32
            scf.if %cond3A_373 {
              %slice3A = vector.extract_strided_slice %get3A_297 {offsets = [8], sizes = [1], strides = [1]} : vector<16xi32> to vector<1xi32>
              %squeeze3A = vector.extract %slice3A[0] : i32 from vector<1xi32>
              %sub3A_430 = arith.subi %squeeze3A, %mul3A_233 : i32
              %broadcast_in_dim3A = vector.broadcast %sub3A_430 : i32 to vector<16xi32>
              %gather3A = tpu.vector_load_idx %arg10[%iota3A, %broadcast_in_dim3A] : memref<32x1024xf32, #tpu.memory_space<vmem>>[vector<16xi32>, vector<16xi32>], vector<16xf32>,
              %add3A_431 = arith.constant 16 : i32
              %add3A_432 = vector.broadcast %add3A_431 : i32 to vector<16xi32>
              %add3A_433 = arith.addi %iota3A, %add3A_432 : vector<16xi32>
              %gather3A_434 = tpu.vector_load_idx %arg10[%add3A_433, %broadcast_in_dim3A] : memref<32x1024xf32, #tpu.memory_space<vmem>>[vector<16xi32>, vector<16xi32>], vector<16xf32>,
              %add3A_435 = arith.constant 256 : i32
              %add3A_436 = arith.addi %mul3A_294, %add3A_435 : i32
              %swap3A = arith.index_cast %add3A_436 : i32 to index
              %swap3A_437 = tpu.vector_load %arg12[%swap3A] {strides = array<i32>} : memref<1024xf32, #tpu.memory_space<vmem>>, vector<16xf32>,
              tpu.vector_store %arg12[%swap3A], %gather3A {strides = array<i32>} : memref<1024xf32, #tpu.memory_space<vmem>>, vector<16xf32>,
              %add3A_438 = arith.constant 256 : i32
              %add3A_439 = arith.addi %mul3A_294, %add3A_438 : i32
              %add3A_440 = arith.constant 16 : i32
              %add3A_441 = arith.addi %add3A_439, %add3A_440 : i32
              %swap3A_442 = arith.index_cast %add3A_441 : i32 to index
              %swap3A_443 = tpu.vector_load %arg12[%swap3A_442] {strides = array<i32>} : memref<1024xf32, #tpu.memory_space<vmem>>, vector<16xf32>,
              tpu.vector_store %arg12[%swap3A_442], %gather3A_434 {strides = array<i32>} : memref<1024xf32, #tpu.memory_space<vmem>>, vector<16xf32>,
              %add3A_444 = arith.constant 256 : i32
              %add3A_445 = arith.addi %mul3A_294, %add3A_444 : i32
              %slice3A_446 = vector.extract_strided_slice %get3A_301 {offsets = [8], sizes = [1], strides = [1]} : vector<16xi32> to vector<1xi32>
              %squeeze3A_447 = vector.extract %slice3A_446[0] : i32 from vector<1xi32>
              %mul3A_448 = arith.constant 32 : i32
              %mul3A_449 = arith.muli %squeeze3A_447, %mul3A_448 : i32
              %dma_start3A = tpu.memref_slice %arg12[%add3A_445] : memref<1024xf32, #tpu.memory_space<vmem>> -> memref<32xf32, #tpu.memory_space<vmem>>
              %dma_start3A_450 = tpu.memref_slice %arg16[%mul3A_449] : memref<65536xf32, #tpu.memory_space<vmem_shared>> -> memref<32xf32, #tpu.memory_space<vmem_shared>>
              %dma_start3A_451 = tpu.memref_slice %arg16[%mul3A_449] : memref<65536xf32, #tpu.memory_space<vmem_shared>> -> memref<32xf32, #tpu.memory_space<vmem_shared>>
              %dma_start3A_452 = tpu.memref_slice %arg12[%add3A_445] : memref<1024xf32, #tpu.memory_space<vmem>> -> memref<32xf32, #tpu.memory_space<vmem>>
              tpu.enqueue_dma source(%dma_start3A_452 : memref<32xf32, #tpu.memory_space<vmem>>) target(%dma_start3A_451 : memref<32xf32, #tpu.memory_space<vmem_shared>>) target_semaphore(%arg17 : memref<!tpu.dma_semaphore, #tpu.memory_space<semaphore_mem>>)
            } else {
            }
            %mul3A_374 = arith.constant 16 : i32
            %mul3A_375 = arith.muli %select_n3A_257, %mul3A_374 : i32
            %add3A_376 = arith.constant 9 : i32
            %add3A_377 = arith.addi %mul3A_375, %add3A_376 : i32
            %lt3A_378 = arith.cmpi slt, %add3A_377, %while3A_169 : i32
            %convert_element_type3A_379 = arith.extui %lt3A_378 : i1 to i32
            %cond3A_380 = arith.constant 0 : i32
            %cond3A_381 = arith.cmpi ne, %convert_element_type3A_379, %cond3A_380 : i32
            scf.if %cond3A_381 {
              %slice3A = vector.extract_strided_slice %get3A_297 {offsets = [9], sizes = [1], strides = [1]} : vector<16xi32> to vector<1xi32>
              %squeeze3A = vector.extract %slice3A[0] : i32 from vector<1xi32>
              %sub3A_430 = arith.subi %squeeze3A, %mul3A_233 : i32
              %broadcast_in_dim3A = vector.broadcast %sub3A_430 : i32 to vector<16xi32>
              %gather3A = tpu.vector_load_idx %arg10[%iota3A, %broadcast_in_dim3A] : memref<32x1024xf32, #tpu.memory_space<vmem>>[vector<16xi32>, vector<16xi32>], vector<16xf32>,
              %add3A_431 = arith.constant 16 : i32
              %add3A_432 = vector.broadcast %add3A_431 : i32 to vector<16xi32>
              %add3A_433 = arith.addi %iota3A, %add3A_432 : vector<16xi32>
              %gather3A_434 = tpu.vector_load_idx %arg10[%add3A_433, %broadcast_in_dim3A] : memref<32x1024xf32, #tpu.memory_space<vmem>>[vector<16xi32>, vector<16xi32>], vector<16xf32>,
              %add3A_435 = arith.constant 288 : i32
              %add3A_436 = arith.addi %mul3A_294, %add3A_435 : i32
              %swap3A = arith.index_cast %add3A_436 : i32 to index
              %swap3A_437 = tpu.vector_load %arg12[%swap3A] {strides = array<i32>} : memref<1024xf32, #tpu.memory_space<vmem>>, vector<16xf32>,
              tpu.vector_store %arg12[%swap3A], %gather3A {strides = array<i32>} : memref<1024xf32, #tpu.memory_space<vmem>>, vector<16xf32>,
              %add3A_438 = arith.constant 288 : i32
              %add3A_439 = arith.addi %mul3A_294, %add3A_438 : i32
              %add3A_440 = arith.constant 16 : i32
              %add3A_441 = arith.addi %add3A_439, %add3A_440 : i32
              %swap3A_442 = arith.index_cast %add3A_441 : i32 to index
              %swap3A_443 = tpu.vector_load %arg12[%swap3A_442] {strides = array<i32>} : memref<1024xf32, #tpu.memory_space<vmem>>, vector<16xf32>,
              tpu.vector_store %arg12[%swap3A_442], %gather3A_434 {strides = array<i32>} : memref<1024xf32, #tpu.memory_space<vmem>>, vector<16xf32>,
              %add3A_444 = arith.constant 288 : i32
              %add3A_445 = arith.addi %mul3A_294, %add3A_444 : i32
              %slice3A_446 = vector.extract_strided_slice %get3A_301 {offsets = [9], sizes = [1], strides = [1]} : vector<16xi32> to vector<1xi32>
              %squeeze3A_447 = vector.extract %slice3A_446[0] : i32 from vector<1xi32>
              %mul3A_448 = arith.constant 32 : i32
              %mul3A_449 = arith.muli %squeeze3A_447, %mul3A_448 : i32
              %dma_start3A = tpu.memref_slice %arg12[%add3A_445] : memref<1024xf32, #tpu.memory_space<vmem>> -> memref<32xf32, #tpu.memory_space<vmem>>
              %dma_start3A_450 = tpu.memref_slice %arg16[%mul3A_449] : memref<65536xf32, #tpu.memory_space<vmem_shared>> -> memref<32xf32, #tpu.memory_space<vmem_shared>>
              %dma_start3A_451 = tpu.memref_slice %arg16[%mul3A_449] : memref<65536xf32, #tpu.memory_space<vmem_shared>> -> memref<32xf32, #tpu.memory_space<vmem_shared>>
              %dma_start3A_452 = tpu.memref_slice %arg12[%add3A_445] : memref<1024xf32, #tpu.memory_space<vmem>> -> memref<32xf32, #tpu.memory_space<vmem>>
              tpu.enqueue_dma source(%dma_start3A_452 : memref<32xf32, #tpu.memory_space<vmem>>) target(%dma_start3A_451 : memref<32xf32, #tpu.memory_space<vmem_shared>>) target_semaphore(%arg17 : memref<!tpu.dma_semaphore, #tpu.memory_space<semaphore_mem>>)
            } else {
            }
            %mul3A_382 = arith.constant 16 : i32
            %mul3A_383 = arith.muli %select_n3A_257, %mul3A_382 : i32
            %add3A_384 = arith.constant 10 : i32
            %add3A_385 = arith.addi %mul3A_383, %add3A_384 : i32
            %lt3A_386 = arith.cmpi slt, %add3A_385, %while3A_169 : i32
            %convert_element_type3A_387 = arith.extui %lt3A_386 : i1 to i32
            %cond3A_388 = arith.constant 0 : i32
            %cond3A_389 = arith.cmpi ne, %convert_element_type3A_387, %cond3A_388 : i32
            scf.if %cond3A_389 {
              %slice3A = vector.extract_strided_slice %get3A_297 {offsets = [10], sizes = [1], strides = [1]} : vector<16xi32> to vector<1xi32>
              %squeeze3A = vector.extract %slice3A[0] : i32 from vector<1xi32>
              %sub3A_430 = arith.subi %squeeze3A, %mul3A_233 : i32
              %broadcast_in_dim3A = vector.broadcast %sub3A_430 : i32 to vector<16xi32>
              %gather3A = tpu.vector_load_idx %arg10[%iota3A, %broadcast_in_dim3A] : memref<32x1024xf32, #tpu.memory_space<vmem>>[vector<16xi32>, vector<16xi32>], vector<16xf32>,
              %add3A_431 = arith.constant 16 : i32
              %add3A_432 = vector.broadcast %add3A_431 : i32 to vector<16xi32>
              %add3A_433 = arith.addi %iota3A, %add3A_432 : vector<16xi32>
              %gather3A_434 = tpu.vector_load_idx %arg10[%add3A_433, %broadcast_in_dim3A] : memref<32x1024xf32, #tpu.memory_space<vmem>>[vector<16xi32>, vector<16xi32>], vector<16xf32>,
              %add3A_435 = arith.constant 320 : i32
              %add3A_436 = arith.addi %mul3A_294, %add3A_435 : i32
              %swap3A = arith.index_cast %add3A_436 : i32 to index
              %swap3A_437 = tpu.vector_load %arg12[%swap3A] {strides = array<i32>} : memref<1024xf32, #tpu.memory_space<vmem>>, vector<16xf32>,
              tpu.vector_store %arg12[%swap3A], %gather3A {strides = array<i32>} : memref<1024xf32, #tpu.memory_space<vmem>>, vector<16xf32>,
              %add3A_438 = arith.constant 320 : i32
              %add3A_439 = arith.addi %mul3A_294, %add3A_438 : i32
              %add3A_440 = arith.constant 16 : i32
              %add3A_441 = arith.addi %add3A_439, %add3A_440 : i32
              %swap3A_442 = arith.index_cast %add3A_441 : i32 to index
              %swap3A_443 = tpu.vector_load %arg12[%swap3A_442] {strides = array<i32>} : memref<1024xf32, #tpu.memory_space<vmem>>, vector<16xf32>,
              tpu.vector_store %arg12[%swap3A_442], %gather3A_434 {strides = array<i32>} : memref<1024xf32, #tpu.memory_space<vmem>>, vector<16xf32>,
              %add3A_444 = arith.constant 320 : i32
              %add3A_445 = arith.addi %mul3A_294, %add3A_444 : i32
              %slice3A_446 = vector.extract_strided_slice %get3A_301 {offsets = [10], sizes = [1], strides = [1]} : vector<16xi32> to vector<1xi32>
              %squeeze3A_447 = vector.extract %slice3A_446[0] : i32 from vector<1xi32>
              %mul3A_448 = arith.constant 32 : i32
              %mul3A_449 = arith.muli %squeeze3A_447, %mul3A_448 : i32
              %dma_start3A = tpu.memref_slice %arg12[%add3A_445] : memref<1024xf32, #tpu.memory_space<vmem>> -> memref<32xf32, #tpu.memory_space<vmem>>
              %dma_start3A_450 = tpu.memref_slice %arg16[%mul3A_449] : memref<65536xf32, #tpu.memory_space<vmem_shared>> -> memref<32xf32, #tpu.memory_space<vmem_shared>>
              %dma_start3A_451 = tpu.memref_slice %arg16[%mul3A_449] : memref<65536xf32, #tpu.memory_space<vmem_shared>> -> memref<32xf32, #tpu.memory_space<vmem_shared>>
              %dma_start3A_452 = tpu.memref_slice %arg12[%add3A_445] : memref<1024xf32, #tpu.memory_space<vmem>> -> memref<32xf32, #tpu.memory_space<vmem>>
              tpu.enqueue_dma source(%dma_start3A_452 : memref<32xf32, #tpu.memory_space<vmem>>) target(%dma_start3A_451 : memref<32xf32, #tpu.memory_space<vmem_shared>>) target_semaphore(%arg17 : memref<!tpu.dma_semaphore, #tpu.memory_space<semaphore_mem>>)
            } else {
            }
            %mul3A_390 = arith.constant 16 : i32
            %mul3A_391 = arith.muli %select_n3A_257, %mul3A_390 : i32
            %add3A_392 = arith.constant 11 : i32
            %add3A_393 = arith.addi %mul3A_391, %add3A_392 : i32
            %lt3A_394 = arith.cmpi slt, %add3A_393, %while3A_169 : i32
            %convert_element_type3A_395 = arith.extui %lt3A_394 : i1 to i32
            %cond3A_396 = arith.constant 0 : i32
            %cond3A_397 = arith.cmpi ne, %convert_element_type3A_395, %cond3A_396 : i32
            scf.if %cond3A_397 {
              %slice3A = vector.extract_strided_slice %get3A_297 {offsets = [11], sizes = [1], strides = [1]} : vector<16xi32> to vector<1xi32>
              %squeeze3A = vector.extract %slice3A[0] : i32 from vector<1xi32>
              %sub3A_430 = arith.subi %squeeze3A, %mul3A_233 : i32
              %broadcast_in_dim3A = vector.broadcast %sub3A_430 : i32 to vector<16xi32>
              %gather3A = tpu.vector_load_idx %arg10[%iota3A, %broadcast_in_dim3A] : memref<32x1024xf32, #tpu.memory_space<vmem>>[vector<16xi32>, vector<16xi32>], vector<16xf32>,
              %add3A_431 = arith.constant 16 : i32
              %add3A_432 = vector.broadcast %add3A_431 : i32 to vector<16xi32>
              %add3A_433 = arith.addi %iota3A, %add3A_432 : vector<16xi32>
              %gather3A_434 = tpu.vector_load_idx %arg10[%add3A_433, %broadcast_in_dim3A] : memref<32x1024xf32, #tpu.memory_space<vmem>>[vector<16xi32>, vector<16xi32>], vector<16xf32>,
              %add3A_435 = arith.constant 352 : i32
              %add3A_436 = arith.addi %mul3A_294, %add3A_435 : i32
              %swap3A = arith.index_cast %add3A_436 : i32 to index
              %swap3A_437 = tpu.vector_load %arg12[%swap3A] {strides = array<i32>} : memref<1024xf32, #tpu.memory_space<vmem>>, vector<16xf32>,
              tpu.vector_store %arg12[%swap3A], %gather3A {strides = array<i32>} : memref<1024xf32, #tpu.memory_space<vmem>>, vector<16xf32>,
              %add3A_438 = arith.constant 352 : i32
              %add3A_439 = arith.addi %mul3A_294, %add3A_438 : i32
              %add3A_440 = arith.constant 16 : i32
              %add3A_441 = arith.addi %add3A_439, %add3A_440 : i32
              %swap3A_442 = arith.index_cast %add3A_441 : i32 to index
              %swap3A_443 = tpu.vector_load %arg12[%swap3A_442] {strides = array<i32>} : memref<1024xf32, #tpu.memory_space<vmem>>, vector<16xf32>,
              tpu.vector_store %arg12[%swap3A_442], %gather3A_434 {strides = array<i32>} : memref<1024xf32, #tpu.memory_space<vmem>>, vector<16xf32>,
              %add3A_444 = arith.constant 352 : i32
              %add3A_445 = arith.addi %mul3A_294, %add3A_444 : i32
              %slice3A_446 = vector.extract_strided_slice %get3A_301 {offsets = [11], sizes = [1], strides = [1]} : vector<16xi32> to vector<1xi32>
              %squeeze3A_447 = vector.extract %slice3A_446[0] : i32 from vector<1xi32>
              %mul3A_448 = arith.constant 32 : i32
              %mul3A_449 = arith.muli %squeeze3A_447, %mul3A_448 : i32
              %dma_start3A = tpu.memref_slice %arg12[%add3A_445] : memref<1024xf32, #tpu.memory_space<vmem>> -> memref<32xf32, #tpu.memory_space<vmem>>
              %dma_start3A_450 = tpu.memref_slice %arg16[%mul3A_449] : memref<65536xf32, #tpu.memory_space<vmem_shared>> -> memref<32xf32, #tpu.memory_space<vmem_shared>>
              %dma_start3A_451 = tpu.memref_slice %arg16[%mul3A_449] : memref<65536xf32, #tpu.memory_space<vmem_shared>> -> memref<32xf32, #tpu.memory_space<vmem_shared>>
              %dma_start3A_452 = tpu.memref_slice %arg12[%add3A_445] : memref<1024xf32, #tpu.memory_space<vmem>> -> memref<32xf32, #tpu.memory_space<vmem>>
              tpu.enqueue_dma source(%dma_start3A_452 : memref<32xf32, #tpu.memory_space<vmem>>) target(%dma_start3A_451 : memref<32xf32, #tpu.memory_space<vmem_shared>>) target_semaphore(%arg17 : memref<!tpu.dma_semaphore, #tpu.memory_space<semaphore_mem>>)
            } else {
            }
            %mul3A_398 = arith.constant 16 : i32
            %mul3A_399 = arith.muli %select_n3A_257, %mul3A_398 : i32
            %add3A_400 = arith.constant 12 : i32
            %add3A_401 = arith.addi %mul3A_399, %add3A_400 : i32
            %lt3A_402 = arith.cmpi slt, %add3A_401, %while3A_169 : i32
            %convert_element_type3A_403 = arith.extui %lt3A_402 : i1 to i32
            %cond3A_404 = arith.constant 0 : i32
            %cond3A_405 = arith.cmpi ne, %convert_element_type3A_403, %cond3A_404 : i32
            scf.if %cond3A_405 {
              %slice3A = vector.extract_strided_slice %get3A_297 {offsets = [12], sizes = [1], strides = [1]} : vector<16xi32> to vector<1xi32>
              %squeeze3A = vector.extract %slice3A[0] : i32 from vector<1xi32>
              %sub3A_430 = arith.subi %squeeze3A, %mul3A_233 : i32
              %broadcast_in_dim3A = vector.broadcast %sub3A_430 : i32 to vector<16xi32>
              %gather3A = tpu.vector_load_idx %arg10[%iota3A, %broadcast_in_dim3A] : memref<32x1024xf32, #tpu.memory_space<vmem>>[vector<16xi32>, vector<16xi32>], vector<16xf32>,
              %add3A_431 = arith.constant 16 : i32
              %add3A_432 = vector.broadcast %add3A_431 : i32 to vector<16xi32>
              %add3A_433 = arith.addi %iota3A, %add3A_432 : vector<16xi32>
              %gather3A_434 = tpu.vector_load_idx %arg10[%add3A_433, %broadcast_in_dim3A] : memref<32x1024xf32, #tpu.memory_space<vmem>>[vector<16xi32>, vector<16xi32>], vector<16xf32>,
              %add3A_435 = arith.constant 384 : i32
              %add3A_436 = arith.addi %mul3A_294, %add3A_435 : i32
              %swap3A = arith.index_cast %add3A_436 : i32 to index
              %swap3A_437 = tpu.vector_load %arg12[%swap3A] {strides = array<i32>} : memref<1024xf32, #tpu.memory_space<vmem>>, vector<16xf32>,
              tpu.vector_store %arg12[%swap3A], %gather3A {strides = array<i32>} : memref<1024xf32, #tpu.memory_space<vmem>>, vector<16xf32>,
              %add3A_438 = arith.constant 384 : i32
              %add3A_439 = arith.addi %mul3A_294, %add3A_438 : i32
              %add3A_440 = arith.constant 16 : i32
              %add3A_441 = arith.addi %add3A_439, %add3A_440 : i32
              %swap3A_442 = arith.index_cast %add3A_441 : i32 to index
              %swap3A_443 = tpu.vector_load %arg12[%swap3A_442] {strides = array<i32>} : memref<1024xf32, #tpu.memory_space<vmem>>, vector<16xf32>,
              tpu.vector_store %arg12[%swap3A_442], %gather3A_434 {strides = array<i32>} : memref<1024xf32, #tpu.memory_space<vmem>>, vector<16xf32>,
              %add3A_444 = arith.constant 384 : i32
              %add3A_445 = arith.addi %mul3A_294, %add3A_444 : i32
              %slice3A_446 = vector.extract_strided_slice %get3A_301 {offsets = [12], sizes = [1], strides = [1]} : vector<16xi32> to vector<1xi32>
              %squeeze3A_447 = vector.extract %slice3A_446[0] : i32 from vector<1xi32>
              %mul3A_448 = arith.constant 32 : i32
              %mul3A_449 = arith.muli %squeeze3A_447, %mul3A_448 : i32
              %dma_start3A = tpu.memref_slice %arg12[%add3A_445] : memref<1024xf32, #tpu.memory_space<vmem>> -> memref<32xf32, #tpu.memory_space<vmem>>
              %dma_start3A_450 = tpu.memref_slice %arg16[%mul3A_449] : memref<65536xf32, #tpu.memory_space<vmem_shared>> -> memref<32xf32, #tpu.memory_space<vmem_shared>>
              %dma_start3A_451 = tpu.memref_slice %arg16[%mul3A_449] : memref<65536xf32, #tpu.memory_space<vmem_shared>> -> memref<32xf32, #tpu.memory_space<vmem_shared>>
              %dma_start3A_452 = tpu.memref_slice %arg12[%add3A_445] : memref<1024xf32, #tpu.memory_space<vmem>> -> memref<32xf32, #tpu.memory_space<vmem>>
              tpu.enqueue_dma source(%dma_start3A_452 : memref<32xf32, #tpu.memory_space<vmem>>) target(%dma_start3A_451 : memref<32xf32, #tpu.memory_space<vmem_shared>>) target_semaphore(%arg17 : memref<!tpu.dma_semaphore, #tpu.memory_space<semaphore_mem>>)
            } else {
            }
            %mul3A_406 = arith.constant 16 : i32
            %mul3A_407 = arith.muli %select_n3A_257, %mul3A_406 : i32
            %add3A_408 = arith.constant 13 : i32
            %add3A_409 = arith.addi %mul3A_407, %add3A_408 : i32
            %lt3A_410 = arith.cmpi slt, %add3A_409, %while3A_169 : i32
            %convert_element_type3A_411 = arith.extui %lt3A_410 : i1 to i32
            %cond3A_412 = arith.constant 0 : i32
            %cond3A_413 = arith.cmpi ne, %convert_element_type3A_411, %cond3A_412 : i32
            scf.if %cond3A_413 {
              %slice3A = vector.extract_strided_slice %get3A_297 {offsets = [13], sizes = [1], strides = [1]} : vector<16xi32> to vector<1xi32>
              %squeeze3A = vector.extract %slice3A[0] : i32 from vector<1xi32>
              %sub3A_430 = arith.subi %squeeze3A, %mul3A_233 : i32
              %broadcast_in_dim3A = vector.broadcast %sub3A_430 : i32 to vector<16xi32>
              %gather3A = tpu.vector_load_idx %arg10[%iota3A, %broadcast_in_dim3A] : memref<32x1024xf32, #tpu.memory_space<vmem>>[vector<16xi32>, vector<16xi32>], vector<16xf32>,
              %add3A_431 = arith.constant 16 : i32
              %add3A_432 = vector.broadcast %add3A_431 : i32 to vector<16xi32>
              %add3A_433 = arith.addi %iota3A, %add3A_432 : vector<16xi32>
              %gather3A_434 = tpu.vector_load_idx %arg10[%add3A_433, %broadcast_in_dim3A] : memref<32x1024xf32, #tpu.memory_space<vmem>>[vector<16xi32>, vector<16xi32>], vector<16xf32>,
              %add3A_435 = arith.constant 416 : i32
              %add3A_436 = arith.addi %mul3A_294, %add3A_435 : i32
              %swap3A = arith.index_cast %add3A_436 : i32 to index
              %swap3A_437 = tpu.vector_load %arg12[%swap3A] {strides = array<i32>} : memref<1024xf32, #tpu.memory_space<vmem>>, vector<16xf32>,
              tpu.vector_store %arg12[%swap3A], %gather3A {strides = array<i32>} : memref<1024xf32, #tpu.memory_space<vmem>>, vector<16xf32>,
              %add3A_438 = arith.constant 416 : i32
              %add3A_439 = arith.addi %mul3A_294, %add3A_438 : i32
              %add3A_440 = arith.constant 16 : i32
              %add3A_441 = arith.addi %add3A_439, %add3A_440 : i32
              %swap3A_442 = arith.index_cast %add3A_441 : i32 to index
              %swap3A_443 = tpu.vector_load %arg12[%swap3A_442] {strides = array<i32>} : memref<1024xf32, #tpu.memory_space<vmem>>, vector<16xf32>,
              tpu.vector_store %arg12[%swap3A_442], %gather3A_434 {strides = array<i32>} : memref<1024xf32, #tpu.memory_space<vmem>>, vector<16xf32>,
              %add3A_444 = arith.constant 416 : i32
              %add3A_445 = arith.addi %mul3A_294, %add3A_444 : i32
              %slice3A_446 = vector.extract_strided_slice %get3A_301 {offsets = [13], sizes = [1], strides = [1]} : vector<16xi32> to vector<1xi32>
              %squeeze3A_447 = vector.extract %slice3A_446[0] : i32 from vector<1xi32>
              %mul3A_448 = arith.constant 32 : i32
              %mul3A_449 = arith.muli %squeeze3A_447, %mul3A_448 : i32
              %dma_start3A = tpu.memref_slice %arg12[%add3A_445] : memref<1024xf32, #tpu.memory_space<vmem>> -> memref<32xf32, #tpu.memory_space<vmem>>
              %dma_start3A_450 = tpu.memref_slice %arg16[%mul3A_449] : memref<65536xf32, #tpu.memory_space<vmem_shared>> -> memref<32xf32, #tpu.memory_space<vmem_shared>>
              %dma_start3A_451 = tpu.memref_slice %arg16[%mul3A_449] : memref<65536xf32, #tpu.memory_space<vmem_shared>> -> memref<32xf32, #tpu.memory_space<vmem_shared>>
              %dma_start3A_452 = tpu.memref_slice %arg12[%add3A_445] : memref<1024xf32, #tpu.memory_space<vmem>> -> memref<32xf32, #tpu.memory_space<vmem>>
              tpu.enqueue_dma source(%dma_start3A_452 : memref<32xf32, #tpu.memory_space<vmem>>) target(%dma_start3A_451 : memref<32xf32, #tpu.memory_space<vmem_shared>>) target_semaphore(%arg17 : memref<!tpu.dma_semaphore, #tpu.memory_space<semaphore_mem>>)
            } else {
            }
            %mul3A_414 = arith.constant 16 : i32
            %mul3A_415 = arith.muli %select_n3A_257, %mul3A_414 : i32
            %add3A_416 = arith.constant 14 : i32
            %add3A_417 = arith.addi %mul3A_415, %add3A_416 : i32
            %lt3A_418 = arith.cmpi slt, %add3A_417, %while3A_169 : i32
            %convert_element_type3A_419 = arith.extui %lt3A_418 : i1 to i32
            %cond3A_420 = arith.constant 0 : i32
            %cond3A_421 = arith.cmpi ne, %convert_element_type3A_419, %cond3A_420 : i32
            scf.if %cond3A_421 {
              %slice3A = vector.extract_strided_slice %get3A_297 {offsets = [14], sizes = [1], strides = [1]} : vector<16xi32> to vector<1xi32>
              %squeeze3A = vector.extract %slice3A[0] : i32 from vector<1xi32>
              %sub3A_430 = arith.subi %squeeze3A, %mul3A_233 : i32
              %broadcast_in_dim3A = vector.broadcast %sub3A_430 : i32 to vector<16xi32>
              %gather3A = tpu.vector_load_idx %arg10[%iota3A, %broadcast_in_dim3A] : memref<32x1024xf32, #tpu.memory_space<vmem>>[vector<16xi32>, vector<16xi32>], vector<16xf32>,
              %add3A_431 = arith.constant 16 : i32
              %add3A_432 = vector.broadcast %add3A_431 : i32 to vector<16xi32>
              %add3A_433 = arith.addi %iota3A, %add3A_432 : vector<16xi32>
              %gather3A_434 = tpu.vector_load_idx %arg10[%add3A_433, %broadcast_in_dim3A] : memref<32x1024xf32, #tpu.memory_space<vmem>>[vector<16xi32>, vector<16xi32>], vector<16xf32>,
              %add3A_435 = arith.constant 448 : i32
              %add3A_436 = arith.addi %mul3A_294, %add3A_435 : i32
              %swap3A = arith.index_cast %add3A_436 : i32 to index
              %swap3A_437 = tpu.vector_load %arg12[%swap3A] {strides = array<i32>} : memref<1024xf32, #tpu.memory_space<vmem>>, vector<16xf32>,
              tpu.vector_store %arg12[%swap3A], %gather3A {strides = array<i32>} : memref<1024xf32, #tpu.memory_space<vmem>>, vector<16xf32>,
              %add3A_438 = arith.constant 448 : i32
              %add3A_439 = arith.addi %mul3A_294, %add3A_438 : i32
              %add3A_440 = arith.constant 16 : i32
              %add3A_441 = arith.addi %add3A_439, %add3A_440 : i32
              %swap3A_442 = arith.index_cast %add3A_441 : i32 to index
              %swap3A_443 = tpu.vector_load %arg12[%swap3A_442] {strides = array<i32>} : memref<1024xf32, #tpu.memory_space<vmem>>, vector<16xf32>,
              tpu.vector_store %arg12[%swap3A_442], %gather3A_434 {strides = array<i32>} : memref<1024xf32, #tpu.memory_space<vmem>>, vector<16xf32>,
              %add3A_444 = arith.constant 448 : i32
              %add3A_445 = arith.addi %mul3A_294, %add3A_444 : i32
              %slice3A_446 = vector.extract_strided_slice %get3A_301 {offsets = [14], sizes = [1], strides = [1]} : vector<16xi32> to vector<1xi32>
              %squeeze3A_447 = vector.extract %slice3A_446[0] : i32 from vector<1xi32>
              %mul3A_448 = arith.constant 32 : i32
              %mul3A_449 = arith.muli %squeeze3A_447, %mul3A_448 : i32
              %dma_start3A = tpu.memref_slice %arg12[%add3A_445] : memref<1024xf32, #tpu.memory_space<vmem>> -> memref<32xf32, #tpu.memory_space<vmem>>
              %dma_start3A_450 = tpu.memref_slice %arg16[%mul3A_449] : memref<65536xf32, #tpu.memory_space<vmem_shared>> -> memref<32xf32, #tpu.memory_space<vmem_shared>>
              %dma_start3A_451 = tpu.memref_slice %arg16[%mul3A_449] : memref<65536xf32, #tpu.memory_space<vmem_shared>> -> memref<32xf32, #tpu.memory_space<vmem_shared>>
              %dma_start3A_452 = tpu.memref_slice %arg12[%add3A_445] : memref<1024xf32, #tpu.memory_space<vmem>> -> memref<32xf32, #tpu.memory_space<vmem>>
              tpu.enqueue_dma source(%dma_start3A_452 : memref<32xf32, #tpu.memory_space<vmem>>) target(%dma_start3A_451 : memref<32xf32, #tpu.memory_space<vmem_shared>>) target_semaphore(%arg17 : memref<!tpu.dma_semaphore, #tpu.memory_space<semaphore_mem>>)
            } else {
            }
            %mul3A_422 = arith.constant 16 : i32
            %mul3A_423 = arith.muli %select_n3A_257, %mul3A_422 : i32
            %add3A_424 = arith.constant 15 : i32
            %add3A_425 = arith.addi %mul3A_423, %add3A_424 : i32
            %lt3A_426 = arith.cmpi slt, %add3A_425, %while3A_169 : i32
            %convert_element_type3A_427 = arith.extui %lt3A_426 : i1 to i32
            %cond3A_428 = arith.constant 0 : i32
            %cond3A_429 = arith.cmpi ne, %convert_element_type3A_427, %cond3A_428 : i32
            scf.if %cond3A_429 {
              %slice3A = vector.extract_strided_slice %get3A_297 {offsets = [15], sizes = [1], strides = [1]} : vector<16xi32> to vector<1xi32>
              %squeeze3A = vector.extract %slice3A[0] : i32 from vector<1xi32>
              %sub3A_430 = arith.subi %squeeze3A, %mul3A_233 : i32
              %broadcast_in_dim3A = vector.broadcast %sub3A_430 : i32 to vector<16xi32>
              %gather3A = tpu.vector_load_idx %arg10[%iota3A, %broadcast_in_dim3A] : memref<32x1024xf32, #tpu.memory_space<vmem>>[vector<16xi32>, vector<16xi32>], vector<16xf32>,
              %add3A_431 = arith.constant 16 : i32
              %add3A_432 = vector.broadcast %add3A_431 : i32 to vector<16xi32>
              %add3A_433 = arith.addi %iota3A, %add3A_432 : vector<16xi32>
              %gather3A_434 = tpu.vector_load_idx %arg10[%add3A_433, %broadcast_in_dim3A] : memref<32x1024xf32, #tpu.memory_space<vmem>>[vector<16xi32>, vector<16xi32>], vector<16xf32>,
              %add3A_435 = arith.constant 480 : i32
              %add3A_436 = arith.addi %mul3A_294, %add3A_435 : i32
              %swap3A = arith.index_cast %add3A_436 : i32 to index
              %swap3A_437 = tpu.vector_load %arg12[%swap3A] {strides = array<i32>} : memref<1024xf32, #tpu.memory_space<vmem>>, vector<16xf32>,
              tpu.vector_store %arg12[%swap3A], %gather3A {strides = array<i32>} : memref<1024xf32, #tpu.memory_space<vmem>>, vector<16xf32>,
              %add3A_438 = arith.constant 480 : i32
              %add3A_439 = arith.addi %mul3A_294, %add3A_438 : i32
              %add3A_440 = arith.constant 16 : i32
              %add3A_441 = arith.addi %add3A_439, %add3A_440 : i32
              %swap3A_442 = arith.index_cast %add3A_441 : i32 to index
              %swap3A_443 = tpu.vector_load %arg12[%swap3A_442] {strides = array<i32>} : memref<1024xf32, #tpu.memory_space<vmem>>, vector<16xf32>,
              tpu.vector_store %arg12[%swap3A_442], %gather3A_434 {strides = array<i32>} : memref<1024xf32, #tpu.memory_space<vmem>>, vector<16xf32>,
              %add3A_444 = arith.constant 480 : i32
              %add3A_445 = arith.addi %mul3A_294, %add3A_444 : i32
              %slice3A_446 = vector.extract_strided_slice %get3A_301 {offsets = [15], sizes = [1], strides = [1]} : vector<16xi32> to vector<1xi32>
              %squeeze3A_447 = vector.extract %slice3A_446[0] : i32 from vector<1xi32>
              %mul3A_448 = arith.constant 32 : i32
              %mul3A_449 = arith.muli %squeeze3A_447, %mul3A_448 : i32
              %dma_start3A = tpu.memref_slice %arg12[%add3A_445] : memref<1024xf32, #tpu.memory_space<vmem>> -> memref<32xf32, #tpu.memory_space<vmem>>
              %dma_start3A_450 = tpu.memref_slice %arg16[%mul3A_449] : memref<65536xf32, #tpu.memory_space<vmem_shared>> -> memref<32xf32, #tpu.memory_space<vmem_shared>>
              %dma_start3A_451 = tpu.memref_slice %arg16[%mul3A_449] : memref<65536xf32, #tpu.memory_space<vmem_shared>> -> memref<32xf32, #tpu.memory_space<vmem_shared>>
              %dma_start3A_452 = tpu.memref_slice %arg12[%add3A_445] : memref<1024xf32, #tpu.memory_space<vmem>> -> memref<32xf32, #tpu.memory_space<vmem>>
              tpu.enqueue_dma source(%dma_start3A_452 : memref<32xf32, #tpu.memory_space<vmem>>) target(%dma_start3A_451 : memref<32xf32, #tpu.memory_space<vmem_shared>>) target_semaphore(%arg17 : memref<!tpu.dma_semaphore, #tpu.memory_space<semaphore_mem>>)
            } else {
            }
          } else {
          }
          %add3A_278 = arith.addi %while3A_269, %sub3A_272 : i32
          %while3A_279 = arith.constant 0 : i32
          %while3A_280 = arith.constant 0 : i32
          %while3A_281 = arith.subi %add3A_278, %while3A_279 : i32
          %while3A_282 = arith.addi %while3A_279, %while3A_281 : i32
          %while3A_283 = arith.constant 1 : i32
          %while3A_284 = arith.divsi %while3A_281, %while3A_283 : i32
          %while3A_285 = arith.muli %while3A_284, %while3A_283 : i32
          %while3A_286 = arith.addi %while3A_279, %while3A_285 : i32
          %while3A_287 = arith.constant 1 : i32
          %while3A_288 = scf.for %while3A_291 = %while3A_279 to %while3A_286 step %while3A_287 iter_args(%while3A_292 = %while3A_280) -> (i32)  : i32 {
            %dma_wait3A = arith.constant 0 : i32
            %dma_wait3A_293 = tpu.memref_slice %arg3[%dma_wait3A] : memref<4096xi32, #tpu.memory_space<hbm>> -> memref<32xi32, #tpu.memory_space<hbm>>
            %dma_wait3A_294 = arith.constant 0 : i32
            %dma_wait3A_295 = tpu.memref_slice %arg3[%dma_wait3A_294] : memref<4096xi32, #tpu.memory_space<hbm>> -> memref<32xi32, #tpu.memory_space<hbm>>
            tpu.wait_dma2 semaphore(%arg17 : memref<!tpu.dma_semaphore, #tpu.memory_space<semaphore_mem>>) src(%dma_wait3A_295 : memref<32xi32, #tpu.memory_space<hbm>>) dst(%arg15 : memref<32xi32, #tpu.memory_space<vmem>>)
            %while3A_296 = arith.constant 0 : i32
            scf.yield %while3A_296 : i32
          }
          %while3A_289 = arith.constant 1 : i32
          %while3A_290 = scf.for %while3A_291 = %while3A_286 to %while3A_282 step %while3A_289 iter_args(%while3A_292 = %while3A_288) -> (i32)  : i32 {
            %dma_wait3A = arith.constant 0 : i32
            %dma_wait3A_293 = tpu.memref_slice %arg3[%dma_wait3A] : memref<4096xi32, #tpu.memory_space<hbm>> -> memref<32xi32, #tpu.memory_space<hbm>>
            %dma_wait3A_294 = arith.constant 0 : i32
            %dma_wait3A_295 = tpu.memref_slice %arg3[%dma_wait3A_294] : memref<4096xi32, #tpu.memory_space<hbm>> -> memref<32xi32, #tpu.memory_space<hbm>>
            tpu.wait_dma2 semaphore(%arg17 : memref<!tpu.dma_semaphore, #tpu.memory_space<semaphore_mem>>) src(%dma_wait3A_295 : memref<32xi32, #tpu.memory_space<hbm>>) dst(%arg15 : memref<32xi32, #tpu.memory_space<vmem>>)
            %while3A_296 = arith.constant 0 : i32
            scf.yield %while3A_296 : i32
          }
        } else {
        }
        %rem3A_222 = arith.constant 2 : i32
        %rem3A_223 = arith.remsi %scan3A_142, %rem3A_222 : i32
        %eq3A_224 = arith.constant 1 : i32
        %eq3A_225 = arith.cmpi eq, %rem3A_223, %eq3A_224 : i32
        %gt3A_226 = arith.constant 0 : i32
        %gt3A_227 = arith.cmpi sgt, %while3A_169, %gt3A_226 : i32
        %and3A_228 = arith.andi %eq3A_225, %gt3A_227 : i1
        %convert_element_type3A_229 = arith.extui %and3A_228 : i1 to i32
        %cond3A_230 = arith.constant 0 : i32
        %cond3A_231 = arith.cmpi ne, %convert_element_type3A_229, %cond3A_230 : i32
        scf.if %cond3A_231 {
          %mul3A_232 = arith.constant 1024 : i32
          %mul3A_233 = arith.muli %add3A_146, %mul3A_232 : i32
          %jit3A_234 = arith.constant 16 : i32
          %div3A_235 = arith.divsi %while3A_169, %jit3A_234 : i32
          %sign3A_236 = arith.constant 0 : i32
          %sign3A_237 = arith.cmpi sgt, %while3A_169, %sign3A_236 : i32
          %sign3A_238 = arith.extui %sign3A_237 : i1 to i32
          %sign3A_239 = arith.constant 0 : i32
          %sign3A_240 = arith.cmpi slt, %while3A_169, %sign3A_239 : i32
          %sign3A_241 = arith.extui %sign3A_240 : i1 to i32
          %sign3A_242 = arith.subi %sign3A_238, %sign3A_241 : i32
          %sign3A_243 = arith.constant 0 : i32
          %sign3A_244 = arith.cmpi sgt, %jit3A_234, %sign3A_243 : i32
          %sign3A_245 = arith.extui %sign3A_244 : i1 to i32
          %sign3A_246 = arith.constant 0 : i32
          %sign3A_247 = arith.cmpi slt, %jit3A_234, %sign3A_246 : i32
          %sign3A_248 = arith.extui %sign3A_247 : i1 to i32
          %sign3A_249 = arith.subi %sign3A_245, %sign3A_248 : i32
          %ne3A_250 = arith.cmpi ne, %sign3A_242, %sign3A_249 : i32
          %rem3A_251 = arith.remsi %while3A_169, %jit3A_234 : i32
          %ne3A_252 = arith.constant 0 : i32
          %ne3A_253 = arith.cmpi ne, %rem3A_251, %ne3A_252 : i32
          %and3A_254 = arith.andi %ne3A_250, %ne3A_253 : i1
          %sub3A_255 = arith.constant 1 : i32
          %sub3A_256 = arith.subi %div3A_235, %sub3A_255 : i32
          %select_n3A_257 = arith.select %and3A_254, %sub3A_256, %div3A_235 : i32
          %while3A_258 = arith.constant 0 : i32
          %while3A_259 = arith.constant 0 : i32
          %while3A_260 = arith.subi %select_n3A_257, %while3A_258 : i32
          %while3A_261 = arith.addi %while3A_258, %while3A_260 : i32
          %while3A_262 = arith.constant 1 : i32
          %while3A_263 = arith.divsi %while3A_260, %while3A_262 : i32
          %while3A_264 = arith.muli %while3A_263, %while3A_262 : i32
          %while3A_265 = arith.addi %while3A_258, %while3A_264 : i32
          %while3A_266 = arith.constant 1 : i32
          %while3A_267 = scf.for %while3A_291 = %while3A_258 to %while3A_265 step %while3A_266 iter_args(%while3A_292 = %while3A_259) -> (i32)  : i32 {
            %rem3A_293 = arith.constant 2 : i32
            %rem3A_294 = arith.remsi %while3A_291, %rem3A_293 : i32
            %mul3A_295 = arith.constant 512 : i32
            %mul3A_296 = arith.muli %rem3A_294, %mul3A_295 : i32
            %mul3A_297 = arith.constant 16 : i32
            %mul3A_298 = arith.muli %while3A_291, %mul3A_297 : i32
            %get3A = arith.index_cast %mul3A_298 : i32 to index
            %get3A_299 = tpu.vector_load %arg8[%get3A] {strides = array<i32>} : memref<2064xi32, #tpu.memory_space<vmem>>, vector<16xi32>,
            %mul3A_300 = arith.constant 16 : i32
            %mul3A_301 = arith.muli %while3A_291, %mul3A_300 : i32
            %get3A_302 = arith.index_cast %mul3A_301 : i32 to index
            %get3A_303 = tpu.vector_load %arg9[%get3A_302] {strides = array<i32>} : memref<2064xi32, #tpu.memory_space<vmem>>, vector<16xi32>,
            %slice3A = vector.extract_strided_slice %get3A_299 {offsets = [0], sizes = [1], strides = [1]} : vector<16xi32> to vector<1xi32>
            %squeeze3A = vector.extract %slice3A[0] : i32 from vector<1xi32>
            %sub3A_304 = arith.subi %squeeze3A, %mul3A_233 : i32
            %broadcast_in_dim3A = vector.broadcast %sub3A_304 : i32 to vector<16xi32>
            %gather3A = tpu.vector_load_idx %arg11[%iota3A, %broadcast_in_dim3A] : memref<32x1024xf32, #tpu.memory_space<vmem>>[vector<16xi32>, vector<16xi32>], vector<16xf32>,
            %add3A_305 = arith.constant 16 : i32
            %add3A_306 = vector.broadcast %add3A_305 : i32 to vector<16xi32>
            %add3A_307 = arith.addi %iota3A, %add3A_306 : vector<16xi32>
            %gather3A_308 = tpu.vector_load_idx %arg11[%add3A_307, %broadcast_in_dim3A] : memref<32x1024xf32, #tpu.memory_space<vmem>>[vector<16xi32>, vector<16xi32>], vector<16xf32>,
            %add3A_309 = arith.constant 0 : i32
            %add3A_310 = arith.addi %mul3A_296, %add3A_309 : i32
            %swap3A = arith.index_cast %add3A_310 : i32 to index
            %swap3A_311 = tpu.vector_load %arg12[%swap3A] {strides = array<i32>} : memref<1024xf32, #tpu.memory_space<vmem>>, vector<16xf32>,
            tpu.vector_store %arg12[%swap3A], %gather3A {strides = array<i32>} : memref<1024xf32, #tpu.memory_space<vmem>>, vector<16xf32>,
            %add3A_312 = arith.constant 0 : i32
            %add3A_313 = arith.addi %mul3A_296, %add3A_312 : i32
            %add3A_314 = arith.constant 16 : i32
            %add3A_315 = arith.addi %add3A_313, %add3A_314 : i32
            %swap3A_316 = arith.index_cast %add3A_315 : i32 to index
            %swap3A_317 = tpu.vector_load %arg12[%swap3A_316] {strides = array<i32>} : memref<1024xf32, #tpu.memory_space<vmem>>, vector<16xf32>,
            tpu.vector_store %arg12[%swap3A_316], %gather3A_308 {strides = array<i32>} : memref<1024xf32, #tpu.memory_space<vmem>>, vector<16xf32>,
            %add3A_318 = arith.constant 0 : i32
            %add3A_319 = arith.addi %mul3A_296, %add3A_318 : i32
            %slice3A_320 = vector.extract_strided_slice %get3A_303 {offsets = [0], sizes = [1], strides = [1]} : vector<16xi32> to vector<1xi32>
            %squeeze3A_321 = vector.extract %slice3A_320[0] : i32 from vector<1xi32>
            %mul3A_322 = arith.constant 32 : i32
            %mul3A_323 = arith.muli %squeeze3A_321, %mul3A_322 : i32
            %dma_start3A = tpu.memref_slice %arg12[%add3A_319] : memref<1024xf32, #tpu.memory_space<vmem>> -> memref<32xf32, #tpu.memory_space<vmem>>
            %dma_start3A_324 = tpu.memref_slice %arg16[%mul3A_323] : memref<65536xf32, #tpu.memory_space<vmem_shared>> -> memref<32xf32, #tpu.memory_space<vmem_shared>>
            %dma_start3A_325 = tpu.memref_slice %arg16[%mul3A_323] : memref<65536xf32, #tpu.memory_space<vmem_shared>> -> memref<32xf32, #tpu.memory_space<vmem_shared>>
            %dma_start3A_326 = tpu.memref_slice %arg12[%add3A_319] : memref<1024xf32, #tpu.memory_space<vmem>> -> memref<32xf32, #tpu.memory_space<vmem>>
            tpu.enqueue_dma source(%dma_start3A_326 : memref<32xf32, #tpu.memory_space<vmem>>) target(%dma_start3A_325 : memref<32xf32, #tpu.memory_space<vmem_shared>>) target_semaphore(%arg17 : memref<!tpu.dma_semaphore, #tpu.memory_space<semaphore_mem>>)
            %slice3A_327 = vector.extract_strided_slice %get3A_299 {offsets = [1], sizes = [1], strides = [1]} : vector<16xi32> to vector<1xi32>
            %squeeze3A_328 = vector.extract %slice3A_327[0] : i32 from vector<1xi32>
            %sub3A_329 = arith.subi %squeeze3A_328, %mul3A_233 : i32
            %broadcast_in_dim3A_330 = vector.broadcast %sub3A_329 : i32 to vector<16xi32>
            %gather3A_331 = tpu.vector_load_idx %arg11[%iota3A, %broadcast_in_dim3A_330] : memref<32x1024xf32, #tpu.memory_space<vmem>>[vector<16xi32>, vector<16xi32>], vector<16xf32>,
            %add3A_332 = arith.constant 16 : i32
            %add3A_333 = vector.broadcast %add3A_332 : i32 to vector<16xi32>
            %add3A_334 = arith.addi %iota3A, %add3A_333 : vector<16xi32>
            %gather3A_335 = tpu.vector_load_idx %arg11[%add3A_334, %broadcast_in_dim3A_330] : memref<32x1024xf32, #tpu.memory_space<vmem>>[vector<16xi32>, vector<16xi32>], vector<16xf32>,
            %add3A_336 = arith.constant 32 : i32
            %add3A_337 = arith.addi %mul3A_296, %add3A_336 : i32
            %swap3A_338 = arith.index_cast %add3A_337 : i32 to index
            %swap3A_339 = tpu.vector_load %arg12[%swap3A_338] {strides = array<i32>} : memref<1024xf32, #tpu.memory_space<vmem>>, vector<16xf32>,
            tpu.vector_store %arg12[%swap3A_338], %gather3A_331 {strides = array<i32>} : memref<1024xf32, #tpu.memory_space<vmem>>, vector<16xf32>,
            %add3A_340 = arith.constant 32 : i32
            %add3A_341 = arith.addi %mul3A_296, %add3A_340 : i32
            %add3A_342 = arith.constant 16 : i32
            %add3A_343 = arith.addi %add3A_341, %add3A_342 : i32
            %swap3A_344 = arith.index_cast %add3A_343 : i32 to index
            %swap3A_345 = tpu.vector_load %arg12[%swap3A_344] {strides = array<i32>} : memref<1024xf32, #tpu.memory_space<vmem>>, vector<16xf32>,
            tpu.vector_store %arg12[%swap3A_344], %gather3A_335 {strides = array<i32>} : memref<1024xf32, #tpu.memory_space<vmem>>, vector<16xf32>,
            %add3A_346 = arith.constant 32 : i32
            %add3A_347 = arith.addi %mul3A_296, %add3A_346 : i32
            %slice3A_348 = vector.extract_strided_slice %get3A_303 {offsets = [1], sizes = [1], strides = [1]} : vector<16xi32> to vector<1xi32>
            %squeeze3A_349 = vector.extract %slice3A_348[0] : i32 from vector<1xi32>
            %mul3A_350 = arith.constant 32 : i32
            %mul3A_351 = arith.muli %squeeze3A_349, %mul3A_350 : i32
            %dma_start3A_352 = tpu.memref_slice %arg12[%add3A_347] : memref<1024xf32, #tpu.memory_space<vmem>> -> memref<32xf32, #tpu.memory_space<vmem>>
            %dma_start3A_353 = tpu.memref_slice %arg16[%mul3A_351] : memref<65536xf32, #tpu.memory_space<vmem_shared>> -> memref<32xf32, #tpu.memory_space<vmem_shared>>
            %dma_start3A_354 = tpu.memref_slice %arg16[%mul3A_351] : memref<65536xf32, #tpu.memory_space<vmem_shared>> -> memref<32xf32, #tpu.memory_space<vmem_shared>>
            %dma_start3A_355 = tpu.memref_slice %arg12[%add3A_347] : memref<1024xf32, #tpu.memory_space<vmem>> -> memref<32xf32, #tpu.memory_space<vmem>>
            tpu.enqueue_dma source(%dma_start3A_355 : memref<32xf32, #tpu.memory_space<vmem>>) target(%dma_start3A_354 : memref<32xf32, #tpu.memory_space<vmem_shared>>) target_semaphore(%arg17 : memref<!tpu.dma_semaphore, #tpu.memory_space<semaphore_mem>>)
            %slice3A_356 = vector.extract_strided_slice %get3A_299 {offsets = [2], sizes = [1], strides = [1]} : vector<16xi32> to vector<1xi32>
            %squeeze3A_357 = vector.extract %slice3A_356[0] : i32 from vector<1xi32>
            %sub3A_358 = arith.subi %squeeze3A_357, %mul3A_233 : i32
            %broadcast_in_dim3A_359 = vector.broadcast %sub3A_358 : i32 to vector<16xi32>
            %gather3A_360 = tpu.vector_load_idx %arg11[%iota3A, %broadcast_in_dim3A_359] : memref<32x1024xf32, #tpu.memory_space<vmem>>[vector<16xi32>, vector<16xi32>], vector<16xf32>,
            %add3A_361 = arith.constant 16 : i32
            %add3A_362 = vector.broadcast %add3A_361 : i32 to vector<16xi32>
            %add3A_363 = arith.addi %iota3A, %add3A_362 : vector<16xi32>
            %gather3A_364 = tpu.vector_load_idx %arg11[%add3A_363, %broadcast_in_dim3A_359] : memref<32x1024xf32, #tpu.memory_space<vmem>>[vector<16xi32>, vector<16xi32>], vector<16xf32>,
            %add3A_365 = arith.constant 64 : i32
            %add3A_366 = arith.addi %mul3A_296, %add3A_365 : i32
            %swap3A_367 = arith.index_cast %add3A_366 : i32 to index
            %swap3A_368 = tpu.vector_load %arg12[%swap3A_367] {strides = array<i32>} : memref<1024xf32, #tpu.memory_space<vmem>>, vector<16xf32>,
            tpu.vector_store %arg12[%swap3A_367], %gather3A_360 {strides = array<i32>} : memref<1024xf32, #tpu.memory_space<vmem>>, vector<16xf32>,
            %add3A_369 = arith.constant 64 : i32
            %add3A_370 = arith.addi %mul3A_296, %add3A_369 : i32
            %add3A_371 = arith.constant 16 : i32
            %add3A_372 = arith.addi %add3A_370, %add3A_371 : i32
            %swap3A_373 = arith.index_cast %add3A_372 : i32 to index
            %swap3A_374 = tpu.vector_load %arg12[%swap3A_373] {strides = array<i32>} : memref<1024xf32, #tpu.memory_space<vmem>>, vector<16xf32>,
            tpu.vector_store %arg12[%swap3A_373], %gather3A_364 {strides = array<i32>} : memref<1024xf32, #tpu.memory_space<vmem>>, vector<16xf32>,
            %add3A_375 = arith.constant 64 : i32
            %add3A_376 = arith.addi %mul3A_296, %add3A_375 : i32
            %slice3A_377 = vector.extract_strided_slice %get3A_303 {offsets = [2], sizes = [1], strides = [1]} : vector<16xi32> to vector<1xi32>
            %squeeze3A_378 = vector.extract %slice3A_377[0] : i32 from vector<1xi32>
            %mul3A_379 = arith.constant 32 : i32
            %mul3A_380 = arith.muli %squeeze3A_378, %mul3A_379 : i32
            %dma_start3A_381 = tpu.memref_slice %arg12[%add3A_376] : memref<1024xf32, #tpu.memory_space<vmem>> -> memref<32xf32, #tpu.memory_space<vmem>>
            %dma_start3A_382 = tpu.memref_slice %arg16[%mul3A_380] : memref<65536xf32, #tpu.memory_space<vmem_shared>> -> memref<32xf32, #tpu.memory_space<vmem_shared>>
            %dma_start3A_383 = tpu.memref_slice %arg16[%mul3A_380] : memref<65536xf32, #tpu.memory_space<vmem_shared>> -> memref<32xf32, #tpu.memory_space<vmem_shared>>
            %dma_start3A_384 = tpu.memref_slice %arg12[%add3A_376] : memref<1024xf32, #tpu.memory_space<vmem>> -> memref<32xf32, #tpu.memory_space<vmem>>
            tpu.enqueue_dma source(%dma_start3A_384 : memref<32xf32, #tpu.memory_space<vmem>>) target(%dma_start3A_383 : memref<32xf32, #tpu.memory_space<vmem_shared>>) target_semaphore(%arg17 : memref<!tpu.dma_semaphore, #tpu.memory_space<semaphore_mem>>)
            %slice3A_385 = vector.extract_strided_slice %get3A_299 {offsets = [3], sizes = [1], strides = [1]} : vector<16xi32> to vector<1xi32>
            %squeeze3A_386 = vector.extract %slice3A_385[0] : i32 from vector<1xi32>
            %sub3A_387 = arith.subi %squeeze3A_386, %mul3A_233 : i32
            %broadcast_in_dim3A_388 = vector.broadcast %sub3A_387 : i32 to vector<16xi32>
            %gather3A_389 = tpu.vector_load_idx %arg11[%iota3A, %broadcast_in_dim3A_388] : memref<32x1024xf32, #tpu.memory_space<vmem>>[vector<16xi32>, vector<16xi32>], vector<16xf32>,
            %add3A_390 = arith.constant 16 : i32
            %add3A_391 = vector.broadcast %add3A_390 : i32 to vector<16xi32>
            %add3A_392 = arith.addi %iota3A, %add3A_391 : vector<16xi32>
            %gather3A_393 = tpu.vector_load_idx %arg11[%add3A_392, %broadcast_in_dim3A_388] : memref<32x1024xf32, #tpu.memory_space<vmem>>[vector<16xi32>, vector<16xi32>], vector<16xf32>,
            %add3A_394 = arith.constant 96 : i32
            %add3A_395 = arith.addi %mul3A_296, %add3A_394 : i32
            %swap3A_396 = arith.index_cast %add3A_395 : i32 to index
            %swap3A_397 = tpu.vector_load %arg12[%swap3A_396] {strides = array<i32>} : memref<1024xf32, #tpu.memory_space<vmem>>, vector<16xf32>,
            tpu.vector_store %arg12[%swap3A_396], %gather3A_389 {strides = array<i32>} : memref<1024xf32, #tpu.memory_space<vmem>>, vector<16xf32>,
            %add3A_398 = arith.constant 96 : i32
            %add3A_399 = arith.addi %mul3A_296, %add3A_398 : i32
            %add3A_400 = arith.constant 16 : i32
            %add3A_401 = arith.addi %add3A_399, %add3A_400 : i32
            %swap3A_402 = arith.index_cast %add3A_401 : i32 to index
            %swap3A_403 = tpu.vector_load %arg12[%swap3A_402] {strides = array<i32>} : memref<1024xf32, #tpu.memory_space<vmem>>, vector<16xf32>,
            tpu.vector_store %arg12[%swap3A_402], %gather3A_393 {strides = array<i32>} : memref<1024xf32, #tpu.memory_space<vmem>>, vector<16xf32>,
            %add3A_404 = arith.constant 96 : i32
            %add3A_405 = arith.addi %mul3A_296, %add3A_404 : i32
            %slice3A_406 = vector.extract_strided_slice %get3A_303 {offsets = [3], sizes = [1], strides = [1]} : vector<16xi32> to vector<1xi32>
            %squeeze3A_407 = vector.extract %slice3A_406[0] : i32 from vector<1xi32>
            %mul3A_408 = arith.constant 32 : i32
            %mul3A_409 = arith.muli %squeeze3A_407, %mul3A_408 : i32
            %dma_start3A_410 = tpu.memref_slice %arg12[%add3A_405] : memref<1024xf32, #tpu.memory_space<vmem>> -> memref<32xf32, #tpu.memory_space<vmem>>
            %dma_start3A_411 = tpu.memref_slice %arg16[%mul3A_409] : memref<65536xf32, #tpu.memory_space<vmem_shared>> -> memref<32xf32, #tpu.memory_space<vmem_shared>>
            %dma_start3A_412 = tpu.memref_slice %arg16[%mul3A_409] : memref<65536xf32, #tpu.memory_space<vmem_shared>> -> memref<32xf32, #tpu.memory_space<vmem_shared>>
            %dma_start3A_413 = tpu.memref_slice %arg12[%add3A_405] : memref<1024xf32, #tpu.memory_space<vmem>> -> memref<32xf32, #tpu.memory_space<vmem>>
            tpu.enqueue_dma source(%dma_start3A_413 : memref<32xf32, #tpu.memory_space<vmem>>) target(%dma_start3A_412 : memref<32xf32, #tpu.memory_space<vmem_shared>>) target_semaphore(%arg17 : memref<!tpu.dma_semaphore, #tpu.memory_space<semaphore_mem>>)
            %slice3A_414 = vector.extract_strided_slice %get3A_299 {offsets = [4], sizes = [1], strides = [1]} : vector<16xi32> to vector<1xi32>
            %squeeze3A_415 = vector.extract %slice3A_414[0] : i32 from vector<1xi32>
            %sub3A_416 = arith.subi %squeeze3A_415, %mul3A_233 : i32
            %broadcast_in_dim3A_417 = vector.broadcast %sub3A_416 : i32 to vector<16xi32>
            %gather3A_418 = tpu.vector_load_idx %arg11[%iota3A, %broadcast_in_dim3A_417] : memref<32x1024xf32, #tpu.memory_space<vmem>>[vector<16xi32>, vector<16xi32>], vector<16xf32>,
            %add3A_419 = arith.constant 16 : i32
            %add3A_420 = vector.broadcast %add3A_419 : i32 to vector<16xi32>
            %add3A_421 = arith.addi %iota3A, %add3A_420 : vector<16xi32>
            %gather3A_422 = tpu.vector_load_idx %arg11[%add3A_421, %broadcast_in_dim3A_417] : memref<32x1024xf32, #tpu.memory_space<vmem>>[vector<16xi32>, vector<16xi32>], vector<16xf32>,
            %add3A_423 = arith.constant 128 : i32
            %add3A_424 = arith.addi %mul3A_296, %add3A_423 : i32
            %swap3A_425 = arith.index_cast %add3A_424 : i32 to index
            %swap3A_426 = tpu.vector_load %arg12[%swap3A_425] {strides = array<i32>} : memref<1024xf32, #tpu.memory_space<vmem>>, vector<16xf32>,
            tpu.vector_store %arg12[%swap3A_425], %gather3A_418 {strides = array<i32>} : memref<1024xf32, #tpu.memory_space<vmem>>, vector<16xf32>,
            %add3A_427 = arith.constant 128 : i32
            %add3A_428 = arith.addi %mul3A_296, %add3A_427 : i32
            %add3A_429 = arith.constant 16 : i32
            %add3A_430 = arith.addi %add3A_428, %add3A_429 : i32
            %swap3A_431 = arith.index_cast %add3A_430 : i32 to index
            %swap3A_432 = tpu.vector_load %arg12[%swap3A_431] {strides = array<i32>} : memref<1024xf32, #tpu.memory_space<vmem>>, vector<16xf32>,
            tpu.vector_store %arg12[%swap3A_431], %gather3A_422 {strides = array<i32>} : memref<1024xf32, #tpu.memory_space<vmem>>, vector<16xf32>,
            %add3A_433 = arith.constant 128 : i32
            %add3A_434 = arith.addi %mul3A_296, %add3A_433 : i32
            %slice3A_435 = vector.extract_strided_slice %get3A_303 {offsets = [4], sizes = [1], strides = [1]} : vector<16xi32> to vector<1xi32>
            %squeeze3A_436 = vector.extract %slice3A_435[0] : i32 from vector<1xi32>
            %mul3A_437 = arith.constant 32 : i32
            %mul3A_438 = arith.muli %squeeze3A_436, %mul3A_437 : i32
            %dma_start3A_439 = tpu.memref_slice %arg12[%add3A_434] : memref<1024xf32, #tpu.memory_space<vmem>> -> memref<32xf32, #tpu.memory_space<vmem>>
            %dma_start3A_440 = tpu.memref_slice %arg16[%mul3A_438] : memref<65536xf32, #tpu.memory_space<vmem_shared>> -> memref<32xf32, #tpu.memory_space<vmem_shared>>
            %dma_start3A_441 = tpu.memref_slice %arg16[%mul3A_438] : memref<65536xf32, #tpu.memory_space<vmem_shared>> -> memref<32xf32, #tpu.memory_space<vmem_shared>>
            %dma_start3A_442 = tpu.memref_slice %arg12[%add3A_434] : memref<1024xf32, #tpu.memory_space<vmem>> -> memref<32xf32, #tpu.memory_space<vmem>>
            tpu.enqueue_dma source(%dma_start3A_442 : memref<32xf32, #tpu.memory_space<vmem>>) target(%dma_start3A_441 : memref<32xf32, #tpu.memory_space<vmem_shared>>) target_semaphore(%arg17 : memref<!tpu.dma_semaphore, #tpu.memory_space<semaphore_mem>>)
            %slice3A_443 = vector.extract_strided_slice %get3A_299 {offsets = [5], sizes = [1], strides = [1]} : vector<16xi32> to vector<1xi32>
            %squeeze3A_444 = vector.extract %slice3A_443[0] : i32 from vector<1xi32>
            %sub3A_445 = arith.subi %squeeze3A_444, %mul3A_233 : i32
            %broadcast_in_dim3A_446 = vector.broadcast %sub3A_445 : i32 to vector<16xi32>
            %gather3A_447 = tpu.vector_load_idx %arg11[%iota3A, %broadcast_in_dim3A_446] : memref<32x1024xf32, #tpu.memory_space<vmem>>[vector<16xi32>, vector<16xi32>], vector<16xf32>,
            %add3A_448 = arith.constant 16 : i32
            %add3A_449 = vector.broadcast %add3A_448 : i32 to vector<16xi32>
            %add3A_450 = arith.addi %iota3A, %add3A_449 : vector<16xi32>
            %gather3A_451 = tpu.vector_load_idx %arg11[%add3A_450, %broadcast_in_dim3A_446] : memref<32x1024xf32, #tpu.memory_space<vmem>>[vector<16xi32>, vector<16xi32>], vector<16xf32>,
            %add3A_452 = arith.constant 160 : i32
            %add3A_453 = arith.addi %mul3A_296, %add3A_452 : i32
            %swap3A_454 = arith.index_cast %add3A_453 : i32 to index
            %swap3A_455 = tpu.vector_load %arg12[%swap3A_454] {strides = array<i32>} : memref<1024xf32, #tpu.memory_space<vmem>>, vector<16xf32>,
            tpu.vector_store %arg12[%swap3A_454], %gather3A_447 {strides = array<i32>} : memref<1024xf32, #tpu.memory_space<vmem>>, vector<16xf32>,
            %add3A_456 = arith.constant 160 : i32
            %add3A_457 = arith.addi %mul3A_296, %add3A_456 : i32
            %add3A_458 = arith.constant 16 : i32
            %add3A_459 = arith.addi %add3A_457, %add3A_458 : i32
            %swap3A_460 = arith.index_cast %add3A_459 : i32 to index
            %swap3A_461 = tpu.vector_load %arg12[%swap3A_460] {strides = array<i32>} : memref<1024xf32, #tpu.memory_space<vmem>>, vector<16xf32>,
            tpu.vector_store %arg12[%swap3A_460], %gather3A_451 {strides = array<i32>} : memref<1024xf32, #tpu.memory_space<vmem>>, vector<16xf32>,
            %add3A_462 = arith.constant 160 : i32
            %add3A_463 = arith.addi %mul3A_296, %add3A_462 : i32
            %slice3A_464 = vector.extract_strided_slice %get3A_303 {offsets = [5], sizes = [1], strides = [1]} : vector<16xi32> to vector<1xi32>
            %squeeze3A_465 = vector.extract %slice3A_464[0] : i32 from vector<1xi32>
            %mul3A_466 = arith.constant 32 : i32
            %mul3A_467 = arith.muli %squeeze3A_465, %mul3A_466 : i32
            %dma_start3A_468 = tpu.memref_slice %arg12[%add3A_463] : memref<1024xf32, #tpu.memory_space<vmem>> -> memref<32xf32, #tpu.memory_space<vmem>>
            %dma_start3A_469 = tpu.memref_slice %arg16[%mul3A_467] : memref<65536xf32, #tpu.memory_space<vmem_shared>> -> memref<32xf32, #tpu.memory_space<vmem_shared>>
            %dma_start3A_470 = tpu.memref_slice %arg16[%mul3A_467] : memref<65536xf32, #tpu.memory_space<vmem_shared>> -> memref<32xf32, #tpu.memory_space<vmem_shared>>
            %dma_start3A_471 = tpu.memref_slice %arg12[%add3A_463] : memref<1024xf32, #tpu.memory_space<vmem>> -> memref<32xf32, #tpu.memory_space<vmem>>
            tpu.enqueue_dma source(%dma_start3A_471 : memref<32xf32, #tpu.memory_space<vmem>>) target(%dma_start3A_470 : memref<32xf32, #tpu.memory_space<vmem_shared>>) target_semaphore(%arg17 : memref<!tpu.dma_semaphore, #tpu.memory_space<semaphore_mem>>)
            %slice3A_472 = vector.extract_strided_slice %get3A_299 {offsets = [6], sizes = [1], strides = [1]} : vector<16xi32> to vector<1xi32>
            %squeeze3A_473 = vector.extract %slice3A_472[0] : i32 from vector<1xi32>
            %sub3A_474 = arith.subi %squeeze3A_473, %mul3A_233 : i32
            %broadcast_in_dim3A_475 = vector.broadcast %sub3A_474 : i32 to vector<16xi32>
            %gather3A_476 = tpu.vector_load_idx %arg11[%iota3A, %broadcast_in_dim3A_475] : memref<32x1024xf32, #tpu.memory_space<vmem>>[vector<16xi32>, vector<16xi32>], vector<16xf32>,
            %add3A_477 = arith.constant 16 : i32
            %add3A_478 = vector.broadcast %add3A_477 : i32 to vector<16xi32>
            %add3A_479 = arith.addi %iota3A, %add3A_478 : vector<16xi32>
            %gather3A_480 = tpu.vector_load_idx %arg11[%add3A_479, %broadcast_in_dim3A_475] : memref<32x1024xf32, #tpu.memory_space<vmem>>[vector<16xi32>, vector<16xi32>], vector<16xf32>,
            %add3A_481 = arith.constant 192 : i32
            %add3A_482 = arith.addi %mul3A_296, %add3A_481 : i32
            %swap3A_483 = arith.index_cast %add3A_482 : i32 to index
            %swap3A_484 = tpu.vector_load %arg12[%swap3A_483] {strides = array<i32>} : memref<1024xf32, #tpu.memory_space<vmem>>, vector<16xf32>,
            tpu.vector_store %arg12[%swap3A_483], %gather3A_476 {strides = array<i32>} : memref<1024xf32, #tpu.memory_space<vmem>>, vector<16xf32>,
            %add3A_485 = arith.constant 192 : i32
            %add3A_486 = arith.addi %mul3A_296, %add3A_485 : i32
            %add3A_487 = arith.constant 16 : i32
            %add3A_488 = arith.addi %add3A_486, %add3A_487 : i32
            %swap3A_489 = arith.index_cast %add3A_488 : i32 to index
            %swap3A_490 = tpu.vector_load %arg12[%swap3A_489] {strides = array<i32>} : memref<1024xf32, #tpu.memory_space<vmem>>, vector<16xf32>,
            tpu.vector_store %arg12[%swap3A_489], %gather3A_480 {strides = array<i32>} : memref<1024xf32, #tpu.memory_space<vmem>>, vector<16xf32>,
            %add3A_491 = arith.constant 192 : i32
            %add3A_492 = arith.addi %mul3A_296, %add3A_491 : i32
            %slice3A_493 = vector.extract_strided_slice %get3A_303 {offsets = [6], sizes = [1], strides = [1]} : vector<16xi32> to vector<1xi32>
            %squeeze3A_494 = vector.extract %slice3A_493[0] : i32 from vector<1xi32>
            %mul3A_495 = arith.constant 32 : i32
            %mul3A_496 = arith.muli %squeeze3A_494, %mul3A_495 : i32
            %dma_start3A_497 = tpu.memref_slice %arg12[%add3A_492] : memref<1024xf32, #tpu.memory_space<vmem>> -> memref<32xf32, #tpu.memory_space<vmem>>
            %dma_start3A_498 = tpu.memref_slice %arg16[%mul3A_496] : memref<65536xf32, #tpu.memory_space<vmem_shared>> -> memref<32xf32, #tpu.memory_space<vmem_shared>>
            %dma_start3A_499 = tpu.memref_slice %arg16[%mul3A_496] : memref<65536xf32, #tpu.memory_space<vmem_shared>> -> memref<32xf32, #tpu.memory_space<vmem_shared>>
            %dma_start3A_500 = tpu.memref_slice %arg12[%add3A_492] : memref<1024xf32, #tpu.memory_space<vmem>> -> memref<32xf32, #tpu.memory_space<vmem>>
            tpu.enqueue_dma source(%dma_start3A_500 : memref<32xf32, #tpu.memory_space<vmem>>) target(%dma_start3A_499 : memref<32xf32, #tpu.memory_space<vmem_shared>>) target_semaphore(%arg17 : memref<!tpu.dma_semaphore, #tpu.memory_space<semaphore_mem>>)
            %slice3A_501 = vector.extract_strided_slice %get3A_299 {offsets = [7], sizes = [1], strides = [1]} : vector<16xi32> to vector<1xi32>
            %squeeze3A_502 = vector.extract %slice3A_501[0] : i32 from vector<1xi32>
            %sub3A_503 = arith.subi %squeeze3A_502, %mul3A_233 : i32
            %broadcast_in_dim3A_504 = vector.broadcast %sub3A_503 : i32 to vector<16xi32>
            %gather3A_505 = tpu.vector_load_idx %arg11[%iota3A, %broadcast_in_dim3A_504] : memref<32x1024xf32, #tpu.memory_space<vmem>>[vector<16xi32>, vector<16xi32>], vector<16xf32>,
            %add3A_506 = arith.constant 16 : i32
            %add3A_507 = vector.broadcast %add3A_506 : i32 to vector<16xi32>
            %add3A_508 = arith.addi %iota3A, %add3A_507 : vector<16xi32>
            %gather3A_509 = tpu.vector_load_idx %arg11[%add3A_508, %broadcast_in_dim3A_504] : memref<32x1024xf32, #tpu.memory_space<vmem>>[vector<16xi32>, vector<16xi32>], vector<16xf32>,
            %add3A_510 = arith.constant 224 : i32
            %add3A_511 = arith.addi %mul3A_296, %add3A_510 : i32
            %swap3A_512 = arith.index_cast %add3A_511 : i32 to index
            %swap3A_513 = tpu.vector_load %arg12[%swap3A_512] {strides = array<i32>} : memref<1024xf32, #tpu.memory_space<vmem>>, vector<16xf32>,
            tpu.vector_store %arg12[%swap3A_512], %gather3A_505 {strides = array<i32>} : memref<1024xf32, #tpu.memory_space<vmem>>, vector<16xf32>,
            %add3A_514 = arith.constant 224 : i32
            %add3A_515 = arith.addi %mul3A_296, %add3A_514 : i32
            %add3A_516 = arith.constant 16 : i32
            %add3A_517 = arith.addi %add3A_515, %add3A_516 : i32
            %swap3A_518 = arith.index_cast %add3A_517 : i32 to index
            %swap3A_519 = tpu.vector_load %arg12[%swap3A_518] {strides = array<i32>} : memref<1024xf32, #tpu.memory_space<vmem>>, vector<16xf32>,
            tpu.vector_store %arg12[%swap3A_518], %gather3A_509 {strides = array<i32>} : memref<1024xf32, #tpu.memory_space<vmem>>, vector<16xf32>,
            %add3A_520 = arith.constant 224 : i32
            %add3A_521 = arith.addi %mul3A_296, %add3A_520 : i32
            %slice3A_522 = vector.extract_strided_slice %get3A_303 {offsets = [7], sizes = [1], strides = [1]} : vector<16xi32> to vector<1xi32>
            %squeeze3A_523 = vector.extract %slice3A_522[0] : i32 from vector<1xi32>
            %mul3A_524 = arith.constant 32 : i32
            %mul3A_525 = arith.muli %squeeze3A_523, %mul3A_524 : i32
            %dma_start3A_526 = tpu.memref_slice %arg12[%add3A_521] : memref<1024xf32, #tpu.memory_space<vmem>> -> memref<32xf32, #tpu.memory_space<vmem>>
            %dma_start3A_527 = tpu.memref_slice %arg16[%mul3A_525] : memref<65536xf32, #tpu.memory_space<vmem_shared>> -> memref<32xf32, #tpu.memory_space<vmem_shared>>
            %dma_start3A_528 = tpu.memref_slice %arg16[%mul3A_525] : memref<65536xf32, #tpu.memory_space<vmem_shared>> -> memref<32xf32, #tpu.memory_space<vmem_shared>>
            %dma_start3A_529 = tpu.memref_slice %arg12[%add3A_521] : memref<1024xf32, #tpu.memory_space<vmem>> -> memref<32xf32, #tpu.memory_space<vmem>>
            tpu.enqueue_dma source(%dma_start3A_529 : memref<32xf32, #tpu.memory_space<vmem>>) target(%dma_start3A_528 : memref<32xf32, #tpu.memory_space<vmem_shared>>) target_semaphore(%arg17 : memref<!tpu.dma_semaphore, #tpu.memory_space<semaphore_mem>>)
            %slice3A_530 = vector.extract_strided_slice %get3A_299 {offsets = [8], sizes = [1], strides = [1]} : vector<16xi32> to vector<1xi32>
            %squeeze3A_531 = vector.extract %slice3A_530[0] : i32 from vector<1xi32>
            %sub3A_532 = arith.subi %squeeze3A_531, %mul3A_233 : i32
            %broadcast_in_dim3A_533 = vector.broadcast %sub3A_532 : i32 to vector<16xi32>
            %gather3A_534 = tpu.vector_load_idx %arg11[%iota3A, %broadcast_in_dim3A_533] : memref<32x1024xf32, #tpu.memory_space<vmem>>[vector<16xi32>, vector<16xi32>], vector<16xf32>,
            %add3A_535 = arith.constant 16 : i32
            %add3A_536 = vector.broadcast %add3A_535 : i32 to vector<16xi32>
            %add3A_537 = arith.addi %iota3A, %add3A_536 : vector<16xi32>
            %gather3A_538 = tpu.vector_load_idx %arg11[%add3A_537, %broadcast_in_dim3A_533] : memref<32x1024xf32, #tpu.memory_space<vmem>>[vector<16xi32>, vector<16xi32>], vector<16xf32>,
            %add3A_539 = arith.constant 256 : i32
            %add3A_540 = arith.addi %mul3A_296, %add3A_539 : i32
            %swap3A_541 = arith.index_cast %add3A_540 : i32 to index
            %swap3A_542 = tpu.vector_load %arg12[%swap3A_541] {strides = array<i32>} : memref<1024xf32, #tpu.memory_space<vmem>>, vector<16xf32>,
            tpu.vector_store %arg12[%swap3A_541], %gather3A_534 {strides = array<i32>} : memref<1024xf32, #tpu.memory_space<vmem>>, vector<16xf32>,
            %add3A_543 = arith.constant 256 : i32
            %add3A_544 = arith.addi %mul3A_296, %add3A_543 : i32
            %add3A_545 = arith.constant 16 : i32
            %add3A_546 = arith.addi %add3A_544, %add3A_545 : i32
            %swap3A_547 = arith.index_cast %add3A_546 : i32 to index
            %swap3A_548 = tpu.vector_load %arg12[%swap3A_547] {strides = array<i32>} : memref<1024xf32, #tpu.memory_space<vmem>>, vector<16xf32>,
            tpu.vector_store %arg12[%swap3A_547], %gather3A_538 {strides = array<i32>} : memref<1024xf32, #tpu.memory_space<vmem>>, vector<16xf32>,
            %add3A_549 = arith.constant 256 : i32
            %add3A_550 = arith.addi %mul3A_296, %add3A_549 : i32
            %slice3A_551 = vector.extract_strided_slice %get3A_303 {offsets = [8], sizes = [1], strides = [1]} : vector<16xi32> to vector<1xi32>
            %squeeze3A_552 = vector.extract %slice3A_551[0] : i32 from vector<1xi32>
            %mul3A_553 = arith.constant 32 : i32
            %mul3A_554 = arith.muli %squeeze3A_552, %mul3A_553 : i32
            %dma_start3A_555 = tpu.memref_slice %arg12[%add3A_550] : memref<1024xf32, #tpu.memory_space<vmem>> -> memref<32xf32, #tpu.memory_space<vmem>>
            %dma_start3A_556 = tpu.memref_slice %arg16[%mul3A_554] : memref<65536xf32, #tpu.memory_space<vmem_shared>> -> memref<32xf32, #tpu.memory_space<vmem_shared>>
            %dma_start3A_557 = tpu.memref_slice %arg16[%mul3A_554] : memref<65536xf32, #tpu.memory_space<vmem_shared>> -> memref<32xf32, #tpu.memory_space<vmem_shared>>
            %dma_start3A_558 = tpu.memref_slice %arg12[%add3A_550] : memref<1024xf32, #tpu.memory_space<vmem>> -> memref<32xf32, #tpu.memory_space<vmem>>
            tpu.enqueue_dma source(%dma_start3A_558 : memref<32xf32, #tpu.memory_space<vmem>>) target(%dma_start3A_557 : memref<32xf32, #tpu.memory_space<vmem_shared>>) target_semaphore(%arg17 : memref<!tpu.dma_semaphore, #tpu.memory_space<semaphore_mem>>)
            %slice3A_559 = vector.extract_strided_slice %get3A_299 {offsets = [9], sizes = [1], strides = [1]} : vector<16xi32> to vector<1xi32>
            %squeeze3A_560 = vector.extract %slice3A_559[0] : i32 from vector<1xi32>
            %sub3A_561 = arith.subi %squeeze3A_560, %mul3A_233 : i32
            %broadcast_in_dim3A_562 = vector.broadcast %sub3A_561 : i32 to vector<16xi32>
            %gather3A_563 = tpu.vector_load_idx %arg11[%iota3A, %broadcast_in_dim3A_562] : memref<32x1024xf32, #tpu.memory_space<vmem>>[vector<16xi32>, vector<16xi32>], vector<16xf32>,
            %add3A_564 = arith.constant 16 : i32
            %add3A_565 = vector.broadcast %add3A_564 : i32 to vector<16xi32>
            %add3A_566 = arith.addi %iota3A, %add3A_565 : vector<16xi32>
            %gather3A_567 = tpu.vector_load_idx %arg11[%add3A_566, %broadcast_in_dim3A_562] : memref<32x1024xf32, #tpu.memory_space<vmem>>[vector<16xi32>, vector<16xi32>], vector<16xf32>,
            %add3A_568 = arith.constant 288 : i32
            %add3A_569 = arith.addi %mul3A_296, %add3A_568 : i32
            %swap3A_570 = arith.index_cast %add3A_569 : i32 to index
            %swap3A_571 = tpu.vector_load %arg12[%swap3A_570] {strides = array<i32>} : memref<1024xf32, #tpu.memory_space<vmem>>, vector<16xf32>,
            tpu.vector_store %arg12[%swap3A_570], %gather3A_563 {strides = array<i32>} : memref<1024xf32, #tpu.memory_space<vmem>>, vector<16xf32>,
            %add3A_572 = arith.constant 288 : i32
            %add3A_573 = arith.addi %mul3A_296, %add3A_572 : i32
            %add3A_574 = arith.constant 16 : i32
            %add3A_575 = arith.addi %add3A_573, %add3A_574 : i32
            %swap3A_576 = arith.index_cast %add3A_575 : i32 to index
            %swap3A_577 = tpu.vector_load %arg12[%swap3A_576] {strides = array<i32>} : memref<1024xf32, #tpu.memory_space<vmem>>, vector<16xf32>,
            tpu.vector_store %arg12[%swap3A_576], %gather3A_567 {strides = array<i32>} : memref<1024xf32, #tpu.memory_space<vmem>>, vector<16xf32>,
            %add3A_578 = arith.constant 288 : i32
            %add3A_579 = arith.addi %mul3A_296, %add3A_578 : i32
            %slice3A_580 = vector.extract_strided_slice %get3A_303 {offsets = [9], sizes = [1], strides = [1]} : vector<16xi32> to vector<1xi32>
            %squeeze3A_581 = vector.extract %slice3A_580[0] : i32 from vector<1xi32>
            %mul3A_582 = arith.constant 32 : i32
            %mul3A_583 = arith.muli %squeeze3A_581, %mul3A_582 : i32
            %dma_start3A_584 = tpu.memref_slice %arg12[%add3A_579] : memref<1024xf32, #tpu.memory_space<vmem>> -> memref<32xf32, #tpu.memory_space<vmem>>
            %dma_start3A_585 = tpu.memref_slice %arg16[%mul3A_583] : memref<65536xf32, #tpu.memory_space<vmem_shared>> -> memref<32xf32, #tpu.memory_space<vmem_shared>>
            %dma_start3A_586 = tpu.memref_slice %arg16[%mul3A_583] : memref<65536xf32, #tpu.memory_space<vmem_shared>> -> memref<32xf32, #tpu.memory_space<vmem_shared>>
            %dma_start3A_587 = tpu.memref_slice %arg12[%add3A_579] : memref<1024xf32, #tpu.memory_space<vmem>> -> memref<32xf32, #tpu.memory_space<vmem>>
            tpu.enqueue_dma source(%dma_start3A_587 : memref<32xf32, #tpu.memory_space<vmem>>) target(%dma_start3A_586 : memref<32xf32, #tpu.memory_space<vmem_shared>>) target_semaphore(%arg17 : memref<!tpu.dma_semaphore, #tpu.memory_space<semaphore_mem>>)
            %slice3A_588 = vector.extract_strided_slice %get3A_299 {offsets = [10], sizes = [1], strides = [1]} : vector<16xi32> to vector<1xi32>
            %squeeze3A_589 = vector.extract %slice3A_588[0] : i32 from vector<1xi32>
            %sub3A_590 = arith.subi %squeeze3A_589, %mul3A_233 : i32
            %broadcast_in_dim3A_591 = vector.broadcast %sub3A_590 : i32 to vector<16xi32>
            %gather3A_592 = tpu.vector_load_idx %arg11[%iota3A, %broadcast_in_dim3A_591] : memref<32x1024xf32, #tpu.memory_space<vmem>>[vector<16xi32>, vector<16xi32>], vector<16xf32>,
            %add3A_593 = arith.constant 16 : i32
            %add3A_594 = vector.broadcast %add3A_593 : i32 to vector<16xi32>
            %add3A_595 = arith.addi %iota3A, %add3A_594 : vector<16xi32>
            %gather3A_596 = tpu.vector_load_idx %arg11[%add3A_595, %broadcast_in_dim3A_591] : memref<32x1024xf32, #tpu.memory_space<vmem>>[vector<16xi32>, vector<16xi32>], vector<16xf32>,
            %add3A_597 = arith.constant 320 : i32
            %add3A_598 = arith.addi %mul3A_296, %add3A_597 : i32
            %swap3A_599 = arith.index_cast %add3A_598 : i32 to index
            %swap3A_600 = tpu.vector_load %arg12[%swap3A_599] {strides = array<i32>} : memref<1024xf32, #tpu.memory_space<vmem>>, vector<16xf32>,
            tpu.vector_store %arg12[%swap3A_599], %gather3A_592 {strides = array<i32>} : memref<1024xf32, #tpu.memory_space<vmem>>, vector<16xf32>,
            %add3A_601 = arith.constant 320 : i32
            %add3A_602 = arith.addi %mul3A_296, %add3A_601 : i32
            %add3A_603 = arith.constant 16 : i32
            %add3A_604 = arith.addi %add3A_602, %add3A_603 : i32
            %swap3A_605 = arith.index_cast %add3A_604 : i32 to index
            %swap3A_606 = tpu.vector_load %arg12[%swap3A_605] {strides = array<i32>} : memref<1024xf32, #tpu.memory_space<vmem>>, vector<16xf32>,
            tpu.vector_store %arg12[%swap3A_605], %gather3A_596 {strides = array<i32>} : memref<1024xf32, #tpu.memory_space<vmem>>, vector<16xf32>,
            %add3A_607 = arith.constant 320 : i32
            %add3A_608 = arith.addi %mul3A_296, %add3A_607 : i32
            %slice3A_609 = vector.extract_strided_slice %get3A_303 {offsets = [10], sizes = [1], strides = [1]} : vector<16xi32> to vector<1xi32>
            %squeeze3A_610 = vector.extract %slice3A_609[0] : i32 from vector<1xi32>
            %mul3A_611 = arith.constant 32 : i32
            %mul3A_612 = arith.muli %squeeze3A_610, %mul3A_611 : i32
            %dma_start3A_613 = tpu.memref_slice %arg12[%add3A_608] : memref<1024xf32, #tpu.memory_space<vmem>> -> memref<32xf32, #tpu.memory_space<vmem>>
            %dma_start3A_614 = tpu.memref_slice %arg16[%mul3A_612] : memref<65536xf32, #tpu.memory_space<vmem_shared>> -> memref<32xf32, #tpu.memory_space<vmem_shared>>
            %dma_start3A_615 = tpu.memref_slice %arg16[%mul3A_612] : memref<65536xf32, #tpu.memory_space<vmem_shared>> -> memref<32xf32, #tpu.memory_space<vmem_shared>>
            %dma_start3A_616 = tpu.memref_slice %arg12[%add3A_608] : memref<1024xf32, #tpu.memory_space<vmem>> -> memref<32xf32, #tpu.memory_space<vmem>>
            tpu.enqueue_dma source(%dma_start3A_616 : memref<32xf32, #tpu.memory_space<vmem>>) target(%dma_start3A_615 : memref<32xf32, #tpu.memory_space<vmem_shared>>) target_semaphore(%arg17 : memref<!tpu.dma_semaphore, #tpu.memory_space<semaphore_mem>>)
            %slice3A_617 = vector.extract_strided_slice %get3A_299 {offsets = [11], sizes = [1], strides = [1]} : vector<16xi32> to vector<1xi32>
            %squeeze3A_618 = vector.extract %slice3A_617[0] : i32 from vector<1xi32>
            %sub3A_619 = arith.subi %squeeze3A_618, %mul3A_233 : i32
            %broadcast_in_dim3A_620 = vector.broadcast %sub3A_619 : i32 to vector<16xi32>
            %gather3A_621 = tpu.vector_load_idx %arg11[%iota3A, %broadcast_in_dim3A_620] : memref<32x1024xf32, #tpu.memory_space<vmem>>[vector<16xi32>, vector<16xi32>], vector<16xf32>,
            %add3A_622 = arith.constant 16 : i32
            %add3A_623 = vector.broadcast %add3A_622 : i32 to vector<16xi32>
            %add3A_624 = arith.addi %iota3A, %add3A_623 : vector<16xi32>
            %gather3A_625 = tpu.vector_load_idx %arg11[%add3A_624, %broadcast_in_dim3A_620] : memref<32x1024xf32, #tpu.memory_space<vmem>>[vector<16xi32>, vector<16xi32>], vector<16xf32>,
            %add3A_626 = arith.constant 352 : i32
            %add3A_627 = arith.addi %mul3A_296, %add3A_626 : i32
            %swap3A_628 = arith.index_cast %add3A_627 : i32 to index
            %swap3A_629 = tpu.vector_load %arg12[%swap3A_628] {strides = array<i32>} : memref<1024xf32, #tpu.memory_space<vmem>>, vector<16xf32>,
            tpu.vector_store %arg12[%swap3A_628], %gather3A_621 {strides = array<i32>} : memref<1024xf32, #tpu.memory_space<vmem>>, vector<16xf32>,
            %add3A_630 = arith.constant 352 : i32
            %add3A_631 = arith.addi %mul3A_296, %add3A_630 : i32
            %add3A_632 = arith.constant 16 : i32
            %add3A_633 = arith.addi %add3A_631, %add3A_632 : i32
            %swap3A_634 = arith.index_cast %add3A_633 : i32 to index
            %swap3A_635 = tpu.vector_load %arg12[%swap3A_634] {strides = array<i32>} : memref<1024xf32, #tpu.memory_space<vmem>>, vector<16xf32>,
            tpu.vector_store %arg12[%swap3A_634], %gather3A_625 {strides = array<i32>} : memref<1024xf32, #tpu.memory_space<vmem>>, vector<16xf32>,
            %add3A_636 = arith.constant 352 : i32
            %add3A_637 = arith.addi %mul3A_296, %add3A_636 : i32
            %slice3A_638 = vector.extract_strided_slice %get3A_303 {offsets = [11], sizes = [1], strides = [1]} : vector<16xi32> to vector<1xi32>
            %squeeze3A_639 = vector.extract %slice3A_638[0] : i32 from vector<1xi32>
            %mul3A_640 = arith.constant 32 : i32
            %mul3A_641 = arith.muli %squeeze3A_639, %mul3A_640 : i32
            %dma_start3A_642 = tpu.memref_slice %arg12[%add3A_637] : memref<1024xf32, #tpu.memory_space<vmem>> -> memref<32xf32, #tpu.memory_space<vmem>>
            %dma_start3A_643 = tpu.memref_slice %arg16[%mul3A_641] : memref<65536xf32, #tpu.memory_space<vmem_shared>> -> memref<32xf32, #tpu.memory_space<vmem_shared>>
            %dma_start3A_644 = tpu.memref_slice %arg16[%mul3A_641] : memref<65536xf32, #tpu.memory_space<vmem_shared>> -> memref<32xf32, #tpu.memory_space<vmem_shared>>
            %dma_start3A_645 = tpu.memref_slice %arg12[%add3A_637] : memref<1024xf32, #tpu.memory_space<vmem>> -> memref<32xf32, #tpu.memory_space<vmem>>
            tpu.enqueue_dma source(%dma_start3A_645 : memref<32xf32, #tpu.memory_space<vmem>>) target(%dma_start3A_644 : memref<32xf32, #tpu.memory_space<vmem_shared>>) target_semaphore(%arg17 : memref<!tpu.dma_semaphore, #tpu.memory_space<semaphore_mem>>)
            %slice3A_646 = vector.extract_strided_slice %get3A_299 {offsets = [12], sizes = [1], strides = [1]} : vector<16xi32> to vector<1xi32>
            %squeeze3A_647 = vector.extract %slice3A_646[0] : i32 from vector<1xi32>
            %sub3A_648 = arith.subi %squeeze3A_647, %mul3A_233 : i32
            %broadcast_in_dim3A_649 = vector.broadcast %sub3A_648 : i32 to vector<16xi32>
            %gather3A_650 = tpu.vector_load_idx %arg11[%iota3A, %broadcast_in_dim3A_649] : memref<32x1024xf32, #tpu.memory_space<vmem>>[vector<16xi32>, vector<16xi32>], vector<16xf32>,
            %add3A_651 = arith.constant 16 : i32
            %add3A_652 = vector.broadcast %add3A_651 : i32 to vector<16xi32>
            %add3A_653 = arith.addi %iota3A, %add3A_652 : vector<16xi32>
            %gather3A_654 = tpu.vector_load_idx %arg11[%add3A_653, %broadcast_in_dim3A_649] : memref<32x1024xf32, #tpu.memory_space<vmem>>[vector<16xi32>, vector<16xi32>], vector<16xf32>,
            %add3A_655 = arith.constant 384 : i32
            %add3A_656 = arith.addi %mul3A_296, %add3A_655 : i32
            %swap3A_657 = arith.index_cast %add3A_656 : i32 to index
            %swap3A_658 = tpu.vector_load %arg12[%swap3A_657] {strides = array<i32>} : memref<1024xf32, #tpu.memory_space<vmem>>, vector<16xf32>,
            tpu.vector_store %arg12[%swap3A_657], %gather3A_650 {strides = array<i32>} : memref<1024xf32, #tpu.memory_space<vmem>>, vector<16xf32>,
            %add3A_659 = arith.constant 384 : i32
            %add3A_660 = arith.addi %mul3A_296, %add3A_659 : i32
            %add3A_661 = arith.constant 16 : i32
            %add3A_662 = arith.addi %add3A_660, %add3A_661 : i32
            %swap3A_663 = arith.index_cast %add3A_662 : i32 to index
            %swap3A_664 = tpu.vector_load %arg12[%swap3A_663] {strides = array<i32>} : memref<1024xf32, #tpu.memory_space<vmem>>, vector<16xf32>,
            tpu.vector_store %arg12[%swap3A_663], %gather3A_654 {strides = array<i32>} : memref<1024xf32, #tpu.memory_space<vmem>>, vector<16xf32>,
            %add3A_665 = arith.constant 384 : i32
            %add3A_666 = arith.addi %mul3A_296, %add3A_665 : i32
            %slice3A_667 = vector.extract_strided_slice %get3A_303 {offsets = [12], sizes = [1], strides = [1]} : vector<16xi32> to vector<1xi32>
            %squeeze3A_668 = vector.extract %slice3A_667[0] : i32 from vector<1xi32>
            %mul3A_669 = arith.constant 32 : i32
            %mul3A_670 = arith.muli %squeeze3A_668, %mul3A_669 : i32
            %dma_start3A_671 = tpu.memref_slice %arg12[%add3A_666] : memref<1024xf32, #tpu.memory_space<vmem>> -> memref<32xf32, #tpu.memory_space<vmem>>
            %dma_start3A_672 = tpu.memref_slice %arg16[%mul3A_670] : memref<65536xf32, #tpu.memory_space<vmem_shared>> -> memref<32xf32, #tpu.memory_space<vmem_shared>>
            %dma_start3A_673 = tpu.memref_slice %arg16[%mul3A_670] : memref<65536xf32, #tpu.memory_space<vmem_shared>> -> memref<32xf32, #tpu.memory_space<vmem_shared>>
            %dma_start3A_674 = tpu.memref_slice %arg12[%add3A_666] : memref<1024xf32, #tpu.memory_space<vmem>> -> memref<32xf32, #tpu.memory_space<vmem>>
            tpu.enqueue_dma source(%dma_start3A_674 : memref<32xf32, #tpu.memory_space<vmem>>) target(%dma_start3A_673 : memref<32xf32, #tpu.memory_space<vmem_shared>>) target_semaphore(%arg17 : memref<!tpu.dma_semaphore, #tpu.memory_space<semaphore_mem>>)
            %slice3A_675 = vector.extract_strided_slice %get3A_299 {offsets = [13], sizes = [1], strides = [1]} : vector<16xi32> to vector<1xi32>
            %squeeze3A_676 = vector.extract %slice3A_675[0] : i32 from vector<1xi32>
            %sub3A_677 = arith.subi %squeeze3A_676, %mul3A_233 : i32
            %broadcast_in_dim3A_678 = vector.broadcast %sub3A_677 : i32 to vector<16xi32>
            %gather3A_679 = tpu.vector_load_idx %arg11[%iota3A, %broadcast_in_dim3A_678] : memref<32x1024xf32, #tpu.memory_space<vmem>>[vector<16xi32>, vector<16xi32>], vector<16xf32>,
            %add3A_680 = arith.constant 16 : i32
            %add3A_681 = vector.broadcast %add3A_680 : i32 to vector<16xi32>
            %add3A_682 = arith.addi %iota3A, %add3A_681 : vector<16xi32>
            %gather3A_683 = tpu.vector_load_idx %arg11[%add3A_682, %broadcast_in_dim3A_678] : memref<32x1024xf32, #tpu.memory_space<vmem>>[vector<16xi32>, vector<16xi32>], vector<16xf32>,
            %add3A_684 = arith.constant 416 : i32
            %add3A_685 = arith.addi %mul3A_296, %add3A_684 : i32
            %swap3A_686 = arith.index_cast %add3A_685 : i32 to index
            %swap3A_687 = tpu.vector_load %arg12[%swap3A_686] {strides = array<i32>} : memref<1024xf32, #tpu.memory_space<vmem>>, vector<16xf32>,
            tpu.vector_store %arg12[%swap3A_686], %gather3A_679 {strides = array<i32>} : memref<1024xf32, #tpu.memory_space<vmem>>, vector<16xf32>,
            %add3A_688 = arith.constant 416 : i32
            %add3A_689 = arith.addi %mul3A_296, %add3A_688 : i32
            %add3A_690 = arith.constant 16 : i32
            %add3A_691 = arith.addi %add3A_689, %add3A_690 : i32
            %swap3A_692 = arith.index_cast %add3A_691 : i32 to index
            %swap3A_693 = tpu.vector_load %arg12[%swap3A_692] {strides = array<i32>} : memref<1024xf32, #tpu.memory_space<vmem>>, vector<16xf32>,
            tpu.vector_store %arg12[%swap3A_692], %gather3A_683 {strides = array<i32>} : memref<1024xf32, #tpu.memory_space<vmem>>, vector<16xf32>,
            %add3A_694 = arith.constant 416 : i32
            %add3A_695 = arith.addi %mul3A_296, %add3A_694 : i32
            %slice3A_696 = vector.extract_strided_slice %get3A_303 {offsets = [13], sizes = [1], strides = [1]} : vector<16xi32> to vector<1xi32>
            %squeeze3A_697 = vector.extract %slice3A_696[0] : i32 from vector<1xi32>
            %mul3A_698 = arith.constant 32 : i32
            %mul3A_699 = arith.muli %squeeze3A_697, %mul3A_698 : i32
            %dma_start3A_700 = tpu.memref_slice %arg12[%add3A_695] : memref<1024xf32, #tpu.memory_space<vmem>> -> memref<32xf32, #tpu.memory_space<vmem>>
            %dma_start3A_701 = tpu.memref_slice %arg16[%mul3A_699] : memref<65536xf32, #tpu.memory_space<vmem_shared>> -> memref<32xf32, #tpu.memory_space<vmem_shared>>
            %dma_start3A_702 = tpu.memref_slice %arg16[%mul3A_699] : memref<65536xf32, #tpu.memory_space<vmem_shared>> -> memref<32xf32, #tpu.memory_space<vmem_shared>>
            %dma_start3A_703 = tpu.memref_slice %arg12[%add3A_695] : memref<1024xf32, #tpu.memory_space<vmem>> -> memref<32xf32, #tpu.memory_space<vmem>>
            tpu.enqueue_dma source(%dma_start3A_703 : memref<32xf32, #tpu.memory_space<vmem>>) target(%dma_start3A_702 : memref<32xf32, #tpu.memory_space<vmem_shared>>) target_semaphore(%arg17 : memref<!tpu.dma_semaphore, #tpu.memory_space<semaphore_mem>>)
            %slice3A_704 = vector.extract_strided_slice %get3A_299 {offsets = [14], sizes = [1], strides = [1]} : vector<16xi32> to vector<1xi32>
            %squeeze3A_705 = vector.extract %slice3A_704[0] : i32 from vector<1xi32>
            %sub3A_706 = arith.subi %squeeze3A_705, %mul3A_233 : i32
            %broadcast_in_dim3A_707 = vector.broadcast %sub3A_706 : i32 to vector<16xi32>
            %gather3A_708 = tpu.vector_load_idx %arg11[%iota3A, %broadcast_in_dim3A_707] : memref<32x1024xf32, #tpu.memory_space<vmem>>[vector<16xi32>, vector<16xi32>], vector<16xf32>,
            %add3A_709 = arith.constant 16 : i32
            %add3A_710 = vector.broadcast %add3A_709 : i32 to vector<16xi32>
            %add3A_711 = arith.addi %iota3A, %add3A_710 : vector<16xi32>
            %gather3A_712 = tpu.vector_load_idx %arg11[%add3A_711, %broadcast_in_dim3A_707] : memref<32x1024xf32, #tpu.memory_space<vmem>>[vector<16xi32>, vector<16xi32>], vector<16xf32>,
            %add3A_713 = arith.constant 448 : i32
            %add3A_714 = arith.addi %mul3A_296, %add3A_713 : i32
            %swap3A_715 = arith.index_cast %add3A_714 : i32 to index
            %swap3A_716 = tpu.vector_load %arg12[%swap3A_715] {strides = array<i32>} : memref<1024xf32, #tpu.memory_space<vmem>>, vector<16xf32>,
            tpu.vector_store %arg12[%swap3A_715], %gather3A_708 {strides = array<i32>} : memref<1024xf32, #tpu.memory_space<vmem>>, vector<16xf32>,
            %add3A_717 = arith.constant 448 : i32
            %add3A_718 = arith.addi %mul3A_296, %add3A_717 : i32
            %add3A_719 = arith.constant 16 : i32
            %add3A_720 = arith.addi %add3A_718, %add3A_719 : i32
            %swap3A_721 = arith.index_cast %add3A_720 : i32 to index
            %swap3A_722 = tpu.vector_load %arg12[%swap3A_721] {strides = array<i32>} : memref<1024xf32, #tpu.memory_space<vmem>>, vector<16xf32>,
            tpu.vector_store %arg12[%swap3A_721], %gather3A_712 {strides = array<i32>} : memref<1024xf32, #tpu.memory_space<vmem>>, vector<16xf32>,
            %add3A_723 = arith.constant 448 : i32
            %add3A_724 = arith.addi %mul3A_296, %add3A_723 : i32
            %slice3A_725 = vector.extract_strided_slice %get3A_303 {offsets = [14], sizes = [1], strides = [1]} : vector<16xi32> to vector<1xi32>
            %squeeze3A_726 = vector.extract %slice3A_725[0] : i32 from vector<1xi32>
            %mul3A_727 = arith.constant 32 : i32
            %mul3A_728 = arith.muli %squeeze3A_726, %mul3A_727 : i32
            %dma_start3A_729 = tpu.memref_slice %arg12[%add3A_724] : memref<1024xf32, #tpu.memory_space<vmem>> -> memref<32xf32, #tpu.memory_space<vmem>>
            %dma_start3A_730 = tpu.memref_slice %arg16[%mul3A_728] : memref<65536xf32, #tpu.memory_space<vmem_shared>> -> memref<32xf32, #tpu.memory_space<vmem_shared>>
            %dma_start3A_731 = tpu.memref_slice %arg16[%mul3A_728] : memref<65536xf32, #tpu.memory_space<vmem_shared>> -> memref<32xf32, #tpu.memory_space<vmem_shared>>
            %dma_start3A_732 = tpu.memref_slice %arg12[%add3A_724] : memref<1024xf32, #tpu.memory_space<vmem>> -> memref<32xf32, #tpu.memory_space<vmem>>
            tpu.enqueue_dma source(%dma_start3A_732 : memref<32xf32, #tpu.memory_space<vmem>>) target(%dma_start3A_731 : memref<32xf32, #tpu.memory_space<vmem_shared>>) target_semaphore(%arg17 : memref<!tpu.dma_semaphore, #tpu.memory_space<semaphore_mem>>)
            %slice3A_733 = vector.extract_strided_slice %get3A_299 {offsets = [15], sizes = [1], strides = [1]} : vector<16xi32> to vector<1xi32>
            %squeeze3A_734 = vector.extract %slice3A_733[0] : i32 from vector<1xi32>
            %sub3A_735 = arith.subi %squeeze3A_734, %mul3A_233 : i32
            %broadcast_in_dim3A_736 = vector.broadcast %sub3A_735 : i32 to vector<16xi32>
            %gather3A_737 = tpu.vector_load_idx %arg11[%iota3A, %broadcast_in_dim3A_736] : memref<32x1024xf32, #tpu.memory_space<vmem>>[vector<16xi32>, vector<16xi32>], vector<16xf32>,
            %add3A_738 = arith.constant 16 : i32
            %add3A_739 = vector.broadcast %add3A_738 : i32 to vector<16xi32>
            %add3A_740 = arith.addi %iota3A, %add3A_739 : vector<16xi32>
            %gather3A_741 = tpu.vector_load_idx %arg11[%add3A_740, %broadcast_in_dim3A_736] : memref<32x1024xf32, #tpu.memory_space<vmem>>[vector<16xi32>, vector<16xi32>], vector<16xf32>,
            %add3A_742 = arith.constant 480 : i32
            %add3A_743 = arith.addi %mul3A_296, %add3A_742 : i32
            %swap3A_744 = arith.index_cast %add3A_743 : i32 to index
            %swap3A_745 = tpu.vector_load %arg12[%swap3A_744] {strides = array<i32>} : memref<1024xf32, #tpu.memory_space<vmem>>, vector<16xf32>,
            tpu.vector_store %arg12[%swap3A_744], %gather3A_737 {strides = array<i32>} : memref<1024xf32, #tpu.memory_space<vmem>>, vector<16xf32>,
            %add3A_746 = arith.constant 480 : i32
            %add3A_747 = arith.addi %mul3A_296, %add3A_746 : i32
            %add3A_748 = arith.constant 16 : i32
            %add3A_749 = arith.addi %add3A_747, %add3A_748 : i32
            %swap3A_750 = arith.index_cast %add3A_749 : i32 to index
            %swap3A_751 = tpu.vector_load %arg12[%swap3A_750] {strides = array<i32>} : memref<1024xf32, #tpu.memory_space<vmem>>, vector<16xf32>,
            tpu.vector_store %arg12[%swap3A_750], %gather3A_741 {strides = array<i32>} : memref<1024xf32, #tpu.memory_space<vmem>>, vector<16xf32>,
            %add3A_752 = arith.constant 480 : i32
            %add3A_753 = arith.addi %mul3A_296, %add3A_752 : i32
            %slice3A_754 = vector.extract_strided_slice %get3A_303 {offsets = [15], sizes = [1], strides = [1]} : vector<16xi32> to vector<1xi32>
            %squeeze3A_755 = vector.extract %slice3A_754[0] : i32 from vector<1xi32>
            %mul3A_756 = arith.constant 32 : i32
            %mul3A_757 = arith.muli %squeeze3A_755, %mul3A_756 : i32
            %dma_start3A_758 = tpu.memref_slice %arg12[%add3A_753] : memref<1024xf32, #tpu.memory_space<vmem>> -> memref<32xf32, #tpu.memory_space<vmem>>
            %dma_start3A_759 = tpu.memref_slice %arg16[%mul3A_757] : memref<65536xf32, #tpu.memory_space<vmem_shared>> -> memref<32xf32, #tpu.memory_space<vmem_shared>>
            %dma_start3A_760 = tpu.memref_slice %arg16[%mul3A_757] : memref<65536xf32, #tpu.memory_space<vmem_shared>> -> memref<32xf32, #tpu.memory_space<vmem_shared>>
            %dma_start3A_761 = tpu.memref_slice %arg12[%add3A_753] : memref<1024xf32, #tpu.memory_space<vmem>> -> memref<32xf32, #tpu.memory_space<vmem>>
            tpu.enqueue_dma source(%dma_start3A_761 : memref<32xf32, #tpu.memory_space<vmem>>) target(%dma_start3A_760 : memref<32xf32, #tpu.memory_space<vmem_shared>>) target_semaphore(%arg17 : memref<!tpu.dma_semaphore, #tpu.memory_space<semaphore_mem>>)
            %while3A_762 = arith.constant 0 : i32
            %while3A_763 = arith.constant 0 : i32
            %while3A_764 = arith.subi %while3A_292, %while3A_762 : i32
            %while3A_765 = arith.addi %while3A_762, %while3A_764 : i32
            %while3A_766 = arith.constant 1 : i32
            %while3A_767 = arith.divsi %while3A_764, %while3A_766 : i32
            %while3A_768 = arith.muli %while3A_767, %while3A_766 : i32
            %while3A_769 = arith.addi %while3A_762, %while3A_768 : i32
            %while3A_770 = arith.constant 1 : i32
            %while3A_771 = scf.for %while3A_775 = %while3A_762 to %while3A_769 step %while3A_770 iter_args(%while3A_776 = %while3A_763) -> (i32)  : i32 {
              %dma_wait3A = arith.constant 0 : i32
              %dma_wait3A_777 = tpu.memref_slice %arg3[%dma_wait3A] : memref<4096xi32, #tpu.memory_space<hbm>> -> memref<32xi32, #tpu.memory_space<hbm>>
              %dma_wait3A_778 = arith.constant 0 : i32
              %dma_wait3A_779 = tpu.memref_slice %arg3[%dma_wait3A_778] : memref<4096xi32, #tpu.memory_space<hbm>> -> memref<32xi32, #tpu.memory_space<hbm>>
              tpu.wait_dma2 semaphore(%arg17 : memref<!tpu.dma_semaphore, #tpu.memory_space<semaphore_mem>>) src(%dma_wait3A_779 : memref<32xi32, #tpu.memory_space<hbm>>) dst(%arg15 : memref<32xi32, #tpu.memory_space<vmem>>)
              %while3A_780 = arith.constant 0 : i32
              scf.yield %while3A_780 : i32
            }
            %while3A_772 = arith.constant 1 : i32
            %while3A_773 = scf.for %while3A_775 = %while3A_769 to %while3A_765 step %while3A_772 iter_args(%while3A_776 = %while3A_771) -> (i32)  : i32 {
              %dma_wait3A = arith.constant 0 : i32
              %dma_wait3A_777 = tpu.memref_slice %arg3[%dma_wait3A] : memref<4096xi32, #tpu.memory_space<hbm>> -> memref<32xi32, #tpu.memory_space<hbm>>
              %dma_wait3A_778 = arith.constant 0 : i32
              %dma_wait3A_779 = tpu.memref_slice %arg3[%dma_wait3A_778] : memref<4096xi32, #tpu.memory_space<hbm>> -> memref<32xi32, #tpu.memory_space<hbm>>
              tpu.wait_dma2 semaphore(%arg17 : memref<!tpu.dma_semaphore, #tpu.memory_space<semaphore_mem>>) src(%dma_wait3A_779 : memref<32xi32, #tpu.memory_space<hbm>>) dst(%arg15 : memref<32xi32, #tpu.memory_space<vmem>>)
              %while3A_780 = arith.constant 0 : i32
              scf.yield %while3A_780 : i32
            }
            %while3A_774 = arith.constant 16 : i32
            scf.yield %while3A_774 : i32
          }
          %while3A_268 = arith.constant 1 : i32
          %while3A_269 = scf.for %while3A_291 = %while3A_265 to %while3A_261 step %while3A_268 iter_args(%while3A_292 = %while3A_267) -> (i32)  : i32 {
            %rem3A_293 = arith.constant 2 : i32
            %rem3A_294 = arith.remsi %while3A_291, %rem3A_293 : i32
            %mul3A_295 = arith.constant 512 : i32
            %mul3A_296 = arith.muli %rem3A_294, %mul3A_295 : i32
            %mul3A_297 = arith.constant 16 : i32
            %mul3A_298 = arith.muli %while3A_291, %mul3A_297 : i32
            %get3A = arith.index_cast %mul3A_298 : i32 to index
            %get3A_299 = tpu.vector_load %arg8[%get3A] {strides = array<i32>} : memref<2064xi32, #tpu.memory_space<vmem>>, vector<16xi32>,
            %mul3A_300 = arith.constant 16 : i32
            %mul3A_301 = arith.muli %while3A_291, %mul3A_300 : i32
            %get3A_302 = arith.index_cast %mul3A_301 : i32 to index
            %get3A_303 = tpu.vector_load %arg9[%get3A_302] {strides = array<i32>} : memref<2064xi32, #tpu.memory_space<vmem>>, vector<16xi32>,
            %slice3A = vector.extract_strided_slice %get3A_299 {offsets = [0], sizes = [1], strides = [1]} : vector<16xi32> to vector<1xi32>
            %squeeze3A = vector.extract %slice3A[0] : i32 from vector<1xi32>
            %sub3A_304 = arith.subi %squeeze3A, %mul3A_233 : i32
            %broadcast_in_dim3A = vector.broadcast %sub3A_304 : i32 to vector<16xi32>
            %gather3A = tpu.vector_load_idx %arg11[%iota3A, %broadcast_in_dim3A] : memref<32x1024xf32, #tpu.memory_space<vmem>>[vector<16xi32>, vector<16xi32>], vector<16xf32>,
            %add3A_305 = arith.constant 16 : i32
            %add3A_306 = vector.broadcast %add3A_305 : i32 to vector<16xi32>
            %add3A_307 = arith.addi %iota3A, %add3A_306 : vector<16xi32>
            %gather3A_308 = tpu.vector_load_idx %arg11[%add3A_307, %broadcast_in_dim3A] : memref<32x1024xf32, #tpu.memory_space<vmem>>[vector<16xi32>, vector<16xi32>], vector<16xf32>,
            %add3A_309 = arith.constant 0 : i32
            %add3A_310 = arith.addi %mul3A_296, %add3A_309 : i32
            %swap3A = arith.index_cast %add3A_310 : i32 to index
            %swap3A_311 = tpu.vector_load %arg12[%swap3A] {strides = array<i32>} : memref<1024xf32, #tpu.memory_space<vmem>>, vector<16xf32>,
            tpu.vector_store %arg12[%swap3A], %gather3A {strides = array<i32>} : memref<1024xf32, #tpu.memory_space<vmem>>, vector<16xf32>,
            %add3A_312 = arith.constant 0 : i32
            %add3A_313 = arith.addi %mul3A_296, %add3A_312 : i32
            %add3A_314 = arith.constant 16 : i32
            %add3A_315 = arith.addi %add3A_313, %add3A_314 : i32
            %swap3A_316 = arith.index_cast %add3A_315 : i32 to index
            %swap3A_317 = tpu.vector_load %arg12[%swap3A_316] {strides = array<i32>} : memref<1024xf32, #tpu.memory_space<vmem>>, vector<16xf32>,
            tpu.vector_store %arg12[%swap3A_316], %gather3A_308 {strides = array<i32>} : memref<1024xf32, #tpu.memory_space<vmem>>, vector<16xf32>,
            %add3A_318 = arith.constant 0 : i32
            %add3A_319 = arith.addi %mul3A_296, %add3A_318 : i32
            %slice3A_320 = vector.extract_strided_slice %get3A_303 {offsets = [0], sizes = [1], strides = [1]} : vector<16xi32> to vector<1xi32>
            %squeeze3A_321 = vector.extract %slice3A_320[0] : i32 from vector<1xi32>
            %mul3A_322 = arith.constant 32 : i32
            %mul3A_323 = arith.muli %squeeze3A_321, %mul3A_322 : i32
            %dma_start3A = tpu.memref_slice %arg12[%add3A_319] : memref<1024xf32, #tpu.memory_space<vmem>> -> memref<32xf32, #tpu.memory_space<vmem>>
            %dma_start3A_324 = tpu.memref_slice %arg16[%mul3A_323] : memref<65536xf32, #tpu.memory_space<vmem_shared>> -> memref<32xf32, #tpu.memory_space<vmem_shared>>
            %dma_start3A_325 = tpu.memref_slice %arg16[%mul3A_323] : memref<65536xf32, #tpu.memory_space<vmem_shared>> -> memref<32xf32, #tpu.memory_space<vmem_shared>>
            %dma_start3A_326 = tpu.memref_slice %arg12[%add3A_319] : memref<1024xf32, #tpu.memory_space<vmem>> -> memref<32xf32, #tpu.memory_space<vmem>>
            tpu.enqueue_dma source(%dma_start3A_326 : memref<32xf32, #tpu.memory_space<vmem>>) target(%dma_start3A_325 : memref<32xf32, #tpu.memory_space<vmem_shared>>) target_semaphore(%arg17 : memref<!tpu.dma_semaphore, #tpu.memory_space<semaphore_mem>>)
            %slice3A_327 = vector.extract_strided_slice %get3A_299 {offsets = [1], sizes = [1], strides = [1]} : vector<16xi32> to vector<1xi32>
            %squeeze3A_328 = vector.extract %slice3A_327[0] : i32 from vector<1xi32>
            %sub3A_329 = arith.subi %squeeze3A_328, %mul3A_233 : i32
            %broadcast_in_dim3A_330 = vector.broadcast %sub3A_329 : i32 to vector<16xi32>
            %gather3A_331 = tpu.vector_load_idx %arg11[%iota3A, %broadcast_in_dim3A_330] : memref<32x1024xf32, #tpu.memory_space<vmem>>[vector<16xi32>, vector<16xi32>], vector<16xf32>,
            %add3A_332 = arith.constant 16 : i32
            %add3A_333 = vector.broadcast %add3A_332 : i32 to vector<16xi32>
            %add3A_334 = arith.addi %iota3A, %add3A_333 : vector<16xi32>
            %gather3A_335 = tpu.vector_load_idx %arg11[%add3A_334, %broadcast_in_dim3A_330] : memref<32x1024xf32, #tpu.memory_space<vmem>>[vector<16xi32>, vector<16xi32>], vector<16xf32>,
            %add3A_336 = arith.constant 32 : i32
            %add3A_337 = arith.addi %mul3A_296, %add3A_336 : i32
            %swap3A_338 = arith.index_cast %add3A_337 : i32 to index
            %swap3A_339 = tpu.vector_load %arg12[%swap3A_338] {strides = array<i32>} : memref<1024xf32, #tpu.memory_space<vmem>>, vector<16xf32>,
            tpu.vector_store %arg12[%swap3A_338], %gather3A_331 {strides = array<i32>} : memref<1024xf32, #tpu.memory_space<vmem>>, vector<16xf32>,
            %add3A_340 = arith.constant 32 : i32
            %add3A_341 = arith.addi %mul3A_296, %add3A_340 : i32
            %add3A_342 = arith.constant 16 : i32
            %add3A_343 = arith.addi %add3A_341, %add3A_342 : i32
            %swap3A_344 = arith.index_cast %add3A_343 : i32 to index
            %swap3A_345 = tpu.vector_load %arg12[%swap3A_344] {strides = array<i32>} : memref<1024xf32, #tpu.memory_space<vmem>>, vector<16xf32>,
            tpu.vector_store %arg12[%swap3A_344], %gather3A_335 {strides = array<i32>} : memref<1024xf32, #tpu.memory_space<vmem>>, vector<16xf32>,
            %add3A_346 = arith.constant 32 : i32
            %add3A_347 = arith.addi %mul3A_296, %add3A_346 : i32
            %slice3A_348 = vector.extract_strided_slice %get3A_303 {offsets = [1], sizes = [1], strides = [1]} : vector<16xi32> to vector<1xi32>
            %squeeze3A_349 = vector.extract %slice3A_348[0] : i32 from vector<1xi32>
            %mul3A_350 = arith.constant 32 : i32
            %mul3A_351 = arith.muli %squeeze3A_349, %mul3A_350 : i32
            %dma_start3A_352 = tpu.memref_slice %arg12[%add3A_347] : memref<1024xf32, #tpu.memory_space<vmem>> -> memref<32xf32, #tpu.memory_space<vmem>>
            %dma_start3A_353 = tpu.memref_slice %arg16[%mul3A_351] : memref<65536xf32, #tpu.memory_space<vmem_shared>> -> memref<32xf32, #tpu.memory_space<vmem_shared>>
            %dma_start3A_354 = tpu.memref_slice %arg16[%mul3A_351] : memref<65536xf32, #tpu.memory_space<vmem_shared>> -> memref<32xf32, #tpu.memory_space<vmem_shared>>
            %dma_start3A_355 = tpu.memref_slice %arg12[%add3A_347] : memref<1024xf32, #tpu.memory_space<vmem>> -> memref<32xf32, #tpu.memory_space<vmem>>
            tpu.enqueue_dma source(%dma_start3A_355 : memref<32xf32, #tpu.memory_space<vmem>>) target(%dma_start3A_354 : memref<32xf32, #tpu.memory_space<vmem_shared>>) target_semaphore(%arg17 : memref<!tpu.dma_semaphore, #tpu.memory_space<semaphore_mem>>)
            %slice3A_356 = vector.extract_strided_slice %get3A_299 {offsets = [2], sizes = [1], strides = [1]} : vector<16xi32> to vector<1xi32>
            %squeeze3A_357 = vector.extract %slice3A_356[0] : i32 from vector<1xi32>
            %sub3A_358 = arith.subi %squeeze3A_357, %mul3A_233 : i32
            %broadcast_in_dim3A_359 = vector.broadcast %sub3A_358 : i32 to vector<16xi32>
            %gather3A_360 = tpu.vector_load_idx %arg11[%iota3A, %broadcast_in_dim3A_359] : memref<32x1024xf32, #tpu.memory_space<vmem>>[vector<16xi32>, vector<16xi32>], vector<16xf32>,
            %add3A_361 = arith.constant 16 : i32
            %add3A_362 = vector.broadcast %add3A_361 : i32 to vector<16xi32>
            %add3A_363 = arith.addi %iota3A, %add3A_362 : vector<16xi32>
            %gather3A_364 = tpu.vector_load_idx %arg11[%add3A_363, %broadcast_in_dim3A_359] : memref<32x1024xf32, #tpu.memory_space<vmem>>[vector<16xi32>, vector<16xi32>], vector<16xf32>,
            %add3A_365 = arith.constant 64 : i32
            %add3A_366 = arith.addi %mul3A_296, %add3A_365 : i32
            %swap3A_367 = arith.index_cast %add3A_366 : i32 to index
            %swap3A_368 = tpu.vector_load %arg12[%swap3A_367] {strides = array<i32>} : memref<1024xf32, #tpu.memory_space<vmem>>, vector<16xf32>,
            tpu.vector_store %arg12[%swap3A_367], %gather3A_360 {strides = array<i32>} : memref<1024xf32, #tpu.memory_space<vmem>>, vector<16xf32>,
            %add3A_369 = arith.constant 64 : i32
            %add3A_370 = arith.addi %mul3A_296, %add3A_369 : i32
            %add3A_371 = arith.constant 16 : i32
            %add3A_372 = arith.addi %add3A_370, %add3A_371 : i32
            %swap3A_373 = arith.index_cast %add3A_372 : i32 to index
            %swap3A_374 = tpu.vector_load %arg12[%swap3A_373] {strides = array<i32>} : memref<1024xf32, #tpu.memory_space<vmem>>, vector<16xf32>,
            tpu.vector_store %arg12[%swap3A_373], %gather3A_364 {strides = array<i32>} : memref<1024xf32, #tpu.memory_space<vmem>>, vector<16xf32>,
            %add3A_375 = arith.constant 64 : i32
            %add3A_376 = arith.addi %mul3A_296, %add3A_375 : i32
            %slice3A_377 = vector.extract_strided_slice %get3A_303 {offsets = [2], sizes = [1], strides = [1]} : vector<16xi32> to vector<1xi32>
            %squeeze3A_378 = vector.extract %slice3A_377[0] : i32 from vector<1xi32>
            %mul3A_379 = arith.constant 32 : i32
            %mul3A_380 = arith.muli %squeeze3A_378, %mul3A_379 : i32
            %dma_start3A_381 = tpu.memref_slice %arg12[%add3A_376] : memref<1024xf32, #tpu.memory_space<vmem>> -> memref<32xf32, #tpu.memory_space<vmem>>
            %dma_start3A_382 = tpu.memref_slice %arg16[%mul3A_380] : memref<65536xf32, #tpu.memory_space<vmem_shared>> -> memref<32xf32, #tpu.memory_space<vmem_shared>>
            %dma_start3A_383 = tpu.memref_slice %arg16[%mul3A_380] : memref<65536xf32, #tpu.memory_space<vmem_shared>> -> memref<32xf32, #tpu.memory_space<vmem_shared>>
            %dma_start3A_384 = tpu.memref_slice %arg12[%add3A_376] : memref<1024xf32, #tpu.memory_space<vmem>> -> memref<32xf32, #tpu.memory_space<vmem>>
            tpu.enqueue_dma source(%dma_start3A_384 : memref<32xf32, #tpu.memory_space<vmem>>) target(%dma_start3A_383 : memref<32xf32, #tpu.memory_space<vmem_shared>>) target_semaphore(%arg17 : memref<!tpu.dma_semaphore, #tpu.memory_space<semaphore_mem>>)
            %slice3A_385 = vector.extract_strided_slice %get3A_299 {offsets = [3], sizes = [1], strides = [1]} : vector<16xi32> to vector<1xi32>
            %squeeze3A_386 = vector.extract %slice3A_385[0] : i32 from vector<1xi32>
            %sub3A_387 = arith.subi %squeeze3A_386, %mul3A_233 : i32
            %broadcast_in_dim3A_388 = vector.broadcast %sub3A_387 : i32 to vector<16xi32>
            %gather3A_389 = tpu.vector_load_idx %arg11[%iota3A, %broadcast_in_dim3A_388] : memref<32x1024xf32, #tpu.memory_space<vmem>>[vector<16xi32>, vector<16xi32>], vector<16xf32>,
            %add3A_390 = arith.constant 16 : i32
            %add3A_391 = vector.broadcast %add3A_390 : i32 to vector<16xi32>
            %add3A_392 = arith.addi %iota3A, %add3A_391 : vector<16xi32>
            %gather3A_393 = tpu.vector_load_idx %arg11[%add3A_392, %broadcast_in_dim3A_388] : memref<32x1024xf32, #tpu.memory_space<vmem>>[vector<16xi32>, vector<16xi32>], vector<16xf32>,
            %add3A_394 = arith.constant 96 : i32
            %add3A_395 = arith.addi %mul3A_296, %add3A_394 : i32
            %swap3A_396 = arith.index_cast %add3A_395 : i32 to index
            %swap3A_397 = tpu.vector_load %arg12[%swap3A_396] {strides = array<i32>} : memref<1024xf32, #tpu.memory_space<vmem>>, vector<16xf32>,
            tpu.vector_store %arg12[%swap3A_396], %gather3A_389 {strides = array<i32>} : memref<1024xf32, #tpu.memory_space<vmem>>, vector<16xf32>,
            %add3A_398 = arith.constant 96 : i32
            %add3A_399 = arith.addi %mul3A_296, %add3A_398 : i32
            %add3A_400 = arith.constant 16 : i32
            %add3A_401 = arith.addi %add3A_399, %add3A_400 : i32
            %swap3A_402 = arith.index_cast %add3A_401 : i32 to index
            %swap3A_403 = tpu.vector_load %arg12[%swap3A_402] {strides = array<i32>} : memref<1024xf32, #tpu.memory_space<vmem>>, vector<16xf32>,
            tpu.vector_store %arg12[%swap3A_402], %gather3A_393 {strides = array<i32>} : memref<1024xf32, #tpu.memory_space<vmem>>, vector<16xf32>,
            %add3A_404 = arith.constant 96 : i32
            %add3A_405 = arith.addi %mul3A_296, %add3A_404 : i32
            %slice3A_406 = vector.extract_strided_slice %get3A_303 {offsets = [3], sizes = [1], strides = [1]} : vector<16xi32> to vector<1xi32>
            %squeeze3A_407 = vector.extract %slice3A_406[0] : i32 from vector<1xi32>
            %mul3A_408 = arith.constant 32 : i32
            %mul3A_409 = arith.muli %squeeze3A_407, %mul3A_408 : i32
            %dma_start3A_410 = tpu.memref_slice %arg12[%add3A_405] : memref<1024xf32, #tpu.memory_space<vmem>> -> memref<32xf32, #tpu.memory_space<vmem>>
            %dma_start3A_411 = tpu.memref_slice %arg16[%mul3A_409] : memref<65536xf32, #tpu.memory_space<vmem_shared>> -> memref<32xf32, #tpu.memory_space<vmem_shared>>
            %dma_start3A_412 = tpu.memref_slice %arg16[%mul3A_409] : memref<65536xf32, #tpu.memory_space<vmem_shared>> -> memref<32xf32, #tpu.memory_space<vmem_shared>>
            %dma_start3A_413 = tpu.memref_slice %arg12[%add3A_405] : memref<1024xf32, #tpu.memory_space<vmem>> -> memref<32xf32, #tpu.memory_space<vmem>>
            tpu.enqueue_dma source(%dma_start3A_413 : memref<32xf32, #tpu.memory_space<vmem>>) target(%dma_start3A_412 : memref<32xf32, #tpu.memory_space<vmem_shared>>) target_semaphore(%arg17 : memref<!tpu.dma_semaphore, #tpu.memory_space<semaphore_mem>>)
            %slice3A_414 = vector.extract_strided_slice %get3A_299 {offsets = [4], sizes = [1], strides = [1]} : vector<16xi32> to vector<1xi32>
            %squeeze3A_415 = vector.extract %slice3A_414[0] : i32 from vector<1xi32>
            %sub3A_416 = arith.subi %squeeze3A_415, %mul3A_233 : i32
            %broadcast_in_dim3A_417 = vector.broadcast %sub3A_416 : i32 to vector<16xi32>
            %gather3A_418 = tpu.vector_load_idx %arg11[%iota3A, %broadcast_in_dim3A_417] : memref<32x1024xf32, #tpu.memory_space<vmem>>[vector<16xi32>, vector<16xi32>], vector<16xf32>,
            %add3A_419 = arith.constant 16 : i32
            %add3A_420 = vector.broadcast %add3A_419 : i32 to vector<16xi32>
            %add3A_421 = arith.addi %iota3A, %add3A_420 : vector<16xi32>
            %gather3A_422 = tpu.vector_load_idx %arg11[%add3A_421, %broadcast_in_dim3A_417] : memref<32x1024xf32, #tpu.memory_space<vmem>>[vector<16xi32>, vector<16xi32>], vector<16xf32>,
            %add3A_423 = arith.constant 128 : i32
            %add3A_424 = arith.addi %mul3A_296, %add3A_423 : i32
            %swap3A_425 = arith.index_cast %add3A_424 : i32 to index
            %swap3A_426 = tpu.vector_load %arg12[%swap3A_425] {strides = array<i32>} : memref<1024xf32, #tpu.memory_space<vmem>>, vector<16xf32>,
            tpu.vector_store %arg12[%swap3A_425], %gather3A_418 {strides = array<i32>} : memref<1024xf32, #tpu.memory_space<vmem>>, vector<16xf32>,
            %add3A_427 = arith.constant 128 : i32
            %add3A_428 = arith.addi %mul3A_296, %add3A_427 : i32
            %add3A_429 = arith.constant 16 : i32
            %add3A_430 = arith.addi %add3A_428, %add3A_429 : i32
            %swap3A_431 = arith.index_cast %add3A_430 : i32 to index
            %swap3A_432 = tpu.vector_load %arg12[%swap3A_431] {strides = array<i32>} : memref<1024xf32, #tpu.memory_space<vmem>>, vector<16xf32>,
            tpu.vector_store %arg12[%swap3A_431], %gather3A_422 {strides = array<i32>} : memref<1024xf32, #tpu.memory_space<vmem>>, vector<16xf32>,
            %add3A_433 = arith.constant 128 : i32
            %add3A_434 = arith.addi %mul3A_296, %add3A_433 : i32
            %slice3A_435 = vector.extract_strided_slice %get3A_303 {offsets = [4], sizes = [1], strides = [1]} : vector<16xi32> to vector<1xi32>
            %squeeze3A_436 = vector.extract %slice3A_435[0] : i32 from vector<1xi32>
            %mul3A_437 = arith.constant 32 : i32
            %mul3A_438 = arith.muli %squeeze3A_436, %mul3A_437 : i32
            %dma_start3A_439 = tpu.memref_slice %arg12[%add3A_434] : memref<1024xf32, #tpu.memory_space<vmem>> -> memref<32xf32, #tpu.memory_space<vmem>>
            %dma_start3A_440 = tpu.memref_slice %arg16[%mul3A_438] : memref<65536xf32, #tpu.memory_space<vmem_shared>> -> memref<32xf32, #tpu.memory_space<vmem_shared>>
            %dma_start3A_441 = tpu.memref_slice %arg16[%mul3A_438] : memref<65536xf32, #tpu.memory_space<vmem_shared>> -> memref<32xf32, #tpu.memory_space<vmem_shared>>
            %dma_start3A_442 = tpu.memref_slice %arg12[%add3A_434] : memref<1024xf32, #tpu.memory_space<vmem>> -> memref<32xf32, #tpu.memory_space<vmem>>
            tpu.enqueue_dma source(%dma_start3A_442 : memref<32xf32, #tpu.memory_space<vmem>>) target(%dma_start3A_441 : memref<32xf32, #tpu.memory_space<vmem_shared>>) target_semaphore(%arg17 : memref<!tpu.dma_semaphore, #tpu.memory_space<semaphore_mem>>)
            %slice3A_443 = vector.extract_strided_slice %get3A_299 {offsets = [5], sizes = [1], strides = [1]} : vector<16xi32> to vector<1xi32>
            %squeeze3A_444 = vector.extract %slice3A_443[0] : i32 from vector<1xi32>
            %sub3A_445 = arith.subi %squeeze3A_444, %mul3A_233 : i32
            %broadcast_in_dim3A_446 = vector.broadcast %sub3A_445 : i32 to vector<16xi32>
            %gather3A_447 = tpu.vector_load_idx %arg11[%iota3A, %broadcast_in_dim3A_446] : memref<32x1024xf32, #tpu.memory_space<vmem>>[vector<16xi32>, vector<16xi32>], vector<16xf32>,
            %add3A_448 = arith.constant 16 : i32
            %add3A_449 = vector.broadcast %add3A_448 : i32 to vector<16xi32>
            %add3A_450 = arith.addi %iota3A, %add3A_449 : vector<16xi32>
            %gather3A_451 = tpu.vector_load_idx %arg11[%add3A_450, %broadcast_in_dim3A_446] : memref<32x1024xf32, #tpu.memory_space<vmem>>[vector<16xi32>, vector<16xi32>], vector<16xf32>,
            %add3A_452 = arith.constant 160 : i32
            %add3A_453 = arith.addi %mul3A_296, %add3A_452 : i32
            %swap3A_454 = arith.index_cast %add3A_453 : i32 to index
            %swap3A_455 = tpu.vector_load %arg12[%swap3A_454] {strides = array<i32>} : memref<1024xf32, #tpu.memory_space<vmem>>, vector<16xf32>,
            tpu.vector_store %arg12[%swap3A_454], %gather3A_447 {strides = array<i32>} : memref<1024xf32, #tpu.memory_space<vmem>>, vector<16xf32>,
            %add3A_456 = arith.constant 160 : i32
            %add3A_457 = arith.addi %mul3A_296, %add3A_456 : i32
            %add3A_458 = arith.constant 16 : i32
            %add3A_459 = arith.addi %add3A_457, %add3A_458 : i32
            %swap3A_460 = arith.index_cast %add3A_459 : i32 to index
            %swap3A_461 = tpu.vector_load %arg12[%swap3A_460] {strides = array<i32>} : memref<1024xf32, #tpu.memory_space<vmem>>, vector<16xf32>,
            tpu.vector_store %arg12[%swap3A_460], %gather3A_451 {strides = array<i32>} : memref<1024xf32, #tpu.memory_space<vmem>>, vector<16xf32>,
            %add3A_462 = arith.constant 160 : i32
            %add3A_463 = arith.addi %mul3A_296, %add3A_462 : i32
            %slice3A_464 = vector.extract_strided_slice %get3A_303 {offsets = [5], sizes = [1], strides = [1]} : vector<16xi32> to vector<1xi32>
            %squeeze3A_465 = vector.extract %slice3A_464[0] : i32 from vector<1xi32>
            %mul3A_466 = arith.constant 32 : i32
            %mul3A_467 = arith.muli %squeeze3A_465, %mul3A_466 : i32
            %dma_start3A_468 = tpu.memref_slice %arg12[%add3A_463] : memref<1024xf32, #tpu.memory_space<vmem>> -> memref<32xf32, #tpu.memory_space<vmem>>
            %dma_start3A_469 = tpu.memref_slice %arg16[%mul3A_467] : memref<65536xf32, #tpu.memory_space<vmem_shared>> -> memref<32xf32, #tpu.memory_space<vmem_shared>>
            %dma_start3A_470 = tpu.memref_slice %arg16[%mul3A_467] : memref<65536xf32, #tpu.memory_space<vmem_shared>> -> memref<32xf32, #tpu.memory_space<vmem_shared>>
            %dma_start3A_471 = tpu.memref_slice %arg12[%add3A_463] : memref<1024xf32, #tpu.memory_space<vmem>> -> memref<32xf32, #tpu.memory_space<vmem>>
            tpu.enqueue_dma source(%dma_start3A_471 : memref<32xf32, #tpu.memory_space<vmem>>) target(%dma_start3A_470 : memref<32xf32, #tpu.memory_space<vmem_shared>>) target_semaphore(%arg17 : memref<!tpu.dma_semaphore, #tpu.memory_space<semaphore_mem>>)
            %slice3A_472 = vector.extract_strided_slice %get3A_299 {offsets = [6], sizes = [1], strides = [1]} : vector<16xi32> to vector<1xi32>
            %squeeze3A_473 = vector.extract %slice3A_472[0] : i32 from vector<1xi32>
            %sub3A_474 = arith.subi %squeeze3A_473, %mul3A_233 : i32
            %broadcast_in_dim3A_475 = vector.broadcast %sub3A_474 : i32 to vector<16xi32>
            %gather3A_476 = tpu.vector_load_idx %arg11[%iota3A, %broadcast_in_dim3A_475] : memref<32x1024xf32, #tpu.memory_space<vmem>>[vector<16xi32>, vector<16xi32>], vector<16xf32>,
            %add3A_477 = arith.constant 16 : i32
            %add3A_478 = vector.broadcast %add3A_477 : i32 to vector<16xi32>
            %add3A_479 = arith.addi %iota3A, %add3A_478 : vector<16xi32>
            %gather3A_480 = tpu.vector_load_idx %arg11[%add3A_479, %broadcast_in_dim3A_475] : memref<32x1024xf32, #tpu.memory_space<vmem>>[vector<16xi32>, vector<16xi32>], vector<16xf32>,
            %add3A_481 = arith.constant 192 : i32
            %add3A_482 = arith.addi %mul3A_296, %add3A_481 : i32
            %swap3A_483 = arith.index_cast %add3A_482 : i32 to index
            %swap3A_484 = tpu.vector_load %arg12[%swap3A_483] {strides = array<i32>} : memref<1024xf32, #tpu.memory_space<vmem>>, vector<16xf32>,
            tpu.vector_store %arg12[%swap3A_483], %gather3A_476 {strides = array<i32>} : memref<1024xf32, #tpu.memory_space<vmem>>, vector<16xf32>,
            %add3A_485 = arith.constant 192 : i32
            %add3A_486 = arith.addi %mul3A_296, %add3A_485 : i32
            %add3A_487 = arith.constant 16 : i32
            %add3A_488 = arith.addi %add3A_486, %add3A_487 : i32
            %swap3A_489 = arith.index_cast %add3A_488 : i32 to index
            %swap3A_490 = tpu.vector_load %arg12[%swap3A_489] {strides = array<i32>} : memref<1024xf32, #tpu.memory_space<vmem>>, vector<16xf32>,
            tpu.vector_store %arg12[%swap3A_489], %gather3A_480 {strides = array<i32>} : memref<1024xf32, #tpu.memory_space<vmem>>, vector<16xf32>,
            %add3A_491 = arith.constant 192 : i32
            %add3A_492 = arith.addi %mul3A_296, %add3A_491 : i32
            %slice3A_493 = vector.extract_strided_slice %get3A_303 {offsets = [6], sizes = [1], strides = [1]} : vector<16xi32> to vector<1xi32>
            %squeeze3A_494 = vector.extract %slice3A_493[0] : i32 from vector<1xi32>
            %mul3A_495 = arith.constant 32 : i32
            %mul3A_496 = arith.muli %squeeze3A_494, %mul3A_495 : i32
            %dma_start3A_497 = tpu.memref_slice %arg12[%add3A_492] : memref<1024xf32, #tpu.memory_space<vmem>> -> memref<32xf32, #tpu.memory_space<vmem>>
            %dma_start3A_498 = tpu.memref_slice %arg16[%mul3A_496] : memref<65536xf32, #tpu.memory_space<vmem_shared>> -> memref<32xf32, #tpu.memory_space<vmem_shared>>
            %dma_start3A_499 = tpu.memref_slice %arg16[%mul3A_496] : memref<65536xf32, #tpu.memory_space<vmem_shared>> -> memref<32xf32, #tpu.memory_space<vmem_shared>>
            %dma_start3A_500 = tpu.memref_slice %arg12[%add3A_492] : memref<1024xf32, #tpu.memory_space<vmem>> -> memref<32xf32, #tpu.memory_space<vmem>>
            tpu.enqueue_dma source(%dma_start3A_500 : memref<32xf32, #tpu.memory_space<vmem>>) target(%dma_start3A_499 : memref<32xf32, #tpu.memory_space<vmem_shared>>) target_semaphore(%arg17 : memref<!tpu.dma_semaphore, #tpu.memory_space<semaphore_mem>>)
            %slice3A_501 = vector.extract_strided_slice %get3A_299 {offsets = [7], sizes = [1], strides = [1]} : vector<16xi32> to vector<1xi32>
            %squeeze3A_502 = vector.extract %slice3A_501[0] : i32 from vector<1xi32>
            %sub3A_503 = arith.subi %squeeze3A_502, %mul3A_233 : i32
            %broadcast_in_dim3A_504 = vector.broadcast %sub3A_503 : i32 to vector<16xi32>
            %gather3A_505 = tpu.vector_load_idx %arg11[%iota3A, %broadcast_in_dim3A_504] : memref<32x1024xf32, #tpu.memory_space<vmem>>[vector<16xi32>, vector<16xi32>], vector<16xf32>,
            %add3A_506 = arith.constant 16 : i32
            %add3A_507 = vector.broadcast %add3A_506 : i32 to vector<16xi32>
            %add3A_508 = arith.addi %iota3A, %add3A_507 : vector<16xi32>
            %gather3A_509 = tpu.vector_load_idx %arg11[%add3A_508, %broadcast_in_dim3A_504] : memref<32x1024xf32, #tpu.memory_space<vmem>>[vector<16xi32>, vector<16xi32>], vector<16xf32>,
            %add3A_510 = arith.constant 224 : i32
            %add3A_511 = arith.addi %mul3A_296, %add3A_510 : i32
            %swap3A_512 = arith.index_cast %add3A_511 : i32 to index
            %swap3A_513 = tpu.vector_load %arg12[%swap3A_512] {strides = array<i32>} : memref<1024xf32, #tpu.memory_space<vmem>>, vector<16xf32>,
            tpu.vector_store %arg12[%swap3A_512], %gather3A_505 {strides = array<i32>} : memref<1024xf32, #tpu.memory_space<vmem>>, vector<16xf32>,
            %add3A_514 = arith.constant 224 : i32
            %add3A_515 = arith.addi %mul3A_296, %add3A_514 : i32
            %add3A_516 = arith.constant 16 : i32
            %add3A_517 = arith.addi %add3A_515, %add3A_516 : i32
            %swap3A_518 = arith.index_cast %add3A_517 : i32 to index
            %swap3A_519 = tpu.vector_load %arg12[%swap3A_518] {strides = array<i32>} : memref<1024xf32, #tpu.memory_space<vmem>>, vector<16xf32>,
            tpu.vector_store %arg12[%swap3A_518], %gather3A_509 {strides = array<i32>} : memref<1024xf32, #tpu.memory_space<vmem>>, vector<16xf32>,
            %add3A_520 = arith.constant 224 : i32
            %add3A_521 = arith.addi %mul3A_296, %add3A_520 : i32
            %slice3A_522 = vector.extract_strided_slice %get3A_303 {offsets = [7], sizes = [1], strides = [1]} : vector<16xi32> to vector<1xi32>
            %squeeze3A_523 = vector.extract %slice3A_522[0] : i32 from vector<1xi32>
            %mul3A_524 = arith.constant 32 : i32
            %mul3A_525 = arith.muli %squeeze3A_523, %mul3A_524 : i32
            %dma_start3A_526 = tpu.memref_slice %arg12[%add3A_521] : memref<1024xf32, #tpu.memory_space<vmem>> -> memref<32xf32, #tpu.memory_space<vmem>>
            %dma_start3A_527 = tpu.memref_slice %arg16[%mul3A_525] : memref<65536xf32, #tpu.memory_space<vmem_shared>> -> memref<32xf32, #tpu.memory_space<vmem_shared>>
            %dma_start3A_528 = tpu.memref_slice %arg16[%mul3A_525] : memref<65536xf32, #tpu.memory_space<vmem_shared>> -> memref<32xf32, #tpu.memory_space<vmem_shared>>
            %dma_start3A_529 = tpu.memref_slice %arg12[%add3A_521] : memref<1024xf32, #tpu.memory_space<vmem>> -> memref<32xf32, #tpu.memory_space<vmem>>
            tpu.enqueue_dma source(%dma_start3A_529 : memref<32xf32, #tpu.memory_space<vmem>>) target(%dma_start3A_528 : memref<32xf32, #tpu.memory_space<vmem_shared>>) target_semaphore(%arg17 : memref<!tpu.dma_semaphore, #tpu.memory_space<semaphore_mem>>)
            %slice3A_530 = vector.extract_strided_slice %get3A_299 {offsets = [8], sizes = [1], strides = [1]} : vector<16xi32> to vector<1xi32>
            %squeeze3A_531 = vector.extract %slice3A_530[0] : i32 from vector<1xi32>
            %sub3A_532 = arith.subi %squeeze3A_531, %mul3A_233 : i32
            %broadcast_in_dim3A_533 = vector.broadcast %sub3A_532 : i32 to vector<16xi32>
            %gather3A_534 = tpu.vector_load_idx %arg11[%iota3A, %broadcast_in_dim3A_533] : memref<32x1024xf32, #tpu.memory_space<vmem>>[vector<16xi32>, vector<16xi32>], vector<16xf32>,
            %add3A_535 = arith.constant 16 : i32
            %add3A_536 = vector.broadcast %add3A_535 : i32 to vector<16xi32>
            %add3A_537 = arith.addi %iota3A, %add3A_536 : vector<16xi32>
            %gather3A_538 = tpu.vector_load_idx %arg11[%add3A_537, %broadcast_in_dim3A_533] : memref<32x1024xf32, #tpu.memory_space<vmem>>[vector<16xi32>, vector<16xi32>], vector<16xf32>,
            %add3A_539 = arith.constant 256 : i32
            %add3A_540 = arith.addi %mul3A_296, %add3A_539 : i32
            %swap3A_541 = arith.index_cast %add3A_540 : i32 to index
            %swap3A_542 = tpu.vector_load %arg12[%swap3A_541] {strides = array<i32>} : memref<1024xf32, #tpu.memory_space<vmem>>, vector<16xf32>,
            tpu.vector_store %arg12[%swap3A_541], %gather3A_534 {strides = array<i32>} : memref<1024xf32, #tpu.memory_space<vmem>>, vector<16xf32>,
            %add3A_543 = arith.constant 256 : i32
            %add3A_544 = arith.addi %mul3A_296, %add3A_543 : i32
            %add3A_545 = arith.constant 16 : i32
            %add3A_546 = arith.addi %add3A_544, %add3A_545 : i32
            %swap3A_547 = arith.index_cast %add3A_546 : i32 to index
            %swap3A_548 = tpu.vector_load %arg12[%swap3A_547] {strides = array<i32>} : memref<1024xf32, #tpu.memory_space<vmem>>, vector<16xf32>,
            tpu.vector_store %arg12[%swap3A_547], %gather3A_538 {strides = array<i32>} : memref<1024xf32, #tpu.memory_space<vmem>>, vector<16xf32>,
            %add3A_549 = arith.constant 256 : i32
            %add3A_550 = arith.addi %mul3A_296, %add3A_549 : i32
            %slice3A_551 = vector.extract_strided_slice %get3A_303 {offsets = [8], sizes = [1], strides = [1]} : vector<16xi32> to vector<1xi32>
            %squeeze3A_552 = vector.extract %slice3A_551[0] : i32 from vector<1xi32>
            %mul3A_553 = arith.constant 32 : i32
            %mul3A_554 = arith.muli %squeeze3A_552, %mul3A_553 : i32
            %dma_start3A_555 = tpu.memref_slice %arg12[%add3A_550] : memref<1024xf32, #tpu.memory_space<vmem>> -> memref<32xf32, #tpu.memory_space<vmem>>
            %dma_start3A_556 = tpu.memref_slice %arg16[%mul3A_554] : memref<65536xf32, #tpu.memory_space<vmem_shared>> -> memref<32xf32, #tpu.memory_space<vmem_shared>>
            %dma_start3A_557 = tpu.memref_slice %arg16[%mul3A_554] : memref<65536xf32, #tpu.memory_space<vmem_shared>> -> memref<32xf32, #tpu.memory_space<vmem_shared>>
            %dma_start3A_558 = tpu.memref_slice %arg12[%add3A_550] : memref<1024xf32, #tpu.memory_space<vmem>> -> memref<32xf32, #tpu.memory_space<vmem>>
            tpu.enqueue_dma source(%dma_start3A_558 : memref<32xf32, #tpu.memory_space<vmem>>) target(%dma_start3A_557 : memref<32xf32, #tpu.memory_space<vmem_shared>>) target_semaphore(%arg17 : memref<!tpu.dma_semaphore, #tpu.memory_space<semaphore_mem>>)
            %slice3A_559 = vector.extract_strided_slice %get3A_299 {offsets = [9], sizes = [1], strides = [1]} : vector<16xi32> to vector<1xi32>
            %squeeze3A_560 = vector.extract %slice3A_559[0] : i32 from vector<1xi32>
            %sub3A_561 = arith.subi %squeeze3A_560, %mul3A_233 : i32
            %broadcast_in_dim3A_562 = vector.broadcast %sub3A_561 : i32 to vector<16xi32>
            %gather3A_563 = tpu.vector_load_idx %arg11[%iota3A, %broadcast_in_dim3A_562] : memref<32x1024xf32, #tpu.memory_space<vmem>>[vector<16xi32>, vector<16xi32>], vector<16xf32>,
            %add3A_564 = arith.constant 16 : i32
            %add3A_565 = vector.broadcast %add3A_564 : i32 to vector<16xi32>
            %add3A_566 = arith.addi %iota3A, %add3A_565 : vector<16xi32>
            %gather3A_567 = tpu.vector_load_idx %arg11[%add3A_566, %broadcast_in_dim3A_562] : memref<32x1024xf32, #tpu.memory_space<vmem>>[vector<16xi32>, vector<16xi32>], vector<16xf32>,
            %add3A_568 = arith.constant 288 : i32
            %add3A_569 = arith.addi %mul3A_296, %add3A_568 : i32
            %swap3A_570 = arith.index_cast %add3A_569 : i32 to index
            %swap3A_571 = tpu.vector_load %arg12[%swap3A_570] {strides = array<i32>} : memref<1024xf32, #tpu.memory_space<vmem>>, vector<16xf32>,
            tpu.vector_store %arg12[%swap3A_570], %gather3A_563 {strides = array<i32>} : memref<1024xf32, #tpu.memory_space<vmem>>, vector<16xf32>,
            %add3A_572 = arith.constant 288 : i32
            %add3A_573 = arith.addi %mul3A_296, %add3A_572 : i32
            %add3A_574 = arith.constant 16 : i32
            %add3A_575 = arith.addi %add3A_573, %add3A_574 : i32
            %swap3A_576 = arith.index_cast %add3A_575 : i32 to index
            %swap3A_577 = tpu.vector_load %arg12[%swap3A_576] {strides = array<i32>} : memref<1024xf32, #tpu.memory_space<vmem>>, vector<16xf32>,
            tpu.vector_store %arg12[%swap3A_576], %gather3A_567 {strides = array<i32>} : memref<1024xf32, #tpu.memory_space<vmem>>, vector<16xf32>,
            %add3A_578 = arith.constant 288 : i32
            %add3A_579 = arith.addi %mul3A_296, %add3A_578 : i32
            %slice3A_580 = vector.extract_strided_slice %get3A_303 {offsets = [9], sizes = [1], strides = [1]} : vector<16xi32> to vector<1xi32>
            %squeeze3A_581 = vector.extract %slice3A_580[0] : i32 from vector<1xi32>
            %mul3A_582 = arith.constant 32 : i32
            %mul3A_583 = arith.muli %squeeze3A_581, %mul3A_582 : i32
            %dma_start3A_584 = tpu.memref_slice %arg12[%add3A_579] : memref<1024xf32, #tpu.memory_space<vmem>> -> memref<32xf32, #tpu.memory_space<vmem>>
            %dma_start3A_585 = tpu.memref_slice %arg16[%mul3A_583] : memref<65536xf32, #tpu.memory_space<vmem_shared>> -> memref<32xf32, #tpu.memory_space<vmem_shared>>
            %dma_start3A_586 = tpu.memref_slice %arg16[%mul3A_583] : memref<65536xf32, #tpu.memory_space<vmem_shared>> -> memref<32xf32, #tpu.memory_space<vmem_shared>>
            %dma_start3A_587 = tpu.memref_slice %arg12[%add3A_579] : memref<1024xf32, #tpu.memory_space<vmem>> -> memref<32xf32, #tpu.memory_space<vmem>>
            tpu.enqueue_dma source(%dma_start3A_587 : memref<32xf32, #tpu.memory_space<vmem>>) target(%dma_start3A_586 : memref<32xf32, #tpu.memory_space<vmem_shared>>) target_semaphore(%arg17 : memref<!tpu.dma_semaphore, #tpu.memory_space<semaphore_mem>>)
            %slice3A_588 = vector.extract_strided_slice %get3A_299 {offsets = [10], sizes = [1], strides = [1]} : vector<16xi32> to vector<1xi32>
            %squeeze3A_589 = vector.extract %slice3A_588[0] : i32 from vector<1xi32>
            %sub3A_590 = arith.subi %squeeze3A_589, %mul3A_233 : i32
            %broadcast_in_dim3A_591 = vector.broadcast %sub3A_590 : i32 to vector<16xi32>
            %gather3A_592 = tpu.vector_load_idx %arg11[%iota3A, %broadcast_in_dim3A_591] : memref<32x1024xf32, #tpu.memory_space<vmem>>[vector<16xi32>, vector<16xi32>], vector<16xf32>,
            %add3A_593 = arith.constant 16 : i32
            %add3A_594 = vector.broadcast %add3A_593 : i32 to vector<16xi32>
            %add3A_595 = arith.addi %iota3A, %add3A_594 : vector<16xi32>
            %gather3A_596 = tpu.vector_load_idx %arg11[%add3A_595, %broadcast_in_dim3A_591] : memref<32x1024xf32, #tpu.memory_space<vmem>>[vector<16xi32>, vector<16xi32>], vector<16xf32>,
            %add3A_597 = arith.constant 320 : i32
            %add3A_598 = arith.addi %mul3A_296, %add3A_597 : i32
            %swap3A_599 = arith.index_cast %add3A_598 : i32 to index
            %swap3A_600 = tpu.vector_load %arg12[%swap3A_599] {strides = array<i32>} : memref<1024xf32, #tpu.memory_space<vmem>>, vector<16xf32>,
            tpu.vector_store %arg12[%swap3A_599], %gather3A_592 {strides = array<i32>} : memref<1024xf32, #tpu.memory_space<vmem>>, vector<16xf32>,
            %add3A_601 = arith.constant 320 : i32
            %add3A_602 = arith.addi %mul3A_296, %add3A_601 : i32
            %add3A_603 = arith.constant 16 : i32
            %add3A_604 = arith.addi %add3A_602, %add3A_603 : i32
            %swap3A_605 = arith.index_cast %add3A_604 : i32 to index
            %swap3A_606 = tpu.vector_load %arg12[%swap3A_605] {strides = array<i32>} : memref<1024xf32, #tpu.memory_space<vmem>>, vector<16xf32>,
            tpu.vector_store %arg12[%swap3A_605], %gather3A_596 {strides = array<i32>} : memref<1024xf32, #tpu.memory_space<vmem>>, vector<16xf32>,
            %add3A_607 = arith.constant 320 : i32
            %add3A_608 = arith.addi %mul3A_296, %add3A_607 : i32
            %slice3A_609 = vector.extract_strided_slice %get3A_303 {offsets = [10], sizes = [1], strides = [1]} : vector<16xi32> to vector<1xi32>
            %squeeze3A_610 = vector.extract %slice3A_609[0] : i32 from vector<1xi32>
            %mul3A_611 = arith.constant 32 : i32
            %mul3A_612 = arith.muli %squeeze3A_610, %mul3A_611 : i32
            %dma_start3A_613 = tpu.memref_slice %arg12[%add3A_608] : memref<1024xf32, #tpu.memory_space<vmem>> -> memref<32xf32, #tpu.memory_space<vmem>>
            %dma_start3A_614 = tpu.memref_slice %arg16[%mul3A_612] : memref<65536xf32, #tpu.memory_space<vmem_shared>> -> memref<32xf32, #tpu.memory_space<vmem_shared>>
            %dma_start3A_615 = tpu.memref_slice %arg16[%mul3A_612] : memref<65536xf32, #tpu.memory_space<vmem_shared>> -> memref<32xf32, #tpu.memory_space<vmem_shared>>
            %dma_start3A_616 = tpu.memref_slice %arg12[%add3A_608] : memref<1024xf32, #tpu.memory_space<vmem>> -> memref<32xf32, #tpu.memory_space<vmem>>
            tpu.enqueue_dma source(%dma_start3A_616 : memref<32xf32, #tpu.memory_space<vmem>>) target(%dma_start3A_615 : memref<32xf32, #tpu.memory_space<vmem_shared>>) target_semaphore(%arg17 : memref<!tpu.dma_semaphore, #tpu.memory_space<semaphore_mem>>)
            %slice3A_617 = vector.extract_strided_slice %get3A_299 {offsets = [11], sizes = [1], strides = [1]} : vector<16xi32> to vector<1xi32>
            %squeeze3A_618 = vector.extract %slice3A_617[0] : i32 from vector<1xi32>
            %sub3A_619 = arith.subi %squeeze3A_618, %mul3A_233 : i32
            %broadcast_in_dim3A_620 = vector.broadcast %sub3A_619 : i32 to vector<16xi32>
            %gather3A_621 = tpu.vector_load_idx %arg11[%iota3A, %broadcast_in_dim3A_620] : memref<32x1024xf32, #tpu.memory_space<vmem>>[vector<16xi32>, vector<16xi32>], vector<16xf32>,
            %add3A_622 = arith.constant 16 : i32
            %add3A_623 = vector.broadcast %add3A_622 : i32 to vector<16xi32>
            %add3A_624 = arith.addi %iota3A, %add3A_623 : vector<16xi32>
            %gather3A_625 = tpu.vector_load_idx %arg11[%add3A_624, %broadcast_in_dim3A_620] : memref<32x1024xf32, #tpu.memory_space<vmem>>[vector<16xi32>, vector<16xi32>], vector<16xf32>,
            %add3A_626 = arith.constant 352 : i32
            %add3A_627 = arith.addi %mul3A_296, %add3A_626 : i32
            %swap3A_628 = arith.index_cast %add3A_627 : i32 to index
            %swap3A_629 = tpu.vector_load %arg12[%swap3A_628] {strides = array<i32>} : memref<1024xf32, #tpu.memory_space<vmem>>, vector<16xf32>,
            tpu.vector_store %arg12[%swap3A_628], %gather3A_621 {strides = array<i32>} : memref<1024xf32, #tpu.memory_space<vmem>>, vector<16xf32>,
            %add3A_630 = arith.constant 352 : i32
            %add3A_631 = arith.addi %mul3A_296, %add3A_630 : i32
            %add3A_632 = arith.constant 16 : i32
            %add3A_633 = arith.addi %add3A_631, %add3A_632 : i32
            %swap3A_634 = arith.index_cast %add3A_633 : i32 to index
            %swap3A_635 = tpu.vector_load %arg12[%swap3A_634] {strides = array<i32>} : memref<1024xf32, #tpu.memory_space<vmem>>, vector<16xf32>,
            tpu.vector_store %arg12[%swap3A_634], %gather3A_625 {strides = array<i32>} : memref<1024xf32, #tpu.memory_space<vmem>>, vector<16xf32>,
            %add3A_636 = arith.constant 352 : i32
            %add3A_637 = arith.addi %mul3A_296, %add3A_636 : i32
            %slice3A_638 = vector.extract_strided_slice %get3A_303 {offsets = [11], sizes = [1], strides = [1]} : vector<16xi32> to vector<1xi32>
            %squeeze3A_639 = vector.extract %slice3A_638[0] : i32 from vector<1xi32>
            %mul3A_640 = arith.constant 32 : i32
            %mul3A_641 = arith.muli %squeeze3A_639, %mul3A_640 : i32
            %dma_start3A_642 = tpu.memref_slice %arg12[%add3A_637] : memref<1024xf32, #tpu.memory_space<vmem>> -> memref<32xf32, #tpu.memory_space<vmem>>
            %dma_start3A_643 = tpu.memref_slice %arg16[%mul3A_641] : memref<65536xf32, #tpu.memory_space<vmem_shared>> -> memref<32xf32, #tpu.memory_space<vmem_shared>>
            %dma_start3A_644 = tpu.memref_slice %arg16[%mul3A_641] : memref<65536xf32, #tpu.memory_space<vmem_shared>> -> memref<32xf32, #tpu.memory_space<vmem_shared>>
            %dma_start3A_645 = tpu.memref_slice %arg12[%add3A_637] : memref<1024xf32, #tpu.memory_space<vmem>> -> memref<32xf32, #tpu.memory_space<vmem>>
            tpu.enqueue_dma source(%dma_start3A_645 : memref<32xf32, #tpu.memory_space<vmem>>) target(%dma_start3A_644 : memref<32xf32, #tpu.memory_space<vmem_shared>>) target_semaphore(%arg17 : memref<!tpu.dma_semaphore, #tpu.memory_space<semaphore_mem>>)
            %slice3A_646 = vector.extract_strided_slice %get3A_299 {offsets = [12], sizes = [1], strides = [1]} : vector<16xi32> to vector<1xi32>
            %squeeze3A_647 = vector.extract %slice3A_646[0] : i32 from vector<1xi32>
            %sub3A_648 = arith.subi %squeeze3A_647, %mul3A_233 : i32
            %broadcast_in_dim3A_649 = vector.broadcast %sub3A_648 : i32 to vector<16xi32>
            %gather3A_650 = tpu.vector_load_idx %arg11[%iota3A, %broadcast_in_dim3A_649] : memref<32x1024xf32, #tpu.memory_space<vmem>>[vector<16xi32>, vector<16xi32>], vector<16xf32>,
            %add3A_651 = arith.constant 16 : i32
            %add3A_652 = vector.broadcast %add3A_651 : i32 to vector<16xi32>
            %add3A_653 = arith.addi %iota3A, %add3A_652 : vector<16xi32>
            %gather3A_654 = tpu.vector_load_idx %arg11[%add3A_653, %broadcast_in_dim3A_649] : memref<32x1024xf32, #tpu.memory_space<vmem>>[vector<16xi32>, vector<16xi32>], vector<16xf32>,
            %add3A_655 = arith.constant 384 : i32
            %add3A_656 = arith.addi %mul3A_296, %add3A_655 : i32
            %swap3A_657 = arith.index_cast %add3A_656 : i32 to index
            %swap3A_658 = tpu.vector_load %arg12[%swap3A_657] {strides = array<i32>} : memref<1024xf32, #tpu.memory_space<vmem>>, vector<16xf32>,
            tpu.vector_store %arg12[%swap3A_657], %gather3A_650 {strides = array<i32>} : memref<1024xf32, #tpu.memory_space<vmem>>, vector<16xf32>,
            %add3A_659 = arith.constant 384 : i32
            %add3A_660 = arith.addi %mul3A_296, %add3A_659 : i32
            %add3A_661 = arith.constant 16 : i32
            %add3A_662 = arith.addi %add3A_660, %add3A_661 : i32
            %swap3A_663 = arith.index_cast %add3A_662 : i32 to index
            %swap3A_664 = tpu.vector_load %arg12[%swap3A_663] {strides = array<i32>} : memref<1024xf32, #tpu.memory_space<vmem>>, vector<16xf32>,
            tpu.vector_store %arg12[%swap3A_663], %gather3A_654 {strides = array<i32>} : memref<1024xf32, #tpu.memory_space<vmem>>, vector<16xf32>,
            %add3A_665 = arith.constant 384 : i32
            %add3A_666 = arith.addi %mul3A_296, %add3A_665 : i32
            %slice3A_667 = vector.extract_strided_slice %get3A_303 {offsets = [12], sizes = [1], strides = [1]} : vector<16xi32> to vector<1xi32>
            %squeeze3A_668 = vector.extract %slice3A_667[0] : i32 from vector<1xi32>
            %mul3A_669 = arith.constant 32 : i32
            %mul3A_670 = arith.muli %squeeze3A_668, %mul3A_669 : i32
            %dma_start3A_671 = tpu.memref_slice %arg12[%add3A_666] : memref<1024xf32, #tpu.memory_space<vmem>> -> memref<32xf32, #tpu.memory_space<vmem>>
            %dma_start3A_672 = tpu.memref_slice %arg16[%mul3A_670] : memref<65536xf32, #tpu.memory_space<vmem_shared>> -> memref<32xf32, #tpu.memory_space<vmem_shared>>
            %dma_start3A_673 = tpu.memref_slice %arg16[%mul3A_670] : memref<65536xf32, #tpu.memory_space<vmem_shared>> -> memref<32xf32, #tpu.memory_space<vmem_shared>>
            %dma_start3A_674 = tpu.memref_slice %arg12[%add3A_666] : memref<1024xf32, #tpu.memory_space<vmem>> -> memref<32xf32, #tpu.memory_space<vmem>>
            tpu.enqueue_dma source(%dma_start3A_674 : memref<32xf32, #tpu.memory_space<vmem>>) target(%dma_start3A_673 : memref<32xf32, #tpu.memory_space<vmem_shared>>) target_semaphore(%arg17 : memref<!tpu.dma_semaphore, #tpu.memory_space<semaphore_mem>>)
            %slice3A_675 = vector.extract_strided_slice %get3A_299 {offsets = [13], sizes = [1], strides = [1]} : vector<16xi32> to vector<1xi32>
            %squeeze3A_676 = vector.extract %slice3A_675[0] : i32 from vector<1xi32>
            %sub3A_677 = arith.subi %squeeze3A_676, %mul3A_233 : i32
            %broadcast_in_dim3A_678 = vector.broadcast %sub3A_677 : i32 to vector<16xi32>
            %gather3A_679 = tpu.vector_load_idx %arg11[%iota3A, %broadcast_in_dim3A_678] : memref<32x1024xf32, #tpu.memory_space<vmem>>[vector<16xi32>, vector<16xi32>], vector<16xf32>,
            %add3A_680 = arith.constant 16 : i32
            %add3A_681 = vector.broadcast %add3A_680 : i32 to vector<16xi32>
            %add3A_682 = arith.addi %iota3A, %add3A_681 : vector<16xi32>
            %gather3A_683 = tpu.vector_load_idx %arg11[%add3A_682, %broadcast_in_dim3A_678] : memref<32x1024xf32, #tpu.memory_space<vmem>>[vector<16xi32>, vector<16xi32>], vector<16xf32>,
            %add3A_684 = arith.constant 416 : i32
            %add3A_685 = arith.addi %mul3A_296, %add3A_684 : i32
            %swap3A_686 = arith.index_cast %add3A_685 : i32 to index
            %swap3A_687 = tpu.vector_load %arg12[%swap3A_686] {strides = array<i32>} : memref<1024xf32, #tpu.memory_space<vmem>>, vector<16xf32>,
            tpu.vector_store %arg12[%swap3A_686], %gather3A_679 {strides = array<i32>} : memref<1024xf32, #tpu.memory_space<vmem>>, vector<16xf32>,
            %add3A_688 = arith.constant 416 : i32
            %add3A_689 = arith.addi %mul3A_296, %add3A_688 : i32
            %add3A_690 = arith.constant 16 : i32
            %add3A_691 = arith.addi %add3A_689, %add3A_690 : i32
            %swap3A_692 = arith.index_cast %add3A_691 : i32 to index
            %swap3A_693 = tpu.vector_load %arg12[%swap3A_692] {strides = array<i32>} : memref<1024xf32, #tpu.memory_space<vmem>>, vector<16xf32>,
            tpu.vector_store %arg12[%swap3A_692], %gather3A_683 {strides = array<i32>} : memref<1024xf32, #tpu.memory_space<vmem>>, vector<16xf32>,
            %add3A_694 = arith.constant 416 : i32
            %add3A_695 = arith.addi %mul3A_296, %add3A_694 : i32
            %slice3A_696 = vector.extract_strided_slice %get3A_303 {offsets = [13], sizes = [1], strides = [1]} : vector<16xi32> to vector<1xi32>
            %squeeze3A_697 = vector.extract %slice3A_696[0] : i32 from vector<1xi32>
            %mul3A_698 = arith.constant 32 : i32
            %mul3A_699 = arith.muli %squeeze3A_697, %mul3A_698 : i32
            %dma_start3A_700 = tpu.memref_slice %arg12[%add3A_695] : memref<1024xf32, #tpu.memory_space<vmem>> -> memref<32xf32, #tpu.memory_space<vmem>>
            %dma_start3A_701 = tpu.memref_slice %arg16[%mul3A_699] : memref<65536xf32, #tpu.memory_space<vmem_shared>> -> memref<32xf32, #tpu.memory_space<vmem_shared>>
            %dma_start3A_702 = tpu.memref_slice %arg16[%mul3A_699] : memref<65536xf32, #tpu.memory_space<vmem_shared>> -> memref<32xf32, #tpu.memory_space<vmem_shared>>
            %dma_start3A_703 = tpu.memref_slice %arg12[%add3A_695] : memref<1024xf32, #tpu.memory_space<vmem>> -> memref<32xf32, #tpu.memory_space<vmem>>
            tpu.enqueue_dma source(%dma_start3A_703 : memref<32xf32, #tpu.memory_space<vmem>>) target(%dma_start3A_702 : memref<32xf32, #tpu.memory_space<vmem_shared>>) target_semaphore(%arg17 : memref<!tpu.dma_semaphore, #tpu.memory_space<semaphore_mem>>)
            %slice3A_704 = vector.extract_strided_slice %get3A_299 {offsets = [14], sizes = [1], strides = [1]} : vector<16xi32> to vector<1xi32>
            %squeeze3A_705 = vector.extract %slice3A_704[0] : i32 from vector<1xi32>
            %sub3A_706 = arith.subi %squeeze3A_705, %mul3A_233 : i32
            %broadcast_in_dim3A_707 = vector.broadcast %sub3A_706 : i32 to vector<16xi32>
            %gather3A_708 = tpu.vector_load_idx %arg11[%iota3A, %broadcast_in_dim3A_707] : memref<32x1024xf32, #tpu.memory_space<vmem>>[vector<16xi32>, vector<16xi32>], vector<16xf32>,
            %add3A_709 = arith.constant 16 : i32
            %add3A_710 = vector.broadcast %add3A_709 : i32 to vector<16xi32>
            %add3A_711 = arith.addi %iota3A, %add3A_710 : vector<16xi32>
            %gather3A_712 = tpu.vector_load_idx %arg11[%add3A_711, %broadcast_in_dim3A_707] : memref<32x1024xf32, #tpu.memory_space<vmem>>[vector<16xi32>, vector<16xi32>], vector<16xf32>,
            %add3A_713 = arith.constant 448 : i32
            %add3A_714 = arith.addi %mul3A_296, %add3A_713 : i32
            %swap3A_715 = arith.index_cast %add3A_714 : i32 to index
            %swap3A_716 = tpu.vector_load %arg12[%swap3A_715] {strides = array<i32>} : memref<1024xf32, #tpu.memory_space<vmem>>, vector<16xf32>,
            tpu.vector_store %arg12[%swap3A_715], %gather3A_708 {strides = array<i32>} : memref<1024xf32, #tpu.memory_space<vmem>>, vector<16xf32>,
            %add3A_717 = arith.constant 448 : i32
            %add3A_718 = arith.addi %mul3A_296, %add3A_717 : i32
            %add3A_719 = arith.constant 16 : i32
            %add3A_720 = arith.addi %add3A_718, %add3A_719 : i32
            %swap3A_721 = arith.index_cast %add3A_720 : i32 to index
            %swap3A_722 = tpu.vector_load %arg12[%swap3A_721] {strides = array<i32>} : memref<1024xf32, #tpu.memory_space<vmem>>, vector<16xf32>,
            tpu.vector_store %arg12[%swap3A_721], %gather3A_712 {strides = array<i32>} : memref<1024xf32, #tpu.memory_space<vmem>>, vector<16xf32>,
            %add3A_723 = arith.constant 448 : i32
            %add3A_724 = arith.addi %mul3A_296, %add3A_723 : i32
            %slice3A_725 = vector.extract_strided_slice %get3A_303 {offsets = [14], sizes = [1], strides = [1]} : vector<16xi32> to vector<1xi32>
            %squeeze3A_726 = vector.extract %slice3A_725[0] : i32 from vector<1xi32>
            %mul3A_727 = arith.constant 32 : i32
            %mul3A_728 = arith.muli %squeeze3A_726, %mul3A_727 : i32
            %dma_start3A_729 = tpu.memref_slice %arg12[%add3A_724] : memref<1024xf32, #tpu.memory_space<vmem>> -> memref<32xf32, #tpu.memory_space<vmem>>
            %dma_start3A_730 = tpu.memref_slice %arg16[%mul3A_728] : memref<65536xf32, #tpu.memory_space<vmem_shared>> -> memref<32xf32, #tpu.memory_space<vmem_shared>>
            %dma_start3A_731 = tpu.memref_slice %arg16[%mul3A_728] : memref<65536xf32, #tpu.memory_space<vmem_shared>> -> memref<32xf32, #tpu.memory_space<vmem_shared>>
            %dma_start3A_732 = tpu.memref_slice %arg12[%add3A_724] : memref<1024xf32, #tpu.memory_space<vmem>> -> memref<32xf32, #tpu.memory_space<vmem>>
            tpu.enqueue_dma source(%dma_start3A_732 : memref<32xf32, #tpu.memory_space<vmem>>) target(%dma_start3A_731 : memref<32xf32, #tpu.memory_space<vmem_shared>>) target_semaphore(%arg17 : memref<!tpu.dma_semaphore, #tpu.memory_space<semaphore_mem>>)
            %slice3A_733 = vector.extract_strided_slice %get3A_299 {offsets = [15], sizes = [1], strides = [1]} : vector<16xi32> to vector<1xi32>
            %squeeze3A_734 = vector.extract %slice3A_733[0] : i32 from vector<1xi32>
            %sub3A_735 = arith.subi %squeeze3A_734, %mul3A_233 : i32
            %broadcast_in_dim3A_736 = vector.broadcast %sub3A_735 : i32 to vector<16xi32>
            %gather3A_737 = tpu.vector_load_idx %arg11[%iota3A, %broadcast_in_dim3A_736] : memref<32x1024xf32, #tpu.memory_space<vmem>>[vector<16xi32>, vector<16xi32>], vector<16xf32>,
            %add3A_738 = arith.constant 16 : i32
            %add3A_739 = vector.broadcast %add3A_738 : i32 to vector<16xi32>
            %add3A_740 = arith.addi %iota3A, %add3A_739 : vector<16xi32>
            %gather3A_741 = tpu.vector_load_idx %arg11[%add3A_740, %broadcast_in_dim3A_736] : memref<32x1024xf32, #tpu.memory_space<vmem>>[vector<16xi32>, vector<16xi32>], vector<16xf32>,
            %add3A_742 = arith.constant 480 : i32
            %add3A_743 = arith.addi %mul3A_296, %add3A_742 : i32
            %swap3A_744 = arith.index_cast %add3A_743 : i32 to index
            %swap3A_745 = tpu.vector_load %arg12[%swap3A_744] {strides = array<i32>} : memref<1024xf32, #tpu.memory_space<vmem>>, vector<16xf32>,
            tpu.vector_store %arg12[%swap3A_744], %gather3A_737 {strides = array<i32>} : memref<1024xf32, #tpu.memory_space<vmem>>, vector<16xf32>,
            %add3A_746 = arith.constant 480 : i32
            %add3A_747 = arith.addi %mul3A_296, %add3A_746 : i32
            %add3A_748 = arith.constant 16 : i32
            %add3A_749 = arith.addi %add3A_747, %add3A_748 : i32
            %swap3A_750 = arith.index_cast %add3A_749 : i32 to index
            %swap3A_751 = tpu.vector_load %arg12[%swap3A_750] {strides = array<i32>} : memref<1024xf32, #tpu.memory_space<vmem>>, vector<16xf32>,
            tpu.vector_store %arg12[%swap3A_750], %gather3A_741 {strides = array<i32>} : memref<1024xf32, #tpu.memory_space<vmem>>, vector<16xf32>,
            %add3A_752 = arith.constant 480 : i32
            %add3A_753 = arith.addi %mul3A_296, %add3A_752 : i32
            %slice3A_754 = vector.extract_strided_slice %get3A_303 {offsets = [15], sizes = [1], strides = [1]} : vector<16xi32> to vector<1xi32>
            %squeeze3A_755 = vector.extract %slice3A_754[0] : i32 from vector<1xi32>
            %mul3A_756 = arith.constant 32 : i32
            %mul3A_757 = arith.muli %squeeze3A_755, %mul3A_756 : i32
            %dma_start3A_758 = tpu.memref_slice %arg12[%add3A_753] : memref<1024xf32, #tpu.memory_space<vmem>> -> memref<32xf32, #tpu.memory_space<vmem>>
            %dma_start3A_759 = tpu.memref_slice %arg16[%mul3A_757] : memref<65536xf32, #tpu.memory_space<vmem_shared>> -> memref<32xf32, #tpu.memory_space<vmem_shared>>
            %dma_start3A_760 = tpu.memref_slice %arg16[%mul3A_757] : memref<65536xf32, #tpu.memory_space<vmem_shared>> -> memref<32xf32, #tpu.memory_space<vmem_shared>>
            %dma_start3A_761 = tpu.memref_slice %arg12[%add3A_753] : memref<1024xf32, #tpu.memory_space<vmem>> -> memref<32xf32, #tpu.memory_space<vmem>>
            tpu.enqueue_dma source(%dma_start3A_761 : memref<32xf32, #tpu.memory_space<vmem>>) target(%dma_start3A_760 : memref<32xf32, #tpu.memory_space<vmem_shared>>) target_semaphore(%arg17 : memref<!tpu.dma_semaphore, #tpu.memory_space<semaphore_mem>>)
            %while3A_762 = arith.constant 0 : i32
            %while3A_763 = arith.constant 0 : i32
            %while3A_764 = arith.subi %while3A_292, %while3A_762 : i32
            %while3A_765 = arith.addi %while3A_762, %while3A_764 : i32
            %while3A_766 = arith.constant 1 : i32
            %while3A_767 = arith.divsi %while3A_764, %while3A_766 : i32
            %while3A_768 = arith.muli %while3A_767, %while3A_766 : i32
            %while3A_769 = arith.addi %while3A_762, %while3A_768 : i32
            %while3A_770 = arith.constant 1 : i32
            %while3A_771 = scf.for %while3A_775 = %while3A_762 to %while3A_769 step %while3A_770 iter_args(%while3A_776 = %while3A_763) -> (i32)  : i32 {
              %dma_wait3A = arith.constant 0 : i32
              %dma_wait3A_777 = tpu.memref_slice %arg3[%dma_wait3A] : memref<4096xi32, #tpu.memory_space<hbm>> -> memref<32xi32, #tpu.memory_space<hbm>>
              %dma_wait3A_778 = arith.constant 0 : i32
              %dma_wait3A_779 = tpu.memref_slice %arg3[%dma_wait3A_778] : memref<4096xi32, #tpu.memory_space<hbm>> -> memref<32xi32, #tpu.memory_space<hbm>>
              tpu.wait_dma2 semaphore(%arg17 : memref<!tpu.dma_semaphore, #tpu.memory_space<semaphore_mem>>) src(%dma_wait3A_779 : memref<32xi32, #tpu.memory_space<hbm>>) dst(%arg15 : memref<32xi32, #tpu.memory_space<vmem>>)
              %while3A_780 = arith.constant 0 : i32
              scf.yield %while3A_780 : i32
            }
            %while3A_772 = arith.constant 1 : i32
            %while3A_773 = scf.for %while3A_775 = %while3A_769 to %while3A_765 step %while3A_772 iter_args(%while3A_776 = %while3A_771) -> (i32)  : i32 {
              %dma_wait3A = arith.constant 0 : i32
              %dma_wait3A_777 = tpu.memref_slice %arg3[%dma_wait3A] : memref<4096xi32, #tpu.memory_space<hbm>> -> memref<32xi32, #tpu.memory_space<hbm>>
              %dma_wait3A_778 = arith.constant 0 : i32
              %dma_wait3A_779 = tpu.memref_slice %arg3[%dma_wait3A_778] : memref<4096xi32, #tpu.memory_space<hbm>> -> memref<32xi32, #tpu.memory_space<hbm>>
              tpu.wait_dma2 semaphore(%arg17 : memref<!tpu.dma_semaphore, #tpu.memory_space<semaphore_mem>>) src(%dma_wait3A_779 : memref<32xi32, #tpu.memory_space<hbm>>) dst(%arg15 : memref<32xi32, #tpu.memory_space<vmem>>)
              %while3A_780 = arith.constant 0 : i32
              scf.yield %while3A_780 : i32
            }
            %while3A_774 = arith.constant 16 : i32
            scf.yield %while3A_774 : i32
          }
          %mul3A_270 = arith.constant 16 : i32
          %mul3A_271 = arith.muli %select_n3A_257, %mul3A_270 : i32
          %sub3A_272 = arith.subi %while3A_169, %mul3A_271 : i32
          %gt3A_273 = arith.constant 0 : i32
          %gt3A_274 = arith.cmpi sgt, %sub3A_272, %gt3A_273 : i32
          %convert_element_type3A_275 = arith.extui %gt3A_274 : i1 to i32
          %cond3A_276 = arith.constant 0 : i32
          %cond3A_277 = arith.cmpi ne, %convert_element_type3A_275, %cond3A_276 : i32
          scf.if %cond3A_277 {
            %rem3A_291 = arith.constant 2 : i32
            %rem3A_292 = arith.remsi %select_n3A_257, %rem3A_291 : i32
            %mul3A_293 = arith.constant 512 : i32
            %mul3A_294 = arith.muli %rem3A_292, %mul3A_293 : i32
            %mul3A_295 = arith.constant 16 : i32
            %mul3A_296 = arith.muli %select_n3A_257, %mul3A_295 : i32
            %get3A = arith.index_cast %mul3A_296 : i32 to index
            %get3A_297 = tpu.vector_load %arg8[%get3A] {strides = array<i32>} : memref<2064xi32, #tpu.memory_space<vmem>>, vector<16xi32>,
            %mul3A_298 = arith.constant 16 : i32
            %mul3A_299 = arith.muli %select_n3A_257, %mul3A_298 : i32
            %get3A_300 = arith.index_cast %mul3A_299 : i32 to index
            %get3A_301 = tpu.vector_load %arg9[%get3A_300] {strides = array<i32>} : memref<2064xi32, #tpu.memory_space<vmem>>, vector<16xi32>,
            %mul3A_302 = arith.constant 16 : i32
            %mul3A_303 = arith.muli %select_n3A_257, %mul3A_302 : i32
            %add3A_304 = arith.constant 0 : i32
            %add3A_305 = arith.addi %mul3A_303, %add3A_304 : i32
            %lt3A_306 = arith.cmpi slt, %add3A_305, %while3A_169 : i32
            %convert_element_type3A_307 = arith.extui %lt3A_306 : i1 to i32
            %cond3A_308 = arith.constant 0 : i32
            %cond3A_309 = arith.cmpi ne, %convert_element_type3A_307, %cond3A_308 : i32
            scf.if %cond3A_309 {
              %slice3A = vector.extract_strided_slice %get3A_297 {offsets = [0], sizes = [1], strides = [1]} : vector<16xi32> to vector<1xi32>
              %squeeze3A = vector.extract %slice3A[0] : i32 from vector<1xi32>
              %sub3A_430 = arith.subi %squeeze3A, %mul3A_233 : i32
              %broadcast_in_dim3A = vector.broadcast %sub3A_430 : i32 to vector<16xi32>
              %gather3A = tpu.vector_load_idx %arg11[%iota3A, %broadcast_in_dim3A] : memref<32x1024xf32, #tpu.memory_space<vmem>>[vector<16xi32>, vector<16xi32>], vector<16xf32>,
              %add3A_431 = arith.constant 16 : i32
              %add3A_432 = vector.broadcast %add3A_431 : i32 to vector<16xi32>
              %add3A_433 = arith.addi %iota3A, %add3A_432 : vector<16xi32>
              %gather3A_434 = tpu.vector_load_idx %arg11[%add3A_433, %broadcast_in_dim3A] : memref<32x1024xf32, #tpu.memory_space<vmem>>[vector<16xi32>, vector<16xi32>], vector<16xf32>,
              %add3A_435 = arith.constant 0 : i32
              %add3A_436 = arith.addi %mul3A_294, %add3A_435 : i32
              %swap3A = arith.index_cast %add3A_436 : i32 to index
              %swap3A_437 = tpu.vector_load %arg12[%swap3A] {strides = array<i32>} : memref<1024xf32, #tpu.memory_space<vmem>>, vector<16xf32>,
              tpu.vector_store %arg12[%swap3A], %gather3A {strides = array<i32>} : memref<1024xf32, #tpu.memory_space<vmem>>, vector<16xf32>,
              %add3A_438 = arith.constant 0 : i32
              %add3A_439 = arith.addi %mul3A_294, %add3A_438 : i32
              %add3A_440 = arith.constant 16 : i32
              %add3A_441 = arith.addi %add3A_439, %add3A_440 : i32
              %swap3A_442 = arith.index_cast %add3A_441 : i32 to index
              %swap3A_443 = tpu.vector_load %arg12[%swap3A_442] {strides = array<i32>} : memref<1024xf32, #tpu.memory_space<vmem>>, vector<16xf32>,
              tpu.vector_store %arg12[%swap3A_442], %gather3A_434 {strides = array<i32>} : memref<1024xf32, #tpu.memory_space<vmem>>, vector<16xf32>,
              %add3A_444 = arith.constant 0 : i32
              %add3A_445 = arith.addi %mul3A_294, %add3A_444 : i32
              %slice3A_446 = vector.extract_strided_slice %get3A_301 {offsets = [0], sizes = [1], strides = [1]} : vector<16xi32> to vector<1xi32>
              %squeeze3A_447 = vector.extract %slice3A_446[0] : i32 from vector<1xi32>
              %mul3A_448 = arith.constant 32 : i32
              %mul3A_449 = arith.muli %squeeze3A_447, %mul3A_448 : i32
              %dma_start3A = tpu.memref_slice %arg12[%add3A_445] : memref<1024xf32, #tpu.memory_space<vmem>> -> memref<32xf32, #tpu.memory_space<vmem>>
              %dma_start3A_450 = tpu.memref_slice %arg16[%mul3A_449] : memref<65536xf32, #tpu.memory_space<vmem_shared>> -> memref<32xf32, #tpu.memory_space<vmem_shared>>
              %dma_start3A_451 = tpu.memref_slice %arg16[%mul3A_449] : memref<65536xf32, #tpu.memory_space<vmem_shared>> -> memref<32xf32, #tpu.memory_space<vmem_shared>>
              %dma_start3A_452 = tpu.memref_slice %arg12[%add3A_445] : memref<1024xf32, #tpu.memory_space<vmem>> -> memref<32xf32, #tpu.memory_space<vmem>>
              tpu.enqueue_dma source(%dma_start3A_452 : memref<32xf32, #tpu.memory_space<vmem>>) target(%dma_start3A_451 : memref<32xf32, #tpu.memory_space<vmem_shared>>) target_semaphore(%arg17 : memref<!tpu.dma_semaphore, #tpu.memory_space<semaphore_mem>>)
            } else {
            }
            %mul3A_310 = arith.constant 16 : i32
            %mul3A_311 = arith.muli %select_n3A_257, %mul3A_310 : i32
            %add3A_312 = arith.constant 1 : i32
            %add3A_313 = arith.addi %mul3A_311, %add3A_312 : i32
            %lt3A_314 = arith.cmpi slt, %add3A_313, %while3A_169 : i32
            %convert_element_type3A_315 = arith.extui %lt3A_314 : i1 to i32
            %cond3A_316 = arith.constant 0 : i32
            %cond3A_317 = arith.cmpi ne, %convert_element_type3A_315, %cond3A_316 : i32
            scf.if %cond3A_317 {
              %slice3A = vector.extract_strided_slice %get3A_297 {offsets = [1], sizes = [1], strides = [1]} : vector<16xi32> to vector<1xi32>
              %squeeze3A = vector.extract %slice3A[0] : i32 from vector<1xi32>
              %sub3A_430 = arith.subi %squeeze3A, %mul3A_233 : i32
              %broadcast_in_dim3A = vector.broadcast %sub3A_430 : i32 to vector<16xi32>
              %gather3A = tpu.vector_load_idx %arg11[%iota3A, %broadcast_in_dim3A] : memref<32x1024xf32, #tpu.memory_space<vmem>>[vector<16xi32>, vector<16xi32>], vector<16xf32>,
              %add3A_431 = arith.constant 16 : i32
              %add3A_432 = vector.broadcast %add3A_431 : i32 to vector<16xi32>
              %add3A_433 = arith.addi %iota3A, %add3A_432 : vector<16xi32>
              %gather3A_434 = tpu.vector_load_idx %arg11[%add3A_433, %broadcast_in_dim3A] : memref<32x1024xf32, #tpu.memory_space<vmem>>[vector<16xi32>, vector<16xi32>], vector<16xf32>,
              %add3A_435 = arith.constant 32 : i32
              %add3A_436 = arith.addi %mul3A_294, %add3A_435 : i32
              %swap3A = arith.index_cast %add3A_436 : i32 to index
              %swap3A_437 = tpu.vector_load %arg12[%swap3A] {strides = array<i32>} : memref<1024xf32, #tpu.memory_space<vmem>>, vector<16xf32>,
              tpu.vector_store %arg12[%swap3A], %gather3A {strides = array<i32>} : memref<1024xf32, #tpu.memory_space<vmem>>, vector<16xf32>,
              %add3A_438 = arith.constant 32 : i32
              %add3A_439 = arith.addi %mul3A_294, %add3A_438 : i32
              %add3A_440 = arith.constant 16 : i32
              %add3A_441 = arith.addi %add3A_439, %add3A_440 : i32
              %swap3A_442 = arith.index_cast %add3A_441 : i32 to index
              %swap3A_443 = tpu.vector_load %arg12[%swap3A_442] {strides = array<i32>} : memref<1024xf32, #tpu.memory_space<vmem>>, vector<16xf32>,
              tpu.vector_store %arg12[%swap3A_442], %gather3A_434 {strides = array<i32>} : memref<1024xf32, #tpu.memory_space<vmem>>, vector<16xf32>,
              %add3A_444 = arith.constant 32 : i32
              %add3A_445 = arith.addi %mul3A_294, %add3A_444 : i32
              %slice3A_446 = vector.extract_strided_slice %get3A_301 {offsets = [1], sizes = [1], strides = [1]} : vector<16xi32> to vector<1xi32>
              %squeeze3A_447 = vector.extract %slice3A_446[0] : i32 from vector<1xi32>
              %mul3A_448 = arith.constant 32 : i32
              %mul3A_449 = arith.muli %squeeze3A_447, %mul3A_448 : i32
              %dma_start3A = tpu.memref_slice %arg12[%add3A_445] : memref<1024xf32, #tpu.memory_space<vmem>> -> memref<32xf32, #tpu.memory_space<vmem>>
              %dma_start3A_450 = tpu.memref_slice %arg16[%mul3A_449] : memref<65536xf32, #tpu.memory_space<vmem_shared>> -> memref<32xf32, #tpu.memory_space<vmem_shared>>
              %dma_start3A_451 = tpu.memref_slice %arg16[%mul3A_449] : memref<65536xf32, #tpu.memory_space<vmem_shared>> -> memref<32xf32, #tpu.memory_space<vmem_shared>>
              %dma_start3A_452 = tpu.memref_slice %arg12[%add3A_445] : memref<1024xf32, #tpu.memory_space<vmem>> -> memref<32xf32, #tpu.memory_space<vmem>>
              tpu.enqueue_dma source(%dma_start3A_452 : memref<32xf32, #tpu.memory_space<vmem>>) target(%dma_start3A_451 : memref<32xf32, #tpu.memory_space<vmem_shared>>) target_semaphore(%arg17 : memref<!tpu.dma_semaphore, #tpu.memory_space<semaphore_mem>>)
            } else {
            }
            %mul3A_318 = arith.constant 16 : i32
            %mul3A_319 = arith.muli %select_n3A_257, %mul3A_318 : i32
            %add3A_320 = arith.constant 2 : i32
            %add3A_321 = arith.addi %mul3A_319, %add3A_320 : i32
            %lt3A_322 = arith.cmpi slt, %add3A_321, %while3A_169 : i32
            %convert_element_type3A_323 = arith.extui %lt3A_322 : i1 to i32
            %cond3A_324 = arith.constant 0 : i32
            %cond3A_325 = arith.cmpi ne, %convert_element_type3A_323, %cond3A_324 : i32
            scf.if %cond3A_325 {
              %slice3A = vector.extract_strided_slice %get3A_297 {offsets = [2], sizes = [1], strides = [1]} : vector<16xi32> to vector<1xi32>
              %squeeze3A = vector.extract %slice3A[0] : i32 from vector<1xi32>
              %sub3A_430 = arith.subi %squeeze3A, %mul3A_233 : i32
              %broadcast_in_dim3A = vector.broadcast %sub3A_430 : i32 to vector<16xi32>
              %gather3A = tpu.vector_load_idx %arg11[%iota3A, %broadcast_in_dim3A] : memref<32x1024xf32, #tpu.memory_space<vmem>>[vector<16xi32>, vector<16xi32>], vector<16xf32>,
              %add3A_431 = arith.constant 16 : i32
              %add3A_432 = vector.broadcast %add3A_431 : i32 to vector<16xi32>
              %add3A_433 = arith.addi %iota3A, %add3A_432 : vector<16xi32>
              %gather3A_434 = tpu.vector_load_idx %arg11[%add3A_433, %broadcast_in_dim3A] : memref<32x1024xf32, #tpu.memory_space<vmem>>[vector<16xi32>, vector<16xi32>], vector<16xf32>,
              %add3A_435 = arith.constant 64 : i32
              %add3A_436 = arith.addi %mul3A_294, %add3A_435 : i32
              %swap3A = arith.index_cast %add3A_436 : i32 to index
              %swap3A_437 = tpu.vector_load %arg12[%swap3A] {strides = array<i32>} : memref<1024xf32, #tpu.memory_space<vmem>>, vector<16xf32>,
              tpu.vector_store %arg12[%swap3A], %gather3A {strides = array<i32>} : memref<1024xf32, #tpu.memory_space<vmem>>, vector<16xf32>,
              %add3A_438 = arith.constant 64 : i32
              %add3A_439 = arith.addi %mul3A_294, %add3A_438 : i32
              %add3A_440 = arith.constant 16 : i32
              %add3A_441 = arith.addi %add3A_439, %add3A_440 : i32
              %swap3A_442 = arith.index_cast %add3A_441 : i32 to index
              %swap3A_443 = tpu.vector_load %arg12[%swap3A_442] {strides = array<i32>} : memref<1024xf32, #tpu.memory_space<vmem>>, vector<16xf32>,
              tpu.vector_store %arg12[%swap3A_442], %gather3A_434 {strides = array<i32>} : memref<1024xf32, #tpu.memory_space<vmem>>, vector<16xf32>,
              %add3A_444 = arith.constant 64 : i32
              %add3A_445 = arith.addi %mul3A_294, %add3A_444 : i32
              %slice3A_446 = vector.extract_strided_slice %get3A_301 {offsets = [2], sizes = [1], strides = [1]} : vector<16xi32> to vector<1xi32>
              %squeeze3A_447 = vector.extract %slice3A_446[0] : i32 from vector<1xi32>
              %mul3A_448 = arith.constant 32 : i32
              %mul3A_449 = arith.muli %squeeze3A_447, %mul3A_448 : i32
              %dma_start3A = tpu.memref_slice %arg12[%add3A_445] : memref<1024xf32, #tpu.memory_space<vmem>> -> memref<32xf32, #tpu.memory_space<vmem>>
              %dma_start3A_450 = tpu.memref_slice %arg16[%mul3A_449] : memref<65536xf32, #tpu.memory_space<vmem_shared>> -> memref<32xf32, #tpu.memory_space<vmem_shared>>
              %dma_start3A_451 = tpu.memref_slice %arg16[%mul3A_449] : memref<65536xf32, #tpu.memory_space<vmem_shared>> -> memref<32xf32, #tpu.memory_space<vmem_shared>>
              %dma_start3A_452 = tpu.memref_slice %arg12[%add3A_445] : memref<1024xf32, #tpu.memory_space<vmem>> -> memref<32xf32, #tpu.memory_space<vmem>>
              tpu.enqueue_dma source(%dma_start3A_452 : memref<32xf32, #tpu.memory_space<vmem>>) target(%dma_start3A_451 : memref<32xf32, #tpu.memory_space<vmem_shared>>) target_semaphore(%arg17 : memref<!tpu.dma_semaphore, #tpu.memory_space<semaphore_mem>>)
            } else {
            }
            %mul3A_326 = arith.constant 16 : i32
            %mul3A_327 = arith.muli %select_n3A_257, %mul3A_326 : i32
            %add3A_328 = arith.constant 3 : i32
            %add3A_329 = arith.addi %mul3A_327, %add3A_328 : i32
            %lt3A_330 = arith.cmpi slt, %add3A_329, %while3A_169 : i32
            %convert_element_type3A_331 = arith.extui %lt3A_330 : i1 to i32
            %cond3A_332 = arith.constant 0 : i32
            %cond3A_333 = arith.cmpi ne, %convert_element_type3A_331, %cond3A_332 : i32
            scf.if %cond3A_333 {
              %slice3A = vector.extract_strided_slice %get3A_297 {offsets = [3], sizes = [1], strides = [1]} : vector<16xi32> to vector<1xi32>
              %squeeze3A = vector.extract %slice3A[0] : i32 from vector<1xi32>
              %sub3A_430 = arith.subi %squeeze3A, %mul3A_233 : i32
              %broadcast_in_dim3A = vector.broadcast %sub3A_430 : i32 to vector<16xi32>
              %gather3A = tpu.vector_load_idx %arg11[%iota3A, %broadcast_in_dim3A] : memref<32x1024xf32, #tpu.memory_space<vmem>>[vector<16xi32>, vector<16xi32>], vector<16xf32>,
              %add3A_431 = arith.constant 16 : i32
              %add3A_432 = vector.broadcast %add3A_431 : i32 to vector<16xi32>
              %add3A_433 = arith.addi %iota3A, %add3A_432 : vector<16xi32>
              %gather3A_434 = tpu.vector_load_idx %arg11[%add3A_433, %broadcast_in_dim3A] : memref<32x1024xf32, #tpu.memory_space<vmem>>[vector<16xi32>, vector<16xi32>], vector<16xf32>,
              %add3A_435 = arith.constant 96 : i32
              %add3A_436 = arith.addi %mul3A_294, %add3A_435 : i32
              %swap3A = arith.index_cast %add3A_436 : i32 to index
              %swap3A_437 = tpu.vector_load %arg12[%swap3A] {strides = array<i32>} : memref<1024xf32, #tpu.memory_space<vmem>>, vector<16xf32>,
              tpu.vector_store %arg12[%swap3A], %gather3A {strides = array<i32>} : memref<1024xf32, #tpu.memory_space<vmem>>, vector<16xf32>,
              %add3A_438 = arith.constant 96 : i32
              %add3A_439 = arith.addi %mul3A_294, %add3A_438 : i32
              %add3A_440 = arith.constant 16 : i32
              %add3A_441 = arith.addi %add3A_439, %add3A_440 : i32
              %swap3A_442 = arith.index_cast %add3A_441 : i32 to index
              %swap3A_443 = tpu.vector_load %arg12[%swap3A_442] {strides = array<i32>} : memref<1024xf32, #tpu.memory_space<vmem>>, vector<16xf32>,
              tpu.vector_store %arg12[%swap3A_442], %gather3A_434 {strides = array<i32>} : memref<1024xf32, #tpu.memory_space<vmem>>, vector<16xf32>,
              %add3A_444 = arith.constant 96 : i32
              %add3A_445 = arith.addi %mul3A_294, %add3A_444 : i32
              %slice3A_446 = vector.extract_strided_slice %get3A_301 {offsets = [3], sizes = [1], strides = [1]} : vector<16xi32> to vector<1xi32>
              %squeeze3A_447 = vector.extract %slice3A_446[0] : i32 from vector<1xi32>
              %mul3A_448 = arith.constant 32 : i32
              %mul3A_449 = arith.muli %squeeze3A_447, %mul3A_448 : i32
              %dma_start3A = tpu.memref_slice %arg12[%add3A_445] : memref<1024xf32, #tpu.memory_space<vmem>> -> memref<32xf32, #tpu.memory_space<vmem>>
              %dma_start3A_450 = tpu.memref_slice %arg16[%mul3A_449] : memref<65536xf32, #tpu.memory_space<vmem_shared>> -> memref<32xf32, #tpu.memory_space<vmem_shared>>
              %dma_start3A_451 = tpu.memref_slice %arg16[%mul3A_449] : memref<65536xf32, #tpu.memory_space<vmem_shared>> -> memref<32xf32, #tpu.memory_space<vmem_shared>>
              %dma_start3A_452 = tpu.memref_slice %arg12[%add3A_445] : memref<1024xf32, #tpu.memory_space<vmem>> -> memref<32xf32, #tpu.memory_space<vmem>>
              tpu.enqueue_dma source(%dma_start3A_452 : memref<32xf32, #tpu.memory_space<vmem>>) target(%dma_start3A_451 : memref<32xf32, #tpu.memory_space<vmem_shared>>) target_semaphore(%arg17 : memref<!tpu.dma_semaphore, #tpu.memory_space<semaphore_mem>>)
            } else {
            }
            %mul3A_334 = arith.constant 16 : i32
            %mul3A_335 = arith.muli %select_n3A_257, %mul3A_334 : i32
            %add3A_336 = arith.constant 4 : i32
            %add3A_337 = arith.addi %mul3A_335, %add3A_336 : i32
            %lt3A_338 = arith.cmpi slt, %add3A_337, %while3A_169 : i32
            %convert_element_type3A_339 = arith.extui %lt3A_338 : i1 to i32
            %cond3A_340 = arith.constant 0 : i32
            %cond3A_341 = arith.cmpi ne, %convert_element_type3A_339, %cond3A_340 : i32
            scf.if %cond3A_341 {
              %slice3A = vector.extract_strided_slice %get3A_297 {offsets = [4], sizes = [1], strides = [1]} : vector<16xi32> to vector<1xi32>
              %squeeze3A = vector.extract %slice3A[0] : i32 from vector<1xi32>
              %sub3A_430 = arith.subi %squeeze3A, %mul3A_233 : i32
              %broadcast_in_dim3A = vector.broadcast %sub3A_430 : i32 to vector<16xi32>
              %gather3A = tpu.vector_load_idx %arg11[%iota3A, %broadcast_in_dim3A] : memref<32x1024xf32, #tpu.memory_space<vmem>>[vector<16xi32>, vector<16xi32>], vector<16xf32>,
              %add3A_431 = arith.constant 16 : i32
              %add3A_432 = vector.broadcast %add3A_431 : i32 to vector<16xi32>
              %add3A_433 = arith.addi %iota3A, %add3A_432 : vector<16xi32>
              %gather3A_434 = tpu.vector_load_idx %arg11[%add3A_433, %broadcast_in_dim3A] : memref<32x1024xf32, #tpu.memory_space<vmem>>[vector<16xi32>, vector<16xi32>], vector<16xf32>,
              %add3A_435 = arith.constant 128 : i32
              %add3A_436 = arith.addi %mul3A_294, %add3A_435 : i32
              %swap3A = arith.index_cast %add3A_436 : i32 to index
              %swap3A_437 = tpu.vector_load %arg12[%swap3A] {strides = array<i32>} : memref<1024xf32, #tpu.memory_space<vmem>>, vector<16xf32>,
              tpu.vector_store %arg12[%swap3A], %gather3A {strides = array<i32>} : memref<1024xf32, #tpu.memory_space<vmem>>, vector<16xf32>,
              %add3A_438 = arith.constant 128 : i32
              %add3A_439 = arith.addi %mul3A_294, %add3A_438 : i32
              %add3A_440 = arith.constant 16 : i32
              %add3A_441 = arith.addi %add3A_439, %add3A_440 : i32
              %swap3A_442 = arith.index_cast %add3A_441 : i32 to index
              %swap3A_443 = tpu.vector_load %arg12[%swap3A_442] {strides = array<i32>} : memref<1024xf32, #tpu.memory_space<vmem>>, vector<16xf32>,
              tpu.vector_store %arg12[%swap3A_442], %gather3A_434 {strides = array<i32>} : memref<1024xf32, #tpu.memory_space<vmem>>, vector<16xf32>,
              %add3A_444 = arith.constant 128 : i32
              %add3A_445 = arith.addi %mul3A_294, %add3A_444 : i32
              %slice3A_446 = vector.extract_strided_slice %get3A_301 {offsets = [4], sizes = [1], strides = [1]} : vector<16xi32> to vector<1xi32>
              %squeeze3A_447 = vector.extract %slice3A_446[0] : i32 from vector<1xi32>
              %mul3A_448 = arith.constant 32 : i32
              %mul3A_449 = arith.muli %squeeze3A_447, %mul3A_448 : i32
              %dma_start3A = tpu.memref_slice %arg12[%add3A_445] : memref<1024xf32, #tpu.memory_space<vmem>> -> memref<32xf32, #tpu.memory_space<vmem>>
              %dma_start3A_450 = tpu.memref_slice %arg16[%mul3A_449] : memref<65536xf32, #tpu.memory_space<vmem_shared>> -> memref<32xf32, #tpu.memory_space<vmem_shared>>
              %dma_start3A_451 = tpu.memref_slice %arg16[%mul3A_449] : memref<65536xf32, #tpu.memory_space<vmem_shared>> -> memref<32xf32, #tpu.memory_space<vmem_shared>>
              %dma_start3A_452 = tpu.memref_slice %arg12[%add3A_445] : memref<1024xf32, #tpu.memory_space<vmem>> -> memref<32xf32, #tpu.memory_space<vmem>>
              tpu.enqueue_dma source(%dma_start3A_452 : memref<32xf32, #tpu.memory_space<vmem>>) target(%dma_start3A_451 : memref<32xf32, #tpu.memory_space<vmem_shared>>) target_semaphore(%arg17 : memref<!tpu.dma_semaphore, #tpu.memory_space<semaphore_mem>>)
            } else {
            }
            %mul3A_342 = arith.constant 16 : i32
            %mul3A_343 = arith.muli %select_n3A_257, %mul3A_342 : i32
            %add3A_344 = arith.constant 5 : i32
            %add3A_345 = arith.addi %mul3A_343, %add3A_344 : i32
            %lt3A_346 = arith.cmpi slt, %add3A_345, %while3A_169 : i32
            %convert_element_type3A_347 = arith.extui %lt3A_346 : i1 to i32
            %cond3A_348 = arith.constant 0 : i32
            %cond3A_349 = arith.cmpi ne, %convert_element_type3A_347, %cond3A_348 : i32
            scf.if %cond3A_349 {
              %slice3A = vector.extract_strided_slice %get3A_297 {offsets = [5], sizes = [1], strides = [1]} : vector<16xi32> to vector<1xi32>
              %squeeze3A = vector.extract %slice3A[0] : i32 from vector<1xi32>
              %sub3A_430 = arith.subi %squeeze3A, %mul3A_233 : i32
              %broadcast_in_dim3A = vector.broadcast %sub3A_430 : i32 to vector<16xi32>
              %gather3A = tpu.vector_load_idx %arg11[%iota3A, %broadcast_in_dim3A] : memref<32x1024xf32, #tpu.memory_space<vmem>>[vector<16xi32>, vector<16xi32>], vector<16xf32>,
              %add3A_431 = arith.constant 16 : i32
              %add3A_432 = vector.broadcast %add3A_431 : i32 to vector<16xi32>
              %add3A_433 = arith.addi %iota3A, %add3A_432 : vector<16xi32>
              %gather3A_434 = tpu.vector_load_idx %arg11[%add3A_433, %broadcast_in_dim3A] : memref<32x1024xf32, #tpu.memory_space<vmem>>[vector<16xi32>, vector<16xi32>], vector<16xf32>,
              %add3A_435 = arith.constant 160 : i32
              %add3A_436 = arith.addi %mul3A_294, %add3A_435 : i32
              %swap3A = arith.index_cast %add3A_436 : i32 to index
              %swap3A_437 = tpu.vector_load %arg12[%swap3A] {strides = array<i32>} : memref<1024xf32, #tpu.memory_space<vmem>>, vector<16xf32>,
              tpu.vector_store %arg12[%swap3A], %gather3A {strides = array<i32>} : memref<1024xf32, #tpu.memory_space<vmem>>, vector<16xf32>,
              %add3A_438 = arith.constant 160 : i32
              %add3A_439 = arith.addi %mul3A_294, %add3A_438 : i32
              %add3A_440 = arith.constant 16 : i32
              %add3A_441 = arith.addi %add3A_439, %add3A_440 : i32
              %swap3A_442 = arith.index_cast %add3A_441 : i32 to index
              %swap3A_443 = tpu.vector_load %arg12[%swap3A_442] {strides = array<i32>} : memref<1024xf32, #tpu.memory_space<vmem>>, vector<16xf32>,
              tpu.vector_store %arg12[%swap3A_442], %gather3A_434 {strides = array<i32>} : memref<1024xf32, #tpu.memory_space<vmem>>, vector<16xf32>,
              %add3A_444 = arith.constant 160 : i32
              %add3A_445 = arith.addi %mul3A_294, %add3A_444 : i32
              %slice3A_446 = vector.extract_strided_slice %get3A_301 {offsets = [5], sizes = [1], strides = [1]} : vector<16xi32> to vector<1xi32>
              %squeeze3A_447 = vector.extract %slice3A_446[0] : i32 from vector<1xi32>
              %mul3A_448 = arith.constant 32 : i32
              %mul3A_449 = arith.muli %squeeze3A_447, %mul3A_448 : i32
              %dma_start3A = tpu.memref_slice %arg12[%add3A_445] : memref<1024xf32, #tpu.memory_space<vmem>> -> memref<32xf32, #tpu.memory_space<vmem>>
              %dma_start3A_450 = tpu.memref_slice %arg16[%mul3A_449] : memref<65536xf32, #tpu.memory_space<vmem_shared>> -> memref<32xf32, #tpu.memory_space<vmem_shared>>
              %dma_start3A_451 = tpu.memref_slice %arg16[%mul3A_449] : memref<65536xf32, #tpu.memory_space<vmem_shared>> -> memref<32xf32, #tpu.memory_space<vmem_shared>>
              %dma_start3A_452 = tpu.memref_slice %arg12[%add3A_445] : memref<1024xf32, #tpu.memory_space<vmem>> -> memref<32xf32, #tpu.memory_space<vmem>>
              tpu.enqueue_dma source(%dma_start3A_452 : memref<32xf32, #tpu.memory_space<vmem>>) target(%dma_start3A_451 : memref<32xf32, #tpu.memory_space<vmem_shared>>) target_semaphore(%arg17 : memref<!tpu.dma_semaphore, #tpu.memory_space<semaphore_mem>>)
            } else {
            }
            %mul3A_350 = arith.constant 16 : i32
            %mul3A_351 = arith.muli %select_n3A_257, %mul3A_350 : i32
            %add3A_352 = arith.constant 6 : i32
            %add3A_353 = arith.addi %mul3A_351, %add3A_352 : i32
            %lt3A_354 = arith.cmpi slt, %add3A_353, %while3A_169 : i32
            %convert_element_type3A_355 = arith.extui %lt3A_354 : i1 to i32
            %cond3A_356 = arith.constant 0 : i32
            %cond3A_357 = arith.cmpi ne, %convert_element_type3A_355, %cond3A_356 : i32
            scf.if %cond3A_357 {
              %slice3A = vector.extract_strided_slice %get3A_297 {offsets = [6], sizes = [1], strides = [1]} : vector<16xi32> to vector<1xi32>
              %squeeze3A = vector.extract %slice3A[0] : i32 from vector<1xi32>
              %sub3A_430 = arith.subi %squeeze3A, %mul3A_233 : i32
              %broadcast_in_dim3A = vector.broadcast %sub3A_430 : i32 to vector<16xi32>
              %gather3A = tpu.vector_load_idx %arg11[%iota3A, %broadcast_in_dim3A] : memref<32x1024xf32, #tpu.memory_space<vmem>>[vector<16xi32>, vector<16xi32>], vector<16xf32>,
              %add3A_431 = arith.constant 16 : i32
              %add3A_432 = vector.broadcast %add3A_431 : i32 to vector<16xi32>
              %add3A_433 = arith.addi %iota3A, %add3A_432 : vector<16xi32>
              %gather3A_434 = tpu.vector_load_idx %arg11[%add3A_433, %broadcast_in_dim3A] : memref<32x1024xf32, #tpu.memory_space<vmem>>[vector<16xi32>, vector<16xi32>], vector<16xf32>,
              %add3A_435 = arith.constant 192 : i32
              %add3A_436 = arith.addi %mul3A_294, %add3A_435 : i32
              %swap3A = arith.index_cast %add3A_436 : i32 to index
              %swap3A_437 = tpu.vector_load %arg12[%swap3A] {strides = array<i32>} : memref<1024xf32, #tpu.memory_space<vmem>>, vector<16xf32>,
              tpu.vector_store %arg12[%swap3A], %gather3A {strides = array<i32>} : memref<1024xf32, #tpu.memory_space<vmem>>, vector<16xf32>,
              %add3A_438 = arith.constant 192 : i32
              %add3A_439 = arith.addi %mul3A_294, %add3A_438 : i32
              %add3A_440 = arith.constant 16 : i32
              %add3A_441 = arith.addi %add3A_439, %add3A_440 : i32
              %swap3A_442 = arith.index_cast %add3A_441 : i32 to index
              %swap3A_443 = tpu.vector_load %arg12[%swap3A_442] {strides = array<i32>} : memref<1024xf32, #tpu.memory_space<vmem>>, vector<16xf32>,
              tpu.vector_store %arg12[%swap3A_442], %gather3A_434 {strides = array<i32>} : memref<1024xf32, #tpu.memory_space<vmem>>, vector<16xf32>,
              %add3A_444 = arith.constant 192 : i32
              %add3A_445 = arith.addi %mul3A_294, %add3A_444 : i32
              %slice3A_446 = vector.extract_strided_slice %get3A_301 {offsets = [6], sizes = [1], strides = [1]} : vector<16xi32> to vector<1xi32>
              %squeeze3A_447 = vector.extract %slice3A_446[0] : i32 from vector<1xi32>
              %mul3A_448 = arith.constant 32 : i32
              %mul3A_449 = arith.muli %squeeze3A_447, %mul3A_448 : i32
              %dma_start3A = tpu.memref_slice %arg12[%add3A_445] : memref<1024xf32, #tpu.memory_space<vmem>> -> memref<32xf32, #tpu.memory_space<vmem>>
              %dma_start3A_450 = tpu.memref_slice %arg16[%mul3A_449] : memref<65536xf32, #tpu.memory_space<vmem_shared>> -> memref<32xf32, #tpu.memory_space<vmem_shared>>
              %dma_start3A_451 = tpu.memref_slice %arg16[%mul3A_449] : memref<65536xf32, #tpu.memory_space<vmem_shared>> -> memref<32xf32, #tpu.memory_space<vmem_shared>>
              %dma_start3A_452 = tpu.memref_slice %arg12[%add3A_445] : memref<1024xf32, #tpu.memory_space<vmem>> -> memref<32xf32, #tpu.memory_space<vmem>>
              tpu.enqueue_dma source(%dma_start3A_452 : memref<32xf32, #tpu.memory_space<vmem>>) target(%dma_start3A_451 : memref<32xf32, #tpu.memory_space<vmem_shared>>) target_semaphore(%arg17 : memref<!tpu.dma_semaphore, #tpu.memory_space<semaphore_mem>>)
            } else {
            }
            %mul3A_358 = arith.constant 16 : i32
            %mul3A_359 = arith.muli %select_n3A_257, %mul3A_358 : i32
            %add3A_360 = arith.constant 7 : i32
            %add3A_361 = arith.addi %mul3A_359, %add3A_360 : i32
            %lt3A_362 = arith.cmpi slt, %add3A_361, %while3A_169 : i32
            %convert_element_type3A_363 = arith.extui %lt3A_362 : i1 to i32
            %cond3A_364 = arith.constant 0 : i32
            %cond3A_365 = arith.cmpi ne, %convert_element_type3A_363, %cond3A_364 : i32
            scf.if %cond3A_365 {
              %slice3A = vector.extract_strided_slice %get3A_297 {offsets = [7], sizes = [1], strides = [1]} : vector<16xi32> to vector<1xi32>
              %squeeze3A = vector.extract %slice3A[0] : i32 from vector<1xi32>
              %sub3A_430 = arith.subi %squeeze3A, %mul3A_233 : i32
              %broadcast_in_dim3A = vector.broadcast %sub3A_430 : i32 to vector<16xi32>
              %gather3A = tpu.vector_load_idx %arg11[%iota3A, %broadcast_in_dim3A] : memref<32x1024xf32, #tpu.memory_space<vmem>>[vector<16xi32>, vector<16xi32>], vector<16xf32>,
              %add3A_431 = arith.constant 16 : i32
              %add3A_432 = vector.broadcast %add3A_431 : i32 to vector<16xi32>
              %add3A_433 = arith.addi %iota3A, %add3A_432 : vector<16xi32>
              %gather3A_434 = tpu.vector_load_idx %arg11[%add3A_433, %broadcast_in_dim3A] : memref<32x1024xf32, #tpu.memory_space<vmem>>[vector<16xi32>, vector<16xi32>], vector<16xf32>,
              %add3A_435 = arith.constant 224 : i32
              %add3A_436 = arith.addi %mul3A_294, %add3A_435 : i32
              %swap3A = arith.index_cast %add3A_436 : i32 to index
              %swap3A_437 = tpu.vector_load %arg12[%swap3A] {strides = array<i32>} : memref<1024xf32, #tpu.memory_space<vmem>>, vector<16xf32>,
              tpu.vector_store %arg12[%swap3A], %gather3A {strides = array<i32>} : memref<1024xf32, #tpu.memory_space<vmem>>, vector<16xf32>,
              %add3A_438 = arith.constant 224 : i32
              %add3A_439 = arith.addi %mul3A_294, %add3A_438 : i32
              %add3A_440 = arith.constant 16 : i32
              %add3A_441 = arith.addi %add3A_439, %add3A_440 : i32
              %swap3A_442 = arith.index_cast %add3A_441 : i32 to index
              %swap3A_443 = tpu.vector_load %arg12[%swap3A_442] {strides = array<i32>} : memref<1024xf32, #tpu.memory_space<vmem>>, vector<16xf32>,
              tpu.vector_store %arg12[%swap3A_442], %gather3A_434 {strides = array<i32>} : memref<1024xf32, #tpu.memory_space<vmem>>, vector<16xf32>,
              %add3A_444 = arith.constant 224 : i32
              %add3A_445 = arith.addi %mul3A_294, %add3A_444 : i32
              %slice3A_446 = vector.extract_strided_slice %get3A_301 {offsets = [7], sizes = [1], strides = [1]} : vector<16xi32> to vector<1xi32>
              %squeeze3A_447 = vector.extract %slice3A_446[0] : i32 from vector<1xi32>
              %mul3A_448 = arith.constant 32 : i32
              %mul3A_449 = arith.muli %squeeze3A_447, %mul3A_448 : i32
              %dma_start3A = tpu.memref_slice %arg12[%add3A_445] : memref<1024xf32, #tpu.memory_space<vmem>> -> memref<32xf32, #tpu.memory_space<vmem>>
              %dma_start3A_450 = tpu.memref_slice %arg16[%mul3A_449] : memref<65536xf32, #tpu.memory_space<vmem_shared>> -> memref<32xf32, #tpu.memory_space<vmem_shared>>
              %dma_start3A_451 = tpu.memref_slice %arg16[%mul3A_449] : memref<65536xf32, #tpu.memory_space<vmem_shared>> -> memref<32xf32, #tpu.memory_space<vmem_shared>>
              %dma_start3A_452 = tpu.memref_slice %arg12[%add3A_445] : memref<1024xf32, #tpu.memory_space<vmem>> -> memref<32xf32, #tpu.memory_space<vmem>>
              tpu.enqueue_dma source(%dma_start3A_452 : memref<32xf32, #tpu.memory_space<vmem>>) target(%dma_start3A_451 : memref<32xf32, #tpu.memory_space<vmem_shared>>) target_semaphore(%arg17 : memref<!tpu.dma_semaphore, #tpu.memory_space<semaphore_mem>>)
            } else {
            }
            %mul3A_366 = arith.constant 16 : i32
            %mul3A_367 = arith.muli %select_n3A_257, %mul3A_366 : i32
            %add3A_368 = arith.constant 8 : i32
            %add3A_369 = arith.addi %mul3A_367, %add3A_368 : i32
            %lt3A_370 = arith.cmpi slt, %add3A_369, %while3A_169 : i32
            %convert_element_type3A_371 = arith.extui %lt3A_370 : i1 to i32
            %cond3A_372 = arith.constant 0 : i32
            %cond3A_373 = arith.cmpi ne, %convert_element_type3A_371, %cond3A_372 : i32
            scf.if %cond3A_373 {
              %slice3A = vector.extract_strided_slice %get3A_297 {offsets = [8], sizes = [1], strides = [1]} : vector<16xi32> to vector<1xi32>
              %squeeze3A = vector.extract %slice3A[0] : i32 from vector<1xi32>
              %sub3A_430 = arith.subi %squeeze3A, %mul3A_233 : i32
              %broadcast_in_dim3A = vector.broadcast %sub3A_430 : i32 to vector<16xi32>
              %gather3A = tpu.vector_load_idx %arg11[%iota3A, %broadcast_in_dim3A] : memref<32x1024xf32, #tpu.memory_space<vmem>>[vector<16xi32>, vector<16xi32>], vector<16xf32>,
              %add3A_431 = arith.constant 16 : i32
              %add3A_432 = vector.broadcast %add3A_431 : i32 to vector<16xi32>
              %add3A_433 = arith.addi %iota3A, %add3A_432 : vector<16xi32>
              %gather3A_434 = tpu.vector_load_idx %arg11[%add3A_433, %broadcast_in_dim3A] : memref<32x1024xf32, #tpu.memory_space<vmem>>[vector<16xi32>, vector<16xi32>], vector<16xf32>,
              %add3A_435 = arith.constant 256 : i32
              %add3A_436 = arith.addi %mul3A_294, %add3A_435 : i32
              %swap3A = arith.index_cast %add3A_436 : i32 to index
              %swap3A_437 = tpu.vector_load %arg12[%swap3A] {strides = array<i32>} : memref<1024xf32, #tpu.memory_space<vmem>>, vector<16xf32>,
              tpu.vector_store %arg12[%swap3A], %gather3A {strides = array<i32>} : memref<1024xf32, #tpu.memory_space<vmem>>, vector<16xf32>,
              %add3A_438 = arith.constant 256 : i32
              %add3A_439 = arith.addi %mul3A_294, %add3A_438 : i32
              %add3A_440 = arith.constant 16 : i32
              %add3A_441 = arith.addi %add3A_439, %add3A_440 : i32
              %swap3A_442 = arith.index_cast %add3A_441 : i32 to index
              %swap3A_443 = tpu.vector_load %arg12[%swap3A_442] {strides = array<i32>} : memref<1024xf32, #tpu.memory_space<vmem>>, vector<16xf32>,
              tpu.vector_store %arg12[%swap3A_442], %gather3A_434 {strides = array<i32>} : memref<1024xf32, #tpu.memory_space<vmem>>, vector<16xf32>,
              %add3A_444 = arith.constant 256 : i32
              %add3A_445 = arith.addi %mul3A_294, %add3A_444 : i32
              %slice3A_446 = vector.extract_strided_slice %get3A_301 {offsets = [8], sizes = [1], strides = [1]} : vector<16xi32> to vector<1xi32>
              %squeeze3A_447 = vector.extract %slice3A_446[0] : i32 from vector<1xi32>
              %mul3A_448 = arith.constant 32 : i32
              %mul3A_449 = arith.muli %squeeze3A_447, %mul3A_448 : i32
              %dma_start3A = tpu.memref_slice %arg12[%add3A_445] : memref<1024xf32, #tpu.memory_space<vmem>> -> memref<32xf32, #tpu.memory_space<vmem>>
              %dma_start3A_450 = tpu.memref_slice %arg16[%mul3A_449] : memref<65536xf32, #tpu.memory_space<vmem_shared>> -> memref<32xf32, #tpu.memory_space<vmem_shared>>
              %dma_start3A_451 = tpu.memref_slice %arg16[%mul3A_449] : memref<65536xf32, #tpu.memory_space<vmem_shared>> -> memref<32xf32, #tpu.memory_space<vmem_shared>>
              %dma_start3A_452 = tpu.memref_slice %arg12[%add3A_445] : memref<1024xf32, #tpu.memory_space<vmem>> -> memref<32xf32, #tpu.memory_space<vmem>>
              tpu.enqueue_dma source(%dma_start3A_452 : memref<32xf32, #tpu.memory_space<vmem>>) target(%dma_start3A_451 : memref<32xf32, #tpu.memory_space<vmem_shared>>) target_semaphore(%arg17 : memref<!tpu.dma_semaphore, #tpu.memory_space<semaphore_mem>>)
            } else {
            }
            %mul3A_374 = arith.constant 16 : i32
            %mul3A_375 = arith.muli %select_n3A_257, %mul3A_374 : i32
            %add3A_376 = arith.constant 9 : i32
            %add3A_377 = arith.addi %mul3A_375, %add3A_376 : i32
            %lt3A_378 = arith.cmpi slt, %add3A_377, %while3A_169 : i32
            %convert_element_type3A_379 = arith.extui %lt3A_378 : i1 to i32
            %cond3A_380 = arith.constant 0 : i32
            %cond3A_381 = arith.cmpi ne, %convert_element_type3A_379, %cond3A_380 : i32
            scf.if %cond3A_381 {
              %slice3A = vector.extract_strided_slice %get3A_297 {offsets = [9], sizes = [1], strides = [1]} : vector<16xi32> to vector<1xi32>
              %squeeze3A = vector.extract %slice3A[0] : i32 from vector<1xi32>
              %sub3A_430 = arith.subi %squeeze3A, %mul3A_233 : i32
              %broadcast_in_dim3A = vector.broadcast %sub3A_430 : i32 to vector<16xi32>
              %gather3A = tpu.vector_load_idx %arg11[%iota3A, %broadcast_in_dim3A] : memref<32x1024xf32, #tpu.memory_space<vmem>>[vector<16xi32>, vector<16xi32>], vector<16xf32>,
              %add3A_431 = arith.constant 16 : i32
              %add3A_432 = vector.broadcast %add3A_431 : i32 to vector<16xi32>
              %add3A_433 = arith.addi %iota3A, %add3A_432 : vector<16xi32>
              %gather3A_434 = tpu.vector_load_idx %arg11[%add3A_433, %broadcast_in_dim3A] : memref<32x1024xf32, #tpu.memory_space<vmem>>[vector<16xi32>, vector<16xi32>], vector<16xf32>,
              %add3A_435 = arith.constant 288 : i32
              %add3A_436 = arith.addi %mul3A_294, %add3A_435 : i32
              %swap3A = arith.index_cast %add3A_436 : i32 to index
              %swap3A_437 = tpu.vector_load %arg12[%swap3A] {strides = array<i32>} : memref<1024xf32, #tpu.memory_space<vmem>>, vector<16xf32>,
              tpu.vector_store %arg12[%swap3A], %gather3A {strides = array<i32>} : memref<1024xf32, #tpu.memory_space<vmem>>, vector<16xf32>,
              %add3A_438 = arith.constant 288 : i32
              %add3A_439 = arith.addi %mul3A_294, %add3A_438 : i32
              %add3A_440 = arith.constant 16 : i32
              %add3A_441 = arith.addi %add3A_439, %add3A_440 : i32
              %swap3A_442 = arith.index_cast %add3A_441 : i32 to index
              %swap3A_443 = tpu.vector_load %arg12[%swap3A_442] {strides = array<i32>} : memref<1024xf32, #tpu.memory_space<vmem>>, vector<16xf32>,
              tpu.vector_store %arg12[%swap3A_442], %gather3A_434 {strides = array<i32>} : memref<1024xf32, #tpu.memory_space<vmem>>, vector<16xf32>,
              %add3A_444 = arith.constant 288 : i32
              %add3A_445 = arith.addi %mul3A_294, %add3A_444 : i32
              %slice3A_446 = vector.extract_strided_slice %get3A_301 {offsets = [9], sizes = [1], strides = [1]} : vector<16xi32> to vector<1xi32>
              %squeeze3A_447 = vector.extract %slice3A_446[0] : i32 from vector<1xi32>
              %mul3A_448 = arith.constant 32 : i32
              %mul3A_449 = arith.muli %squeeze3A_447, %mul3A_448 : i32
              %dma_start3A = tpu.memref_slice %arg12[%add3A_445] : memref<1024xf32, #tpu.memory_space<vmem>> -> memref<32xf32, #tpu.memory_space<vmem>>
              %dma_start3A_450 = tpu.memref_slice %arg16[%mul3A_449] : memref<65536xf32, #tpu.memory_space<vmem_shared>> -> memref<32xf32, #tpu.memory_space<vmem_shared>>
              %dma_start3A_451 = tpu.memref_slice %arg16[%mul3A_449] : memref<65536xf32, #tpu.memory_space<vmem_shared>> -> memref<32xf32, #tpu.memory_space<vmem_shared>>
              %dma_start3A_452 = tpu.memref_slice %arg12[%add3A_445] : memref<1024xf32, #tpu.memory_space<vmem>> -> memref<32xf32, #tpu.memory_space<vmem>>
              tpu.enqueue_dma source(%dma_start3A_452 : memref<32xf32, #tpu.memory_space<vmem>>) target(%dma_start3A_451 : memref<32xf32, #tpu.memory_space<vmem_shared>>) target_semaphore(%arg17 : memref<!tpu.dma_semaphore, #tpu.memory_space<semaphore_mem>>)
            } else {
            }
            %mul3A_382 = arith.constant 16 : i32
            %mul3A_383 = arith.muli %select_n3A_257, %mul3A_382 : i32
            %add3A_384 = arith.constant 10 : i32
            %add3A_385 = arith.addi %mul3A_383, %add3A_384 : i32
            %lt3A_386 = arith.cmpi slt, %add3A_385, %while3A_169 : i32
            %convert_element_type3A_387 = arith.extui %lt3A_386 : i1 to i32
            %cond3A_388 = arith.constant 0 : i32
            %cond3A_389 = arith.cmpi ne, %convert_element_type3A_387, %cond3A_388 : i32
            scf.if %cond3A_389 {
              %slice3A = vector.extract_strided_slice %get3A_297 {offsets = [10], sizes = [1], strides = [1]} : vector<16xi32> to vector<1xi32>
              %squeeze3A = vector.extract %slice3A[0] : i32 from vector<1xi32>
              %sub3A_430 = arith.subi %squeeze3A, %mul3A_233 : i32
              %broadcast_in_dim3A = vector.broadcast %sub3A_430 : i32 to vector<16xi32>
              %gather3A = tpu.vector_load_idx %arg11[%iota3A, %broadcast_in_dim3A] : memref<32x1024xf32, #tpu.memory_space<vmem>>[vector<16xi32>, vector<16xi32>], vector<16xf32>,
              %add3A_431 = arith.constant 16 : i32
              %add3A_432 = vector.broadcast %add3A_431 : i32 to vector<16xi32>
              %add3A_433 = arith.addi %iota3A, %add3A_432 : vector<16xi32>
              %gather3A_434 = tpu.vector_load_idx %arg11[%add3A_433, %broadcast_in_dim3A] : memref<32x1024xf32, #tpu.memory_space<vmem>>[vector<16xi32>, vector<16xi32>], vector<16xf32>,
              %add3A_435 = arith.constant 320 : i32
              %add3A_436 = arith.addi %mul3A_294, %add3A_435 : i32
              %swap3A = arith.index_cast %add3A_436 : i32 to index
              %swap3A_437 = tpu.vector_load %arg12[%swap3A] {strides = array<i32>} : memref<1024xf32, #tpu.memory_space<vmem>>, vector<16xf32>,
              tpu.vector_store %arg12[%swap3A], %gather3A {strides = array<i32>} : memref<1024xf32, #tpu.memory_space<vmem>>, vector<16xf32>,
              %add3A_438 = arith.constant 320 : i32
              %add3A_439 = arith.addi %mul3A_294, %add3A_438 : i32
              %add3A_440 = arith.constant 16 : i32
              %add3A_441 = arith.addi %add3A_439, %add3A_440 : i32
              %swap3A_442 = arith.index_cast %add3A_441 : i32 to index
              %swap3A_443 = tpu.vector_load %arg12[%swap3A_442] {strides = array<i32>} : memref<1024xf32, #tpu.memory_space<vmem>>, vector<16xf32>,
              tpu.vector_store %arg12[%swap3A_442], %gather3A_434 {strides = array<i32>} : memref<1024xf32, #tpu.memory_space<vmem>>, vector<16xf32>,
              %add3A_444 = arith.constant 320 : i32
              %add3A_445 = arith.addi %mul3A_294, %add3A_444 : i32
              %slice3A_446 = vector.extract_strided_slice %get3A_301 {offsets = [10], sizes = [1], strides = [1]} : vector<16xi32> to vector<1xi32>
              %squeeze3A_447 = vector.extract %slice3A_446[0] : i32 from vector<1xi32>
              %mul3A_448 = arith.constant 32 : i32
              %mul3A_449 = arith.muli %squeeze3A_447, %mul3A_448 : i32
              %dma_start3A = tpu.memref_slice %arg12[%add3A_445] : memref<1024xf32, #tpu.memory_space<vmem>> -> memref<32xf32, #tpu.memory_space<vmem>>
              %dma_start3A_450 = tpu.memref_slice %arg16[%mul3A_449] : memref<65536xf32, #tpu.memory_space<vmem_shared>> -> memref<32xf32, #tpu.memory_space<vmem_shared>>
              %dma_start3A_451 = tpu.memref_slice %arg16[%mul3A_449] : memref<65536xf32, #tpu.memory_space<vmem_shared>> -> memref<32xf32, #tpu.memory_space<vmem_shared>>
              %dma_start3A_452 = tpu.memref_slice %arg12[%add3A_445] : memref<1024xf32, #tpu.memory_space<vmem>> -> memref<32xf32, #tpu.memory_space<vmem>>
              tpu.enqueue_dma source(%dma_start3A_452 : memref<32xf32, #tpu.memory_space<vmem>>) target(%dma_start3A_451 : memref<32xf32, #tpu.memory_space<vmem_shared>>) target_semaphore(%arg17 : memref<!tpu.dma_semaphore, #tpu.memory_space<semaphore_mem>>)
            } else {
            }
            %mul3A_390 = arith.constant 16 : i32
            %mul3A_391 = arith.muli %select_n3A_257, %mul3A_390 : i32
            %add3A_392 = arith.constant 11 : i32
            %add3A_393 = arith.addi %mul3A_391, %add3A_392 : i32
            %lt3A_394 = arith.cmpi slt, %add3A_393, %while3A_169 : i32
            %convert_element_type3A_395 = arith.extui %lt3A_394 : i1 to i32
            %cond3A_396 = arith.constant 0 : i32
            %cond3A_397 = arith.cmpi ne, %convert_element_type3A_395, %cond3A_396 : i32
            scf.if %cond3A_397 {
              %slice3A = vector.extract_strided_slice %get3A_297 {offsets = [11], sizes = [1], strides = [1]} : vector<16xi32> to vector<1xi32>
              %squeeze3A = vector.extract %slice3A[0] : i32 from vector<1xi32>
              %sub3A_430 = arith.subi %squeeze3A, %mul3A_233 : i32
              %broadcast_in_dim3A = vector.broadcast %sub3A_430 : i32 to vector<16xi32>
              %gather3A = tpu.vector_load_idx %arg11[%iota3A, %broadcast_in_dim3A] : memref<32x1024xf32, #tpu.memory_space<vmem>>[vector<16xi32>, vector<16xi32>], vector<16xf32>,
              %add3A_431 = arith.constant 16 : i32
              %add3A_432 = vector.broadcast %add3A_431 : i32 to vector<16xi32>
              %add3A_433 = arith.addi %iota3A, %add3A_432 : vector<16xi32>
              %gather3A_434 = tpu.vector_load_idx %arg11[%add3A_433, %broadcast_in_dim3A] : memref<32x1024xf32, #tpu.memory_space<vmem>>[vector<16xi32>, vector<16xi32>], vector<16xf32>,
              %add3A_435 = arith.constant 352 : i32
              %add3A_436 = arith.addi %mul3A_294, %add3A_435 : i32
              %swap3A = arith.index_cast %add3A_436 : i32 to index
              %swap3A_437 = tpu.vector_load %arg12[%swap3A] {strides = array<i32>} : memref<1024xf32, #tpu.memory_space<vmem>>, vector<16xf32>,
              tpu.vector_store %arg12[%swap3A], %gather3A {strides = array<i32>} : memref<1024xf32, #tpu.memory_space<vmem>>, vector<16xf32>,
              %add3A_438 = arith.constant 352 : i32
              %add3A_439 = arith.addi %mul3A_294, %add3A_438 : i32
              %add3A_440 = arith.constant 16 : i32
              %add3A_441 = arith.addi %add3A_439, %add3A_440 : i32
              %swap3A_442 = arith.index_cast %add3A_441 : i32 to index
              %swap3A_443 = tpu.vector_load %arg12[%swap3A_442] {strides = array<i32>} : memref<1024xf32, #tpu.memory_space<vmem>>, vector<16xf32>,
              tpu.vector_store %arg12[%swap3A_442], %gather3A_434 {strides = array<i32>} : memref<1024xf32, #tpu.memory_space<vmem>>, vector<16xf32>,
              %add3A_444 = arith.constant 352 : i32
              %add3A_445 = arith.addi %mul3A_294, %add3A_444 : i32
              %slice3A_446 = vector.extract_strided_slice %get3A_301 {offsets = [11], sizes = [1], strides = [1]} : vector<16xi32> to vector<1xi32>
              %squeeze3A_447 = vector.extract %slice3A_446[0] : i32 from vector<1xi32>
              %mul3A_448 = arith.constant 32 : i32
              %mul3A_449 = arith.muli %squeeze3A_447, %mul3A_448 : i32
              %dma_start3A = tpu.memref_slice %arg12[%add3A_445] : memref<1024xf32, #tpu.memory_space<vmem>> -> memref<32xf32, #tpu.memory_space<vmem>>
              %dma_start3A_450 = tpu.memref_slice %arg16[%mul3A_449] : memref<65536xf32, #tpu.memory_space<vmem_shared>> -> memref<32xf32, #tpu.memory_space<vmem_shared>>
              %dma_start3A_451 = tpu.memref_slice %arg16[%mul3A_449] : memref<65536xf32, #tpu.memory_space<vmem_shared>> -> memref<32xf32, #tpu.memory_space<vmem_shared>>
              %dma_start3A_452 = tpu.memref_slice %arg12[%add3A_445] : memref<1024xf32, #tpu.memory_space<vmem>> -> memref<32xf32, #tpu.memory_space<vmem>>
              tpu.enqueue_dma source(%dma_start3A_452 : memref<32xf32, #tpu.memory_space<vmem>>) target(%dma_start3A_451 : memref<32xf32, #tpu.memory_space<vmem_shared>>) target_semaphore(%arg17 : memref<!tpu.dma_semaphore, #tpu.memory_space<semaphore_mem>>)
            } else {
            }
            %mul3A_398 = arith.constant 16 : i32
            %mul3A_399 = arith.muli %select_n3A_257, %mul3A_398 : i32
            %add3A_400 = arith.constant 12 : i32
            %add3A_401 = arith.addi %mul3A_399, %add3A_400 : i32
            %lt3A_402 = arith.cmpi slt, %add3A_401, %while3A_169 : i32
            %convert_element_type3A_403 = arith.extui %lt3A_402 : i1 to i32
            %cond3A_404 = arith.constant 0 : i32
            %cond3A_405 = arith.cmpi ne, %convert_element_type3A_403, %cond3A_404 : i32
            scf.if %cond3A_405 {
              %slice3A = vector.extract_strided_slice %get3A_297 {offsets = [12], sizes = [1], strides = [1]} : vector<16xi32> to vector<1xi32>
              %squeeze3A = vector.extract %slice3A[0] : i32 from vector<1xi32>
              %sub3A_430 = arith.subi %squeeze3A, %mul3A_233 : i32
              %broadcast_in_dim3A = vector.broadcast %sub3A_430 : i32 to vector<16xi32>
              %gather3A = tpu.vector_load_idx %arg11[%iota3A, %broadcast_in_dim3A] : memref<32x1024xf32, #tpu.memory_space<vmem>>[vector<16xi32>, vector<16xi32>], vector<16xf32>,
              %add3A_431 = arith.constant 16 : i32
              %add3A_432 = vector.broadcast %add3A_431 : i32 to vector<16xi32>
              %add3A_433 = arith.addi %iota3A, %add3A_432 : vector<16xi32>
              %gather3A_434 = tpu.vector_load_idx %arg11[%add3A_433, %broadcast_in_dim3A] : memref<32x1024xf32, #tpu.memory_space<vmem>>[vector<16xi32>, vector<16xi32>], vector<16xf32>,
              %add3A_435 = arith.constant 384 : i32
              %add3A_436 = arith.addi %mul3A_294, %add3A_435 : i32
              %swap3A = arith.index_cast %add3A_436 : i32 to index
              %swap3A_437 = tpu.vector_load %arg12[%swap3A] {strides = array<i32>} : memref<1024xf32, #tpu.memory_space<vmem>>, vector<16xf32>,
              tpu.vector_store %arg12[%swap3A], %gather3A {strides = array<i32>} : memref<1024xf32, #tpu.memory_space<vmem>>, vector<16xf32>,
              %add3A_438 = arith.constant 384 : i32
              %add3A_439 = arith.addi %mul3A_294, %add3A_438 : i32
              %add3A_440 = arith.constant 16 : i32
              %add3A_441 = arith.addi %add3A_439, %add3A_440 : i32
              %swap3A_442 = arith.index_cast %add3A_441 : i32 to index
              %swap3A_443 = tpu.vector_load %arg12[%swap3A_442] {strides = array<i32>} : memref<1024xf32, #tpu.memory_space<vmem>>, vector<16xf32>,
              tpu.vector_store %arg12[%swap3A_442], %gather3A_434 {strides = array<i32>} : memref<1024xf32, #tpu.memory_space<vmem>>, vector<16xf32>,
              %add3A_444 = arith.constant 384 : i32
              %add3A_445 = arith.addi %mul3A_294, %add3A_444 : i32
              %slice3A_446 = vector.extract_strided_slice %get3A_301 {offsets = [12], sizes = [1], strides = [1]} : vector<16xi32> to vector<1xi32>
              %squeeze3A_447 = vector.extract %slice3A_446[0] : i32 from vector<1xi32>
              %mul3A_448 = arith.constant 32 : i32
              %mul3A_449 = arith.muli %squeeze3A_447, %mul3A_448 : i32
              %dma_start3A = tpu.memref_slice %arg12[%add3A_445] : memref<1024xf32, #tpu.memory_space<vmem>> -> memref<32xf32, #tpu.memory_space<vmem>>
              %dma_start3A_450 = tpu.memref_slice %arg16[%mul3A_449] : memref<65536xf32, #tpu.memory_space<vmem_shared>> -> memref<32xf32, #tpu.memory_space<vmem_shared>>
              %dma_start3A_451 = tpu.memref_slice %arg16[%mul3A_449] : memref<65536xf32, #tpu.memory_space<vmem_shared>> -> memref<32xf32, #tpu.memory_space<vmem_shared>>
              %dma_start3A_452 = tpu.memref_slice %arg12[%add3A_445] : memref<1024xf32, #tpu.memory_space<vmem>> -> memref<32xf32, #tpu.memory_space<vmem>>
              tpu.enqueue_dma source(%dma_start3A_452 : memref<32xf32, #tpu.memory_space<vmem>>) target(%dma_start3A_451 : memref<32xf32, #tpu.memory_space<vmem_shared>>) target_semaphore(%arg17 : memref<!tpu.dma_semaphore, #tpu.memory_space<semaphore_mem>>)
            } else {
            }
            %mul3A_406 = arith.constant 16 : i32
            %mul3A_407 = arith.muli %select_n3A_257, %mul3A_406 : i32
            %add3A_408 = arith.constant 13 : i32
            %add3A_409 = arith.addi %mul3A_407, %add3A_408 : i32
            %lt3A_410 = arith.cmpi slt, %add3A_409, %while3A_169 : i32
            %convert_element_type3A_411 = arith.extui %lt3A_410 : i1 to i32
            %cond3A_412 = arith.constant 0 : i32
            %cond3A_413 = arith.cmpi ne, %convert_element_type3A_411, %cond3A_412 : i32
            scf.if %cond3A_413 {
              %slice3A = vector.extract_strided_slice %get3A_297 {offsets = [13], sizes = [1], strides = [1]} : vector<16xi32> to vector<1xi32>
              %squeeze3A = vector.extract %slice3A[0] : i32 from vector<1xi32>
              %sub3A_430 = arith.subi %squeeze3A, %mul3A_233 : i32
              %broadcast_in_dim3A = vector.broadcast %sub3A_430 : i32 to vector<16xi32>
              %gather3A = tpu.vector_load_idx %arg11[%iota3A, %broadcast_in_dim3A] : memref<32x1024xf32, #tpu.memory_space<vmem>>[vector<16xi32>, vector<16xi32>], vector<16xf32>,
              %add3A_431 = arith.constant 16 : i32
              %add3A_432 = vector.broadcast %add3A_431 : i32 to vector<16xi32>
              %add3A_433 = arith.addi %iota3A, %add3A_432 : vector<16xi32>
              %gather3A_434 = tpu.vector_load_idx %arg11[%add3A_433, %broadcast_in_dim3A] : memref<32x1024xf32, #tpu.memory_space<vmem>>[vector<16xi32>, vector<16xi32>], vector<16xf32>,
              %add3A_435 = arith.constant 416 : i32
              %add3A_436 = arith.addi %mul3A_294, %add3A_435 : i32
              %swap3A = arith.index_cast %add3A_436 : i32 to index
              %swap3A_437 = tpu.vector_load %arg12[%swap3A] {strides = array<i32>} : memref<1024xf32, #tpu.memory_space<vmem>>, vector<16xf32>,
              tpu.vector_store %arg12[%swap3A], %gather3A {strides = array<i32>} : memref<1024xf32, #tpu.memory_space<vmem>>, vector<16xf32>,
              %add3A_438 = arith.constant 416 : i32
              %add3A_439 = arith.addi %mul3A_294, %add3A_438 : i32
              %add3A_440 = arith.constant 16 : i32
              %add3A_441 = arith.addi %add3A_439, %add3A_440 : i32
              %swap3A_442 = arith.index_cast %add3A_441 : i32 to index
              %swap3A_443 = tpu.vector_load %arg12[%swap3A_442] {strides = array<i32>} : memref<1024xf32, #tpu.memory_space<vmem>>, vector<16xf32>,
              tpu.vector_store %arg12[%swap3A_442], %gather3A_434 {strides = array<i32>} : memref<1024xf32, #tpu.memory_space<vmem>>, vector<16xf32>,
              %add3A_444 = arith.constant 416 : i32
              %add3A_445 = arith.addi %mul3A_294, %add3A_444 : i32
              %slice3A_446 = vector.extract_strided_slice %get3A_301 {offsets = [13], sizes = [1], strides = [1]} : vector<16xi32> to vector<1xi32>
              %squeeze3A_447 = vector.extract %slice3A_446[0] : i32 from vector<1xi32>
              %mul3A_448 = arith.constant 32 : i32
              %mul3A_449 = arith.muli %squeeze3A_447, %mul3A_448 : i32
              %dma_start3A = tpu.memref_slice %arg12[%add3A_445] : memref<1024xf32, #tpu.memory_space<vmem>> -> memref<32xf32, #tpu.memory_space<vmem>>
              %dma_start3A_450 = tpu.memref_slice %arg16[%mul3A_449] : memref<65536xf32, #tpu.memory_space<vmem_shared>> -> memref<32xf32, #tpu.memory_space<vmem_shared>>
              %dma_start3A_451 = tpu.memref_slice %arg16[%mul3A_449] : memref<65536xf32, #tpu.memory_space<vmem_shared>> -> memref<32xf32, #tpu.memory_space<vmem_shared>>
              %dma_start3A_452 = tpu.memref_slice %arg12[%add3A_445] : memref<1024xf32, #tpu.memory_space<vmem>> -> memref<32xf32, #tpu.memory_space<vmem>>
              tpu.enqueue_dma source(%dma_start3A_452 : memref<32xf32, #tpu.memory_space<vmem>>) target(%dma_start3A_451 : memref<32xf32, #tpu.memory_space<vmem_shared>>) target_semaphore(%arg17 : memref<!tpu.dma_semaphore, #tpu.memory_space<semaphore_mem>>)
            } else {
            }
            %mul3A_414 = arith.constant 16 : i32
            %mul3A_415 = arith.muli %select_n3A_257, %mul3A_414 : i32
            %add3A_416 = arith.constant 14 : i32
            %add3A_417 = arith.addi %mul3A_415, %add3A_416 : i32
            %lt3A_418 = arith.cmpi slt, %add3A_417, %while3A_169 : i32
            %convert_element_type3A_419 = arith.extui %lt3A_418 : i1 to i32
            %cond3A_420 = arith.constant 0 : i32
            %cond3A_421 = arith.cmpi ne, %convert_element_type3A_419, %cond3A_420 : i32
            scf.if %cond3A_421 {
              %slice3A = vector.extract_strided_slice %get3A_297 {offsets = [14], sizes = [1], strides = [1]} : vector<16xi32> to vector<1xi32>
              %squeeze3A = vector.extract %slice3A[0] : i32 from vector<1xi32>
              %sub3A_430 = arith.subi %squeeze3A, %mul3A_233 : i32
              %broadcast_in_dim3A = vector.broadcast %sub3A_430 : i32 to vector<16xi32>
              %gather3A = tpu.vector_load_idx %arg11[%iota3A, %broadcast_in_dim3A] : memref<32x1024xf32, #tpu.memory_space<vmem>>[vector<16xi32>, vector<16xi32>], vector<16xf32>,
              %add3A_431 = arith.constant 16 : i32
              %add3A_432 = vector.broadcast %add3A_431 : i32 to vector<16xi32>
              %add3A_433 = arith.addi %iota3A, %add3A_432 : vector<16xi32>
              %gather3A_434 = tpu.vector_load_idx %arg11[%add3A_433, %broadcast_in_dim3A] : memref<32x1024xf32, #tpu.memory_space<vmem>>[vector<16xi32>, vector<16xi32>], vector<16xf32>,
              %add3A_435 = arith.constant 448 : i32
              %add3A_436 = arith.addi %mul3A_294, %add3A_435 : i32
              %swap3A = arith.index_cast %add3A_436 : i32 to index
              %swap3A_437 = tpu.vector_load %arg12[%swap3A] {strides = array<i32>} : memref<1024xf32, #tpu.memory_space<vmem>>, vector<16xf32>,
              tpu.vector_store %arg12[%swap3A], %gather3A {strides = array<i32>} : memref<1024xf32, #tpu.memory_space<vmem>>, vector<16xf32>,
              %add3A_438 = arith.constant 448 : i32
              %add3A_439 = arith.addi %mul3A_294, %add3A_438 : i32
              %add3A_440 = arith.constant 16 : i32
              %add3A_441 = arith.addi %add3A_439, %add3A_440 : i32
              %swap3A_442 = arith.index_cast %add3A_441 : i32 to index
              %swap3A_443 = tpu.vector_load %arg12[%swap3A_442] {strides = array<i32>} : memref<1024xf32, #tpu.memory_space<vmem>>, vector<16xf32>,
              tpu.vector_store %arg12[%swap3A_442], %gather3A_434 {strides = array<i32>} : memref<1024xf32, #tpu.memory_space<vmem>>, vector<16xf32>,
              %add3A_444 = arith.constant 448 : i32
              %add3A_445 = arith.addi %mul3A_294, %add3A_444 : i32
              %slice3A_446 = vector.extract_strided_slice %get3A_301 {offsets = [14], sizes = [1], strides = [1]} : vector<16xi32> to vector<1xi32>
              %squeeze3A_447 = vector.extract %slice3A_446[0] : i32 from vector<1xi32>
              %mul3A_448 = arith.constant 32 : i32
              %mul3A_449 = arith.muli %squeeze3A_447, %mul3A_448 : i32
              %dma_start3A = tpu.memref_slice %arg12[%add3A_445] : memref<1024xf32, #tpu.memory_space<vmem>> -> memref<32xf32, #tpu.memory_space<vmem>>
              %dma_start3A_450 = tpu.memref_slice %arg16[%mul3A_449] : memref<65536xf32, #tpu.memory_space<vmem_shared>> -> memref<32xf32, #tpu.memory_space<vmem_shared>>
              %dma_start3A_451 = tpu.memref_slice %arg16[%mul3A_449] : memref<65536xf32, #tpu.memory_space<vmem_shared>> -> memref<32xf32, #tpu.memory_space<vmem_shared>>
              %dma_start3A_452 = tpu.memref_slice %arg12[%add3A_445] : memref<1024xf32, #tpu.memory_space<vmem>> -> memref<32xf32, #tpu.memory_space<vmem>>
              tpu.enqueue_dma source(%dma_start3A_452 : memref<32xf32, #tpu.memory_space<vmem>>) target(%dma_start3A_451 : memref<32xf32, #tpu.memory_space<vmem_shared>>) target_semaphore(%arg17 : memref<!tpu.dma_semaphore, #tpu.memory_space<semaphore_mem>>)
            } else {
            }
            %mul3A_422 = arith.constant 16 : i32
            %mul3A_423 = arith.muli %select_n3A_257, %mul3A_422 : i32
            %add3A_424 = arith.constant 15 : i32
            %add3A_425 = arith.addi %mul3A_423, %add3A_424 : i32
            %lt3A_426 = arith.cmpi slt, %add3A_425, %while3A_169 : i32
            %convert_element_type3A_427 = arith.extui %lt3A_426 : i1 to i32
            %cond3A_428 = arith.constant 0 : i32
            %cond3A_429 = arith.cmpi ne, %convert_element_type3A_427, %cond3A_428 : i32
            scf.if %cond3A_429 {
              %slice3A = vector.extract_strided_slice %get3A_297 {offsets = [15], sizes = [1], strides = [1]} : vector<16xi32> to vector<1xi32>
              %squeeze3A = vector.extract %slice3A[0] : i32 from vector<1xi32>
              %sub3A_430 = arith.subi %squeeze3A, %mul3A_233 : i32
              %broadcast_in_dim3A = vector.broadcast %sub3A_430 : i32 to vector<16xi32>
              %gather3A = tpu.vector_load_idx %arg11[%iota3A, %broadcast_in_dim3A] : memref<32x1024xf32, #tpu.memory_space<vmem>>[vector<16xi32>, vector<16xi32>], vector<16xf32>,
              %add3A_431 = arith.constant 16 : i32
              %add3A_432 = vector.broadcast %add3A_431 : i32 to vector<16xi32>
              %add3A_433 = arith.addi %iota3A, %add3A_432 : vector<16xi32>
              %gather3A_434 = tpu.vector_load_idx %arg11[%add3A_433, %broadcast_in_dim3A] : memref<32x1024xf32, #tpu.memory_space<vmem>>[vector<16xi32>, vector<16xi32>], vector<16xf32>,
              %add3A_435 = arith.constant 480 : i32
              %add3A_436 = arith.addi %mul3A_294, %add3A_435 : i32
              %swap3A = arith.index_cast %add3A_436 : i32 to index
              %swap3A_437 = tpu.vector_load %arg12[%swap3A] {strides = array<i32>} : memref<1024xf32, #tpu.memory_space<vmem>>, vector<16xf32>,
              tpu.vector_store %arg12[%swap3A], %gather3A {strides = array<i32>} : memref<1024xf32, #tpu.memory_space<vmem>>, vector<16xf32>,
              %add3A_438 = arith.constant 480 : i32
              %add3A_439 = arith.addi %mul3A_294, %add3A_438 : i32
              %add3A_440 = arith.constant 16 : i32
              %add3A_441 = arith.addi %add3A_439, %add3A_440 : i32
              %swap3A_442 = arith.index_cast %add3A_441 : i32 to index
              %swap3A_443 = tpu.vector_load %arg12[%swap3A_442] {strides = array<i32>} : memref<1024xf32, #tpu.memory_space<vmem>>, vector<16xf32>,
              tpu.vector_store %arg12[%swap3A_442], %gather3A_434 {strides = array<i32>} : memref<1024xf32, #tpu.memory_space<vmem>>, vector<16xf32>,
              %add3A_444 = arith.constant 480 : i32
              %add3A_445 = arith.addi %mul3A_294, %add3A_444 : i32
              %slice3A_446 = vector.extract_strided_slice %get3A_301 {offsets = [15], sizes = [1], strides = [1]} : vector<16xi32> to vector<1xi32>
              %squeeze3A_447 = vector.extract %slice3A_446[0] : i32 from vector<1xi32>
              %mul3A_448 = arith.constant 32 : i32
              %mul3A_449 = arith.muli %squeeze3A_447, %mul3A_448 : i32
              %dma_start3A = tpu.memref_slice %arg12[%add3A_445] : memref<1024xf32, #tpu.memory_space<vmem>> -> memref<32xf32, #tpu.memory_space<vmem>>
              %dma_start3A_450 = tpu.memref_slice %arg16[%mul3A_449] : memref<65536xf32, #tpu.memory_space<vmem_shared>> -> memref<32xf32, #tpu.memory_space<vmem_shared>>
              %dma_start3A_451 = tpu.memref_slice %arg16[%mul3A_449] : memref<65536xf32, #tpu.memory_space<vmem_shared>> -> memref<32xf32, #tpu.memory_space<vmem_shared>>
              %dma_start3A_452 = tpu.memref_slice %arg12[%add3A_445] : memref<1024xf32, #tpu.memory_space<vmem>> -> memref<32xf32, #tpu.memory_space<vmem>>
              tpu.enqueue_dma source(%dma_start3A_452 : memref<32xf32, #tpu.memory_space<vmem>>) target(%dma_start3A_451 : memref<32xf32, #tpu.memory_space<vmem_shared>>) target_semaphore(%arg17 : memref<!tpu.dma_semaphore, #tpu.memory_space<semaphore_mem>>)
            } else {
            }
          } else {
          }
          %add3A_278 = arith.addi %while3A_269, %sub3A_272 : i32
          %while3A_279 = arith.constant 0 : i32
          %while3A_280 = arith.constant 0 : i32
          %while3A_281 = arith.subi %add3A_278, %while3A_279 : i32
          %while3A_282 = arith.addi %while3A_279, %while3A_281 : i32
          %while3A_283 = arith.constant 1 : i32
          %while3A_284 = arith.divsi %while3A_281, %while3A_283 : i32
          %while3A_285 = arith.muli %while3A_284, %while3A_283 : i32
          %while3A_286 = arith.addi %while3A_279, %while3A_285 : i32
          %while3A_287 = arith.constant 1 : i32
          %while3A_288 = scf.for %while3A_291 = %while3A_279 to %while3A_286 step %while3A_287 iter_args(%while3A_292 = %while3A_280) -> (i32)  : i32 {
            %dma_wait3A = arith.constant 0 : i32
            %dma_wait3A_293 = tpu.memref_slice %arg3[%dma_wait3A] : memref<4096xi32, #tpu.memory_space<hbm>> -> memref<32xi32, #tpu.memory_space<hbm>>
            %dma_wait3A_294 = arith.constant 0 : i32
            %dma_wait3A_295 = tpu.memref_slice %arg3[%dma_wait3A_294] : memref<4096xi32, #tpu.memory_space<hbm>> -> memref<32xi32, #tpu.memory_space<hbm>>
            tpu.wait_dma2 semaphore(%arg17 : memref<!tpu.dma_semaphore, #tpu.memory_space<semaphore_mem>>) src(%dma_wait3A_295 : memref<32xi32, #tpu.memory_space<hbm>>) dst(%arg15 : memref<32xi32, #tpu.memory_space<vmem>>)
            %while3A_296 = arith.constant 0 : i32
            scf.yield %while3A_296 : i32
          }
          %while3A_289 = arith.constant 1 : i32
          %while3A_290 = scf.for %while3A_291 = %while3A_286 to %while3A_282 step %while3A_289 iter_args(%while3A_292 = %while3A_288) -> (i32)  : i32 {
            %dma_wait3A = arith.constant 0 : i32
            %dma_wait3A_293 = tpu.memref_slice %arg3[%dma_wait3A] : memref<4096xi32, #tpu.memory_space<hbm>> -> memref<32xi32, #tpu.memory_space<hbm>>
            %dma_wait3A_294 = arith.constant 0 : i32
            %dma_wait3A_295 = tpu.memref_slice %arg3[%dma_wait3A_294] : memref<4096xi32, #tpu.memory_space<hbm>> -> memref<32xi32, #tpu.memory_space<hbm>>
            tpu.wait_dma2 semaphore(%arg17 : memref<!tpu.dma_semaphore, #tpu.memory_space<semaphore_mem>>) src(%dma_wait3A_295 : memref<32xi32, #tpu.memory_space<hbm>>) dst(%arg15 : memref<32xi32, #tpu.memory_space<vmem>>)
            %while3A_296 = arith.constant 0 : i32
            scf.yield %while3A_296 : i32
          }
        } else {
        }
      } else {
      }
      %add3A_151 = arith.constant 2 : i32
      %add3A_152 = arith.addi %scan3A_142, %add3A_151 : i32
      %le3A_153 = arith.constant 6 : i32
      %le3A_154 = arith.cmpi sle, %add3A_152, %le3A_153 : i32
      %convert_element_type3A_155 = arith.extui %le3A_154 : i1 to i32
      %cond3A_156 = arith.constant 0 : i32
      %cond3A_157 = arith.cmpi ne, %convert_element_type3A_155, %cond3A_156 : i32
      scf.if %cond3A_157 {
        %add3A_159 = arith.constant 2 : i32
        %add3A_160 = arith.addi %scan3A_142, %add3A_159 : i32
        %mul3A_161 = arith.constant 16 : i32
        %mul3A_162 = arith.muli %add3A_160, %mul3A_161 : i32
        %add3A_163 = arith.addi %mul3A_162, %arg1 : i32
        %rem3A_164 = arith.constant 2 : i32
        %rem3A_165 = arith.remsi %add3A_160, %rem3A_164 : i32
        %eq3A_166 = arith.constant 0 : i32
        %eq3A_167 = arith.cmpi eq, %rem3A_165, %eq3A_166 : i32
        %lt3A_168 = arith.constant 97 : i32
        %lt3A_169 = arith.cmpi slt, %add3A_163, %lt3A_168 : i32
        %and3A_170 = arith.andi %eq3A_167, %lt3A_169 : i1
        %convert_element_type3A_171 = arith.extui %and3A_170 : i1 to i32
        %cond3A_172 = arith.constant 0 : i32
        %cond3A_173 = arith.cmpi ne, %convert_element_type3A_171, %cond3A_172 : i32
        scf.if %cond3A_173 {
          %mul3A_204 = arith.constant 1024 : i32
          %mul3A_205 = arith.muli %add3A_163, %mul3A_204 : i32
          %multiple_of3A_206 = tpu.assume_multiple %mul3A_205, 128 : i32
          %dma_start3A = arith.constant 0 : i32
          %dma_start3A_207 = tpu.memref_slice %arg2[%dma_start3A, %multiple_of3A_206] : memref<32x100001xf32, #tpu.memory_space<hbm>> -> memref<32x1024xf32, #tpu.memory_space<hbm>>
          %dma_start3A_208 = arith.constant 0 : i32
          %dma_start3A_209 = tpu.memref_slice %arg2[%dma_start3A_208, %multiple_of3A_206] : memref<32x100001xf32, #tpu.memory_space<hbm>> -> memref<32x1024xf32, #tpu.memory_space<hbm>>
          tpu.enqueue_dma source(%dma_start3A_209 : memref<32x1024xf32, #tpu.memory_space<hbm>>) target(%arg10 : memref<32x1024xf32, #tpu.memory_space<vmem>>) target_semaphore(%arg18 : memref<!tpu.dma_semaphore, #tpu.memory_space<semaphore_mem>>)
        } else {
        }
        %rem3A_174 = arith.constant 2 : i32
        %rem3A_175 = arith.remsi %add3A_160, %rem3A_174 : i32
        %eq3A_176 = arith.constant 0 : i32
        %eq3A_177 = arith.cmpi eq, %rem3A_175, %eq3A_176 : i32
        %eq3A_178 = arith.constant 97 : i32
        %eq3A_179 = arith.cmpi eq, %add3A_163, %eq3A_178 : i32
        %and3A_180 = arith.andi %eq3A_177, %eq3A_179 : i1
        %convert_element_type3A_181 = arith.extui %and3A_180 : i1 to i32
        %cond3A_182 = arith.constant 0 : i32
        %cond3A_183 = arith.cmpi ne, %convert_element_type3A_181, %cond3A_182 : i32
        scf.if %cond3A_183 {
          %mul3A_204 = arith.constant 1024 : i32
          %mul3A_205 = arith.muli %add3A_163, %mul3A_204 : i32
          %multiple_of3A_206 = tpu.assume_multiple %mul3A_205, 128 : i32
          %dma_start3A = arith.constant 0 : i32
          %dma_start3A_207 = arith.constant 0 : i32
          %dma_start3A_208 = tpu.memref_slice %arg10[%dma_start3A, %dma_start3A_207] : memref<32x1024xf32, #tpu.memory_space<vmem>> -> memref<32x768xf32, #tpu.memory_space<vmem>>
          %dma_start3A_209 = arith.constant 0 : i32
          %dma_start3A_210 = tpu.memref_slice %arg2[%dma_start3A_209, %multiple_of3A_206] : memref<32x100001xf32, #tpu.memory_space<hbm>> -> memref<32x768xf32, #tpu.memory_space<hbm>>
          %dma_start3A_211 = arith.constant 0 : i32
          %dma_start3A_212 = arith.constant 0 : i32
          %dma_start3A_213 = tpu.memref_slice %arg10[%dma_start3A_211, %dma_start3A_212] : memref<32x1024xf32, #tpu.memory_space<vmem>> -> memref<32x768xf32, #tpu.memory_space<vmem>>
          %dma_start3A_214 = arith.constant 0 : i32
          %dma_start3A_215 = tpu.memref_slice %arg2[%dma_start3A_214, %multiple_of3A_206] : memref<32x100001xf32, #tpu.memory_space<hbm>> -> memref<32x768xf32, #tpu.memory_space<hbm>>
          tpu.enqueue_dma source(%dma_start3A_215 : memref<32x768xf32, #tpu.memory_space<hbm>>) target(%dma_start3A_213 : memref<32x768xf32, #tpu.memory_space<vmem>>) target_semaphore(%arg18 : memref<!tpu.dma_semaphore, #tpu.memory_space<semaphore_mem>>)
        } else {
        }
        %rem3A_184 = arith.constant 2 : i32
        %rem3A_185 = arith.remsi %add3A_160, %rem3A_184 : i32
        %eq3A_186 = arith.constant 1 : i32
        %eq3A_187 = arith.cmpi eq, %rem3A_185, %eq3A_186 : i32
        %lt3A_188 = arith.constant 97 : i32
        %lt3A_189 = arith.cmpi slt, %add3A_163, %lt3A_188 : i32
        %and3A_190 = arith.andi %eq3A_187, %lt3A_189 : i1
        %convert_element_type3A_191 = arith.extui %and3A_190 : i1 to i32
        %cond3A_192 = arith.constant 0 : i32
        %cond3A_193 = arith.cmpi ne, %convert_element_type3A_191, %cond3A_192 : i32
        scf.if %cond3A_193 {
          %mul3A_204 = arith.constant 1024 : i32
          %mul3A_205 = arith.muli %add3A_163, %mul3A_204 : i32
          %multiple_of3A_206 = tpu.assume_multiple %mul3A_205, 128 : i32
          %dma_start3A = arith.constant 0 : i32
          %dma_start3A_207 = tpu.memref_slice %arg2[%dma_start3A, %multiple_of3A_206] : memref<32x100001xf32, #tpu.memory_space<hbm>> -> memref<32x1024xf32, #tpu.memory_space<hbm>>
          %dma_start3A_208 = arith.constant 0 : i32
          %dma_start3A_209 = tpu.memref_slice %arg2[%dma_start3A_208, %multiple_of3A_206] : memref<32x100001xf32, #tpu.memory_space<hbm>> -> memref<32x1024xf32, #tpu.memory_space<hbm>>
          tpu.enqueue_dma source(%dma_start3A_209 : memref<32x1024xf32, #tpu.memory_space<hbm>>) target(%arg11 : memref<32x1024xf32, #tpu.memory_space<vmem>>) target_semaphore(%arg19 : memref<!tpu.dma_semaphore, #tpu.memory_space<semaphore_mem>>)
        } else {
        }
        %rem3A_194 = arith.constant 2 : i32
        %rem3A_195 = arith.remsi %add3A_160, %rem3A_194 : i32
        %eq3A_196 = arith.constant 1 : i32
        %eq3A_197 = arith.cmpi eq, %rem3A_195, %eq3A_196 : i32
        %eq3A_198 = arith.constant 97 : i32
        %eq3A_199 = arith.cmpi eq, %add3A_163, %eq3A_198 : i32
        %and3A_200 = arith.andi %eq3A_197, %eq3A_199 : i1
        %convert_element_type3A_201 = arith.extui %and3A_200 : i1 to i32
        %cond3A_202 = arith.constant 0 : i32
        %cond3A_203 = arith.cmpi ne, %convert_element_type3A_201, %cond3A_202 : i32
        scf.if %cond3A_203 {
          %mul3A_204 = arith.constant 1024 : i32
          %mul3A_205 = arith.muli %add3A_163, %mul3A_204 : i32
          %multiple_of3A_206 = tpu.assume_multiple %mul3A_205, 128 : i32
          %dma_start3A = arith.constant 0 : i32
          %dma_start3A_207 = arith.constant 0 : i32
          %dma_start3A_208 = tpu.memref_slice %arg11[%dma_start3A, %dma_start3A_207] : memref<32x1024xf32, #tpu.memory_space<vmem>> -> memref<32x768xf32, #tpu.memory_space<vmem>>
          %dma_start3A_209 = arith.constant 0 : i32
          %dma_start3A_210 = tpu.memref_slice %arg2[%dma_start3A_209, %multiple_of3A_206] : memref<32x100001xf32, #tpu.memory_space<hbm>> -> memref<32x768xf32, #tpu.memory_space<hbm>>
          %dma_start3A_211 = arith.constant 0 : i32
          %dma_start3A_212 = arith.constant 0 : i32
          %dma_start3A_213 = tpu.memref_slice %arg11[%dma_start3A_211, %dma_start3A_212] : memref<32x1024xf32, #tpu.memory_space<vmem>> -> memref<32x768xf32, #tpu.memory_space<vmem>>
          %dma_start3A_214 = arith.constant 0 : i32
          %dma_start3A_215 = tpu.memref_slice %arg2[%dma_start3A_214, %multiple_of3A_206] : memref<32x100001xf32, #tpu.memory_space<hbm>> -> memref<32x768xf32, #tpu.memory_space<hbm>>
          tpu.enqueue_dma source(%dma_start3A_215 : memref<32x768xf32, #tpu.memory_space<hbm>>) target(%dma_start3A_213 : memref<32x768xf32, #tpu.memory_space<vmem>>) target_semaphore(%arg19 : memref<!tpu.dma_semaphore, #tpu.memory_space<semaphore_mem>>)
        } else {
        }
      } else {
      }
      %scan3A_158 = arith.constant 0 : i32
      scf.yield %scan3A_158 : i32
    }
    %scan3A_124 = arith.constant 7 : i32
    %barrier3A = arith.constant 0 : index
    tpu.barrier barrier_id(%barrier3A)
    %mul3A_125 = arith.constant 4096 : i32
    %mul3A_126 = arith.muli %arg1, %mul3A_125 : i32
    "tpu.region"() ({
      %run_scoped3A = tpu.sem_alloc : memref<!tpu.dma_semaphore, #tpu.memory_space<semaphore_mem>>
      %dma_start3A = tpu.memref_slice %arg16[%mul3A_126] : memref<65536xf32, #tpu.memory_space<vmem_shared>> -> memref<4096xf32, #tpu.memory_space<vmem_shared>>
      %dma_start3A_142 = tpu.memref_slice %arg16[%mul3A_126] : memref<65536xf32, #tpu.memory_space<vmem_shared>> -> memref<4096xf32, #tpu.memory_space<vmem_shared>>
      tpu.enqueue_dma source(%dma_start3A_142 : memref<4096xf32, #tpu.memory_space<vmem_shared>>) target(%arg13 : memref<4096xf32, #tpu.memory_space<vmem>>) target_semaphore(%run_scoped3A : memref<!tpu.dma_semaphore, #tpu.memory_space<semaphore_mem>>)
      %dma_wait3A = tpu.memref_slice %arg16[%mul3A_126] : memref<65536xf32, #tpu.memory_space<vmem_shared>> -> memref<4096xf32, #tpu.memory_space<vmem_shared>>
      %dma_wait3A_143 = tpu.memref_slice %arg16[%mul3A_126] : memref<65536xf32, #tpu.memory_space<vmem_shared>> -> memref<4096xf32, #tpu.memory_space<vmem_shared>>
      tpu.wait_dma2 semaphore(%run_scoped3A : memref<!tpu.dma_semaphore, #tpu.memory_space<semaphore_mem>>) src(%dma_wait3A_143 : memref<4096xf32, #tpu.memory_space<vmem_shared>>) dst(%arg13 : memref<4096xf32, #tpu.memory_space<vmem>>)
      tpu.yield
    }) : () -> ()
    %mul3A_127 = arith.constant 32 : i32
    %mul3A_128 = vector.broadcast %mul3A_127 : i32 to vector<16xi32>
    %mul3A_129 = arith.muli %iota3A, %mul3A_128 : vector<16xi32>
    %scan3A_130 = arith.constant 0 : i32
    %scan3A_131 = arith.constant 0 : i32
    %scan3A_132 = arith.constant 32 : i32
    %scan3A_133 = arith.addi %scan3A_131, %scan3A_132 : i32
    %scan3A_134 = arith.constant 1 : i32
    %scan3A_135 = scf.for %scan3A_142 = %scan3A_131 to %scan3A_133 step %scan3A_134 iter_args(%scan3A_143 = %scan3A_130) -> (i32)  : i32 {
      %add3A_144 = arith.constant 0 : i32
      %add3A_145 = arith.addi %add3A_144, %scan3A_142 : i32
      %add3A_146 = vector.broadcast %add3A_145 : i32 to vector<16xi32>
      %add3A_147 = arith.addi %mul3A_129, %add3A_146 : vector<16xi32>
      %gather3A = tpu.vector_load_idx %arg13[%add3A_147] : memref<4096xf32, #tpu.memory_space<vmem>>[vector<16xi32>], vector<16xf32>,
      %swap3A = arith.index_cast %scan3A_142 : i32 to index
      %swap3A_148 = arith.constant 0 : index
      %swap3A_149 = tpu.vector_load %arg14[%swap3A, %swap3A_148] {strides = array<i32>} : memref<32x128xf32, #tpu.memory_space<vmem>>, vector<16xf32>,
      tpu.vector_store %arg14[%swap3A, %swap3A_148], %gather3A {strides = array<i32>} : memref<32x128xf32, #tpu.memory_space<vmem>>, vector<16xf32>,
      %add3A_150 = arith.constant 512 : i32
      %add3A_151 = arith.addi %add3A_150, %scan3A_142 : i32
      %add3A_152 = vector.broadcast %add3A_151 : i32 to vector<16xi32>
      %add3A_153 = arith.addi %mul3A_129, %add3A_152 : vector<16xi32>
      %gather3A_154 = tpu.vector_load_idx %arg13[%add3A_153] : memref<4096xf32, #tpu.memory_space<vmem>>[vector<16xi32>], vector<16xf32>,
      %swap3A_155 = arith.index_cast %scan3A_142 : i32 to index
      %swap3A_156 = arith.constant 16 : index
      %swap3A_157 = tpu.vector_load %arg14[%swap3A_155, %swap3A_156] {strides = array<i32>} : memref<32x128xf32, #tpu.memory_space<vmem>>, vector<16xf32>,
      tpu.vector_store %arg14[%swap3A_155, %swap3A_156], %gather3A_154 {strides = array<i32>} : memref<32x128xf32, #tpu.memory_space<vmem>>, vector<16xf32>,
      %add3A_158 = arith.constant 1024 : i32
      %add3A_159 = arith.addi %add3A_158, %scan3A_142 : i32
      %add3A_160 = vector.broadcast %add3A_159 : i32 to vector<16xi32>
      %add3A_161 = arith.addi %mul3A_129, %add3A_160 : vector<16xi32>
      %gather3A_162 = tpu.vector_load_idx %arg13[%add3A_161] : memref<4096xf32, #tpu.memory_space<vmem>>[vector<16xi32>], vector<16xf32>,
      %swap3A_163 = arith.index_cast %scan3A_142 : i32 to index
      %swap3A_164 = arith.constant 32 : index
      %swap3A_165 = tpu.vector_load %arg14[%swap3A_163, %swap3A_164] {strides = array<i32>} : memref<32x128xf32, #tpu.memory_space<vmem>>, vector<16xf32>,
      tpu.vector_store %arg14[%swap3A_163, %swap3A_164], %gather3A_162 {strides = array<i32>} : memref<32x128xf32, #tpu.memory_space<vmem>>, vector<16xf32>,
      %add3A_166 = arith.constant 1536 : i32
      %add3A_167 = arith.addi %add3A_166, %scan3A_142 : i32
      %add3A_168 = vector.broadcast %add3A_167 : i32 to vector<16xi32>
      %add3A_169 = arith.addi %mul3A_129, %add3A_168 : vector<16xi32>
      %gather3A_170 = tpu.vector_load_idx %arg13[%add3A_169] : memref<4096xf32, #tpu.memory_space<vmem>>[vector<16xi32>], vector<16xf32>,
      %swap3A_171 = arith.index_cast %scan3A_142 : i32 to index
      %swap3A_172 = arith.constant 48 : index
      %swap3A_173 = tpu.vector_load %arg14[%swap3A_171, %swap3A_172] {strides = array<i32>} : memref<32x128xf32, #tpu.memory_space<vmem>>, vector<16xf32>,
      tpu.vector_store %arg14[%swap3A_171, %swap3A_172], %gather3A_170 {strides = array<i32>} : memref<32x128xf32, #tpu.memory_space<vmem>>, vector<16xf32>,
      %add3A_174 = arith.constant 2048 : i32
      %add3A_175 = arith.addi %add3A_174, %scan3A_142 : i32
      %add3A_176 = vector.broadcast %add3A_175 : i32 to vector<16xi32>
      %add3A_177 = arith.addi %mul3A_129, %add3A_176 : vector<16xi32>
      %gather3A_178 = tpu.vector_load_idx %arg13[%add3A_177] : memref<4096xf32, #tpu.memory_space<vmem>>[vector<16xi32>], vector<16xf32>,
      %swap3A_179 = arith.index_cast %scan3A_142 : i32 to index
      %swap3A_180 = arith.constant 64 : index
      %swap3A_181 = tpu.vector_load %arg14[%swap3A_179, %swap3A_180] {strides = array<i32>} : memref<32x128xf32, #tpu.memory_space<vmem>>, vector<16xf32>,
      tpu.vector_store %arg14[%swap3A_179, %swap3A_180], %gather3A_178 {strides = array<i32>} : memref<32x128xf32, #tpu.memory_space<vmem>>, vector<16xf32>,
      %add3A_182 = arith.constant 2560 : i32
      %add3A_183 = arith.addi %add3A_182, %scan3A_142 : i32
      %add3A_184 = vector.broadcast %add3A_183 : i32 to vector<16xi32>
      %add3A_185 = arith.addi %mul3A_129, %add3A_184 : vector<16xi32>
      %gather3A_186 = tpu.vector_load_idx %arg13[%add3A_185] : memref<4096xf32, #tpu.memory_space<vmem>>[vector<16xi32>], vector<16xf32>,
      %swap3A_187 = arith.index_cast %scan3A_142 : i32 to index
      %swap3A_188 = arith.constant 80 : index
      %swap3A_189 = tpu.vector_load %arg14[%swap3A_187, %swap3A_188] {strides = array<i32>} : memref<32x128xf32, #tpu.memory_space<vmem>>, vector<16xf32>,
      tpu.vector_store %arg14[%swap3A_187, %swap3A_188], %gather3A_186 {strides = array<i32>} : memref<32x128xf32, #tpu.memory_space<vmem>>, vector<16xf32>,
      %add3A_190 = arith.constant 3072 : i32
      %add3A_191 = arith.addi %add3A_190, %scan3A_142 : i32
      %add3A_192 = vector.broadcast %add3A_191 : i32 to vector<16xi32>
      %add3A_193 = arith.addi %mul3A_129, %add3A_192 : vector<16xi32>
      %gather3A_194 = tpu.vector_load_idx %arg13[%add3A_193] : memref<4096xf32, #tpu.memory_space<vmem>>[vector<16xi32>], vector<16xf32>,
      %swap3A_195 = arith.index_cast %scan3A_142 : i32 to index
      %swap3A_196 = arith.constant 96 : index
      %swap3A_197 = tpu.vector_load %arg14[%swap3A_195, %swap3A_196] {strides = array<i32>} : memref<32x128xf32, #tpu.memory_space<vmem>>, vector<16xf32>,
      tpu.vector_store %arg14[%swap3A_195, %swap3A_196], %gather3A_194 {strides = array<i32>} : memref<32x128xf32, #tpu.memory_space<vmem>>, vector<16xf32>,
      %add3A_198 = arith.constant 3584 : i32
      %add3A_199 = arith.addi %add3A_198, %scan3A_142 : i32
      %add3A_200 = vector.broadcast %add3A_199 : i32 to vector<16xi32>
      %add3A_201 = arith.addi %mul3A_129, %add3A_200 : vector<16xi32>
      %gather3A_202 = tpu.vector_load_idx %arg13[%add3A_201] : memref<4096xf32, #tpu.memory_space<vmem>>[vector<16xi32>], vector<16xf32>,
      %swap3A_203 = arith.index_cast %scan3A_142 : i32 to index
      %swap3A_204 = arith.constant 112 : index
      %swap3A_205 = tpu.vector_load %arg14[%swap3A_203, %swap3A_204] {strides = array<i32>} : memref<32x128xf32, #tpu.memory_space<vmem>>, vector<16xf32>,
      tpu.vector_store %arg14[%swap3A_203, %swap3A_204], %gather3A_202 {strides = array<i32>} : memref<32x128xf32, #tpu.memory_space<vmem>>, vector<16xf32>,
      %scan3A_206 = arith.constant 0 : i32
      scf.yield %scan3A_206 : i32
    }
    %scan3A_136 = arith.constant 32 : i32
    %mul3A_137 = arith.constant 2048 : i32
    %mul3A_138 = arith.muli %arg0, %mul3A_137 : i32
    %mul3A_139 = arith.constant 128 : i32
    %mul3A_140 = arith.muli %arg1, %mul3A_139 : i32
    %add3A_141 = arith.addi %mul3A_138, %mul3A_140 : i32
    %multiple_of3A = tpu.assume_multiple %add3A_141, 128 : i32
    "tpu.region"() ({
      %run_scoped3A = tpu.sem_alloc : memref<!tpu.dma_semaphore, #tpu.memory_space<semaphore_mem>>
      %dma_start3A = arith.constant 0 : i32
      %dma_start3A_142 = tpu.memref_slice %arg4[%dma_start3A, %multiple_of3A] : memref<32x4096xf32, #tpu.memory_space<hbm>> -> memref<32x128xf32, #tpu.memory_space<hbm>>
      %dma_start3A_143 = arith.constant 0 : i32
      %dma_start3A_144 = tpu.memref_slice %arg4[%dma_start3A_143, %multiple_of3A] : memref<32x4096xf32, #tpu.memory_space<hbm>> -> memref<32x128xf32, #tpu.memory_space<hbm>>
      tpu.enqueue_dma source(%arg14 : memref<32x128xf32, #tpu.memory_space<vmem>>) target(%dma_start3A_144 : memref<32x128xf32, #tpu.memory_space<hbm>>) target_semaphore(%run_scoped3A : memref<!tpu.dma_semaphore, #tpu.memory_space<semaphore_mem>>)
      %dma_wait3A = arith.constant 0 : i32
      %dma_wait3A_145 = tpu.memref_slice %arg4[%dma_wait3A, %multiple_of3A] : memref<32x4096xf32, #tpu.memory_space<hbm>> -> memref<32x128xf32, #tpu.memory_space<hbm>>
      %dma_wait3A_146 = arith.constant 0 : i32
      %dma_wait3A_147 = tpu.memref_slice %arg4[%dma_wait3A_146, %multiple_of3A] : memref<32x4096xf32, #tpu.memory_space<hbm>> -> memref<32x128xf32, #tpu.memory_space<hbm>>
      tpu.wait_dma2 semaphore(%run_scoped3A : memref<!tpu.dma_semaphore, #tpu.memory_space<semaphore_mem>>) src(%arg14 : memref<32x128xf32, #tpu.memory_space<vmem>>) dst(%dma_wait3A_147 : memref<32x128xf32, #tpu.memory_space<hbm>>)
      tpu.yield
    }) : () -> ()
    return
  }
}

</mosaic_0001>

<sc_bundles>
// kernel: kernel.3.cloned.1.call-start
scs
__scs_entry_jumppad:
0x0: {  	(pc) =	sbr.rel $0x88, $3  }
0x1: {  	(tag) =	ssettag $0x0;
	lr =	simm.s32 $0x1  }
0x2: {  	[smem:$0x3F9F] =	sst lr;
	_ =	strace $0xD0000000  }
0x3: {  	_ = 	snop  }
0x4: {  	_ = 	snop  }
0x5: {  	_ = 	snop  }
0x6: {  	_ = 	snop  }
0x7: {  	_ = 	snop  }
__scs_overlays_trampoline_lowered:
0x8: {  	[smem:$0x3FAE] =	sst s0  }
0x9: {  	[smem:$0x3FAF] =	sst s1  }
0xa: {  	[smem:$0x3FB0] =	sst s2  }
0xb: {  	[smem:$0x3FB1] =	sst s3  }
0xc: {  	[smem:$0x3FB2] =	sst s4  }
0xd: {  	[smem:$0x3FB3] =	sst s5  }
0xe: {  	[smem:$0x3FB4] =	sst s6  }
0xf: {  	[smem:$0x3FB5] =	sst s7  }
0x10: {  	[smem:$0x3FB6] =	sst s8  }
0x11: {  	[smem:$0x3FB7] =	sst s9;
	s0 =	simm.s32 @!p0 $0x0  }
0x12: {  	s1 =	sld [smem:$0x3F9D];
	s0 =	simm.s32 @p0 $0x1  }
0x13: {  	[smem:$0x3FB8] =	sst s0;
	s0 =	simm.s32 @!p1 $0x0  }
0x14: {  	s2 =	sld [smem:$0x3F9C];
	s0 =	simm.s32 @p1 $0x1  }
0x15: {  	[smem:$0x3FB9] =	sst s0;
	s0 =	simm.s32 @!p2 $0x0  }
0x16: {  	s3 =	sld [smem:$0x3FDB];
	s0 =	simm.s32 @p2 $0x1  }
0x17: {  	s4 =	simm.s32 $0x1BF5;
	[smem:$0x3FBB] =	sst s0  }
0x18: {  	s0 =	sld [smem:$0x3F9E];
	_ =	swait.ge [sflag:s4], $0x0  }
0x19: {  	s7 =	sld [smem:$0x3F9F]  }
0x1a: {  	s8 =	sadd.s32 $0xFFFFE003, lr  }
0x1b: {  	s9 =	sadd.s32 $0xFFFFFEF7, lr;
	s5 =	simm.s32 $0xFFFFFFFF;
	p2 =	slt.u32 s8, $0xFFFFF086  }
0x1c: {  	p1 =	slt.u32 s9, $0xF7A;
	s5 =	simm.s32 @!p2 $0x0  }
0x1d: {  	s5 =	simm.s32 @p1 $0x1;
	p0 =	seq.s32 s7, s2  }
0x1e: {  	s7 =	smul.u32 @!p0 $0xF7A, s2;
	p2 =	seq.s32 @!p0 s5, $0x0  }
0x1f: {  	s9 =	smul.u32 $0xF7A, s1;
	s8 =	simm.s32 @!p0 $0x1BF5;
	p2 =	por !p2, p0  }
0x20: {  	[sflag:s8] =	ssyncset.s32 @!p0 $0xFFFFF086;
	s6 =	sadd.s32 @!p0 s3, s7;
	s7 =	simm.s32 @!p0 $0x108  }
0x21: {  	s3 =	sadd.s32 s3, s9;
	s6 =	sadd.s32 @!p0 $0x88, s6;
	s7 =	simm.s32 @p2 $0x1082  }
0x22: {  	[simem:s7], [sflag:s8] =	dma.local @!p0 [hbm:s6], $0xF7A  }
0x23: {  	s9 =	sor.u32 $0xD0000000, s2;
	s6 =	simm.s32 $0x108;
	_ =	swait.ge @!p0 [sflag:s8], $0x0  }
0x24: {  	s3 =	sadd.s32 $0x88, s3;
	s6 =	simm.s32 @!p1 $0x1082;
	[sflag:s4] =	ssyncset.s32 $0xFFFFF086  }
0x25: {  	[simem:s6], [sflag:s4] =	dma.local [hbm:s3], $0xF7A  }
0x26: {  	[smem:$0x3F9F] =	sst s1;
	(tag) =	ssettag s2;
	_ =	strace s9  }
0x27: {  	s1 =	sld [smem:$0x3FAF]  }
0x28: {  	s2 =	sld [smem:$0x3FB0]  }
0x29: {  	s4 =	sld [smem:$0x3FB2]  }
0x2a: {  	p0 =	seq.s32 s5, $0x0;
	s5 =	sld [smem:$0x3FB3]  }
0x2b: {  	s6 =	sld [smem:$0x3FB4]  }
0x2c: {  	s7 =	sld [smem:$0x3FB5]  }
0x2d: {  	s3 =	simm.s32 $0x108;
	s8 =	sld [smem:$0x3FB6]  }
0x2e: {  	s3 =	simm.s32 @!p0 $0x1082;
	s9 =	sld [smem:$0x3FB7]  }
0x2f: {  	lr =	sadd.s32 s0, s3;
	s0 =	sld [smem:$0x3FAE]  }
0x30: {  	s3 =	sld [smem:$0x3FB1]  }
0x31: {  	[smem:$0x3FBA] =	sst s10  }
0x32: {  	s10 =	sld [smem:$0x3FB8];
	_ =	sdelay $0x3  }
0x33: {  	p0 =	seq.s32 s10, $0x1;
	s10 =	sld [smem:$0x3FBA];
	_ =	sdelay $0x3  }
0x34: {  	[smem:$0x3FBA] =	sst s10  }
0x35: {  	s10 =	sld [smem:$0x3FB9];
	_ =	sdelay $0x3  }
0x36: {  	p1 =	seq.s32 s10, $0x1;
	s10 =	sld [smem:$0x3FBA];
	_ =	sdelay $0x3  }
0x37: {  	[smem:$0x3FBA] =	sst s10  }
0x38: {  	s10 =	sld [smem:$0x3FBB]  }
0x39: {  	_ = 	snop;
	(pc) =	sbr.ind lr, $3  }
0x3a: {  	_ = 	snop  }
0x3b: {  	_ = 	snop  }
0x3c: {  	p2 =	seq.s32 s10, $0x1;
	s10 =	sld [smem:$0x3FBA]  }
0x3d: {  	_ =	shalt  }
0x3e: {  	_ =	shalt  }
0x3f: {  	_ =	shalt  }
0x40: {  	_ =	shalt  }
0x41: {  	_ =	shalt  }
0x42: {  	_ =	shalt  }
0x43: {  	_ =	shalt  }
0x44: {  	_ =	shalt  }
0x45: {  	_ =	shalt  }
0x46: {  	_ =	shalt  }
0x47: {  	_ =	shalt  }
0x48: {  	_ =	shalt  }
0x49: {  	_ =	shalt  }
0x4a: {  	_ =	shalt  }
0x4b: {  	_ =	shalt  }
0x4c: {  	_ =	shalt  }
0x4d: {  	_ =	shalt  }
0x4e: {  	_ =	shalt  }
0x4f: {  	_ =	shalt  }
0x50: {  	_ =	shalt  }
0x51: {  	_ =	shalt  }
0x52: {  	_ =	shalt  }
0x53: {  	_ =	shalt  }
0x54: {  	_ =	shalt  }
0x55: {  	_ =	shalt  }
0x56: {  	_ =	shalt  }
0x57: {  	_ =	shalt  }
0x58: {  	_ =	shalt  }
0x59: {  	_ =	shalt  }
0x5a: {  	_ =	shalt  }
0x5b: {  	_ =	shalt  }
0x5c: {  	_ =	shalt  }
0x5d: {  	_ =	shalt  }
0x5e: {  	_ =	shalt  }
0x5f: {  	_ =	shalt  }
0x60: {  	_ =	shalt  }
0x61: {  	_ =	shalt  }
0x62: {  	_ =	shalt  }
0x63: {  	_ =	shalt  }
0x64: {  	_ =	shalt  }
0x65: {  	_ =	shalt  }
0x66: {  	_ =	shalt  }
0x67: {  	_ =	shalt  }
0x68: {  	_ =	shalt  }
0x69: {  	_ =	shalt  }
0x6a: {  	_ =	shalt  }
0x6b: {  	_ =	shalt  }
0x6c: {  	_ =	shalt  }
0x6d: {  	_ =	shalt  }
0x6e: {  	_ =	shalt  }
0x6f: {  	_ =	shalt  }
0x70: {  	_ =	shalt  }
0x71: {  	_ =	shalt  }
0x72: {  	_ =	shalt  }
0x73: {  	_ =	shalt  }
0x74: {  	_ =	shalt  }
0x75: {  	_ =	shalt  }
0x76: {  	_ =	shalt  }
0x77: {  	_ =	shalt  }
0x78: {  	_ =	shalt  }
0x79: {  	_ =	shalt  }
0x7a: {  	_ =	shalt  }
0x7b: {  	_ =	shalt  }
0x7c: {  	_ =	shalt  }
0x7d: {  	_ =	shalt  }
0x7e: {  	_ =	shalt  }
0x7f: {  	_ =	shalt  }
0x80: {  	_ =	shalt  }
0x81: {  	_ =	shalt  }
0x82: {  	_ =	shalt  }
0x83: {  	_ =	shalt  }
0x84: {  	_ =	shalt  }
0x85: {  	_ =	shalt  }
0x86: {  	_ =	shalt  }
0x87: {  	_ =	shalt  }
.Lfunc_end0:
.L_simem_size_0:
called_computation_lowered:
.L_overlay_start_0:
0x88: {  	s2 =	sld [smem:$0x3FD9]  }
0x89: {  	s3 =	sld [smem:$0x3FFE];
	_ =	sdelay $0x1  }
0x8a: {  	s1 =	srdreg.scid  }
0x8b: {  	s0 =	sand.u32 $0x1, s1  }
0x8c: {  	s18 =	sshll.u32 s0, $0xA;
	s2 =	sadd.s32 s3, s2  }
0x8d: {  	s2 =	sadd.s32 s2, s18  }
0x8e: {  	[smem:$0x3FC6] =	sst s2  }
0x8f: {  	_ = 	snop  }
0x90: {  	s2 =	sld [smem:$0x3FC9]  }
0x91: {  	s19 =	sld [smem:$0x3FC8]  }
0x92: {  	s4 =	sld [smem:$0x3FD0];
	(tm) =	ssettm $0x1  }
0x93: {  	s5 =	sld [smem:$0x3FFB];
	_ =	sdelay $0x3  }
0x94: {  	_ =	strace s5  }
0x95: {  	s5 =	sld [smem:$0x3FFC];
	_ =	sdelay $0x3  }
0x96: {  	_ =	strace s5  }
0x97: {  	s5 =	sld [smem:$0x3FFD];
	_ =	sdelay $0x3  }
0x98: {  	_ =	strace s5  }
0x99: {  	_ =	strace $0x8FFFFFFF  }
0x9a: {  	s20 =	sld [smem:$0x3FDB];
	_ =	sdelay $0x1  }
0x9b: {  	s6 =	simm.s32 $_scs_section_size  }
0x9c: {  	s7 =	simm.s32 $_size__tile_overlayer_lowered;
	s8 =	simm.s32 $_tile_overlayer_lowered  }
0x9d: {  	s23 =	simm.s32 $0x1BFF;
	s22 =	sshll.u32 s8, $0x1;
	s5 =	sadd.s32 s6, s20  }
0x9e: {  	s9 =	simm.s32 $0x0;
	s21 =	sshll.u32 s7, $0x1;
	s7 =	sadd.s32 s22, s5  }
0x9f: {  	[timem:s9], [sflag:s23] =	dma.local [hbm:s7], s21  }
0xa0: {  	_ =	swait.ge [sflag:s23], s21  }
0xa1: {  	s6 =	ssub.s32 $0x0, s21;
	[sflag:s23] =	ssyncset.done $0x0  }
0xa2: {  	[sflag:s23] =	ssyncadd.s32 s6;
	_ =	sdelay $0x1  }
0xa3: {  	s24 =	simm.s32 $0x1B8B  }
0xa4: {  	_ =	swait.ge [sflag:s24], $0x1  }
0xa5: {  	[sflag:s24] =	ssyncset.done $0x0  }
0xa6: {  	s25 =	simm.s32 $0x1B8E;
	[sflag:s24] =	ssyncadd.s32 $0xFFFFFFFF  }
0xa7: {  	s26 =	simm.s32 $execute0_lowered;
	[smem:$0x3FD2] =	sst s25  }
0xa8: {  	s6 =	sshll.u32 s26, $0x1;
	_ =	strace $0x80000046;
	[dreg:$0x1] =	wrdreg $0xFFFFFFFF  }
0xa9: {  	s28 =	simm.s32 $_size_execute0_lowered;
	s5 =	sadd.s32 s5, s6;
	[dreg:$0x0] =	wrdreg $0x0  }
0xaa: {  	s6 =	sshll.u32 s28, $0x1;
	[dreg:$0x2] =	wrdreg s5  }
0xab: {  	[dreg:$0x3] =	wrdreg s6  }
0xac: {  	[dreg:$0x4] =	wrdreg $0xC0  }
0xad: {  	_ =	task [dreg:s9], $0x5FFFF  }
0xae: {  	[dreg:$0x1] =	wrdreg $0xFFFFFFFF  }
0xaf: {  	[dreg:$0x0] =	wrdreg $0x60  }
0xb0: {  	[dreg:$0x2] =	wrdreg s19  }
0xb1: {  	[dreg:$0x3] =	wrdreg s2  }
0xb2: {  	[dreg:$0x4] =	wrdreg s4  }
0xb3: {  	[dreg:$0x5] =	wrdreg $0x14E000  }
0xb4: {  	[dreg:$0x6] =	wrdreg $0x9  }
0xb5: {  	_ =	task.clear_ibuf [dreg:s9], $0x7FFFF;
	_ =	strace $0x90000046  }
0xb6: {  	s29 =	simm.s32 $0x9;
	_ =	strace $0x80000048  }
0xb7: {  	_ =	swait.ge [sflag:s29], $0x1  }
0xb8: {  	[sflag:s29] =	ssyncadd.s32 $0xFFFFFFFF  }
0xb9: {  	_ =	strace $0x90000048  }
0xba: {  	_ =	sfence  }
0xbb: {  	s30 =	sld [smem:$0x0];
	_ =	sdelay $0x2  }
0xbc: {  	s31 =	sshll.u32 s1, $0xD;
	s1 =	sshrl.u32 s1, $0x2  }
0xbd: {  	s3 =	sand.u32 $0x4000, s31;
	s1 =	sadd.s32 s1, s30  }
0xbe: {  	s0 =	sor.u32 s3, s0;
	s1 =	sshll.u32 s1, $0x11  }
0xbf: {  	s0 =	sor.u32 s1, s0  }
0xc0: {  	s0 =	sadd.s32 $0x8F2B, s0  }
0xc1: {  	[sflag:s0] =	ssyncadd.remote.s32 $0x1  }
0xc2: {  	_ =	sfence.sel $0xFFFF  }
0xc3: {  	[dreg:$0x0] =	wrdreg $0xFFFFFFFF;
	(pc) =	sbr.abs _section_cstart, $3  }
0xc4: {  	[dreg:$0x1] =	wrdreg $0xFFFFFFFF  }
0xc5: {  	_ =	task.clear_ibuf [dreg:s9], $0x2FFFF;
	_ =	strace $0x9FFFFFFF  }
0xc6: {  	(tm) =	ssettm $0x7FFFFFFF  }
0xc7: {  	_ =	shalt  }
tec
execute0_lowered:
.L_overlay_start_1:
0x0: {  	(tag) =	ssettag $0x1  }
0x1: {  	s1 =	rddreg [dreg:$0x0];
	v1 =	vimm.s32 $0x0;
	v2 =	vimm.s32 $0x2380  }
0x2: {  	s2 =	rddreg [dreg:$0x1];
	vm0 =	vcmask $0x300;
	v3 =	vimm.s32 $0x6380;
	vm1 =	vcmask $0x704  }
0x3: {  	s0 =	stileid.u32;
	s5 =	rddreg [dreg:$0x2];
	vm15 =	vcmask $0xB08;
	v2 =	vsel vm0, $0x0, v2;
	v3 =	vsel vm0, $0x4000, v3  }
0x4: {  	s3 =	rddreg [dreg:$0x3];
	s6 =	srdreg.scid;
	s4 =	simm.s32 $0x0;
	vm4 =	vcmask $0xF0C;
	v2 =	vsel vm1, $0x80, v2;
	v3 =	vsel vm1, $0x4080, v3  }
0x5: {  	vm5 =	vcmask $0x1310;
	s13 =	simm.s32 $0x2000;
	s14 =	simm.s32 $0xC3800;
	s15 =	simm.s32 $0x2A00;
	v2 =	vsel vm15, $0x100, v2;
	v3 =	vsel vm15, $0x4100, v3  }
0x6: {  	vm6 =	vcmask $0x1714;
	s16 =	simm.s32 $0xAA00;
	s17 =	simm.s32 $0x4;
	s18 =	simm.s32 $0x800;
	v2 =	vsel vm4, $0x180, v2;
	v3 =	vsel vm4, $0x4180, v3  }
0x7: {  	vm7 =	vcmask $0x1B18;
	s19 =	simm.s32 $0x1080;
	s20 =	simm.s32 $0x1;
	s21 =	simm.s32 $0x1900;
	v2 =	vsel vm5, $0x200, v2;
	v3 =	vsel vm5, $0x4200, v3  }
0x8: {  	vm8 =	vcmask $0x1F1C;
	s22 =	simm.s32 $0x2180;
	s23 =	simm.s32 $0x2;
	s28 =	simm.s32 $0x12E00;
	v2 =	vsel vm6, $0x280, v2;
	v3 =	vsel vm6, $0x4280, v3  }
0x9: {  	vm9 =	vcmask $0x2320;
	s6 =	sand.u32 $0x1, s6;
	[smem:$0x7FF] =	sst s4;
	s9 =	sshll.u32 s0, $0xA;
	v2 =	vsel vm7, $0x300, v2;
	v3 =	vsel vm7, $0x4300, v3  }
0xa: {  	vm10 =	vcmask $0x2724;
	s29 =	sshll.u32 s0, $0xC;
	s10 =	sshll.u32 s0, $0x7;
	s7 =	ssub.s32 $0x2, s6;
	v2 =	vsel vm8, $0x380, v2;
	v3 =	vsel vm8, $0x4380, v3  }
0xb: {  	vm11 =	vcmask $0x2B28;
	_ =	strace $0x80000047;
	s9 =	sadd.s32 s1, s9;
	s26 =	sshll.u32 s6, $0x8;
	v2 =	vsel vm9, $0x2000, v2;
	v3 =	vsel vm9, $0x6000, v3  }
0xc: {  	vm12 =	vcmask $0x2F2C;
	s6 =	sshll.u32 s6, $0xB;
	[dreg:$0x5] =	wrdreg s9;
	s9 =	sadd.s32 $0x4000, s9;
	v2 =	vsel vm10, $0x2080, v2;
	v3 =	vsel vm10, $0x6080, v3  }
0xd: {  	vm13 =	vcmask $0x3330;
	s30 =	sadd.s32 s5, s10;
	s2 =	sadd.s32 s2, s26;
	[dreg:$0x6] =	wrdreg s9;
	v2 =	vsel vm11, $0x2100, v2;
	v3 =	vsel vm11, $0x6100, v3  }
0xe: {  	vm14 =	vcmask $0x3734;
	s8 =	sshrl.u32 s7, $0x1;
	[dreg:$0x7] =	wrdreg s2;
	s2 =	sadd.s32 s29, s3;
	v2 =	vsel vm12, $0x2180, v2;
	v3 =	vsel vm12, $0x6180, v3  }
0xf: {  	v0 =	vmov s0;
	s7 =	ssub.s32 s7, s8;
	[dreg:$0x8] =	wrdreg s2;
	s2 =	sadd.s32 s6, s30;
	v2 =	vsel vm13, $0x2200, v2;
	v3 =	vsel vm13, $0x6200, v3  }
0x10: {  	vm15 =	vcmask $0x3B38;
	s8 =	sor.u32 $0x20, s0;
	s31 =	smax.u32 s7, $0x1;
	[dreg:$0x9] =	wrdreg s2;
	v4 =	vsel vm14, $0x2280, v2;
	v5 =	vsel vm14, $0x6280, v3  }
0x11: {  	s9 =	sadd.s32 $0x18400, s1;
	[dreg:$0xa] =	wrdreg s31;
	s2 =	simm.s32 $0x0;
	v2 =	vlaneseq.u32;
	v3 =	vsel vm15, $0x2300, v4;
	v4 =	vsel vm15, $0x6300, v5  }
.LBB2_1:
0x12: {  	s5 =	rddreg [dreg:$0x5]  }
0x13: {  	[tilespmem:s15], [sflag:$0x2] =	stream.strided.gather [hbm4b:s5+s13], $0x8000, s14, s13, $0x38;
	[tilespmem:$0x15E00] =	vst v63  }
0x14: {  	s30 =	rddreg [dreg:$0x6]  }
0x15: {  	[tilespmem:s16], [sflag:$0x3] =	stream.strided.gather [hbm4b:s30+s13], $0x8000, s14, s13, $0x38;
	[tilespmem:$0x15E00] =	vst v63  }
0x16: {  	s31 =	rddreg [dreg:$0x7]  }
0x17: {  	[tilespmem:s4], [sflag:$0x4] =	stream.linear.gather [hbm4b:s31+s4], $0x800, $0x38;
	[tilespmem:$0x15E00] =	vst v63  }
0x18: {  	_ =	swait.ge [sflag:s17], $0x800  }
0x19: {  	[sflag:s17] =	ssyncset.done $0x0  }
0x1a: {  	[sflag:s17] =	ssyncadd.s32 $0xFFFFF800  }
0x1b: {  	v5 =	vld [tilespmem:s4+$0x0];
	_ =	sdelay $0x4  }
0x1c: {  	v6 =	vshrl.u32 v5, $0xA  }
0x1d: {  	v6 =	vand.u32 $0xF, v6  }
0x1e: {  	vm0 =	veq.s32 v6, v0  }
0x1f: {  	v6 =	vsel vm0, $0x1, v1  }
0x20: {  	(xrf0) =	vadd.scan.msk.s32 $0xffff, v6;
	_ =	sdelay $0x1  }
0x21: {  	s10 =	simm.s32 $0x20  }
0x22: {  	s7 =	simm.s32 $0x0;
	s6 =	simm.s32 $0x0;
	s5 =	simm.s32 $0x10;
	v6 =	vmov s4  }
.LBB2_2:
0x23: {  	p0 =	sne.s32 s10, $0x7F0;
	v6 =	vadd.s32 $0xFFFFFFFF, v6  }
0x24: {  	v6 =	vbroadcast v6, $0x0  }
0x25: {  	v7, _, _ =	vpop (xrf0)  }
0x26: {  	v6 =	vadd.s32 v7, v6  }
0x27: {  	(v2sf) =	vpush v6, $0xF;
	_ =	sdelay $0x3  }
0x28: {  	[tilespmem:v6+s18+$0x0] =	vst.idx.msk vm0, v5;
	v5 =	vor.u32 s7, v2;
	s7 =	smov.u32 s5;
	s5 =	smov.u32 s10  }
0x29: {  	s6 =	sadd.s32 $0x10, s6;
	[tilespmem:v6+s19+$0x0] =	vst.idx.msk vm0, v5  }
0x2a: {  	v5 =	vld [tilespmem:s6+$0x0];
	_ =	sdelay $0x4  }
0x2b: {  	v6 =	vshrl.u32 v5, $0xA  }
0x2c: {  	v6 =	vand.u32 $0xF, v6  }
0x2d: {  	vm0 =	veq.s32 v6, v0  }
.Ltmp0:
0x2e: {  	v6 =	vsel vm0, $0x1, v1;
	(pc) =	sbr.rel @p0 .LBB2_2-.Ltmp0, $3  }
0x2f: {  	(xrf0) =	vadd.scan.msk.s32 $0xffff, v6;
	s11 =	spop (v2sf)  }
0x30: {  	s11 =	sadd.s32 $0x1, s11;
	_ =	sdelay $0x1  }
0x31: {  	s10 =	sadd.s32 $0x10, s10;
	v6 =	vmov s11  }
0x32: {  	v6 =	vadd.s32 $0xFFFFFFFF, v6  }
0x33: {  	v6 =	vbroadcast v6, $0x0  }
0x34: {  	v7, _, _ =	vpop (xrf0)  }
0x35: {  	v6 =	vadd.s32 v7, v6;
	_ =	sdelay $0x1  }
0x36: {  	(v2sf) =	vpush v6, $0xF;
	_ =	sdelay $0x2  }
0x37: {  	[tilespmem:v6+s18+$0x0] =	vst.idx.msk vm0, v5;
	v5 =	vor.u32 s7, v2  }
0x38: {  	s6 =	sadd.s32 $0x10, s6;
	[tilespmem:v6+s19+$0x0] =	vst.idx.msk vm0, v5  }
0x39: {  	v5 =	vld [tilespmem:s6+$0x0];
	_ =	sdelay $0x4  }
0x3a: {  	v6 =	vshrl.u32 v5, $0xA  }
0x3b: {  	v6 =	vand.u32 $0xF, v6  }
0x3c: {  	vm15 =	veq.s32 v6, v0  }
0x3d: {  	v6 =	vsel vm15, $0x1, v1  }
0x3e: {  	(xrf0) =	vadd.scan.msk.s32 $0xffff, v6  }
0x3f: {  	s12 =	spop (v2sf)  }
0x40: {  	s6 =	sadd.s32 $0x1, s12  }
0x41: {  	v6 =	vmov s6  }
0x42: {  	v6 =	vadd.s32 $0xFFFFFFFF, v6  }
0x43: {  	v6 =	vbroadcast v6, $0x0  }
0x44: {  	v7, _, _ =	vpop (xrf0)  }
0x45: {  	v6 =	vadd.s32 v7, v6  }
0x46: {  	(v2sf) =	vpush v6, $0xF;
	_ =	sdelay $0xe  }
0x47: {  	s24 =	spop (v2sf)  }
0x48: {  	s25 =	sadd.s32 $0x10, s24;
	s10 =	sand.u32 $0xF, s24  }
0x49: {  	p0 =	sne.s32 s10, $0x0;
	s26 =	sshra.s32 s25, $0x1F;
	p1 =	slt.s32 s25, $0x1  }
.Ltmp1:
0x4a: {  	s10 =	sshrl.u32 s26, $0x1C;
	p0 =	por !p1, !p0;
	(pc) =	sbr.rel .LBB2_4-.Ltmp1, $4  }
0x4b: {  	s7 =	sadd.s32 s10, s25;
	p0 =	por !p0, !p0;
	s10 =	simm.s32 $0x1  }
0x4c: {  	s7 =	sshra.s32 s7, $0x4;
	s10 =	simm.s32 @!p0 $0x0  }
0x4d: {  	[tilespmem:v6+s18+$0x0] =	vst.idx.msk vm15, v5;
	v5 =	vor.u32 s5, v2;
	s31 =	sadd.s32 $0x1, s24;
	s29 =	ssub.s32 s7, s10  }
0x4e: {  	s30 =	simm.s32 $0x0;
	[tilespmem:v6+s19+$0x0] =	vst.idx.msk vm15, v5;
	v5 =	vmov s31;
	p0 =	slt.s32 s29, $0x1  }
.LBB2_54:
0x4f: {  	s6 =	sshll.u32 s5, $0xA  }
0x50: {  	p2 =	por $0x0, $0x0;
	s6 =	sadd.s32 s1, s6  }
0x51: {  	[tilespmem:s15], [sflag:$0x2] =	stream.strided.gather [hbm4b:s6+s13], $0x8000, s14, s13, $0x38;
	[tilespmem:$0x15E00] =	vst v63  }
.LBB2_57:
0x52: {  	p3 =	sgt.u32 s5, $0x60  }
0x53: {  	p4 =	por !p1, p3  }
0x54: {  	p6 =	por p1, p1;
	s5 =	sshll.u32 @!p4 s5, $0xA  }
0x55: {  	s6 =	simm.s32 @!p4 $0x2000;
	s7 =	simm.s32 @!p4 $0xC3800;
	p5 =	por @!p4 $0x1, $0x1  }
0x56: {  	s10 =	simm.s32 @!p4 $0xAA00;
	s5 =	sadd.s32 @!p4 s1, s5;
	p6 =	por @!p4 p5, p5  }
0x57: {  	[tilespmem:s10], [sflag:$0x3] =	stream.strided.gather @!p4 [hbm4b:s5+s6], $0x8000, s7, s6, $0x38;
	[tilespmem:$0x15E00] =	vst v63  }
0x58: {  	p1 =	por @!p3 p6, p6  }
.LBB2_58:
0x59: {  	p1 =	por !p1, !p2  }
0x5a: {  	s5 =	simm.s32 @!p1 $0x0;
	s6 =	simm.s32 @!p1 $0xAA00  }
0x5b: {  	[tilespmem:s6], [sflag:$0x3] =	stream.linear.gather @!p1 [hbm4b:s9+s5], $0x1800, $0x38;
	[tilespmem:$0x15E00] =	vst v63  }
0x5c: {  	s7 =	simm.s32 @!p1 $0xCA00;
	s6 =	sadd.s32 @!p1 $0x18700, s9  }
0x5d: {  	[tilespmem:s7], [sflag:$0x3] =	stream.linear.gather @!p1 [hbm4b:s6+s5], $0x1800, $0x38;
	[tilespmem:$0x15E00] =	vst v63  }
0x5e: {  	s6 =	sadd.s32 @!p1 $0x30E00, s9;
	s7 =	simm.s32 @!p1 $0xEA00  }
0x5f: {  	[tilespmem:s7], [sflag:$0x3] =	stream.linear.gather @!p1 [hbm4b:s6+s5], $0x1800, $0x38;
	[tilespmem:$0x15E00] =	vst v63  }
0x60: {  	s6 =	sadd.s32 @!p1 $0x49500, s9;
	s7 =	simm.s32 @!p1 $0x10A00  }
0x61: {  	[tilespmem:s7], [sflag:$0x3] =	stream.linear.gather @!p1 [hbm4b:s6+s5], $0x1800, $0x38;
	[tilespmem:$0x15E00] =	vst v63  }
.LBB2_59:
0x62: {  	s30 =	sadd.s32 $0x1, s30  }
0x63: {  	p1 =	sne.s32 s30, $0x7  }
.Ltmp2:
0x64: {  	_ = 	snop;
	(pc) =	sbr.rel @!p1 .LBB2_60-.Ltmp2, $1  }
0x65: {  	_ =	sdelay $0x3  }
.LBB2_4:
0x66: {  	s31 =	sshll.u32 s30, $0x4  }
0x67: {  	s5 =	sor.u32 s0, s31  }
0x68: {  	p1 =	sgt.u32 s5, $0x61  }
.Ltmp3:
0x69: {  	_ = 	snop;
	(pc) =	sbr.rel @p1 .LBB2_52-.Ltmp3, $1  }
0x6a: {  	_ =	sdelay $0x3  }
.Ltmp4:
0x6b: {  	(pc) =	sbr.rel @p0 .LBB2_6-.Ltmp4, $1  }
0x6c: {  	_ =	sdelay $0x3  }
0x6d: {  	p3 =	sne.s32 s29, $0x1  }
.Ltmp5:
0x6e: {  	_ = 	snop;
	(pc) =	sbr.rel @!p3 .LBB2_8-.Ltmp5, $3  }
0x6f: {  	_ =	sdelay $0x1  }
0x70: {  	s10 =	simm.s32 $0x800;
	s6 =	simm.s32 $0x1080;
	s7 =	simm.s32 $0x0  }
0x71: {  	v6 =	vmov s5;
	s11 =	sadd.s32 $0xFFFFFFFF, s29;
	p1 =	por $0x0, $0x0;
	p2 =	por $0x0, $0x0  }
0x72: {  	v7 =	vld [tilespmem:s10+$0x0];
	_ =	sdelay $0x3  }
0x73: {  	p3 =	sne.s32 s11, $0x1  }
.Ltmp6:
0x74: {  	v8 =	vor.u32 s7, v2;
	v9 =	vshra.s32 v7, $0xA;
	(pc) =	sbr.rel @!p3 .LBB2_10-.Ltmp6, $4  }
0x75: {  	vm1 =	vlt.s32 v8, v5;
	vm0 =	veq.s32 v9, v6  }
0x76: {  	vm0 =	vmand vm1, vm0  }
0x77: {  	v8 =	vsel vm0, $0x1, v1  }
0x78: {  	s24 =	sadd.s32 $0xFFFFFFFF, s11;
	p1 =	por $0x1, $0x1;
	(xrf0) =	vadd.scan.msk.s32 $0xffff, v8;
	v8 =	vmov s7  }
0x79: {  	_ =	sdelay $0x2  }
0x7a: {  	v8 =	vadd.s32 $0xFFFFFFFF, v8  }
0x7b: {  	v8 =	vbroadcast v8, $0x0  }
0x7c: {  	v9, _, _ =	vpop (xrf0)  }
0x7d: {  	v8 =	vadd.s32 v9, v8  }
0x7e: {  	v9 =	vld [tilespmem:s6+$0x0]  }
0x7f: {  	(v2sf) =	vpush v8, $0xF;
	_ =	sdelay $0x2  }
0x80: {  	[tilespmem:v8+s21+$0x0] =	vst.idx.msk vm0, v7  }
0x81: {  	s11 =	simm.s32 $0x810;
	[tilespmem:v8+s22+$0x0] =	vst.idx.msk vm0, v9  }
0x82: {  	v7 =	vld [tilespmem:s11+$0x0];
	_ =	sdelay $0x3  }
0x83: {  	s12 =	simm.s32 $0x10  }
0x84: {  	v8 =	vor.u32 s12, v2;
	v9 =	vshra.s32 v7, $0xA  }
0x85: {  	vm1 =	vlt.s32 v8, v5;
	vm0 =	veq.s32 v9, v6  }
0x86: {  	p3 =	sne.s32 s24, $0x1;
	vm0 =	vmand vm1, vm0  }
.Ltmp7:
0x87: {  	v8 =	vsel vm0, $0x1, v1;
	(pc) =	sbr.rel @!p3 .LBB2_12-.Ltmp7, $4  }
0x88: {  	(xrf0) =	vadd.scan.msk.s32 $0xffff, v8  }
0x89: {  	s25 =	spop (v2sf)  }
0x8a: {  	s26 =	sadd.s32 $0x1, s25  }
0x8b: {  	p2 =	por $0x1, $0x1;
	s25 =	sadd.s32 $0xFFFFFFFF, s24;
	s24 =	simm.s32 $0x1080;
	v8 =	vmov s26  }
.LBB2_13:
0x8c: {  	p3 =	sne.s32 s25, $0x1;
	v8 =	vadd.s32 $0xFFFFFFFF, v8  }
0x8d: {  	v8 =	vbroadcast v8, $0x0  }
0x8e: {  	v9, _, _ =	vpop (xrf0)  }
0x8f: {  	s24 =	sadd.s32 $0x10, s24;
	v8 =	vadd.s32 v9, v8  }
0x90: {  	v9 =	vld [tilespmem:s24+$0x0];
	(v2sf) =	vpush v8, $0xF;
	_ =	sdelay $0x3  }
0x91: {  	[tilespmem:v8+s21+$0x0] =	vst.idx.msk vm0, v7  }
0x92: {  	s11 =	sadd.s32 $0x10, s11;
	[tilespmem:v8+s22+$0x0] =	vst.idx.msk vm0, v9  }
0x93: {  	v7 =	vld [tilespmem:s11+$0x0];
	_ =	sdelay $0x3  }
0x94: {  	s12 =	sadd.s32 $0x10, s12  }
0x95: {  	v8 =	vor.u32 s12, v2;
	v9 =	vshra.s32 v7, $0xA  }
0x96: {  	vm1 =	vlt.s32 v8, v5;
	vm0 =	veq.s32 v9, v6  }
0x97: {  	vm0 =	vmand vm1, vm0  }
.Ltmp8:
0x98: {  	v8 =	vsel vm0, $0x1, v1;
	(pc) =	sbr.rel @p3 .LBB2_13-.Ltmp8, $3  }
0x99: {  	(xrf0) =	vadd.scan.msk.s32 $0xffff, v8;
	s26 =	spop (v2sf)  }
0x9a: {  	s26 =	sadd.s32 $0x1, s26;
	_ =	sdelay $0x1  }
0x9b: {  	s25 =	sadd.s32 $0xFFFFFFFF, s25;
	v8 =	vmov s26  }
.LBB2_14:
0x9c: {  	v8 =	vadd.s32 @p1 $0xFFFFFFFF, v8  }
0x9d: {  	v8 =	vbroadcast @p1 v8, $0x0  }
0x9e: {  	s24 =	sadd.s32 @p2 $0x10, s24;
	s25 =	simm.s32 $0x1080;
	v9, _, _ =	vpop @p1 (xrf0)  }
0x9f: {  	s25 =	smov.u32 @p2 s24;
	v8 =	vadd.s32 @p1 v9, v8  }
0xa0: {  	v9 =	vld @p1 [tilespmem:s25+$0x0];
	(v2sf) =	vpush @p1 v8, $0xF;
	_ =	sdelay $0x3  }
0xa1: {  	s11 =	sadd.s32 @p1 $0x10, s11;
	[tilespmem:v8+s21+$0x0] =	vst.idx.msk @p1 vm0, v7  }
0xa2: {  	s10 =	smov.u32 @p1 s11;
	[tilespmem:v8+s22+$0x0] =	vst.idx.msk @p1 vm0, v9  }
0xa3: {  	v7 =	vld [tilespmem:s10+$0x0];
	_ =	sdelay $0x2  }
0xa4: {  	s11 =	simm.s32 $0x0;
	s10 =	sadd.s32 @p1 $0x10, s12  }
0xa5: {  	s11 =	smov.u32 @p1 s10  }
0xa6: {  	v60 =	vor.u32 s11, v2;
	v61 =	vshra.s32 v7, $0xA  }
0xa7: {  	vm1 =	vlt.s32 v60, v5;
	vm15 =	veq.s32 v61, v6  }
0xa8: {  	vm0 =	vmand vm1, vm15  }
0xa9: {  	v6 =	vsel vm0, $0x1, v1  }
0xaa: {  	(xrf0) =	vadd.scan.msk.s32 $0xffff, v6;
	s10 =	spop @p1 (v2sf)  }
0xab: {  	s10 =	sadd.s32 @p1 $0x1, s10  }
0xac: {  	s7 =	smov.u32 @p1 s10  }
0xad: {  	v6 =	vmov s7  }
0xae: {  	v6 =	vadd.s32 $0xFFFFFFFF, v6  }
0xaf: {  	v6 =	vbroadcast v6, $0x0  }
0xb0: {  	v62, _, _ =	vpop (xrf0)  }
0xb1: {  	v6 =	vadd.s32 v62, v6  }
0xb2: {  	(v2sf) =	vpush v6, $0xF;
	_ =	sdelay $0x8  }
0xb3: {  	s7 =	sadd.s32 @p1 $0x10, s25  }
0xb4: {  	s6 =	smov.u32 @p1 s7  }
0xb5: {  	v63 =	vld [tilespmem:s6+$0x0]  }
.Ltmp9:
0xb6: {  	_ = 	snop;
	(pc) =	sbr.rel .LBB2_15-.Ltmp9, $3  }
0xb7: {  	_ =	sdelay $0x1  }
0xb8: {  	[tilespmem:v6+s21+$0x0] =	vst.idx.msk vm0, v7;
	s26 =	spop (v2sf)  }
0xb9: {  	[tilespmem:v6+s22+$0x0] =	vst.idx.msk vm0, v63;
	s6 =	sadd.s32 $0x1, s26  }
.LBB2_6:
0xba: {  	s6 =	simm.s32 $0x0  }
.LBB2_15:
0xbb: {  	s7 =	sand.u32 $0x1, s30  }
0xbc: {  	p1 =	seq.s32 s7, $0x1  }
0xbd: {  	p2 =	seq.s32 @!p1 s5, $0x61  }
0xbe: {  	p2 =	por p1, p2  }
.Ltmp10:
0xbf: {  	_ = 	snop;
	(pc) =	sbr.rel @p2 .LBB2_17-.Ltmp10, $1  }
0xc0: {  	_ =	sdelay $0x3  }
0xc1: {  	_ =	swait.ge [sflag:s23], $0x8000  }
0xc2: {  	[sflag:s23] =	ssyncset.done $0x0  }
0xc3: {  	p2 =	por $0x0, $0x0;
	[sflag:s23] =	ssyncadd.s32 $0xFFFF8000  }
.LBB2_20:
0xc4: {  	p3 =	seq.s32 s5, $0x61  }
0xc5: {  	p4 =	por !p1, p3  }
0xc6: {  	p6 =	por p1, p1;
	p5 =	por @!p4 $0x1, $0x1  }
0xc7: {  	p6 =	por @!p4 p5, p5  }
0xc8: {  	p1 =	por @!p3 p6, p6  }
0xc9: {  	p2 =	por !p1, !p2  }
0xca: {  	p2 =	por !p2, !p2  }
.Ltmp11:
0xcb: {  	_ = 	snop;
	(pc) =	sbr.rel @!p2 .LBB2_22-.Ltmp11, $4  }
.Ltmp12:
0xcc: {  	s10 =	simm.s32 @!p4 $0x3;
	(pc) =	sbr.rel @p2 .LBB2_21-.Ltmp12, $4  }
0xcd: {  	_ =	swait.ge @!p4 [sflag:s10], $0x8000  }
0xce: {  	[sflag:s10] =	ssyncset.done @!p4 $0x0  }
0xcf: {  	[sflag:s10] =	ssyncadd.s32 @!p4 $0xFFFF8000;
	s10 =	simm.s32 $0x3  }
0xd0: {  	_ = 	snop  }
.LBB2_17:
0xd1: {  	p3 =	sne.s32 s7, $0x0  }
0xd2: {  	p2 =	seq.s32 @!p3 s5, $0x61  }
0xd3: {  	p2 =	por p3, !p2  }
.Ltmp13:
0xd4: {  	_ = 	snop;
	(pc) =	sbr.rel @p2 .LBB2_19-.Ltmp13, $1  }
0xd5: {  	_ =	sdelay $0x3  }
0xd6: {  	p1 =	por $0x0, $0x0;
	s10 =	simm.s32 $0x2  }
.LBB2_21:
0xd7: {  	_ =	swait.ge [sflag:s10], $0x6000  }
0xd8: {  	[sflag:s10] =	ssyncset.done $0x0  }
0xd9: {  	[sflag:s10] =	ssyncadd.s32 $0xFFFFA000  }
.LBB2_22:
0xda: {  	p2 =	sne.s32 s7, $0x0  }
0xdb: {  	p3 =	slt.s32 @!p2 s6, $0x1  }
0xdc: {  	p3 =	por p2, p3  }
.Ltmp14:
0xdd: {  	_ = 	snop;
	(pc) =	sbr.rel @p3 .LBB2_37-.Ltmp14, $3  }
0xde: {  	_ =	sdelay $0x1  }
0xdf: {  	s10 =	sshrl.u32 s6, $0x4  }
0xe0: {  	s7 =	sshll.u32 s5, $0xA;
	p2 =	seq.s32 s10, $0x0  }
.Ltmp15:
0xe1: {  	(pc) =	sbr.rel @p2 .LBB2_24-.Ltmp15, $2  }
0xe2: {  	_ =	sdelay $0x2  }
0xe3: {  	s5 =	simm.s32 $0x0  }
.Ltmp16:
0xe4: {  	(pc) =	sbr.rel .LBB2_26-.Ltmp16, $2  }
0xe5: {  	_ =	sdelay $0x2  }
0xe6: {  	s11 =	simm.s32 $0x1;
	p3 =	por $0x0, $0x0  }
.LBB2_29:
0xe7: {  	[sflag:s20] =	ssyncadd.s32 $0xFFFFFFE0  }
.LBB2_30:
0xe8: {  	s5 =	sadd.s32 $0x1, s5  }
0xe9: {  	p4 =	sne.s32 s5, s10  }
.Ltmp17:
0xea: {  	_ = 	snop;
	(pc) =	sbr.rel @!p4 .LBB2_31-.Ltmp17, $2  }
0xeb: {  	_ =	sdelay $0x2  }
0xec: {  	p3 =	por $0x1, $0x1;
	s11 =	simm.s32 $0x10  }
.LBB2_26:
0xed: {  	s12 =	sshll.u32 s5, $0x4  }
0xee: {  	v6 =	vld [tilespmem:s12+$0x2180]  }
0xef: {  	v7 =	vld [tilespmem:s12+$0x1900];
	_ =	sdelay $0x3  }
0xf0: {  	v8 =	vmov s7;
	v9 =	vshll.u32 v6, $0x7  }
0xf1: {  	v6 =	vsub.s32 v7, v8;
	v7 =	vshra.s32 v9, $0x2  }
0xf2: {  	v8 =	vbroadcast v6, $0x0;
	v7 =	vadd.s32 s3, v7  }
0xf3: {  	(v2sf) =	vpush v7, $0x0  }
0xf4: {  	v36 =	vshll.u32 v8, $0x3  }
0xf5: {  	v8 =	vand.u32 $0x7F, v8;
	v9 =	vand.u32 $0xFFFFFC00, v36  }
0xf6: {  	v8 =	vor.u32 v8, v9  }
0xf7: {  	v9 =	vadd.s32 v3, v8  }
0xf8: {  	v8 =	vadd.s32 v4, v8;
	_ =	sdelay $0x1  }
0xf9: {  	v10 =	vbroadcast v6, $0x1  }
0xfa: {  	(v2sf) =	vpush v7, $0x1  }
0xfb: {  	v11 =	vshll.u32 v10, $0x3;
	v9 =	vld.idx.msk [tilespmem:v9+s15+$0x0], $0xffff  }
0xfc: {  	v10 =	vand.u32 $0x7F, v10;
	v11 =	vand.u32 $0xFFFFFC00, v11;
	v8 =	vld.idx.msk [tilespmem:v8+s15+$0x0], $0xffff  }
0xfd: {  	v10 =	vor.u32 v10, v11  }
0xfe: {  	s24 =	sshll.u32 s5, $0x9;
	v11 =	vadd.s32 v3, v10  }
0xff: {  	s12 =	sand.u32 $0x200, s24;
	v10 =	vadd.s32 v4, v10  }
0x100: {  	[tilespmem:s12+$0x12A00] =	vst v9  }
0x101: {  	s24 =	sadd.s32 $0x12A00, s12;
	v37 =	vbroadcast v6, $0x2;
	[tilespmem:s12+$0x12A10] =	vst v8;
	s25 =	spop (v2sf)  }
0x102: {  	(v2sf) =	vpush v7, $0x2;
	[spmem:s25] =	stream.linear.scatter [tilespmem:s24], [sflag:$0x1], $0x20, $0x38;
	[tilespmem:$0x15E00] =	vst v63  }
0x103: {  	v38 =	vshll.u32 v37, $0x3;
	v9 =	vld.idx.msk [tilespmem:v11+s15+$0x0], $0xffff  }
0x104: {  	v8 =	vand.u32 $0x7F, v37;
	v10 =	vld.idx.msk [tilespmem:v10+s15+$0x0], $0xffff;
	v11 =	vand.u32 $0xFFFFFC00, v38  }
0x105: {  	v8 =	vor.u32 v8, v11  }
0x106: {  	v11 =	vadd.s32 v3, v8  }
0x107: {  	v8 =	vadd.s32 v4, v8  }
0x108: {  	[tilespmem:s12+$0x12A20] =	vst v9  }
0x109: {  	v39 =	vbroadcast v6, $0x3;
	s25 =	sadd.s32 $0x12A20, s12;
	s26 =	spop (v2sf);
	[tilespmem:s12+$0x12A30] =	vst v10  }
0x10a: {  	(v2sf) =	vpush v7, $0x3;
	[spmem:s26] =	stream.linear.scatter [tilespmem:s25], [sflag:$0x1], $0x20, $0x38;
	[tilespmem:$0x15E00] =	vst v63  }
0x10b: {  	v40 =	vshll.u32 v39, $0x3;
	v10 =	vld.idx.msk [tilespmem:v11+s15+$0x0], $0xffff  }
0x10c: {  	v9 =	vand.u32 $0x7F, v39;
	v8 =	vld.idx.msk [tilespmem:v8+s15+$0x0], $0xffff;
	v11 =	vand.u32 $0xFFFFFC00, v40  }
0x10d: {  	v9 =	vor.u32 v9, v11  }
0x10e: {  	v11 =	vadd.s32 v3, v9  }
0x10f: {  	v9 =	vadd.s32 v4, v9  }
0x110: {  	[tilespmem:s12+$0x12A40] =	vst v10  }
0x111: {  	v41 =	vbroadcast v6, $0x4;
	s25 =	sadd.s32 $0x12A40, s12;
	[tilespmem:s12+$0x12A50] =	vst v8;
	s26 =	spop (v2sf)  }
0x112: {  	(v2sf) =	vpush v7, $0x4;
	[spmem:s26] =	stream.linear.scatter [tilespmem:s25], [sflag:$0x1], $0x20, $0x38;
	[tilespmem:$0x15E00] =	vst v63  }
0x113: {  	v42 =	vshll.u32 v41, $0x3;
	v10 =	vld.idx.msk [tilespmem:v11+s15+$0x0], $0xffff  }
0x114: {  	v8 =	vand.u32 $0x7F, v41;
	v9 =	vld.idx.msk [tilespmem:v9+s15+$0x0], $0xffff;
	v11 =	vand.u32 $0xFFFFFC00, v42  }
0x115: {  	v8 =	vor.u32 v8, v11  }
0x116: {  	v11 =	vadd.s32 v3, v8  }
0x117: {  	v8 =	vadd.s32 v4, v8  }
0x118: {  	[tilespmem:s12+$0x12A60] =	vst v10  }
0x119: {  	v43 =	vbroadcast v6, $0x5;
	s25 =	sadd.s32 $0x12A60, s12;
	s26 =	spop (v2sf);
	[tilespmem:s12+$0x12A70] =	vst v9  }
0x11a: {  	(v2sf) =	vpush v7, $0x5;
	[spmem:s26] =	stream.linear.scatter [tilespmem:s25], [sflag:$0x1], $0x20, $0x38;
	[tilespmem:$0x15E00] =	vst v63  }
0x11b: {  	v44 =	vshll.u32 v43, $0x3;
	v10 =	vld.idx.msk [tilespmem:v11+s15+$0x0], $0xffff  }
0x11c: {  	v9 =	vand.u32 $0x7F, v43;
	v8 =	vld.idx.msk [tilespmem:v8+s15+$0x0], $0xffff;
	v11 =	vand.u32 $0xFFFFFC00, v44  }
0x11d: {  	v9 =	vor.u32 v9, v11  }
0x11e: {  	v11 =	vadd.s32 v3, v9  }
0x11f: {  	v9 =	vadd.s32 v4, v9  }
0x120: {  	[tilespmem:s12+$0x12A80] =	vst v10  }
0x121: {  	v45 =	vbroadcast v6, $0x6;
	s25 =	sadd.s32 $0x12A80, s12;
	[tilespmem:s12+$0x12A90] =	vst v8;
	s26 =	spop (v2sf)  }
0x122: {  	(v2sf) =	vpush v7, $0x6;
	[spmem:s26] =	stream.linear.scatter [tilespmem:s25], [sflag:$0x1], $0x20, $0x38;
	[tilespmem:$0x15E00] =	vst v63  }
0x123: {  	v46 =	vshll.u32 v45, $0x3;
	v10 =	vld.idx.msk [tilespmem:v11+s15+$0x0], $0xffff  }
0x124: {  	v8 =	vand.u32 $0x7F, v45;
	v9 =	vld.idx.msk [tilespmem:v9+s15+$0x0], $0xffff;
	v11 =	vand.u32 $0xFFFFFC00, v46  }
0x125: {  	v8 =	vor.u32 v8, v11  }
0x126: {  	v11 =	vadd.s32 v3, v8  }
0x127: {  	v8 =	vadd.s32 v4, v8  }
0x128: {  	[tilespmem:s12+$0x12AA0] =	vst v10  }
0x129: {  	v47 =	vbroadcast v6, $0x7;
	s25 =	sadd.s32 $0x12AA0, s12;
	s26 =	spop (v2sf);
	[tilespmem:s12+$0x12AB0] =	vst v9  }
0x12a: {  	(v2sf) =	vpush v7, $0x7;
	[spmem:s26] =	stream.linear.scatter [tilespmem:s25], [sflag:$0x1], $0x20, $0x38;
	[tilespmem:$0x15E00] =	vst v63  }
0x12b: {  	v48 =	vshll.u32 v47, $0x3;
	v10 =	vld.idx.msk [tilespmem:v11+s15+$0x0], $0xffff  }
0x12c: {  	v9 =	vand.u32 $0x7F, v47;
	v8 =	vld.idx.msk [tilespmem:v8+s15+$0x0], $0xffff;
	v11 =	vand.u32 $0xFFFFFC00, v48  }
0x12d: {  	v9 =	vor.u32 v9, v11  }
0x12e: {  	v11 =	vadd.s32 v3, v9  }
0x12f: {  	v9 =	vadd.s32 v4, v9  }
0x130: {  	[tilespmem:s12+$0x12AC0] =	vst v10  }
0x131: {  	v49 =	vbroadcast v6, $0x8;
	s25 =	sadd.s32 $0x12AC0, s12;
	[tilespmem:s12+$0x12AD0] =	vst v8;
	s26 =	spop (v2sf)  }
0x132: {  	(v2sf) =	vpush v7, $0x8;
	[spmem:s26] =	stream.linear.scatter [tilespmem:s25], [sflag:$0x1], $0x20, $0x38;
	[tilespmem:$0x15E00] =	vst v63  }
0x133: {  	v50 =	vshll.u32 v49, $0x3;
	v10 =	vld.idx.msk [tilespmem:v11+s15+$0x0], $0xffff  }
0x134: {  	v8 =	vand.u32 $0x7F, v49;
	v9 =	vld.idx.msk [tilespmem:v9+s15+$0x0], $0xffff;
	v11 =	vand.u32 $0xFFFFFC00, v50  }
0x135: {  	v8 =	vor.u32 v8, v11  }
0x136: {  	v11 =	vadd.s32 v3, v8  }
0x137: {  	v8 =	vadd.s32 v4, v8  }
0x138: {  	[tilespmem:s12+$0x12AE0] =	vst v10  }
0x139: {  	v51 =	vbroadcast v6, $0x9;
	s25 =	sadd.s32 $0x12AE0, s12;
	s26 =	spop (v2sf);
	[tilespmem:s12+$0x12AF0] =	vst v9  }
0x13a: {  	(v2sf) =	vpush v7, $0x9;
	[spmem:s26] =	stream.linear.scatter [tilespmem:s25], [sflag:$0x1], $0x20, $0x38;
	[tilespmem:$0x15E00] =	vst v63  }
0x13b: {  	v52 =	vshll.u32 v51, $0x3;
	v10 =	vld.idx.msk [tilespmem:v11+s15+$0x0], $0xffff  }
0x13c: {  	v9 =	vand.u32 $0x7F, v51;
	v8 =	vld.idx.msk [tilespmem:v8+s15+$0x0], $0xffff;
	v11 =	vand.u32 $0xFFFFFC00, v52  }
0x13d: {  	v9 =	vor.u32 v9, v11  }
0x13e: {  	v11 =	vadd.s32 v3, v9  }
0x13f: {  	v9 =	vadd.s32 v4, v9  }
0x140: {  	[tilespmem:s12+$0x12B00] =	vst v10  }
0x141: {  	v53 =	vbroadcast v6, $0xA;
	s25 =	sadd.s32 $0x12B00, s12;
	[tilespmem:s12+$0x12B10] =	vst v8;
	s26 =	spop (v2sf)  }
0x142: {  	(v2sf) =	vpush v7, $0xA;
	[spmem:s26] =	stream.linear.scatter [tilespmem:s25], [sflag:$0x1], $0x20, $0x38;
	[tilespmem:$0x15E00] =	vst v63  }
0x143: {  	v54 =	vshll.u32 v53, $0x3;
	v10 =	vld.idx.msk [tilespmem:v11+s15+$0x0], $0xffff  }
0x144: {  	v8 =	vand.u32 $0x7F, v53;
	v9 =	vld.idx.msk [tilespmem:v9+s15+$0x0], $0xffff;
	v11 =	vand.u32 $0xFFFFFC00, v54  }
0x145: {  	v8 =	vor.u32 v8, v11  }
0x146: {  	v11 =	vadd.s32 v3, v8  }
0x147: {  	v8 =	vadd.s32 v4, v8  }
0x148: {  	[tilespmem:s12+$0x12B20] =	vst v10  }
0x149: {  	v55 =	vbroadcast v6, $0xB;
	s25 =	sadd.s32 $0x12B20, s12;
	s26 =	spop (v2sf);
	[tilespmem:s12+$0x12B30] =	vst v9  }
0x14a: {  	(v2sf) =	vpush v7, $0xB;
	[spmem:s26] =	stream.linear.scatter [tilespmem:s25], [sflag:$0x1], $0x20, $0x38;
	[tilespmem:$0x15E00] =	vst v63  }
0x14b: {  	v56 =	vshll.u32 v55, $0x3;
	v10 =	vld.idx.msk [tilespmem:v11+s15+$0x0], $0xffff  }
0x14c: {  	v9 =	vand.u32 $0x7F, v55;
	v8 =	vld.idx.msk [tilespmem:v8+s15+$0x0], $0xffff;
	v11 =	vand.u32 $0xFFFFFC00, v56  }
0x14d: {  	v9 =	vor.u32 v9, v11  }
0x14e: {  	v11 =	vadd.s32 v3, v9  }
0x14f: {  	v9 =	vadd.s32 v4, v9  }
0x150: {  	[tilespmem:s12+$0x12B40] =	vst v10  }
0x151: {  	v57 =	vbroadcast v6, $0xC;
	s25 =	sadd.s32 $0x12B40, s12;
	[tilespmem:s12+$0x12B50] =	vst v8;
	s26 =	spop (v2sf)  }
0x152: {  	(v2sf) =	vpush v7, $0xC;
	[spmem:s26] =	stream.linear.scatter [tilespmem:s25], [sflag:$0x1], $0x20, $0x38;
	[tilespmem:$0x15E00] =	vst v63  }
0x153: {  	v58 =	vshll.u32 v57, $0x3;
	v10 =	vld.idx.msk [tilespmem:v11+s15+$0x0], $0xffff  }
0x154: {  	v8 =	vand.u32 $0x7F, v57;
	v9 =	vld.idx.msk [tilespmem:v9+s15+$0x0], $0xffff;
	v11 =	vand.u32 $0xFFFFFC00, v58  }
0x155: {  	v8 =	vor.u32 v8, v11  }
0x156: {  	v11 =	vadd.s32 v3, v8  }
0x157: {  	v8 =	vadd.s32 v4, v8  }
0x158: {  	[tilespmem:s12+$0x12B60] =	vst v10  }
0x159: {  	v59 =	vbroadcast v6, $0xD;
	s25 =	sadd.s32 $0x12B60, s12;
	s26 =	spop (v2sf);
	[tilespmem:s12+$0x12B70] =	vst v9  }
0x15a: {  	(v2sf) =	vpush v7, $0xD;
	[spmem:s26] =	stream.linear.scatter [tilespmem:s25], [sflag:$0x1], $0x20, $0x38;
	[tilespmem:$0x15E00] =	vst v63  }
0x15b: {  	v60 =	vshll.u32 v59, $0x3;
	v10 =	vld.idx.msk [tilespmem:v11+s15+$0x0], $0xffff  }
0x15c: {  	v9 =	vand.u32 $0x7F, v59;
	v8 =	vld.idx.msk [tilespmem:v8+s15+$0x0], $0xffff;
	v11 =	vand.u32 $0xFFFFFC00, v60  }
0x15d: {  	v9 =	vor.u32 v9, v11  }
0x15e: {  	v11 =	vadd.s32 v3, v9  }
0x15f: {  	v9 =	vadd.s32 v4, v9  }
0x160: {  	[tilespmem:s12+$0x12B80] =	vst v10  }
0x161: {  	v61 =	vbroadcast v6, $0xE;
	s25 =	sadd.s32 $0x12B80, s12;
	[tilespmem:s12+$0x12B90] =	vst v8;
	s26 =	spop (v2sf)  }
0x162: {  	(v2sf) =	vpush v7, $0xE;
	[spmem:s26] =	stream.linear.scatter [tilespmem:s25], [sflag:$0x1], $0x20, $0x38;
	[tilespmem:$0x15E00] =	vst v63  }
0x163: {  	v62 =	vshll.u32 v61, $0x3;
	v10 =	vld.idx.msk [tilespmem:v11+s15+$0x0], $0xffff  }
0x164: {  	v8 =	vand.u32 $0x7F, v61;
	v9 =	vld.idx.msk [tilespmem:v9+s15+$0x0], $0xffff;
	v11 =	vand.u32 $0xFFFFFC00, v62  }
0x165: {  	v8 =	vor.u32 v8, v11  }
0x166: {  	v11 =	vadd.s32 v3, v8  }
0x167: {  	v8 =	vadd.s32 v4, v8  }
0x168: {  	[tilespmem:s12+$0x12BA0] =	vst v10  }
0x169: {  	v6 =	vbroadcast v6, $0xF;
	s25 =	sadd.s32 $0x12BA0, s12;
	s26 =	spop (v2sf);
	[tilespmem:s12+$0x12BB0] =	vst v9  }
0x16a: {  	(v2sf) =	vpush v7, $0xF;
	[spmem:s26] =	stream.linear.scatter [tilespmem:s25], [sflag:$0x1], $0x20, $0x38;
	[tilespmem:$0x15E00] =	vst v63  }
0x16b: {  	v63 =	vshll.u32 v6, $0x3;
	v7 =	vld.idx.msk [tilespmem:v11+s15+$0x0], $0xffff  }
0x16c: {  	v6 =	vand.u32 $0x7F, v6;
	v9 =	vand.u32 $0xFFFFFC00, v63;
	v8 =	vld.idx.msk [tilespmem:v8+s15+$0x0], $0xffff  }
0x16d: {  	v6 =	vor.u32 v6, v9  }
0x16e: {  	v9 =	vadd.s32 v3, v6  }
0x16f: {  	v6 =	vadd.s32 v4, v6  }
0x170: {  	[tilespmem:s12+$0x12BC0] =	vst v7  }
0x171: {  	s26 =	sadd.s32 $0x12BC0, s12;
	[tilespmem:s12+$0x12BD0] =	vst v8;
	s25 =	spop (v2sf)  }
0x172: {  	[spmem:s25] =	stream.linear.scatter [tilespmem:s26], [sflag:$0x1], $0x20, $0x38;
	[tilespmem:$0x15E00] =	vst v63  }
0x173: {  	v7 =	vld.idx.msk [tilespmem:v9+s15+$0x0], $0xffff  }
0x174: {  	v6 =	vld.idx.msk [tilespmem:v6+s15+$0x0], $0xffff;
	_ =	sdelay $0x1  }
.Ltmp18:
0x175: {  	_ = 	snop;
	(pc) =	sbr.rel @!p3 .LBB2_30-.Ltmp18, $4  }
0x176: {  	_ = 	snop  }
0x177: {  	[tilespmem:s12+$0x12BE0] =	vst v7  }
0x178: {  	s25 =	sadd.s32 $0x12BE0, s12;
	s26 =	spop (v2sf);
	[tilespmem:s12+$0x12BF0] =	vst v6  }
0x179: {  	[spmem:s26] =	stream.linear.scatter [tilespmem:s25], [sflag:$0x1], $0x20, $0x38;
	[tilespmem:$0x15E00] =	vst v63  }
0x17a: {  	p3 =	sne.s32 s11, $0x1  }
.Ltmp19:
0x17b: {  	_ = 	snop;
	(pc) =	sbr.rel @!p3 .LBB2_29-.Ltmp19, $3  }
0x17c: {  	_ =	sdelay $0x1  }
0x17d: {  	_ =	swait.ge [sflag:s20], $0x20  }
0x17e: {  	s11 =	sadd.s32 $0xFFFFFFFF, s11;
	[sflag:s20] =	ssyncset.done $0x0  }
.LBB2_28:
0x17f: {  	p3 =	sne.s32 s11, $0x1;
	s11 =	sadd.s32 $0xFFFFFFFF, s11;
	[sflag:s20] =	ssyncadd.s32 $0xFFFFFFE0  }
.Ltmp20:
0x180: {  	(pc) =	sbr.rel @p3 .LBB2_28-.Ltmp20, $3  }
0x181: {  	_ =	sdelay $0x1  }
0x182: {  	_ =	swait.ge [sflag:s20], $0x20  }
0x183: {  	[sflag:s20] =	ssyncset.done $0x0  }
.Ltmp21:
0x184: {  	_ = 	snop;
	(pc) =	sbr.rel .LBB2_29-.Ltmp21, $1  }
0x185: {  	_ =	sdelay $0x3  }
.LBB2_24:
0x186: {  	s11 =	simm.s32 $0x0  }
.LBB2_31:
0x187: {  	s12 =	sand.u32 $0xF, s6  }
0x188: {  	p3 =	seq.s32 s12, $0x0  }
.Ltmp22:
0x189: {  	_ = 	snop;
	(pc) =	sbr.rel @p3 .LBB2_33-.Ltmp22, $1  }
0x18a: {  	_ =	sdelay $0x3  }
0x18b: {  	s24 =	sand.u32 $0x7FFFFFF0, s6  }
0x18c: {  	v6 =	vld [tilespmem:s24+$0x1900];
	_ =	sdelay $0x3  }
0x18d: {  	p3 =	sge.s32 s24, s6  }
0x18e: {  	(v2sf) =	vpush @!p3 v6, $0x0;
	_ =	sdelay $0x8  }
0x18f: {  	v7 =	vld [tilespmem:s24+$0x2180];
	_ =	sdelay $0x4  }
0x190: {  	(v2sf) =	vpush @!p3 v7, $0x0  }
0x191: {  	s25 =	spop @!p3 (v2sf)  }
0x192: {  	s25 =	ssub.s32 @!p3 s25, s7  }
0x193: {  	v8 =	vmov @!p3 s25  }
0x194: {  	v9 =	vshll.u32 @!p3 v8, $0x3  }
0x195: {  	v8 =	vand.u32 @!p3 $0x7F, v8;
	v9 =	vand.u32 @!p3 $0xFFFFFC00, v9  }
0x196: {  	v8 =	vor.u32 @!p3 v8, v9  }
0x197: {  	v9 =	vadd.s32 @!p3 v3, v8  }
0x198: {  	v8 =	vadd.s32 @!p3 v4, v8;
	_ =	sdelay $0x3  }
0x199: {  	v9 =	vld.idx.msk @!p3 [tilespmem:v9+s15+$0x0], $0xffff  }
0x19a: {  	v8 =	vld.idx.msk @!p3 [tilespmem:v8+s15+$0x0], $0xffff;
	_ =	sdelay $0x1  }
0x19b: {  	s5 =	sshll.u32 s10, $0x9;
	s25 =	spop @!p3 (v2sf)  }
0x19c: {  	s5 =	sand.u32 $0x200, s5;
	s25 =	sshll.u32 @!p3 s25, $0x7  }
0x19d: {  	s25 =	sshra.s32 @!p3 s25, $0x2;
	[tilespmem:s5+$0x12A00] =	vst @!p3 v9  }
0x19e: {  	s26 =	sadd.s32 @!p3 $0x12A00, s5;
	s25 =	sadd.s32 @!p3 s25, s3;
	[tilespmem:s5+$0x12A10] =	vst @!p3 v8  }
0x19f: {  	[spmem:s25] =	stream.linear.scatter @!p3 [tilespmem:s26], [sflag:$0x1], $0x20, $0x38;
	[tilespmem:$0x15E00] =	vst v63  }
0x1a0: {  	s26 =	sor.u32 $0x1, s24  }
0x1a1: {  	p3 =	sge.s32 s26, s6  }
0x1a2: {  	(v2sf) =	vpush @!p3 v6, $0x1;
	_ =	sdelay $0xd  }
0x1a3: {  	(v2sf) =	vpush @!p3 v7, $0x1  }
0x1a4: {  	s25 =	spop @!p3 (v2sf)  }
0x1a5: {  	s25 =	ssub.s32 @!p3 s25, s7  }
0x1a6: {  	v8 =	vmov @!p3 s25  }
0x1a7: {  	v9 =	vshll.u32 @!p3 v8, $0x3  }
0x1a8: {  	v8 =	vand.u32 @!p3 $0x7F, v8;
	v9 =	vand.u32 @!p3 $0xFFFFFC00, v9  }
0x1a9: {  	v8 =	vor.u32 @!p3 v8, v9  }
0x1aa: {  	v9 =	vadd.s32 @!p3 v3, v8  }
0x1ab: {  	v8 =	vadd.s32 @!p3 v4, v8;
	_ =	sdelay $0x3  }
0x1ac: {  	v9 =	vld.idx.msk @!p3 [tilespmem:v9+s15+$0x0], $0xffff  }
0x1ad: {  	v8 =	vld.idx.msk @!p3 [tilespmem:v8+s15+$0x0], $0xffff;
	_ =	sdelay $0x1  }
0x1ae: {  	s25 =	spop @!p3 (v2sf)  }
0x1af: {  	s25 =	sshll.u32 @!p3 s25, $0x7  }
0x1b0: {  	s25 =	sshra.s32 @!p3 s25, $0x2;
	[tilespmem:s5+$0x12A20] =	vst @!p3 v9  }
0x1b1: {  	s26 =	sadd.s32 @!p3 $0x12A20, s5;
	s25 =	sadd.s32 @!p3 s25, s3;
	[tilespmem:s5+$0x12A30] =	vst @!p3 v8  }
0x1b2: {  	[spmem:s25] =	stream.linear.scatter @!p3 [tilespmem:s26], [sflag:$0x1], $0x20, $0x38;
	[tilespmem:$0x15E00] =	vst v63  }
0x1b3: {  	s26 =	sor.u32 $0x2, s24  }
0x1b4: {  	p3 =	sge.s32 s26, s6  }
0x1b5: {  	(v2sf) =	vpush @!p3 v6, $0x2;
	_ =	sdelay $0xd  }
0x1b6: {  	(v2sf) =	vpush @!p3 v7, $0x2  }
0x1b7: {  	s25 =	spop @!p3 (v2sf)  }
0x1b8: {  	s25 =	ssub.s32 @!p3 s25, s7  }
0x1b9: {  	v8 =	vmov @!p3 s25  }
0x1ba: {  	v9 =	vshll.u32 @!p3 v8, $0x3  }
0x1bb: {  	v8 =	vand.u32 @!p3 $0x7F, v8;
	v9 =	vand.u32 @!p3 $0xFFFFFC00, v9  }
0x1bc: {  	v8 =	vor.u32 @!p3 v8, v9  }
0x1bd: {  	v9 =	vadd.s32 @!p3 v3, v8  }
0x1be: {  	v8 =	vadd.s32 @!p3 v4, v8;
	_ =	sdelay $0x3  }
0x1bf: {  	v9 =	vld.idx.msk @!p3 [tilespmem:v9+s15+$0x0], $0xffff  }
0x1c0: {  	v8 =	vld.idx.msk @!p3 [tilespmem:v8+s15+$0x0], $0xffff;
	_ =	sdelay $0x1  }
0x1c1: {  	s25 =	spop @!p3 (v2sf)  }
0x1c2: {  	s25 =	sshll.u32 @!p3 s25, $0x7  }
0x1c3: {  	s25 =	sshra.s32 @!p3 s25, $0x2;
	[tilespmem:s5+$0x12A40] =	vst @!p3 v9  }
0x1c4: {  	s26 =	sadd.s32 @!p3 $0x12A40, s5;
	s25 =	sadd.s32 @!p3 s25, s3;
	[tilespmem:s5+$0x12A50] =	vst @!p3 v8  }
0x1c5: {  	[spmem:s25] =	stream.linear.scatter @!p3 [tilespmem:s26], [sflag:$0x1], $0x20, $0x38;
	[tilespmem:$0x15E00] =	vst v63  }
0x1c6: {  	s26 =	sor.u32 $0x3, s24  }
0x1c7: {  	p3 =	sge.s32 s26, s6  }
0x1c8: {  	(v2sf) =	vpush @!p3 v6, $0x3;
	_ =	sdelay $0xd  }
0x1c9: {  	(v2sf) =	vpush @!p3 v7, $0x3  }
0x1ca: {  	s25 =	spop @!p3 (v2sf)  }
0x1cb: {  	s25 =	ssub.s32 @!p3 s25, s7  }
0x1cc: {  	v8 =	vmov @!p3 s25  }
0x1cd: {  	v9 =	vshll.u32 @!p3 v8, $0x3  }
0x1ce: {  	v8 =	vand.u32 @!p3 $0x7F, v8;
	v9 =	vand.u32 @!p3 $0xFFFFFC00, v9  }
0x1cf: {  	v8 =	vor.u32 @!p3 v8, v9  }
0x1d0: {  	v9 =	vadd.s32 @!p3 v3, v8  }
0x1d1: {  	v8 =	vadd.s32 @!p3 v4, v8;
	_ =	sdelay $0x3  }
0x1d2: {  	v9 =	vld.idx.msk @!p3 [tilespmem:v9+s15+$0x0], $0xffff  }
0x1d3: {  	v8 =	vld.idx.msk @!p3 [tilespmem:v8+s15+$0x0], $0xffff;
	_ =	sdelay $0x1  }
0x1d4: {  	s25 =	spop @!p3 (v2sf)  }
0x1d5: {  	s25 =	sshll.u32 @!p3 s25, $0x7  }
0x1d6: {  	s25 =	sshra.s32 @!p3 s25, $0x2;
	[tilespmem:s5+$0x12A60] =	vst @!p3 v9  }
0x1d7: {  	s26 =	sadd.s32 @!p3 $0x12A60, s5;
	s25 =	sadd.s32 @!p3 s25, s3;
	[tilespmem:s5+$0x12A70] =	vst @!p3 v8  }
0x1d8: {  	[spmem:s25] =	stream.linear.scatter @!p3 [tilespmem:s26], [sflag:$0x1], $0x20, $0x38;
	[tilespmem:$0x15E00] =	vst v63  }
0x1d9: {  	s26 =	sor.u32 $0x4, s24  }
0x1da: {  	p3 =	sge.s32 s26, s6  }
0x1db: {  	(v2sf) =	vpush @!p3 v6, $0x4;
	_ =	sdelay $0xd  }
0x1dc: {  	(v2sf) =	vpush @!p3 v7, $0x4  }
0x1dd: {  	s25 =	spop @!p3 (v2sf)  }
0x1de: {  	s25 =	ssub.s32 @!p3 s25, s7  }
0x1df: {  	v8 =	vmov @!p3 s25  }
0x1e0: {  	v9 =	vshll.u32 @!p3 v8, $0x3  }
0x1e1: {  	v8 =	vand.u32 @!p3 $0x7F, v8;
	v9 =	vand.u32 @!p3 $0xFFFFFC00, v9  }
0x1e2: {  	v8 =	vor.u32 @!p3 v8, v9  }
0x1e3: {  	v9 =	vadd.s32 @!p3 v3, v8  }
0x1e4: {  	v8 =	vadd.s32 @!p3 v4, v8;
	_ =	sdelay $0x3  }
0x1e5: {  	v9 =	vld.idx.msk @!p3 [tilespmem:v9+s15+$0x0], $0xffff  }
0x1e6: {  	v8 =	vld.idx.msk @!p3 [tilespmem:v8+s15+$0x0], $0xffff;
	_ =	sdelay $0x1  }
0x1e7: {  	s25 =	spop @!p3 (v2sf)  }
0x1e8: {  	s25 =	sshll.u32 @!p3 s25, $0x7  }
0x1e9: {  	s25 =	sshra.s32 @!p3 s25, $0x2;
	[tilespmem:s5+$0x12A80] =	vst @!p3 v9  }
0x1ea: {  	s26 =	sadd.s32 @!p3 $0x12A80, s5;
	s25 =	sadd.s32 @!p3 s25, s3;
	[tilespmem:s5+$0x12A90] =	vst @!p3 v8  }
0x1eb: {  	[spmem:s25] =	stream.linear.scatter @!p3 [tilespmem:s26], [sflag:$0x1], $0x20, $0x38;
	[tilespmem:$0x15E00] =	vst v63  }
0x1ec: {  	s26 =	sor.u32 $0x5, s24  }
0x1ed: {  	p3 =	sge.s32 s26, s6  }
0x1ee: {  	(v2sf) =	vpush @!p3 v6, $0x5;
	_ =	sdelay $0xd  }
0x1ef: {  	(v2sf) =	vpush @!p3 v7, $0x5  }
0x1f0: {  	s25 =	spop @!p3 (v2sf)  }
0x1f1: {  	s25 =	ssub.s32 @!p3 s25, s7  }
0x1f2: {  	v8 =	vmov @!p3 s25  }
0x1f3: {  	v9 =	vshll.u32 @!p3 v8, $0x3  }
0x1f4: {  	v8 =	vand.u32 @!p3 $0x7F, v8;
	v9 =	vand.u32 @!p3 $0xFFFFFC00, v9  }
0x1f5: {  	v8 =	vor.u32 @!p3 v8, v9  }
0x1f6: {  	v9 =	vadd.s32 @!p3 v3, v8  }
0x1f7: {  	v8 =	vadd.s32 @!p3 v4, v8;
	_ =	sdelay $0x3  }
0x1f8: {  	v9 =	vld.idx.msk @!p3 [tilespmem:v9+s15+$0x0], $0xffff  }
0x1f9: {  	v8 =	vld.idx.msk @!p3 [tilespmem:v8+s15+$0x0], $0xffff;
	_ =	sdelay $0x1  }
0x1fa: {  	s25 =	spop @!p3 (v2sf)  }
0x1fb: {  	s25 =	sshll.u32 @!p3 s25, $0x7  }
0x1fc: {  	s25 =	sshra.s32 @!p3 s25, $0x2;
	[tilespmem:s5+$0x12AA0] =	vst @!p3 v9  }
0x1fd: {  	s26 =	sadd.s32 @!p3 $0x12AA0, s5;
	s25 =	sadd.s32 @!p3 s25, s3;
	[tilespmem:s5+$0x12AB0] =	vst @!p3 v8  }
0x1fe: {  	[spmem:s25] =	stream.linear.scatter @!p3 [tilespmem:s26], [sflag:$0x1], $0x20, $0x38;
	[tilespmem:$0x15E00] =	vst v63  }
0x1ff: {  	s26 =	sor.u32 $0x6, s24  }
0x200: {  	p3 =	sge.s32 s26, s6  }
0x201: {  	(v2sf) =	vpush @!p3 v6, $0x6;
	_ =	sdelay $0xd  }
0x202: {  	(v2sf) =	vpush @!p3 v7, $0x6  }
0x203: {  	s25 =	spop @!p3 (v2sf)  }
0x204: {  	s25 =	ssub.s32 @!p3 s25, s7  }
0x205: {  	v8 =	vmov @!p3 s25  }
0x206: {  	v9 =	vshll.u32 @!p3 v8, $0x3  }
0x207: {  	v8 =	vand.u32 @!p3 $0x7F, v8;
	v9 =	vand.u32 @!p3 $0xFFFFFC00, v9  }
0x208: {  	v8 =	vor.u32 @!p3 v8, v9  }
0x209: {  	v9 =	vadd.s32 @!p3 v3, v8  }
0x20a: {  	v8 =	vadd.s32 @!p3 v4, v8;
	_ =	sdelay $0x3  }
0x20b: {  	v9 =	vld.idx.msk @!p3 [tilespmem:v9+s15+$0x0], $0xffff  }
0x20c: {  	v8 =	vld.idx.msk @!p3 [tilespmem:v8+s15+$0x0], $0xffff;
	_ =	sdelay $0x1  }
0x20d: {  	s25 =	spop @!p3 (v2sf)  }
0x20e: {  	s25 =	sshll.u32 @!p3 s25, $0x7  }
0x20f: {  	s25 =	sshra.s32 @!p3 s25, $0x2;
	[tilespmem:s5+$0x12AC0] =	vst @!p3 v9  }
0x210: {  	s26 =	sadd.s32 @!p3 $0x12AC0, s5;
	s25 =	sadd.s32 @!p3 s25, s3;
	[tilespmem:s5+$0x12AD0] =	vst @!p3 v8  }
0x211: {  	[spmem:s25] =	stream.linear.scatter @!p3 [tilespmem:s26], [sflag:$0x1], $0x20, $0x38;
	[tilespmem:$0x15E00] =	vst v63  }
0x212: {  	s26 =	sor.u32 $0x7, s24  }
0x213: {  	p3 =	sge.s32 s26, s6  }
0x214: {  	(v2sf) =	vpush @!p3 v6, $0x7;
	_ =	sdelay $0xd  }
0x215: {  	(v2sf) =	vpush @!p3 v7, $0x7  }
0x216: {  	s25 =	spop @!p3 (v2sf)  }
0x217: {  	s25 =	ssub.s32 @!p3 s25, s7  }
0x218: {  	v8 =	vmov @!p3 s25  }
0x219: {  	v9 =	vshll.u32 @!p3 v8, $0x3  }
0x21a: {  	v8 =	vand.u32 @!p3 $0x7F, v8;
	v9 =	vand.u32 @!p3 $0xFFFFFC00, v9  }
0x21b: {  	v8 =	vor.u32 @!p3 v8, v9  }
0x21c: {  	v9 =	vadd.s32 @!p3 v3, v8  }
0x21d: {  	v8 =	vadd.s32 @!p3 v4, v8;
	_ =	sdelay $0x3  }
0x21e: {  	v9 =	vld.idx.msk @!p3 [tilespmem:v9+s15+$0x0], $0xffff  }
0x21f: {  	v8 =	vld.idx.msk @!p3 [tilespmem:v8+s15+$0x0], $0xffff;
	_ =	sdelay $0x1  }
0x220: {  	s25 =	spop @!p3 (v2sf)  }
0x221: {  	s25 =	sshll.u32 @!p3 s25, $0x7  }
0x222: {  	s25 =	sshra.s32 @!p3 s25, $0x2;
	[tilespmem:s5+$0x12AE0] =	vst @!p3 v9  }
0x223: {  	s26 =	sadd.s32 @!p3 $0x12AE0, s5;
	s25 =	sadd.s32 @!p3 s25, s3;
	[tilespmem:s5+$0x12AF0] =	vst @!p3 v8  }
0x224: {  	[spmem:s25] =	stream.linear.scatter @!p3 [tilespmem:s26], [sflag:$0x1], $0x20, $0x38;
	[tilespmem:$0x15E00] =	vst v63  }
0x225: {  	s26 =	sor.u32 $0x8, s24  }
0x226: {  	p3 =	sge.s32 s26, s6  }
0x227: {  	(v2sf) =	vpush @!p3 v6, $0x8;
	_ =	sdelay $0xd  }
0x228: {  	(v2sf) =	vpush @!p3 v7, $0x8  }
0x229: {  	s25 =	spop @!p3 (v2sf)  }
0x22a: {  	s25 =	ssub.s32 @!p3 s25, s7  }
0x22b: {  	v8 =	vmov @!p3 s25  }
0x22c: {  	v9 =	vshll.u32 @!p3 v8, $0x3  }
0x22d: {  	v8 =	vand.u32 @!p3 $0x7F, v8;
	v9 =	vand.u32 @!p3 $0xFFFFFC00, v9  }
0x22e: {  	v8 =	vor.u32 @!p3 v8, v9  }
0x22f: {  	v9 =	vadd.s32 @!p3 v3, v8  }
0x230: {  	v8 =	vadd.s32 @!p3 v4, v8;
	_ =	sdelay $0x3  }
0x231: {  	v9 =	vld.idx.msk @!p3 [tilespmem:v9+s15+$0x0], $0xffff  }
0x232: {  	v8 =	vld.idx.msk @!p3 [tilespmem:v8+s15+$0x0], $0xffff;
	_ =	sdelay $0x1  }
0x233: {  	s25 =	spop @!p3 (v2sf)  }
0x234: {  	s25 =	sshll.u32 @!p3 s25, $0x7  }
0x235: {  	s25 =	sshra.s32 @!p3 s25, $0x2;
	[tilespmem:s5+$0x12B00] =	vst @!p3 v9  }
0x236: {  	s26 =	sadd.s32 @!p3 $0x12B00, s5;
	s25 =	sadd.s32 @!p3 s25, s3;
	[tilespmem:s5+$0x12B10] =	vst @!p3 v8  }
0x237: {  	[spmem:s25] =	stream.linear.scatter @!p3 [tilespmem:s26], [sflag:$0x1], $0x20, $0x38;
	[tilespmem:$0x15E00] =	vst v63  }
0x238: {  	s26 =	sor.u32 $0x9, s24  }
0x239: {  	p3 =	sge.s32 s26, s6  }
0x23a: {  	(v2sf) =	vpush @!p3 v6, $0x9;
	_ =	sdelay $0xd  }
0x23b: {  	(v2sf) =	vpush @!p3 v7, $0x9  }
0x23c: {  	s25 =	spop @!p3 (v2sf)  }
0x23d: {  	s25 =	ssub.s32 @!p3 s25, s7  }
0x23e: {  	v8 =	vmov @!p3 s25  }
0x23f: {  	v9 =	vshll.u32 @!p3 v8, $0x3  }
0x240: {  	v8 =	vand.u32 @!p3 $0x7F, v8;
	v9 =	vand.u32 @!p3 $0xFFFFFC00, v9  }
0x241: {  	v8 =	vor.u32 @!p3 v8, v9  }
0x242: {  	v9 =	vadd.s32 @!p3 v3, v8  }
0x243: {  	v8 =	vadd.s32 @!p3 v4, v8;
	_ =	sdelay $0x3  }
0x244: {  	v9 =	vld.idx.msk @!p3 [tilespmem:v9+s15+$0x0], $0xffff  }
0x245: {  	v8 =	vld.idx.msk @!p3 [tilespmem:v8+s15+$0x0], $0xffff;
	_ =	sdelay $0x1  }
0x246: {  	s25 =	spop @!p3 (v2sf)  }
0x247: {  	s25 =	sshll.u32 @!p3 s25, $0x7  }
0x248: {  	s25 =	sshra.s32 @!p3 s25, $0x2;
	[tilespmem:s5+$0x12B20] =	vst @!p3 v9  }
0x249: {  	s26 =	sadd.s32 @!p3 $0x12B20, s5;
	s25 =	sadd.s32 @!p3 s25, s3;
	[tilespmem:s5+$0x12B30] =	vst @!p3 v8  }
0x24a: {  	[spmem:s25] =	stream.linear.scatter @!p3 [tilespmem:s26], [sflag:$0x1], $0x20, $0x38;
	[tilespmem:$0x15E00] =	vst v63  }
0x24b: {  	s26 =	sor.u32 $0xA, s24  }
0x24c: {  	p3 =	sge.s32 s26, s6  }
0x24d: {  	(v2sf) =	vpush @!p3 v6, $0xA;
	_ =	sdelay $0xd  }
0x24e: {  	(v2sf) =	vpush @!p3 v7, $0xA  }
0x24f: {  	s25 =	spop @!p3 (v2sf)  }
0x250: {  	s25 =	ssub.s32 @!p3 s25, s7  }
0x251: {  	v8 =	vmov @!p3 s25  }
0x252: {  	v9 =	vshll.u32 @!p3 v8, $0x3  }
0x253: {  	v8 =	vand.u32 @!p3 $0x7F, v8;
	v9 =	vand.u32 @!p3 $0xFFFFFC00, v9  }
0x254: {  	v8 =	vor.u32 @!p3 v8, v9  }
0x255: {  	v9 =	vadd.s32 @!p3 v3, v8  }
0x256: {  	v8 =	vadd.s32 @!p3 v4, v8;
	_ =	sdelay $0x3  }
0x257: {  	v9 =	vld.idx.msk @!p3 [tilespmem:v9+s15+$0x0], $0xffff  }
0x258: {  	v8 =	vld.idx.msk @!p3 [tilespmem:v8+s15+$0x0], $0xffff;
	_ =	sdelay $0x1  }
0x259: {  	s25 =	spop @!p3 (v2sf)  }
0x25a: {  	s25 =	sshll.u32 @!p3 s25, $0x7  }
0x25b: {  	s25 =	sshra.s32 @!p3 s25, $0x2;
	[tilespmem:s5+$0x12B40] =	vst @!p3 v9  }
0x25c: {  	s26 =	sadd.s32 @!p3 $0x12B40, s5;
	s25 =	sadd.s32 @!p3 s25, s3;
	[tilespmem:s5+$0x12B50] =	vst @!p3 v8  }
0x25d: {  	[spmem:s25] =	stream.linear.scatter @!p3 [tilespmem:s26], [sflag:$0x1], $0x20, $0x38;
	[tilespmem:$0x15E00] =	vst v63  }
0x25e: {  	s26 =	sor.u32 $0xB, s24  }
0x25f: {  	p3 =	sge.s32 s26, s6  }
0x260: {  	(v2sf) =	vpush @!p3 v6, $0xB;
	_ =	sdelay $0xd  }
0x261: {  	(v2sf) =	vpush @!p3 v7, $0xB  }
0x262: {  	s25 =	spop @!p3 (v2sf)  }
0x263: {  	s25 =	ssub.s32 @!p3 s25, s7  }
0x264: {  	v8 =	vmov @!p3 s25  }
0x265: {  	v9 =	vshll.u32 @!p3 v8, $0x3  }
0x266: {  	v8 =	vand.u32 @!p3 $0x7F, v8;
	v9 =	vand.u32 @!p3 $0xFFFFFC00, v9  }
0x267: {  	v8 =	vor.u32 @!p3 v8, v9  }
0x268: {  	v9 =	vadd.s32 @!p3 v3, v8  }
0x269: {  	v8 =	vadd.s32 @!p3 v4, v8;
	_ =	sdelay $0x3  }
0x26a: {  	v9 =	vld.idx.msk @!p3 [tilespmem:v9+s15+$0x0], $0xffff  }
0x26b: {  	v8 =	vld.idx.msk @!p3 [tilespmem:v8+s15+$0x0], $0xffff;
	_ =	sdelay $0x1  }
0x26c: {  	s25 =	spop @!p3 (v2sf)  }
0x26d: {  	s25 =	sshll.u32 @!p3 s25, $0x7  }
0x26e: {  	s25 =	sshra.s32 @!p3 s25, $0x2;
	[tilespmem:s5+$0x12B60] =	vst @!p3 v9  }
0x26f: {  	s26 =	sadd.s32 @!p3 $0x12B60, s5;
	s25 =	sadd.s32 @!p3 s25, s3;
	[tilespmem:s5+$0x12B70] =	vst @!p3 v8  }
0x270: {  	[spmem:s25] =	stream.linear.scatter @!p3 [tilespmem:s26], [sflag:$0x1], $0x20, $0x38;
	[tilespmem:$0x15E00] =	vst v63  }
0x271: {  	s26 =	sor.u32 $0xC, s24  }
0x272: {  	p3 =	sge.s32 s26, s6  }
0x273: {  	(v2sf) =	vpush @!p3 v6, $0xC;
	_ =	sdelay $0xd  }
0x274: {  	(v2sf) =	vpush @!p3 v7, $0xC  }
0x275: {  	s25 =	spop @!p3 (v2sf)  }
0x276: {  	s25 =	ssub.s32 @!p3 s25, s7  }
0x277: {  	v8 =	vmov @!p3 s25  }
0x278: {  	v9 =	vshll.u32 @!p3 v8, $0x3  }
0x279: {  	v8 =	vand.u32 @!p3 $0x7F, v8;
	v9 =	vand.u32 @!p3 $0xFFFFFC00, v9  }
0x27a: {  	v8 =	vor.u32 @!p3 v8, v9  }
0x27b: {  	v9 =	vadd.s32 @!p3 v3, v8  }
0x27c: {  	v8 =	vadd.s32 @!p3 v4, v8;
	_ =	sdelay $0x3  }
0x27d: {  	v9 =	vld.idx.msk @!p3 [tilespmem:v9+s15+$0x0], $0xffff  }
0x27e: {  	v8 =	vld.idx.msk @!p3 [tilespmem:v8+s15+$0x0], $0xffff;
	_ =	sdelay $0x1  }
0x27f: {  	s25 =	spop @!p3 (v2sf)  }
0x280: {  	s25 =	sshll.u32 @!p3 s25, $0x7  }
0x281: {  	s25 =	sshra.s32 @!p3 s25, $0x2;
	[tilespmem:s5+$0x12B80] =	vst @!p3 v9  }
0x282: {  	s26 =	sadd.s32 @!p3 $0x12B80, s5;
	s25 =	sadd.s32 @!p3 s25, s3;
	[tilespmem:s5+$0x12B90] =	vst @!p3 v8  }
0x283: {  	[spmem:s25] =	stream.linear.scatter @!p3 [tilespmem:s26], [sflag:$0x1], $0x20, $0x38;
	[tilespmem:$0x15E00] =	vst v63  }
0x284: {  	s26 =	sor.u32 $0xD, s24  }
0x285: {  	p3 =	sge.s32 s26, s6  }
0x286: {  	(v2sf) =	vpush @!p3 v6, $0xD;
	_ =	sdelay $0xd  }
0x287: {  	(v2sf) =	vpush @!p3 v7, $0xD  }
0x288: {  	s25 =	spop @!p3 (v2sf)  }
0x289: {  	s25 =	ssub.s32 @!p3 s25, s7  }
0x28a: {  	v8 =	vmov @!p3 s25  }
0x28b: {  	v9 =	vshll.u32 @!p3 v8, $0x3  }
0x28c: {  	v8 =	vand.u32 @!p3 $0x7F, v8;
	v9 =	vand.u32 @!p3 $0xFFFFFC00, v9  }
0x28d: {  	v8 =	vor.u32 @!p3 v8, v9  }
0x28e: {  	v9 =	vadd.s32 @!p3 v3, v8  }
0x28f: {  	v8 =	vadd.s32 @!p3 v4, v8;
	_ =	sdelay $0x3  }
0x290: {  	v9 =	vld.idx.msk @!p3 [tilespmem:v9+s15+$0x0], $0xffff  }
0x291: {  	v8 =	vld.idx.msk @!p3 [tilespmem:v8+s15+$0x0], $0xffff;
	_ =	sdelay $0x1  }
0x292: {  	s25 =	spop @!p3 (v2sf)  }
0x293: {  	s25 =	sshll.u32 @!p3 s25, $0x7  }
0x294: {  	s25 =	sshra.s32 @!p3 s25, $0x2;
	[tilespmem:s5+$0x12BA0] =	vst @!p3 v9  }
0x295: {  	s24 =	sor.u32 $0xE, s24;
	s26 =	sadd.s32 @!p3 $0x12BA0, s5;
	s25 =	sadd.s32 @!p3 s25, s3;
	[tilespmem:s5+$0x12BB0] =	vst @!p3 v8  }
0x296: {  	[spmem:s25] =	stream.linear.scatter @!p3 [tilespmem:s26], [sflag:$0x1], $0x20, $0x38;
	[tilespmem:$0x15E00] =	vst v63  }
0x297: {  	p3 =	sge.s32 s24, s6  }
0x298: {  	(v2sf) =	vpush @!p3 v6, $0xE;
	_ =	sdelay $0xd  }
0x299: {  	(v2sf) =	vpush @!p3 v7, $0xE  }
0x29a: {  	s24 =	spop @!p3 (v2sf)  }
0x29b: {  	s24 =	ssub.s32 @!p3 s24, s7  }
0x29c: {  	v6 =	vmov @!p3 s24  }
0x29d: {  	v7 =	vshll.u32 @!p3 v6, $0x3  }
0x29e: {  	v6 =	vand.u32 @!p3 $0x7F, v6;
	v7 =	vand.u32 @!p3 $0xFFFFFC00, v7  }
0x29f: {  	v6 =	vor.u32 @!p3 v6, v7  }
0x2a0: {  	v7 =	vadd.s32 @!p3 v3, v6  }
0x2a1: {  	v6 =	vadd.s32 @!p3 v4, v6;
	_ =	sdelay $0x3  }
0x2a2: {  	v7 =	vld.idx.msk @!p3 [tilespmem:v7+s15+$0x0], $0xffff  }
0x2a3: {  	v6 =	vld.idx.msk @!p3 [tilespmem:v6+s15+$0x0], $0xffff;
	_ =	sdelay $0x1  }
0x2a4: {  	s24 =	spop @!p3 (v2sf)  }
0x2a5: {  	s24 =	sshll.u32 @!p3 s24, $0x7  }
0x2a6: {  	s24 =	sshra.s32 @!p3 s24, $0x2;
	[tilespmem:s5+$0x12BC0] =	vst @!p3 v7  }
0x2a7: {  	s24 =	sadd.s32 @!p3 s24, s3;
	[tilespmem:s5+$0x12BD0] =	vst @!p3 v6;
	s5 =	sadd.s32 @!p3 $0x12BC0, s5  }
0x2a8: {  	[spmem:s24] =	stream.linear.scatter @!p3 [tilespmem:s5], [sflag:$0x1], $0x20, $0x38;
	[tilespmem:$0x15E00] =	vst v63  }
.LBB2_33:
0x2a9: {  	s5 =	sor.u32 s12, s11  }
0x2aa: {  	p3 =	seq.s32 s5, $0x0  }
.Ltmp23:
0x2ab: {  	_ = 	snop;
	(pc) =	sbr.rel @p3 .LBB2_37-.Ltmp23, $1  }
0x2ac: {  	_ =	sdelay $0x3  }
0x2ad: {  	p3 =	sne.s32 s5, $0x1  }
.Ltmp24:
0x2ae: {  	_ = 	snop;
	(pc) =	sbr.rel @!p3 .LBB2_36-.Ltmp24, $3  }
0x2af: {  	_ =	sdelay $0x1  }
0x2b0: {  	_ =	swait.ge [sflag:s20], $0x20  }
0x2b1: {  	s5 =	sadd.s32 $0xFFFFFFFF, s5;
	[sflag:s20] =	ssyncset.done $0x0  }
.LBB2_35:
0x2b2: {  	p3 =	sne.s32 s5, $0x1;
	s5 =	sadd.s32 $0xFFFFFFFF, s5;
	[sflag:s20] =	ssyncadd.s32 $0xFFFFFFE0  }
.Ltmp25:
0x2b3: {  	(pc) =	sbr.rel @p3 .LBB2_35-.Ltmp25, $3  }
0x2b4: {  	_ =	sdelay $0x1  }
0x2b5: {  	_ =	swait.ge [sflag:s20], $0x20  }
0x2b6: {  	[sflag:s20] =	ssyncset.done $0x0  }
.LBB2_36:
0x2b7: {  	[sflag:s20] =	ssyncadd.s32 $0xFFFFFFE0  }
.LBB2_37:
0x2b8: {  	p3 =	slt.s32 s6, $0x1;
	p1 =	por !p1, !p1  }
0x2b9: {  	p1 =	por p3, p1  }
.Ltmp26:
0x2ba: {  	_ = 	snop;
	(pc) =	sbr.rel @p1 .LBB2_52-.Ltmp26, $1  }
0x2bb: {  	_ =	sdelay $0x3  }
.Ltmp27:
0x2bc: {  	(pc) =	sbr.rel @p2 .LBB2_39-.Ltmp27, $2  }
0x2bd: {  	_ =	sdelay $0x2  }
0x2be: {  	s5 =	simm.s32 $0x0  }
.Ltmp28:
0x2bf: {  	(pc) =	sbr.rel .LBB2_41-.Ltmp28, $2  }
0x2c0: {  	_ =	sdelay $0x2  }
0x2c1: {  	s11 =	simm.s32 $0x1;
	p1 =	por $0x0, $0x0  }
.LBB2_44:
0x2c2: {  	[sflag:s20] =	ssyncadd.s32 $0xFFFFFFE0  }
.LBB2_45:
0x2c3: {  	s5 =	sadd.s32 $0x1, s5  }
0x2c4: {  	p2 =	sne.s32 s5, s10  }
.Ltmp29:
0x2c5: {  	_ = 	snop;
	(pc) =	sbr.rel @!p2 .LBB2_46-.Ltmp29, $2  }
0x2c6: {  	_ =	sdelay $0x2  }
0x2c7: {  	p1 =	por $0x1, $0x1;
	s11 =	simm.s32 $0x10  }
.LBB2_41:
0x2c8: {  	s12 =	sshll.u32 s5, $0x4  }
0x2c9: {  	v6 =	vld [tilespmem:s12+$0x2180]  }
0x2ca: {  	v7 =	vld [tilespmem:s12+$0x1900];
	_ =	sdelay $0x3  }
0x2cb: {  	v8 =	vmov s7;
	v9 =	vshll.u32 v6, $0x7  }
0x2cc: {  	v6 =	vsub.s32 v7, v8;
	v7 =	vshra.s32 v9, $0x2  }
0x2cd: {  	v8 =	vbroadcast v6, $0x0;
	v7 =	vadd.s32 s3, v7  }
0x2ce: {  	(v2sf) =	vpush v7, $0x0  }
0x2cf: {  	v36 =	vshll.u32 v8, $0x3  }
0x2d0: {  	v8 =	vand.u32 $0x7F, v8;
	v9 =	vand.u32 $0xFFFFFC00, v36  }
0x2d1: {  	v8 =	vor.u32 v8, v9  }
0x2d2: {  	v9 =	vadd.s32 v3, v8  }
0x2d3: {  	v8 =	vadd.s32 v4, v8;
	_ =	sdelay $0x1  }
0x2d4: {  	v10 =	vbroadcast v6, $0x1  }
0x2d5: {  	(v2sf) =	vpush v7, $0x1  }
0x2d6: {  	v11 =	vshll.u32 v10, $0x3;
	v9 =	vld.idx.msk [tilespmem:v9+s16+$0x0], $0xffff  }
0x2d7: {  	v10 =	vand.u32 $0x7F, v10;
	v11 =	vand.u32 $0xFFFFFC00, v11;
	v8 =	vld.idx.msk [tilespmem:v8+s16+$0x0], $0xffff  }
0x2d8: {  	v10 =	vor.u32 v10, v11  }
0x2d9: {  	s24 =	sshll.u32 s5, $0x9;
	v11 =	vadd.s32 v3, v10  }
0x2da: {  	s12 =	sand.u32 $0x200, s24;
	v10 =	vadd.s32 v4, v10  }
0x2db: {  	[tilespmem:s12+$0x12A00] =	vst v9  }
0x2dc: {  	s24 =	sadd.s32 $0x12A00, s12;
	v37 =	vbroadcast v6, $0x2;
	[tilespmem:s12+$0x12A10] =	vst v8;
	s25 =	spop (v2sf)  }
0x2dd: {  	(v2sf) =	vpush v7, $0x2;
	[spmem:s25] =	stream.linear.scatter [tilespmem:s24], [sflag:$0x1], $0x20, $0x38;
	[tilespmem:$0x15E00] =	vst v63  }
0x2de: {  	v38 =	vshll.u32 v37, $0x3;
	v9 =	vld.idx.msk [tilespmem:v11+s16+$0x0], $0xffff  }
0x2df: {  	v8 =	vand.u32 $0x7F, v37;
	v10 =	vld.idx.msk [tilespmem:v10+s16+$0x0], $0xffff;
	v11 =	vand.u32 $0xFFFFFC00, v38  }
0x2e0: {  	v8 =	vor.u32 v8, v11  }
0x2e1: {  	v11 =	vadd.s32 v3, v8  }
0x2e2: {  	v8 =	vadd.s32 v4, v8  }
0x2e3: {  	[tilespmem:s12+$0x12A20] =	vst v9  }
0x2e4: {  	v39 =	vbroadcast v6, $0x3;
	s25 =	sadd.s32 $0x12A20, s12;
	s26 =	spop (v2sf);
	[tilespmem:s12+$0x12A30] =	vst v10  }
0x2e5: {  	(v2sf) =	vpush v7, $0x3;
	[spmem:s26] =	stream.linear.scatter [tilespmem:s25], [sflag:$0x1], $0x20, $0x38;
	[tilespmem:$0x15E00] =	vst v63  }
0x2e6: {  	v40 =	vshll.u32 v39, $0x3;
	v10 =	vld.idx.msk [tilespmem:v11+s16+$0x0], $0xffff  }
0x2e7: {  	v9 =	vand.u32 $0x7F, v39;
	v8 =	vld.idx.msk [tilespmem:v8+s16+$0x0], $0xffff;
	v11 =	vand.u32 $0xFFFFFC00, v40  }
0x2e8: {  	v9 =	vor.u32 v9, v11  }
0x2e9: {  	v11 =	vadd.s32 v3, v9  }
0x2ea: {  	v9 =	vadd.s32 v4, v9  }
0x2eb: {  	[tilespmem:s12+$0x12A40] =	vst v10  }
0x2ec: {  	v41 =	vbroadcast v6, $0x4;
	s25 =	sadd.s32 $0x12A40, s12;
	[tilespmem:s12+$0x12A50] =	vst v8;
	s26 =	spop (v2sf)  }
0x2ed: {  	(v2sf) =	vpush v7, $0x4;
	[spmem:s26] =	stream.linear.scatter [tilespmem:s25], [sflag:$0x1], $0x20, $0x38;
	[tilespmem:$0x15E00] =	vst v63  }
0x2ee: {  	v42 =	vshll.u32 v41, $0x3;
	v10 =	vld.idx.msk [tilespmem:v11+s16+$0x0], $0xffff  }
0x2ef: {  	v8 =	vand.u32 $0x7F, v41;
	v9 =	vld.idx.msk [tilespmem:v9+s16+$0x0], $0xffff;
	v11 =	vand.u32 $0xFFFFFC00, v42  }
0x2f0: {  	v8 =	vor.u32 v8, v11  }
0x2f1: {  	v11 =	vadd.s32 v3, v8  }
0x2f2: {  	v8 =	vadd.s32 v4, v8  }
0x2f3: {  	[tilespmem:s12+$0x12A60] =	vst v10  }
0x2f4: {  	v43 =	vbroadcast v6, $0x5;
	s25 =	sadd.s32 $0x12A60, s12;
	s26 =	spop (v2sf);
	[tilespmem:s12+$0x12A70] =	vst v9  }
0x2f5: {  	(v2sf) =	vpush v7, $0x5;
	[spmem:s26] =	stream.linear.scatter [tilespmem:s25], [sflag:$0x1], $0x20, $0x38;
	[tilespmem:$0x15E00] =	vst v63  }
0x2f6: {  	v44 =	vshll.u32 v43, $0x3;
	v10 =	vld.idx.msk [tilespmem:v11+s16+$0x0], $0xffff  }
0x2f7: {  	v9 =	vand.u32 $0x7F, v43;
	v8 =	vld.idx.msk [tilespmem:v8+s16+$0x0], $0xffff;
	v11 =	vand.u32 $0xFFFFFC00, v44  }
0x2f8: {  	v9 =	vor.u32 v9, v11  }
0x2f9: {  	v11 =	vadd.s32 v3, v9  }
0x2fa: {  	v9 =	vadd.s32 v4, v9  }
0x2fb: {  	[tilespmem:s12+$0x12A80] =	vst v10  }
0x2fc: {  	v45 =	vbroadcast v6, $0x6;
	s25 =	sadd.s32 $0x12A80, s12;
	[tilespmem:s12+$0x12A90] =	vst v8;
	s26 =	spop (v2sf)  }
0x2fd: {  	(v2sf) =	vpush v7, $0x6;
	[spmem:s26] =	stream.linear.scatter [tilespmem:s25], [sflag:$0x1], $0x20, $0x38;
	[tilespmem:$0x15E00] =	vst v63  }
0x2fe: {  	v46 =	vshll.u32 v45, $0x3;
	v10 =	vld.idx.msk [tilespmem:v11+s16+$0x0], $0xffff  }
0x2ff: {  	v8 =	vand.u32 $0x7F, v45;
	v9 =	vld.idx.msk [tilespmem:v9+s16+$0x0], $0xffff;
	v11 =	vand.u32 $0xFFFFFC00, v46  }
0x300: {  	v8 =	vor.u32 v8, v11  }
0x301: {  	v11 =	vadd.s32 v3, v8  }
0x302: {  	v8 =	vadd.s32 v4, v8  }
0x303: {  	[tilespmem:s12+$0x12AA0] =	vst v10  }
0x304: {  	v47 =	vbroadcast v6, $0x7;
	s25 =	sadd.s32 $0x12AA0, s12;
	s26 =	spop (v2sf);
	[tilespmem:s12+$0x12AB0] =	vst v9  }
0x305: {  	(v2sf) =	vpush v7, $0x7;
	[spmem:s26] =	stream.linear.scatter [tilespmem:s25], [sflag:$0x1], $0x20, $0x38;
	[tilespmem:$0x15E00] =	vst v63  }
0x306: {  	v48 =	vshll.u32 v47, $0x3;
	v10 =	vld.idx.msk [tilespmem:v11+s16+$0x0], $0xffff  }
0x307: {  	v9 =	vand.u32 $0x7F, v47;
	v8 =	vld.idx.msk [tilespmem:v8+s16+$0x0], $0xffff;
	v11 =	vand.u32 $0xFFFFFC00, v48  }
0x308: {  	v9 =	vor.u32 v9, v11  }
0x309: {  	v11 =	vadd.s32 v3, v9  }
0x30a: {  	v9 =	vadd.s32 v4, v9  }
0x30b: {  	[tilespmem:s12+$0x12AC0] =	vst v10  }
0x30c: {  	v49 =	vbroadcast v6, $0x8;
	s25 =	sadd.s32 $0x12AC0, s12;
	[tilespmem:s12+$0x12AD0] =	vst v8;
	s26 =	spop (v2sf)  }
0x30d: {  	(v2sf) =	vpush v7, $0x8;
	[spmem:s26] =	stream.linear.scatter [tilespmem:s25], [sflag:$0x1], $0x20, $0x38;
	[tilespmem:$0x15E00] =	vst v63  }
0x30e: {  	v50 =	vshll.u32 v49, $0x3;
	v10 =	vld.idx.msk [tilespmem:v11+s16+$0x0], $0xffff  }
0x30f: {  	v8 =	vand.u32 $0x7F, v49;
	v9 =	vld.idx.msk [tilespmem:v9+s16+$0x0], $0xffff;
	v11 =	vand.u32 $0xFFFFFC00, v50  }
0x310: {  	v8 =	vor.u32 v8, v11  }
0x311: {  	v11 =	vadd.s32 v3, v8  }
0x312: {  	v8 =	vadd.s32 v4, v8  }
0x313: {  	[tilespmem:s12+$0x12AE0] =	vst v10  }
0x314: {  	v51 =	vbroadcast v6, $0x9;
	s25 =	sadd.s32 $0x12AE0, s12;
	s26 =	spop (v2sf);
	[tilespmem:s12+$0x12AF0] =	vst v9  }
0x315: {  	(v2sf) =	vpush v7, $0x9;
	[spmem:s26] =	stream.linear.scatter [tilespmem:s25], [sflag:$0x1], $0x20, $0x38;
	[tilespmem:$0x15E00] =	vst v63  }
0x316: {  	v52 =	vshll.u32 v51, $0x3;
	v10 =	vld.idx.msk [tilespmem:v11+s16+$0x0], $0xffff  }
0x317: {  	v9 =	vand.u32 $0x7F, v51;
	v8 =	vld.idx.msk [tilespmem:v8+s16+$0x0], $0xffff;
	v11 =	vand.u32 $0xFFFFFC00, v52  }
0x318: {  	v9 =	vor.u32 v9, v11  }
0x319: {  	v11 =	vadd.s32 v3, v9  }
0x31a: {  	v9 =	vadd.s32 v4, v9  }
0x31b: {  	[tilespmem:s12+$0x12B00] =	vst v10  }
0x31c: {  	v53 =	vbroadcast v6, $0xA;
	s25 =	sadd.s32 $0x12B00, s12;
	[tilespmem:s12+$0x12B10] =	vst v8;
	s26 =	spop (v2sf)  }
0x31d: {  	(v2sf) =	vpush v7, $0xA;
	[spmem:s26] =	stream.linear.scatter [tilespmem:s25], [sflag:$0x1], $0x20, $0x38;
	[tilespmem:$0x15E00] =	vst v63  }
0x31e: {  	v54 =	vshll.u32 v53, $0x3;
	v10 =	vld.idx.msk [tilespmem:v11+s16+$0x0], $0xffff  }
0x31f: {  	v8 =	vand.u32 $0x7F, v53;
	v9 =	vld.idx.msk [tilespmem:v9+s16+$0x0], $0xffff;
	v11 =	vand.u32 $0xFFFFFC00, v54  }
0x320: {  	v8 =	vor.u32 v8, v11  }
0x321: {  	v11 =	vadd.s32 v3, v8  }
0x322: {  	v8 =	vadd.s32 v4, v8  }
0x323: {  	[tilespmem:s12+$0x12B20] =	vst v10  }
0x324: {  	v55 =	vbroadcast v6, $0xB;
	s25 =	sadd.s32 $0x12B20, s12;
	s26 =	spop (v2sf);
	[tilespmem:s12+$0x12B30] =	vst v9  }
0x325: {  	(v2sf) =	vpush v7, $0xB;
	[spmem:s26] =	stream.linear.scatter [tilespmem:s25], [sflag:$0x1], $0x20, $0x38;
	[tilespmem:$0x15E00] =	vst v63  }
0x326: {  	v56 =	vshll.u32 v55, $0x3;
	v10 =	vld.idx.msk [tilespmem:v11+s16+$0x0], $0xffff  }
0x327: {  	v9 =	vand.u32 $0x7F, v55;
	v8 =	vld.idx.msk [tilespmem:v8+s16+$0x0], $0xffff;
	v11 =	vand.u32 $0xFFFFFC00, v56  }
0x328: {  	v9 =	vor.u32 v9, v11  }
0x329: {  	v11 =	vadd.s32 v3, v9  }
0x32a: {  	v9 =	vadd.s32 v4, v9  }
0x32b: {  	[tilespmem:s12+$0x12B40] =	vst v10  }
0x32c: {  	v57 =	vbroadcast v6, $0xC;
	s25 =	sadd.s32 $0x12B40, s12;
	[tilespmem:s12+$0x12B50] =	vst v8;
	s26 =	spop (v2sf)  }
0x32d: {  	(v2sf) =	vpush v7, $0xC;
	[spmem:s26] =	stream.linear.scatter [tilespmem:s25], [sflag:$0x1], $0x20, $0x38;
	[tilespmem:$0x15E00] =	vst v63  }
0x32e: {  	v58 =	vshll.u32 v57, $0x3;
	v10 =	vld.idx.msk [tilespmem:v11+s16+$0x0], $0xffff  }
0x32f: {  	v8 =	vand.u32 $0x7F, v57;
	v9 =	vld.idx.msk [tilespmem:v9+s16+$0x0], $0xffff;
	v11 =	vand.u32 $0xFFFFFC00, v58  }
0x330: {  	v8 =	vor.u32 v8, v11  }
0x331: {  	v11 =	vadd.s32 v3, v8  }
0x332: {  	v8 =	vadd.s32 v4, v8  }
0x333: {  	[tilespmem:s12+$0x12B60] =	vst v10  }
0x334: {  	v59 =	vbroadcast v6, $0xD;
	s25 =	sadd.s32 $0x12B60, s12;
	s26 =	spop (v2sf);
	[tilespmem:s12+$0x12B70] =	vst v9  }
0x335: {  	(v2sf) =	vpush v7, $0xD;
	[spmem:s26] =	stream.linear.scatter [tilespmem:s25], [sflag:$0x1], $0x20, $0x38;
	[tilespmem:$0x15E00] =	vst v63  }
0x336: {  	v60 =	vshll.u32 v59, $0x3;
	v10 =	vld.idx.msk [tilespmem:v11+s16+$0x0], $0xffff  }
0x337: {  	v9 =	vand.u32 $0x7F, v59;
	v8 =	vld.idx.msk [tilespmem:v8+s16+$0x0], $0xffff;
	v11 =	vand.u32 $0xFFFFFC00, v60  }
0x338: {  	v9 =	vor.u32 v9, v11  }
0x339: {  	v11 =	vadd.s32 v3, v9  }
0x33a: {  	v9 =	vadd.s32 v4, v9  }
0x33b: {  	[tilespmem:s12+$0x12B80] =	vst v10  }
0x33c: {  	v61 =	vbroadcast v6, $0xE;
	s25 =	sadd.s32 $0x12B80, s12;
	[tilespmem:s12+$0x12B90] =	vst v8;
	s26 =	spop (v2sf)  }
0x33d: {  	(v2sf) =	vpush v7, $0xE;
	[spmem:s26] =	stream.linear.scatter [tilespmem:s25], [sflag:$0x1], $0x20, $0x38;
	[tilespmem:$0x15E00] =	vst v63  }
0x33e: {  	v62 =	vshll.u32 v61, $0x3;
	v10 =	vld.idx.msk [tilespmem:v11+s16+$0x0], $0xffff  }
0x33f: {  	v8 =	vand.u32 $0x7F, v61;
	v9 =	vld.idx.msk [tilespmem:v9+s16+$0x0], $0xffff;
	v11 =	vand.u32 $0xFFFFFC00, v62  }
0x340: {  	v8 =	vor.u32 v8, v11  }
0x341: {  	v11 =	vadd.s32 v3, v8  }
0x342: {  	v8 =	vadd.s32 v4, v8  }
0x343: {  	[tilespmem:s12+$0x12BA0] =	vst v10  }
0x344: {  	v6 =	vbroadcast v6, $0xF;
	s25 =	sadd.s32 $0x12BA0, s12;
	s26 =	spop (v2sf);
	[tilespmem:s12+$0x12BB0] =	vst v9  }
0x345: {  	(v2sf) =	vpush v7, $0xF;
	[spmem:s26] =	stream.linear.scatter [tilespmem:s25], [sflag:$0x1], $0x20, $0x38;
	[tilespmem:$0x15E00] =	vst v63  }
0x346: {  	v63 =	vshll.u32 v6, $0x3;
	v7 =	vld.idx.msk [tilespmem:v11+s16+$0x0], $0xffff  }
0x347: {  	v6 =	vand.u32 $0x7F, v6;
	v9 =	vand.u32 $0xFFFFFC00, v63;
	v8 =	vld.idx.msk [tilespmem:v8+s16+$0x0], $0xffff  }
0x348: {  	v6 =	vor.u32 v6, v9  }
0x349: {  	v9 =	vadd.s32 v3, v6  }
0x34a: {  	v6 =	vadd.s32 v4, v6  }
0x34b: {  	[tilespmem:s12+$0x12BC0] =	vst v7  }
0x34c: {  	s26 =	sadd.s32 $0x12BC0, s12;
	[tilespmem:s12+$0x12BD0] =	vst v8;
	s25 =	spop (v2sf)  }
0x34d: {  	[spmem:s25] =	stream.linear.scatter [tilespmem:s26], [sflag:$0x1], $0x20, $0x38;
	[tilespmem:$0x15E00] =	vst v63  }
0x34e: {  	v7 =	vld.idx.msk [tilespmem:v9+s16+$0x0], $0xffff  }
0x34f: {  	v6 =	vld.idx.msk [tilespmem:v6+s16+$0x0], $0xffff;
	_ =	sdelay $0x1  }
.Ltmp30:
0x350: {  	_ = 	snop;
	(pc) =	sbr.rel @!p1 .LBB2_45-.Ltmp30, $4  }
0x351: {  	_ = 	snop  }
0x352: {  	[tilespmem:s12+$0x12BE0] =	vst v7  }
0x353: {  	s25 =	sadd.s32 $0x12BE0, s12;
	s26 =	spop (v2sf);
	[tilespmem:s12+$0x12BF0] =	vst v6  }
0x354: {  	[spmem:s26] =	stream.linear.scatter [tilespmem:s25], [sflag:$0x1], $0x20, $0x38;
	[tilespmem:$0x15E00] =	vst v63  }
0x355: {  	p1 =	sne.s32 s11, $0x1  }
.Ltmp31:
0x356: {  	_ = 	snop;
	(pc) =	sbr.rel @!p1 .LBB2_44-.Ltmp31, $3  }
0x357: {  	_ =	sdelay $0x1  }
0x358: {  	_ =	swait.ge [sflag:s20], $0x20  }
0x359: {  	s11 =	sadd.s32 $0xFFFFFFFF, s11;
	[sflag:s20] =	ssyncset.done $0x0  }
.LBB2_43:
0x35a: {  	p1 =	sne.s32 s11, $0x1;
	s11 =	sadd.s32 $0xFFFFFFFF, s11;
	[sflag:s20] =	ssyncadd.s32 $0xFFFFFFE0  }
.Ltmp32:
0x35b: {  	(pc) =	sbr.rel @p1 .LBB2_43-.Ltmp32, $3  }
0x35c: {  	_ =	sdelay $0x1  }
0x35d: {  	_ =	swait.ge [sflag:s20], $0x20  }
0x35e: {  	[sflag:s20] =	ssyncset.done $0x0  }
.Ltmp33:
0x35f: {  	_ = 	snop;
	(pc) =	sbr.rel .LBB2_44-.Ltmp33, $1  }
0x360: {  	_ =	sdelay $0x3  }
.LBB2_39:
0x361: {  	s11 =	simm.s32 $0x0  }
.LBB2_46:
0x362: {  	s12 =	sand.u32 $0xF, s6  }
0x363: {  	p1 =	seq.s32 s12, $0x0  }
.Ltmp34:
0x364: {  	_ = 	snop;
	(pc) =	sbr.rel @p1 .LBB2_48-.Ltmp34, $1  }
0x365: {  	_ =	sdelay $0x3  }
0x366: {  	s24 =	sand.u32 $0x7FFFFFF0, s6  }
0x367: {  	v6 =	vld [tilespmem:s24+$0x1900];
	_ =	sdelay $0x3  }
0x368: {  	p1 =	sge.s32 s24, s6  }
0x369: {  	(v2sf) =	vpush @!p1 v6, $0x0;
	_ =	sdelay $0x8  }
0x36a: {  	v7 =	vld [tilespmem:s24+$0x2180];
	_ =	sdelay $0x4  }
0x36b: {  	(v2sf) =	vpush @!p1 v7, $0x0  }
0x36c: {  	s5 =	sshll.u32 s10, $0x9;
	s10 =	spop @!p1 (v2sf)  }
0x36d: {  	s10 =	ssub.s32 @!p1 s10, s7  }
0x36e: {  	v8 =	vmov @!p1 s10  }
0x36f: {  	v9 =	vshll.u32 @!p1 v8, $0x3  }
0x370: {  	v8 =	vand.u32 @!p1 $0x7F, v8;
	v9 =	vand.u32 @!p1 $0xFFFFFC00, v9  }
0x371: {  	v8 =	vor.u32 @!p1 v8, v9  }
0x372: {  	v9 =	vadd.s32 @!p1 v3, v8  }
0x373: {  	v8 =	vadd.s32 @!p1 v4, v8;
	_ =	sdelay $0x3  }
0x374: {  	v9 =	vld.idx.msk @!p1 [tilespmem:v9+s16+$0x0], $0xffff  }
0x375: {  	v8 =	vld.idx.msk @!p1 [tilespmem:v8+s16+$0x0], $0xffff;
	_ =	sdelay $0x1  }
0x376: {  	s10 =	spop @!p1 (v2sf)  }
0x377: {  	s5 =	sand.u32 $0x200, s5;
	s10 =	sshll.u32 @!p1 s10, $0x7  }
0x378: {  	s10 =	sshra.s32 @!p1 s10, $0x2;
	[tilespmem:s5+$0x12A00] =	vst @!p1 v9  }
0x379: {  	s25 =	sadd.s32 @!p1 $0x12A00, s5;
	s10 =	sadd.s32 @!p1 s10, s3;
	[tilespmem:s5+$0x12A10] =	vst @!p1 v8  }
0x37a: {  	[spmem:s10] =	stream.linear.scatter @!p1 [tilespmem:s25], [sflag:$0x1], $0x20, $0x38;
	[tilespmem:$0x15E00] =	vst v63  }
0x37b: {  	s25 =	sor.u32 $0x1, s24  }
0x37c: {  	p1 =	sge.s32 s25, s6  }
0x37d: {  	(v2sf) =	vpush @!p1 v6, $0x1;
	_ =	sdelay $0xd  }
0x37e: {  	(v2sf) =	vpush @!p1 v7, $0x1  }
0x37f: {  	s10 =	spop @!p1 (v2sf)  }
0x380: {  	s10 =	ssub.s32 @!p1 s10, s7  }
0x381: {  	v8 =	vmov @!p1 s10  }
0x382: {  	v9 =	vshll.u32 @!p1 v8, $0x3  }
0x383: {  	v8 =	vand.u32 @!p1 $0x7F, v8;
	v9 =	vand.u32 @!p1 $0xFFFFFC00, v9  }
0x384: {  	v8 =	vor.u32 @!p1 v8, v9  }
0x385: {  	v9 =	vadd.s32 @!p1 v3, v8  }
0x386: {  	v8 =	vadd.s32 @!p1 v4, v8;
	_ =	sdelay $0x3  }
0x387: {  	v9 =	vld.idx.msk @!p1 [tilespmem:v9+s16+$0x0], $0xffff  }
0x388: {  	v8 =	vld.idx.msk @!p1 [tilespmem:v8+s16+$0x0], $0xffff;
	_ =	sdelay $0x1  }
0x389: {  	s10 =	spop @!p1 (v2sf)  }
0x38a: {  	s10 =	sshll.u32 @!p1 s10, $0x7  }
0x38b: {  	s10 =	sshra.s32 @!p1 s10, $0x2;
	[tilespmem:s5+$0x12A20] =	vst @!p1 v9  }
0x38c: {  	s26 =	sor.u32 $0x2, s24;
	s25 =	sadd.s32 @!p1 $0x12A20, s5;
	s10 =	sadd.s32 @!p1 s10, s3;
	[tilespmem:s5+$0x12A30] =	vst @!p1 v8  }
0x38d: {  	[spmem:s10] =	stream.linear.scatter @!p1 [tilespmem:s25], [sflag:$0x1], $0x20, $0x38;
	[tilespmem:$0x15E00] =	vst v63  }
0x38e: {  	p1 =	sge.s32 s26, s6  }
0x38f: {  	(v2sf) =	vpush @!p1 v6, $0x2;
	_ =	sdelay $0xd  }
0x390: {  	(v2sf) =	vpush @!p1 v7, $0x2  }
0x391: {  	s10 =	spop @!p1 (v2sf)  }
0x392: {  	s10 =	ssub.s32 @!p1 s10, s7  }
0x393: {  	v8 =	vmov @!p1 s10  }
0x394: {  	v9 =	vshll.u32 @!p1 v8, $0x3  }
0x395: {  	v8 =	vand.u32 @!p1 $0x7F, v8;
	v9 =	vand.u32 @!p1 $0xFFFFFC00, v9  }
0x396: {  	v8 =	vor.u32 @!p1 v8, v9  }
0x397: {  	v9 =	vadd.s32 @!p1 v3, v8  }
0x398: {  	v8 =	vadd.s32 @!p1 v4, v8;
	_ =	sdelay $0x3  }
0x399: {  	v9 =	vld.idx.msk @!p1 [tilespmem:v9+s16+$0x0], $0xffff  }
0x39a: {  	v8 =	vld.idx.msk @!p1 [tilespmem:v8+s16+$0x0], $0xffff;
	_ =	sdelay $0x1  }
0x39b: {  	s10 =	spop @!p1 (v2sf)  }
0x39c: {  	s10 =	sshll.u32 @!p1 s10, $0x7  }
0x39d: {  	s10 =	sshra.s32 @!p1 s10, $0x2;
	[tilespmem:s5+$0x12A40] =	vst @!p1 v9  }
0x39e: {  	s25 =	sadd.s32 @!p1 $0x12A40, s5;
	s10 =	sadd.s32 @!p1 s10, s3;
	[tilespmem:s5+$0x12A50] =	vst @!p1 v8  }
0x39f: {  	[spmem:s10] =	stream.linear.scatter @!p1 [tilespmem:s25], [sflag:$0x1], $0x20, $0x38;
	[tilespmem:$0x15E00] =	vst v63  }
0x3a0: {  	s25 =	sor.u32 $0x3, s24  }
0x3a1: {  	p1 =	sge.s32 s25, s6  }
0x3a2: {  	(v2sf) =	vpush @!p1 v6, $0x3;
	_ =	sdelay $0xd  }
0x3a3: {  	(v2sf) =	vpush @!p1 v7, $0x3  }
0x3a4: {  	s10 =	spop @!p1 (v2sf)  }
0x3a5: {  	s10 =	ssub.s32 @!p1 s10, s7  }
0x3a6: {  	v8 =	vmov @!p1 s10  }
0x3a7: {  	v9 =	vshll.u32 @!p1 v8, $0x3  }
0x3a8: {  	v8 =	vand.u32 @!p1 $0x7F, v8;
	v9 =	vand.u32 @!p1 $0xFFFFFC00, v9  }
0x3a9: {  	v8 =	vor.u32 @!p1 v8, v9  }
0x3aa: {  	v9 =	vadd.s32 @!p1 v3, v8  }
0x3ab: {  	v8 =	vadd.s32 @!p1 v4, v8;
	_ =	sdelay $0x3  }
0x3ac: {  	v9 =	vld.idx.msk @!p1 [tilespmem:v9+s16+$0x0], $0xffff  }
0x3ad: {  	v8 =	vld.idx.msk @!p1 [tilespmem:v8+s16+$0x0], $0xffff;
	_ =	sdelay $0x1  }
0x3ae: {  	s10 =	spop @!p1 (v2sf)  }
0x3af: {  	s10 =	sshll.u32 @!p1 s10, $0x7  }
0x3b0: {  	s10 =	sshra.s32 @!p1 s10, $0x2;
	[tilespmem:s5+$0x12A60] =	vst @!p1 v9  }
0x3b1: {  	s26 =	sor.u32 $0x4, s24;
	s25 =	sadd.s32 @!p1 $0x12A60, s5;
	s10 =	sadd.s32 @!p1 s10, s3;
	[tilespmem:s5+$0x12A70] =	vst @!p1 v8  }
0x3b2: {  	[spmem:s10] =	stream.linear.scatter @!p1 [tilespmem:s25], [sflag:$0x1], $0x20, $0x38;
	[tilespmem:$0x15E00] =	vst v63  }
0x3b3: {  	p1 =	sge.s32 s26, s6  }
0x3b4: {  	(v2sf) =	vpush @!p1 v6, $0x4;
	_ =	sdelay $0xd  }
0x3b5: {  	(v2sf) =	vpush @!p1 v7, $0x4  }
0x3b6: {  	s10 =	spop @!p1 (v2sf)  }
0x3b7: {  	s10 =	ssub.s32 @!p1 s10, s7  }
0x3b8: {  	v8 =	vmov @!p1 s10  }
0x3b9: {  	v9 =	vshll.u32 @!p1 v8, $0x3  }
0x3ba: {  	v8 =	vand.u32 @!p1 $0x7F, v8;
	v9 =	vand.u32 @!p1 $0xFFFFFC00, v9  }
0x3bb: {  	v8 =	vor.u32 @!p1 v8, v9  }
0x3bc: {  	v9 =	vadd.s32 @!p1 v3, v8  }
0x3bd: {  	v8 =	vadd.s32 @!p1 v4, v8;
	_ =	sdelay $0x3  }
0x3be: {  	v9 =	vld.idx.msk @!p1 [tilespmem:v9+s16+$0x0], $0xffff  }
0x3bf: {  	v8 =	vld.idx.msk @!p1 [tilespmem:v8+s16+$0x0], $0xffff;
	_ =	sdelay $0x1  }
0x3c0: {  	s10 =	spop @!p1 (v2sf)  }
0x3c1: {  	s10 =	sshll.u32 @!p1 s10, $0x7  }
0x3c2: {  	s10 =	sshra.s32 @!p1 s10, $0x2;
	[tilespmem:s5+$0x12A80] =	vst @!p1 v9  }
0x3c3: {  	s25 =	sadd.s32 @!p1 $0x12A80, s5;
	s10 =	sadd.s32 @!p1 s10, s3;
	[tilespmem:s5+$0x12A90] =	vst @!p1 v8  }
0x3c4: {  	[spmem:s10] =	stream.linear.scatter @!p1 [tilespmem:s25], [sflag:$0x1], $0x20, $0x38;
	[tilespmem:$0x15E00] =	vst v63  }
0x3c5: {  	s25 =	sor.u32 $0x5, s24  }
0x3c6: {  	p1 =	sge.s32 s25, s6  }
0x3c7: {  	(v2sf) =	vpush @!p1 v6, $0x5;
	_ =	sdelay $0xd  }
0x3c8: {  	(v2sf) =	vpush @!p1 v7, $0x5  }
0x3c9: {  	s10 =	spop @!p1 (v2sf)  }
0x3ca: {  	s10 =	ssub.s32 @!p1 s10, s7  }
0x3cb: {  	v8 =	vmov @!p1 s10  }
0x3cc: {  	v9 =	vshll.u32 @!p1 v8, $0x3  }
0x3cd: {  	v8 =	vand.u32 @!p1 $0x7F, v8;
	v9 =	vand.u32 @!p1 $0xFFFFFC00, v9  }
0x3ce: {  	v8 =	vor.u32 @!p1 v8, v9  }
0x3cf: {  	v9 =	vadd.s32 @!p1 v3, v8  }
0x3d0: {  	v8 =	vadd.s32 @!p1 v4, v8;
	_ =	sdelay $0x3  }
0x3d1: {  	v9 =	vld.idx.msk @!p1 [tilespmem:v9+s16+$0x0], $0xffff  }
0x3d2: {  	v8 =	vld.idx.msk @!p1 [tilespmem:v8+s16+$0x0], $0xffff;
	_ =	sdelay $0x1  }
0x3d3: {  	s10 =	spop @!p1 (v2sf)  }
0x3d4: {  	s10 =	sshll.u32 @!p1 s10, $0x7  }
0x3d5: {  	s10 =	sshra.s32 @!p1 s10, $0x2;
	[tilespmem:s5+$0x12AA0] =	vst @!p1 v9  }
0x3d6: {  	s26 =	sor.u32 $0x6, s24;
	s25 =	sadd.s32 @!p1 $0x12AA0, s5;
	s10 =	sadd.s32 @!p1 s10, s3;
	[tilespmem:s5+$0x12AB0] =	vst @!p1 v8  }
0x3d7: {  	[spmem:s10] =	stream.linear.scatter @!p1 [tilespmem:s25], [sflag:$0x1], $0x20, $0x38;
	[tilespmem:$0x15E00] =	vst v63  }
0x3d8: {  	p1 =	sge.s32 s26, s6  }
0x3d9: {  	(v2sf) =	vpush @!p1 v6, $0x6;
	_ =	sdelay $0xd  }
0x3da: {  	(v2sf) =	vpush @!p1 v7, $0x6  }
0x3db: {  	s10 =	spop @!p1 (v2sf)  }
0x3dc: {  	s10 =	ssub.s32 @!p1 s10, s7  }
0x3dd: {  	v8 =	vmov @!p1 s10  }
0x3de: {  	v9 =	vshll.u32 @!p1 v8, $0x3  }
0x3df: {  	v8 =	vand.u32 @!p1 $0x7F, v8;
	v9 =	vand.u32 @!p1 $0xFFFFFC00, v9  }
0x3e0: {  	v8 =	vor.u32 @!p1 v8, v9  }
0x3e1: {  	v9 =	vadd.s32 @!p1 v3, v8  }
0x3e2: {  	v8 =	vadd.s32 @!p1 v4, v8;
	_ =	sdelay $0x3  }
0x3e3: {  	v9 =	vld.idx.msk @!p1 [tilespmem:v9+s16+$0x0], $0xffff  }
0x3e4: {  	v8 =	vld.idx.msk @!p1 [tilespmem:v8+s16+$0x0], $0xffff;
	_ =	sdelay $0x1  }
0x3e5: {  	s10 =	spop @!p1 (v2sf)  }
0x3e6: {  	s10 =	sshll.u32 @!p1 s10, $0x7  }
0x3e7: {  	s10 =	sshra.s32 @!p1 s10, $0x2;
	[tilespmem:s5+$0x12AC0] =	vst @!p1 v9  }
0x3e8: {  	s25 =	sadd.s32 @!p1 $0x12AC0, s5;
	s10 =	sadd.s32 @!p1 s10, s3;
	[tilespmem:s5+$0x12AD0] =	vst @!p1 v8  }
0x3e9: {  	[spmem:s10] =	stream.linear.scatter @!p1 [tilespmem:s25], [sflag:$0x1], $0x20, $0x38;
	[tilespmem:$0x15E00] =	vst v63  }
0x3ea: {  	s25 =	sor.u32 $0x7, s24  }
0x3eb: {  	p1 =	sge.s32 s25, s6  }
0x3ec: {  	(v2sf) =	vpush @!p1 v6, $0x7;
	_ =	sdelay $0xd  }
0x3ed: {  	(v2sf) =	vpush @!p1 v7, $0x7  }
0x3ee: {  	s10 =	spop @!p1 (v2sf)  }
0x3ef: {  	s10 =	ssub.s32 @!p1 s10, s7  }
0x3f0: {  	v8 =	vmov @!p1 s10  }
0x3f1: {  	v9 =	vshll.u32 @!p1 v8, $0x3  }
0x3f2: {  	v8 =	vand.u32 @!p1 $0x7F, v8;
	v9 =	vand.u32 @!p1 $0xFFFFFC00, v9  }
0x3f3: {  	v8 =	vor.u32 @!p1 v8, v9  }
0x3f4: {  	v9 =	vadd.s32 @!p1 v3, v8  }
0x3f5: {  	v8 =	vadd.s32 @!p1 v4, v8;
	_ =	sdelay $0x3  }
0x3f6: {  	v9 =	vld.idx.msk @!p1 [tilespmem:v9+s16+$0x0], $0xffff  }
0x3f7: {  	v8 =	vld.idx.msk @!p1 [tilespmem:v8+s16+$0x0], $0xffff;
	_ =	sdelay $0x1  }
0x3f8: {  	s10 =	spop @!p1 (v2sf)  }
0x3f9: {  	s10 =	sshll.u32 @!p1 s10, $0x7  }
0x3fa: {  	s10 =	sshra.s32 @!p1 s10, $0x2;
	[tilespmem:s5+$0x12AE0] =	vst @!p1 v9  }
0x3fb: {  	s26 =	sor.u32 $0x8, s24;
	s25 =	sadd.s32 @!p1 $0x12AE0, s5;
	s10 =	sadd.s32 @!p1 s10, s3;
	[tilespmem:s5+$0x12AF0] =	vst @!p1 v8  }
0x3fc: {  	[spmem:s10] =	stream.linear.scatter @!p1 [tilespmem:s25], [sflag:$0x1], $0x20, $0x38;
	[tilespmem:$0x15E00] =	vst v63  }
0x3fd: {  	p1 =	sge.s32 s26, s6  }
0x3fe: {  	(v2sf) =	vpush @!p1 v6, $0x8;
	_ =	sdelay $0xd  }
0x3ff: {  	(v2sf) =	vpush @!p1 v7, $0x8  }
0x400: {  	s10 =	spop @!p1 (v2sf)  }
0x401: {  	s10 =	ssub.s32 @!p1 s10, s7  }
0x402: {  	v8 =	vmov @!p1 s10  }
0x403: {  	v9 =	vshll.u32 @!p1 v8, $0x3  }
0x404: {  	v8 =	vand.u32 @!p1 $0x7F, v8;
	v9 =	vand.u32 @!p1 $0xFFFFFC00, v9  }
0x405: {  	v8 =	vor.u32 @!p1 v8, v9  }
0x406: {  	v9 =	vadd.s32 @!p1 v3, v8  }
0x407: {  	v8 =	vadd.s32 @!p1 v4, v8;
	_ =	sdelay $0x3  }
0x408: {  	v9 =	vld.idx.msk @!p1 [tilespmem:v9+s16+$0x0], $0xffff  }
0x409: {  	v8 =	vld.idx.msk @!p1 [tilespmem:v8+s16+$0x0], $0xffff;
	_ =	sdelay $0x1  }
0x40a: {  	s10 =	spop @!p1 (v2sf)  }
0x40b: {  	s10 =	sshll.u32 @!p1 s10, $0x7  }
0x40c: {  	s10 =	sshra.s32 @!p1 s10, $0x2;
	[tilespmem:s5+$0x12B00] =	vst @!p1 v9  }
0x40d: {  	s25 =	sadd.s32 @!p1 $0x12B00, s5;
	s10 =	sadd.s32 @!p1 s10, s3;
	[tilespmem:s5+$0x12B10] =	vst @!p1 v8  }
0x40e: {  	[spmem:s10] =	stream.linear.scatter @!p1 [tilespmem:s25], [sflag:$0x1], $0x20, $0x38;
	[tilespmem:$0x15E00] =	vst v63  }
0x40f: {  	s25 =	sor.u32 $0x9, s24  }
0x410: {  	p1 =	sge.s32 s25, s6  }
0x411: {  	(v2sf) =	vpush @!p1 v6, $0x9;
	_ =	sdelay $0xd  }
0x412: {  	(v2sf) =	vpush @!p1 v7, $0x9  }
0x413: {  	s10 =	spop @!p1 (v2sf)  }
0x414: {  	s10 =	ssub.s32 @!p1 s10, s7  }
0x415: {  	v8 =	vmov @!p1 s10  }
0x416: {  	v9 =	vshll.u32 @!p1 v8, $0x3  }
0x417: {  	v8 =	vand.u32 @!p1 $0x7F, v8;
	v9 =	vand.u32 @!p1 $0xFFFFFC00, v9  }
0x418: {  	v8 =	vor.u32 @!p1 v8, v9  }
0x419: {  	v9 =	vadd.s32 @!p1 v3, v8  }
0x41a: {  	v8 =	vadd.s32 @!p1 v4, v8;
	_ =	sdelay $0x3  }
0x41b: {  	v9 =	vld.idx.msk @!p1 [tilespmem:v9+s16+$0x0], $0xffff  }
0x41c: {  	v8 =	vld.idx.msk @!p1 [tilespmem:v8+s16+$0x0], $0xffff;
	_ =	sdelay $0x1  }
0x41d: {  	s10 =	spop @!p1 (v2sf)  }
0x41e: {  	s10 =	sshll.u32 @!p1 s10, $0x7  }
0x41f: {  	s10 =	sshra.s32 @!p1 s10, $0x2;
	[tilespmem:s5+$0x12B20] =	vst @!p1 v9  }
0x420: {  	s26 =	sor.u32 $0xA, s24;
	s25 =	sadd.s32 @!p1 $0x12B20, s5;
	s10 =	sadd.s32 @!p1 s10, s3;
	[tilespmem:s5+$0x12B30] =	vst @!p1 v8  }
0x421: {  	[spmem:s10] =	stream.linear.scatter @!p1 [tilespmem:s25], [sflag:$0x1], $0x20, $0x38;
	[tilespmem:$0x15E00] =	vst v63  }
0x422: {  	p1 =	sge.s32 s26, s6  }
0x423: {  	(v2sf) =	vpush @!p1 v6, $0xA;
	_ =	sdelay $0xd  }
0x424: {  	(v2sf) =	vpush @!p1 v7, $0xA  }
0x425: {  	s10 =	spop @!p1 (v2sf)  }
0x426: {  	s10 =	ssub.s32 @!p1 s10, s7  }
0x427: {  	v8 =	vmov @!p1 s10  }
0x428: {  	v9 =	vshll.u32 @!p1 v8, $0x3  }
0x429: {  	v8 =	vand.u32 @!p1 $0x7F, v8;
	v9 =	vand.u32 @!p1 $0xFFFFFC00, v9  }
0x42a: {  	v8 =	vor.u32 @!p1 v8, v9  }
0x42b: {  	v9 =	vadd.s32 @!p1 v3, v8  }
0x42c: {  	v8 =	vadd.s32 @!p1 v4, v8;
	_ =	sdelay $0x3  }
0x42d: {  	v9 =	vld.idx.msk @!p1 [tilespmem:v9+s16+$0x0], $0xffff  }
0x42e: {  	v8 =	vld.idx.msk @!p1 [tilespmem:v8+s16+$0x0], $0xffff;
	_ =	sdelay $0x1  }
0x42f: {  	s10 =	spop @!p1 (v2sf)  }
0x430: {  	s10 =	sshll.u32 @!p1 s10, $0x7  }
0x431: {  	s10 =	sshra.s32 @!p1 s10, $0x2;
	[tilespmem:s5+$0x12B40] =	vst @!p1 v9  }
0x432: {  	s25 =	sadd.s32 @!p1 $0x12B40, s5;
	s10 =	sadd.s32 @!p1 s10, s3;
	[tilespmem:s5+$0x12B50] =	vst @!p1 v8  }
0x433: {  	[spmem:s10] =	stream.linear.scatter @!p1 [tilespmem:s25], [sflag:$0x1], $0x20, $0x38;
	[tilespmem:$0x15E00] =	vst v63  }
0x434: {  	s25 =	sor.u32 $0xB, s24  }
0x435: {  	p1 =	sge.s32 s25, s6  }
0x436: {  	(v2sf) =	vpush @!p1 v6, $0xB;
	_ =	sdelay $0xd  }
0x437: {  	(v2sf) =	vpush @!p1 v7, $0xB  }
0x438: {  	s10 =	spop @!p1 (v2sf)  }
0x439: {  	s10 =	ssub.s32 @!p1 s10, s7  }
0x43a: {  	v8 =	vmov @!p1 s10  }
0x43b: {  	v9 =	vshll.u32 @!p1 v8, $0x3  }
0x43c: {  	v8 =	vand.u32 @!p1 $0x7F, v8;
	v9 =	vand.u32 @!p1 $0xFFFFFC00, v9  }
0x43d: {  	v8 =	vor.u32 @!p1 v8, v9  }
0x43e: {  	v9 =	vadd.s32 @!p1 v3, v8  }
0x43f: {  	v8 =	vadd.s32 @!p1 v4, v8;
	_ =	sdelay $0x3  }
0x440: {  	v9 =	vld.idx.msk @!p1 [tilespmem:v9+s16+$0x0], $0xffff  }
0x441: {  	v8 =	vld.idx.msk @!p1 [tilespmem:v8+s16+$0x0], $0xffff;
	_ =	sdelay $0x1  }
0x442: {  	s10 =	spop @!p1 (v2sf)  }
0x443: {  	s10 =	sshll.u32 @!p1 s10, $0x7  }
0x444: {  	s10 =	sshra.s32 @!p1 s10, $0x2;
	[tilespmem:s5+$0x12B60] =	vst @!p1 v9  }
0x445: {  	s26 =	sor.u32 $0xC, s24;
	s25 =	sadd.s32 @!p1 $0x12B60, s5;
	s10 =	sadd.s32 @!p1 s10, s3;
	[tilespmem:s5+$0x12B70] =	vst @!p1 v8  }
0x446: {  	[spmem:s10] =	stream.linear.scatter @!p1 [tilespmem:s25], [sflag:$0x1], $0x20, $0x38;
	[tilespmem:$0x15E00] =	vst v63  }
0x447: {  	p1 =	sge.s32 s26, s6  }
0x448: {  	(v2sf) =	vpush @!p1 v6, $0xC;
	_ =	sdelay $0xd  }
0x449: {  	(v2sf) =	vpush @!p1 v7, $0xC  }
0x44a: {  	s10 =	spop @!p1 (v2sf)  }
0x44b: {  	s10 =	ssub.s32 @!p1 s10, s7  }
0x44c: {  	v8 =	vmov @!p1 s10  }
0x44d: {  	v9 =	vshll.u32 @!p1 v8, $0x3  }
0x44e: {  	v8 =	vand.u32 @!p1 $0x7F, v8;
	v9 =	vand.u32 @!p1 $0xFFFFFC00, v9  }
0x44f: {  	v8 =	vor.u32 @!p1 v8, v9  }
0x450: {  	v9 =	vadd.s32 @!p1 v3, v8  }
0x451: {  	v8 =	vadd.s32 @!p1 v4, v8;
	_ =	sdelay $0x3  }
0x452: {  	v9 =	vld.idx.msk @!p1 [tilespmem:v9+s16+$0x0], $0xffff  }
0x453: {  	v8 =	vld.idx.msk @!p1 [tilespmem:v8+s16+$0x0], $0xffff;
	_ =	sdelay $0x1  }
0x454: {  	s10 =	spop @!p1 (v2sf)  }
0x455: {  	s10 =	sshll.u32 @!p1 s10, $0x7  }
0x456: {  	s10 =	sshra.s32 @!p1 s10, $0x2;
	[tilespmem:s5+$0x12B80] =	vst @!p1 v9  }
0x457: {  	s25 =	sadd.s32 @!p1 $0x12B80, s5;
	s10 =	sadd.s32 @!p1 s10, s3;
	[tilespmem:s5+$0x12B90] =	vst @!p1 v8  }
0x458: {  	[spmem:s10] =	stream.linear.scatter @!p1 [tilespmem:s25], [sflag:$0x1], $0x20, $0x38;
	[tilespmem:$0x15E00] =	vst v63  }
0x459: {  	s25 =	sor.u32 $0xD, s24  }
0x45a: {  	p1 =	sge.s32 s25, s6  }
0x45b: {  	(v2sf) =	vpush @!p1 v6, $0xD;
	_ =	sdelay $0xd  }
0x45c: {  	(v2sf) =	vpush @!p1 v7, $0xD  }
0x45d: {  	s10 =	spop @!p1 (v2sf)  }
0x45e: {  	s10 =	ssub.s32 @!p1 s10, s7  }
0x45f: {  	v8 =	vmov @!p1 s10  }
0x460: {  	v9 =	vshll.u32 @!p1 v8, $0x3  }
0x461: {  	v8 =	vand.u32 @!p1 $0x7F, v8;
	v9 =	vand.u32 @!p1 $0xFFFFFC00, v9  }
0x462: {  	v8 =	vor.u32 @!p1 v8, v9  }
0x463: {  	v9 =	vadd.s32 @!p1 v3, v8  }
0x464: {  	v8 =	vadd.s32 @!p1 v4, v8;
	_ =	sdelay $0x3  }
0x465: {  	v9 =	vld.idx.msk @!p1 [tilespmem:v9+s16+$0x0], $0xffff  }
0x466: {  	v8 =	vld.idx.msk @!p1 [tilespmem:v8+s16+$0x0], $0xffff;
	_ =	sdelay $0x1  }
0x467: {  	s10 =	spop @!p1 (v2sf)  }
0x468: {  	s10 =	sshll.u32 @!p1 s10, $0x7  }
0x469: {  	s10 =	sshra.s32 @!p1 s10, $0x2;
	[tilespmem:s5+$0x12BA0] =	vst @!p1 v9  }
0x46a: {  	s26 =	sor.u32 $0xE, s24;
	s25 =	sadd.s32 @!p1 $0x12BA0, s5;
	s10 =	sadd.s32 @!p1 s10, s3;
	[tilespmem:s5+$0x12BB0] =	vst @!p1 v8  }
0x46b: {  	[spmem:s10] =	stream.linear.scatter @!p1 [tilespmem:s25], [sflag:$0x1], $0x20, $0x38;
	[tilespmem:$0x15E00] =	vst v63  }
0x46c: {  	p1 =	sge.s32 s26, s6  }
0x46d: {  	(v2sf) =	vpush @!p1 v6, $0xE;
	_ =	sdelay $0xd  }
0x46e: {  	(v2sf) =	vpush @!p1 v7, $0xE  }
0x46f: {  	s6 =	spop @!p1 (v2sf)  }
0x470: {  	s6 =	ssub.s32 @!p1 s6, s7  }
0x471: {  	v6 =	vmov @!p1 s6  }
0x472: {  	v7 =	vshll.u32 @!p1 v6, $0x3  }
0x473: {  	v6 =	vand.u32 @!p1 $0x7F, v6;
	v7 =	vand.u32 @!p1 $0xFFFFFC00, v7  }
0x474: {  	v6 =	vor.u32 @!p1 v6, v7  }
0x475: {  	v7 =	vadd.s32 @!p1 v3, v6  }
0x476: {  	v6 =	vadd.s32 @!p1 v4, v6;
	_ =	sdelay $0x3  }
0x477: {  	v7 =	vld.idx.msk @!p1 [tilespmem:v7+s16+$0x0], $0xffff  }
0x478: {  	v6 =	vld.idx.msk @!p1 [tilespmem:v6+s16+$0x0], $0xffff;
	_ =	sdelay $0x1  }
0x479: {  	s6 =	spop @!p1 (v2sf)  }
0x47a: {  	s6 =	sshll.u32 @!p1 s6, $0x7  }
0x47b: {  	s6 =	sshra.s32 @!p1 s6, $0x2;
	[tilespmem:s5+$0x12BC0] =	vst @!p1 v7  }
0x47c: {  	s7 =	sadd.s32 @!p1 $0x12BC0, s5;
	[tilespmem:s5+$0x12BD0] =	vst @!p1 v6;
	s5 =	sadd.s32 @!p1 s6, s3  }
0x47d: {  	[spmem:s5] =	stream.linear.scatter @!p1 [tilespmem:s7], [sflag:$0x1], $0x20, $0x38;
	[tilespmem:$0x15E00] =	vst v63  }
.LBB2_48:
0x47e: {  	s5 =	sor.u32 s12, s11  }
0x47f: {  	p1 =	seq.s32 s5, $0x0  }
.Ltmp35:
0x480: {  	_ = 	snop;
	(pc) =	sbr.rel @p1 .LBB2_52-.Ltmp35, $1  }
0x481: {  	_ =	sdelay $0x3  }
0x482: {  	p1 =	sne.s32 s5, $0x1  }
.Ltmp36:
0x483: {  	_ = 	snop;
	(pc) =	sbr.rel @!p1 .LBB2_51-.Ltmp36, $3  }
0x484: {  	_ =	sdelay $0x1  }
0x485: {  	_ =	swait.ge [sflag:s20], $0x20  }
0x486: {  	s5 =	sadd.s32 $0xFFFFFFFF, s5;
	[sflag:s20] =	ssyncset.done $0x0  }
.LBB2_50:
0x487: {  	p1 =	sne.s32 s5, $0x1;
	s5 =	sadd.s32 $0xFFFFFFFF, s5;
	[sflag:s20] =	ssyncadd.s32 $0xFFFFFFE0  }
.Ltmp37:
0x488: {  	(pc) =	sbr.rel @p1 .LBB2_50-.Ltmp37, $3  }
0x489: {  	_ =	sdelay $0x1  }
0x48a: {  	_ =	swait.ge [sflag:s20], $0x20  }
0x48b: {  	[sflag:s20] =	ssyncset.done $0x0  }
.LBB2_51:
0x48c: {  	[sflag:s20] =	ssyncadd.s32 $0xFFFFFFE0  }
.LBB2_52:
0x48d: {  	p1 =	sgt.u32 s30, $0x4  }
.Ltmp38:
0x48e: {  	_ = 	snop;
	(pc) =	sbr.rel @p1 .LBB2_59-.Ltmp38, $1  }
0x48f: {  	_ =	sdelay $0x3  }
0x490: {  	s6 =	sand.u32 $0x1, s30  }
0x491: {  	s5 =	sadd.s32 s8, s31;
	p1 =	seq.s32 s6, $0x1  }
0x492: {  	p2 =	sgt.u32 @!p1 s5, $0x60  }
0x493: {  	p2 =	por p1, p2  }
.Ltmp39:
0x494: {  	_ = 	snop;
	(pc) =	sbr.rel @!p2 .LBB2_54-.Ltmp39, $1  }
0x495: {  	_ =	sdelay $0x3  }
0x496: {  	p3 =	sne.s32 s6, $0x0  }
0x497: {  	p2 =	sne.s32 @!p3 s5, $0x61  }
0x498: {  	p2 =	por p3, p2  }
.Ltmp40:
0x499: {  	_ = 	snop;
	(pc) =	sbr.rel @p2 .LBB2_56-.Ltmp40, $1  }
0x49a: {  	_ =	sdelay $0x3  }
0x49b: {  	[tilespmem:s15], [sflag:$0x2] =	stream.linear.gather [hbm4b:s9+s4], $0x1800, $0x38;
	[tilespmem:$0x15E00] =	vst v63  }
0x49c: {  	s5 =	sadd.s32 $0x18700, s9;
	s6 =	simm.s32 $0x4A00  }
0x49d: {  	[tilespmem:s6], [sflag:$0x2] =	stream.linear.gather [hbm4b:s5+s4], $0x1800, $0x38;
	[tilespmem:$0x15E00] =	vst v63  }
.Ltmp41:
0x49e: {  	_ = 	snop;
	(pc) =	sbr.rel .LBB2_58-.Ltmp41, $4  }
0x49f: {  	s24 =	sadd.s32 $0x30E00, s9;
	s25 =	simm.s32 $0x6A00;
	s26 =	sadd.s32 $0x49500, s9  }
0x4a0: {  	[tilespmem:s25], [sflag:$0x2] =	stream.linear.gather [hbm4b:s24+s4], $0x1800, $0x38;
	[tilespmem:$0x15E00] =	vst v63  }
0x4a1: {  	s31 =	simm.s32 $0x8A00;
	p2 =	por $0x1, $0x1;
	p1 =	por $0x0, $0x0  }
0x4a2: {  	[tilespmem:s31], [sflag:$0x2] =	stream.linear.gather [hbm4b:s26+s4], $0x1800, $0x38;
	[tilespmem:$0x15E00] =	vst v63  }
.LBB2_19:
.Ltmp42:
0x4a3: {  	(pc) =	sbr.rel .LBB2_20-.Ltmp42, $3  }
0x4a4: {  	_ =	sdelay $0x1  }
0x4a5: {  	p2 =	seq.s32 s5, $0x61  }
0x4a6: {  	p2 =	por @!p3 p2, p2  }
.LBB2_56:
.Ltmp43:
0x4a7: {  	(pc) =	sbr.rel .LBB2_57-.Ltmp43, $3  }
0x4a8: {  	_ =	sdelay $0x1  }
0x4a9: {  	p2 =	seq.s32 s5, $0x61  }
0x4aa: {  	p2 =	por @!p3 p2, p2  }
.LBB2_8:
.Ltmp44:
0x4ab: {  	(pc) =	sbr.rel .LBB2_14-.Ltmp44, $2  }
0x4ac: {  	_ =	sdelay $0x2  }
0x4ad: {  	s24 =	simm.s32 $0x1080;
	s11 =	simm.s32 $0x800;
	s12 =	simm.s32 $0x0  }
.LBB2_10:
.Ltmp45:
0x4ae: {  	(pc) =	sbr.rel .LBB2_14-.Ltmp45, $2  }
0x4af: {  	_ =	sdelay $0x2  }
0x4b0: {  	s24 =	simm.s32 $0x1080;
	s11 =	simm.s32 $0x800;
	s12 =	simm.s32 $0x0  }
.LBB2_12:
.Ltmp46:
0x4b1: {  	(pc) =	sbr.rel .LBB2_14-.Ltmp46, $2  }
0x4b2: {  	_ =	sdelay $0x2  }
0x4b3: {  	s24 =	simm.s32 $0x1080  }
.LBB2_60:
0x4b4: {  	v5 =	vmul.u32 $0x20, v2  }
0x4b5: {  	s5 =	simm.s32 $0x0;
	[bflag:$0x0] =	sbarrier.arrive $0xFFFF  }
0x4b6: {  	s12 =	rddreg [dreg:$0x8];
	v6 =	vor.u32 s5, v5  }
0x4b7: {  	[tilespmem:s28], [sflag:$0x4] =	stream.linear.gather [spmem:s12], $0x1000, $0x38;
	[tilespmem:$0x15E00] =	vst v63  }
0x4b8: {  	_ =	swait.ge [sflag:s17], $0x1000  }
0x4b9: {  	[sflag:s17] =	ssyncset.done $0x0  }
0x4ba: {  	[sflag:s17] =	ssyncadd.s32 $0xFFFFF000  }
0x4bb: {  	s24 =	simm.s32 $0x200;
	v6 =	vld.idx.msk [tilespmem:v6+s28+$0x0], $0xffff  }
0x4bc: {  	v7 =	vor.u32 s24, v5;
	_ =	sdelay $0x2  }
0x4bd: {  	s5 =	simm.s32 $0x13E40  }
0x4be: {  	[tilespmem:s5+$0xFFFFFFC0] =	vst v6  }
0x4bf: {  	s6 =	simm.s32 $0x400;
	v6 =	vld.idx.msk [tilespmem:v7+s28+$0x0], $0xffff  }
0x4c0: {  	v7 =	vor.u32 s6, v5;
	_ =	sdelay $0x3  }
0x4c1: {  	[tilespmem:s5+$0xFFFFFFD0] =	vst v6  }
0x4c2: {  	s25 =	simm.s32 $0x600;
	v6 =	vld.idx.msk [tilespmem:v7+s28+$0x0], $0xffff  }
0x4c3: {  	v7 =	vor.u32 s25, v5;
	_ =	sdelay $0x3  }
0x4c4: {  	[tilespmem:s5+$0xFFFFFFE0] =	vst v6  }
0x4c5: {  	s26 =	simm.s32 $0x800;
	v6 =	vld.idx.msk [tilespmem:v7+s28+$0x0], $0xffff  }
0x4c6: {  	v7 =	vor.u32 s26, v5;
	_ =	sdelay $0x3  }
0x4c7: {  	[tilespmem:s5+$0xFFFFFFF0] =	vst v6  }
0x4c8: {  	s29 =	simm.s32 $0xA00;
	v6 =	vld.idx.msk [tilespmem:v7+s28+$0x0], $0xffff  }
0x4c9: {  	v7 =	vor.u32 s29, v5;
	_ =	sdelay $0x3  }
0x4ca: {  	[tilespmem:s5+$0x0] =	vst v6  }
0x4cb: {  	s30 =	simm.s32 $0xC00;
	v6 =	vld.idx.msk [tilespmem:v7+s28+$0x0], $0xffff  }
0x4cc: {  	v7 =	vor.u32 s30, v5;
	_ =	sdelay $0x3  }
0x4cd: {  	[tilespmem:s5+$0x10] =	vst v6  }
0x4ce: {  	s31 =	simm.s32 $0xE00;
	v6 =	vld.idx.msk [tilespmem:v7+s28+$0x0], $0xffff  }
0x4cf: {  	v7 =	vor.u32 s31, v5;
	_ =	sdelay $0x3  }
0x4d0: {  	[tilespmem:s5+$0x20] =	vst v6  }
0x4d1: {  	s7 =	simm.s32 $0x2;
	s6 =	simm.s32 $0x1;
	v6 =	vld.idx.msk [tilespmem:v7+s28+$0x0], $0xffff  }
.LBB2_61:
0x4d2: {  	p0 =	sne.s32 s7, $0x1F  }
0x4d3: {  	v7 =	vor.u32 s6, v5;
	_ =	sdelay $0x3  }
0x4d4: {  	[tilespmem:s5+$0x30] =	vst v6  }
0x4d5: {  	v6 =	vld.idx.msk [tilespmem:v7+s28+$0x0], $0xffff  }
0x4d6: {  	s10 =	sadd.s32 $0x200, s6  }
0x4d7: {  	v7 =	vor.u32 s10, v5;
	_ =	sdelay $0x2  }
0x4d8: {  	s5 =	sadd.s32 $0x80, s5  }
0x4d9: {  	[tilespmem:s5+$0xFFFFFFC0] =	vst v6  }
0x4da: {  	v6 =	vld.idx.msk [tilespmem:v7+s28+$0x0], $0xffff  }
0x4db: {  	s10 =	sadd.s32 $0x400, s6  }
0x4dc: {  	v7 =	vor.u32 s10, v5;
	_ =	sdelay $0x3  }
0x4dd: {  	[tilespmem:s5+$0xFFFFFFD0] =	vst v6  }
0x4de: {  	v6 =	vld.idx.msk [tilespmem:v7+s28+$0x0], $0xffff  }
0x4df: {  	s10 =	sadd.s32 $0x600, s6  }
0x4e0: {  	v7 =	vor.u32 s10, v5;
	_ =	sdelay $0x3  }
0x4e1: {  	[tilespmem:s5+$0xFFFFFFE0] =	vst v6  }
0x4e2: {  	v6 =	vld.idx.msk [tilespmem:v7+s28+$0x0], $0xffff  }
0x4e3: {  	s10 =	sadd.s32 $0x800, s6  }
0x4e4: {  	v7 =	vor.u32 s10, v5;
	_ =	sdelay $0x3  }
0x4e5: {  	[tilespmem:s5+$0xFFFFFFF0] =	vst v6  }
0x4e6: {  	v6 =	vld.idx.msk [tilespmem:v7+s28+$0x0], $0xffff  }
0x4e7: {  	s10 =	sadd.s32 $0xA00, s6  }
0x4e8: {  	v7 =	vor.u32 s10, v5;
	_ =	sdelay $0x3  }
0x4e9: {  	[tilespmem:s5+$0x0] =	vst v6  }
0x4ea: {  	v6 =	vld.idx.msk [tilespmem:v7+s28+$0x0], $0xffff  }
0x4eb: {  	s10 =	sadd.s32 $0xC00, s6  }
0x4ec: {  	v7 =	vor.u32 s10, v5;
	_ =	sdelay $0x3  }
0x4ed: {  	[tilespmem:s5+$0x10] =	vst v6  }
0x4ee: {  	v6 =	vld.idx.msk [tilespmem:v7+s28+$0x0], $0xffff  }
0x4ef: {  	s10 =	sadd.s32 $0xE00, s6;
	s6 =	smov.u32 s7  }
0x4f0: {  	v7 =	vor.u32 s10, v5  }
.Ltmp47:
0x4f1: {  	(pc) =	sbr.rel @p0 .LBB2_61-.Ltmp47, $3  }
0x4f2: {  	_ =	sdelay $0x1  }
0x4f3: {  	[tilespmem:s5+$0x20] =	vst v6  }
0x4f4: {  	s7 =	sadd.s32 $0x1, s7;
	v6 =	vld.idx.msk [tilespmem:v7+s28+$0x0], $0xffff  }
0x4f5: {  	v7 =	vor.u32 s6, v5;
	_ =	sdelay $0x3  }
0x4f6: {  	[tilespmem:s5+$0x30] =	vst v6  }
0x4f7: {  	s7 =	sadd.s32 $0x200, s6;
	v6 =	vld.idx.msk [tilespmem:v7+s28+$0x0], $0xffff  }
0x4f8: {  	v7 =	vor.u32 s7, v5;
	_ =	sdelay $0x2  }
0x4f9: {  	s30 =	sadd.s32 $0x80, s5  }
0x4fa: {  	[tilespmem:s30+$0xFFFFFFC0] =	vst v6  }
0x4fb: {  	s31 =	sadd.s32 $0x400, s6;
	v6 =	vld.idx.msk [tilespmem:v7+s28+$0x0], $0xffff  }
0x4fc: {  	v7 =	vor.u32 s31, v5;
	_ =	sdelay $0x3  }
0x4fd: {  	[tilespmem:s30+$0xFFFFFFD0] =	vst v6  }
0x4fe: {  	s10 =	sadd.s32 $0x600, s6;
	v6 =	vld.idx.msk [tilespmem:v7+s28+$0x0], $0xffff  }
0x4ff: {  	v7 =	vor.u32 s10, v5;
	_ =	sdelay $0x3  }
0x500: {  	[tilespmem:s30+$0xFFFFFFE0] =	vst v6  }
0x501: {  	s11 =	sadd.s32 $0x800, s6;
	v6 =	vld.idx.msk [tilespmem:v7+s28+$0x0], $0xffff  }
0x502: {  	v7 =	vor.u32 s11, v5;
	_ =	sdelay $0x3  }
0x503: {  	[tilespmem:s30+$0xFFFFFFF0] =	vst v6  }
0x504: {  	s12 =	sadd.s32 $0xA00, s6;
	v6 =	vld.idx.msk [tilespmem:v7+s28+$0x0], $0xffff  }
0x505: {  	v7 =	vor.u32 s12, v5;
	_ =	sdelay $0x3  }
0x506: {  	[tilespmem:s30+$0x0] =	vst v6  }
0x507: {  	s24 =	sadd.s32 $0xC00, s6;
	v6 =	vld.idx.msk [tilespmem:v7+s28+$0x0], $0xffff  }
0x508: {  	v7 =	vor.u32 s24, v5;
	_ =	sdelay $0x3  }
0x509: {  	[tilespmem:s30+$0x10] =	vst v6  }
0x50a: {  	s25 =	sadd.s32 $0xE00, s6;
	v6 =	vld.idx.msk [tilespmem:v7+s28+$0x0], $0xffff  }
0x50b: {  	v5 =	vor.u32 s25, v5;
	_ =	sdelay $0x3  }
0x50c: {  	[tilespmem:s30+$0x20] =	vst v6  }
0x50d: {  	v5 =	vld.idx.msk [tilespmem:v5+s28+$0x0], $0xffff;
	_ =	sdelay $0x3  }
0x50e: {  	s26 =	rddreg [dreg:$0x9]  }
0x50f: {  	s29 =	simm.s32 $0x400;
	s10 =	simm.s32 $0x13E00;
	[tilespmem:s30+$0x30] =	vst v5;
	s30 =	simm.s32 $0x8000  }
0x510: {  	[hbm4b:s26+s29] =	stream.strided.scatter [tilespmem:s10], [sflag:$0x4], $0x1000, s30, s29, $0x38;
	[tilespmem:$0x15E00] =	vst v63  }
0x511: {  	_ =	swait.ge [sflag:s17], $0x1000  }
0x512: {  	s2 =	sadd.s32 $0x1, s2;
	s31 =	rddreg [dreg:$0xa]  }
0x513: {  	p0 =	sne.s32 s2, s31  }
.Ltmp48:
0x514: {  	_ = 	snop;
	(pc) =	sbr.rel @p0 .LBB2_1-.Ltmp48, $3  }
0x515: {  	_ =	sdelay $0x1  }
0x516: {  	[sflag:s17] =	ssyncset.done $0x0  }
0x517: {  	[sflag:s17] =	ssyncadd.s32 $0xFFFFF000  }
0x518: {  	_ =	sfence.sel $0x180000  }
0x519: {  	[bflag:$0x0] =	sbarrier.arrive $0xFFFF  }
0x51a: {  	_ =	strace $0x90000047  }
0x51b: {  	[bflag:$0x2] =	sbarrier.arrive $0xFFFF  }
0x51c: {  	p0 =	sne.s32 s0, $0x0;
	s0 =	rddreg [dreg:$0x4]  }
0x51d: {  	s0 =	sadd.s32 @!p0 $0x100000, s0  }
0x51e: {  	[sflag:s0] =	ssyncadd.tile.s32 @!p0 $0x1;
	_ =	shalt  }
.Lfunc_end2:
_tile_overlayer_lowered:
.L_overlay_start_2:
0x51f: {  	(tag) =	ssettag $0x2  }
0x520: {  	s0 =	rddreg [dreg:$0x0];
	s2 =	stileid.u32  }
0x521: {  	s1 =	rddreg [dreg:$0x1];
	p0 =	sne.s32 s2, $0x0  }
0x522: {  	s3 =	rddreg [dreg:$0x2];
	[bflag:$0x3] =	sbarrier.arrive $0xFFFF;
	s2 =	simm.s32 @!p0 $0x1C04  }
0x523: {  	[timem:s3], [sflag:s2] =	dma.local @!p0 [hbm:s0], s1  }
0x524: {  	s0 =	simm.s32 @!p0 $0x4  }
0x525: {  	_ =	swait.ge @!p0 [sflag:s0], s1  }
0x526: {  	s1 =	ssub.s32 @!p0 $0x0, s1;
	[sflag:s0] =	ssyncset.done @!p0 $0x0  }
0x527: {  	[sflag:s0] =	ssyncadd.s32 @!p0 s1  }
0x528: {  	[bflag:$0x3] =	sbarrier.arrive $0xFFFF  }
0x529: {  	_ =	shalt  }

</sc_bundles>
